<compile_context>
chip_gen: v7x
topology: tpu7x:2x2x1
jax: 0.10.2.dev20260603
libtpu: 0.0.44.dev20260713+nightly
codegen_flags: <defaults>
</compile_context>

<pallas_src>
import jax
import jax.numpy as jnp
from jax import lax
from jax.experimental import pallas as pl
from jax.experimental.pallas import tpu as pltpu
from jax.experimental.pallas import tpu_sc as plsc

_B = 4096
_L = 50
_D = 128
_MD = 50
_OUT = _D + _MD
_NW = 32
_BPW = _B // _NW
_CB = 2
_CR = _CB * _L
_NCH = _BPW // _CB
_PW = _BPW * _L
_TOFF = (0, 16, 32, 34)


def _body(sent_r, mask_r, w_word, tgt_e, wm_pad, out, idx_v, mask_v, tv_v,
          wm_v, out_a, out_b, out_c, sem_ga, sem_gb, sem_gc,
          sem_oa, sem_ob, sem_oc):
  wid = lax.axis_index("s") * 2 + lax.axis_index("c")
  pltpu.sync_copy(sent_r.at[wid], idx_v)
  pltpu.sync_copy(mask_r.at[wid], mask_v.at[pl.ds(0, _PW)])
  pltpu.sync_copy(tgt_e, tv_v)
  pltpu.sync_copy(wm_pad, wm_v)
  out_v = (out_a, out_b, out_c)
  sem_g = (sem_ga, sem_gb, sem_gc)
  sem_o = (sem_oa, sem_ob, sem_oc)
  bbase = wid * _BPW

  tvecs = [tv_v[16 * j:16 * j + 16] for j in range(_D // 16)]
  w0s = [wm_v[off:off + 16] for off in _TOFF]
  w1s = [wm_v[64 + off:64 + off + 16] for off in _TOFF]

  def assemble(c, par):
    o_v = out_v[par]
    for bl in range(_CB):

      def row(rr, _):
        fi = jnp.full((16,), c * _CR + bl * _L + rr, jnp.int32)
        sel = plsc.load_gather(mask_v, [fi]) > 0
        for k, off in enumerate(_TOFF):
          o_v[bl, rr, _D + off:_D + off + 16] = jnp.where(
              sel, w1s[k], w0s[k])
        return 0

      lax.fori_loop(0, _L, row, 0, unroll=5)

      o = c * _CR + bl * _L
      tpos = jnp.int32(0)
      for j in reversed(range(4)):
        mv = mask_v[pl.ds(o + 16 * j, 16)]
        pos = lax.iota(jnp.int32, 16) + 16 * j
        ok = (mv > 0) & (pos < _L)
        f = plsc.all_reduce_ffs(ok)[0]
        tpos = jnp.where(f < 16, 16 * j + f, tpos)
      for j in range(_D // 16):
        o_v[bl, tpos, 16 * j:16 * j + 16] = tvecs[j]

  def gather(c, par):
    for bl in range(_CB):
      pltpu.async_copy(w_word.at[idx_v.at[c, bl]],
                       out_v[par].at[bl, :, pl.ds(0, _D)], sem_g[par])

  def wait_gather(par):
    for bl in range(_CB):
      pltpu.make_async_copy(w_word.at[idx_v.at[0, bl]],
                            out_v[par].at[bl, :, pl.ds(0, _D)],
                            sem_g[par]).wait()

  def put(c, par):
    pltpu.async_copy(out_v[par], out.at[pl.ds(bbase + c * _CB, _CB)],
                     sem_o[par])

  def wait_put(par):
    pltpu.make_async_copy(out_v[par], out.at[pl.ds(bbase, _CB)],
                          sem_o[par]).wait()

  gather(0, 0)
  gather(1, 1)
  wait_gather(0)
  assemble(0, 0)
  put(0, 0)
  gather(2, 2)

  def step(c3, _):
    for k in range(3):
      c = 1 + 3 * c3 + k
      par = (1 + k) % 3
      wait_gather(par)
      assemble(c, par)
      put(c, par)
      wait_put(k % 3)

      @pl.when(c + 2 < _NCH)
      def _():
        gather(c + 2, k % 3)

    return 0

  lax.fori_loop(0, (_NCH - 1) // 3, step, 0)
  wait_put(0)


def _run(sent_r, mask_r, w_word, tgt_e, wm_pad):
  mesh = plsc.VectorSubcoreMesh(core_axis_name="c", subcore_axis_name="s")
  f = pl.kernel(
      _body,
      out_type=jax.ShapeDtypeStruct((_B, _L, _OUT), jnp.float32),
      mesh=mesh,
      compiler_params=pltpu.CompilerParams(needs_layout_passes=False),
      scratch_types=[
          pltpu.VMEM((_NCH, _CB, _L), jnp.int32),
          pltpu.VMEM((_PW + 16,), jnp.int32),
          pltpu.VMEM((_D,), jnp.float32),
          pltpu.VMEM((128,), jnp.float32),
          pltpu.VMEM((_CB, _L, _OUT), jnp.float32),
          pltpu.VMEM((_CB, _L, _OUT), jnp.float32),
          pltpu.VMEM((_CB, _L, _OUT), jnp.float32),
          pltpu.SemaphoreType.DMA,
          pltpu.SemaphoreType.DMA,
          pltpu.SemaphoreType.DMA,
          pltpu.SemaphoreType.DMA,
          pltpu.SemaphoreType.DMA,
          pltpu.SemaphoreType.DMA,
      ],
  )
  return f(sent_r, mask_r, w_word, tgt_e, wm_pad)


@jax.jit
def _run_all(sent, mask, W_word, target_emb, W_mask):
  sent_r = sent.reshape(_NW, _NCH, _CB, _L)
  mask_r = mask.reshape(_NW, _PW)
  wm_pad = jnp.pad(W_mask, ((0, 0), (0, 64 - _MD))).reshape(-1)
  return _run(sent_r, mask_r, W_word, target_emb, wm_pad)


def kernel(sent, mask, W_word, target_emb, W_mask):
  return _run_all(sent, mask, W_word, target_emb, W_mask)

# --- scband reference (transcript-rebuilt; emitter-appended) ---
"""Pipeline reference for scband-simple-cat-tgt-masked-70763881168970 (READ-ONLY COPY).

The authoritative reference and input builder live on the scoring server;
editing this copy changes nothing except your own understanding.
"""

import jax, jax.numpy as jnp
import numpy as np

EMBED_NUM = 100000
EMBED_DIM = 128
MASK_DIM = 50
B = 4096
L = 50


def setup_inputs(seed: int = 0) -> dict:
    key = jax.random.key(seed)
    k1, k2, k3, k4, k5 = jax.random.split(key, 5)
    sent = jax.random.randint(k1, (B, L), 0, EMBED_NUM, dtype=jnp.int32)
    mask = jax.random.randint(k2, (B, L), 0, 2, dtype=jnp.int32)
    W_word = jax.random.normal(k3, (EMBED_NUM, EMBED_DIM), dtype=jnp.float32) * 0.02
    target_emb = jax.random.uniform(k4, (EMBED_DIM,), dtype=jnp.float32) * 0.025 - 0.05
    W_mask = jax.random.normal(k5, (2, MASK_DIM), dtype=jnp.float32) * 0.02
    return {"sent": sent, "mask": mask, "W_word": W_word, "target_emb": target_emb, "W_mask": W_mask}


def reference(sent, mask, W_word, target_emb, W_mask):
    # word embedding gather: [B, L, D]
    sent_vec = jnp.take(W_word, sent, axis=0)
    # per-row target index = argmax of mask; scatter-overwrite that position with target_emb
    tgt_idx = jnp.argmax(mask, axis=1)  # [B]
    rows = jnp.arange(sent.shape[0])
    sent_vec = sent_vec.at[rows, tgt_idx].set(target_emb)
    # dropout is identity in eval mode (dropout=0.0)
    # mask embedding gather: [B, L, mask_dim]
    mask_vec = jnp.take(W_mask, mask, axis=0)
    # concat along feature dim: [B, L, D + mask_dim]
    return jnp.concatenate([sent_vec, mask_vec], axis=2)

if __name__ == "__main__":
    import jax
    _d = setup_inputs()
    print(jax.jit(kernel)(*tuple(_d.values())))

</pallas_src>

<mosaic_0001>
#map = affine_map<(d0, d1) -> (0, 0, 0, 0)>
#map1 = affine_map<(d0, d1) -> (0, 0)>
#map2 = affine_map<(d0, d1) -> (0)>
#map3 = affine_map<(d0, d1) -> (0, 0, 0)>
module attributes {stable_mosaic.version = 14 : i64} {
  func.func @_body(%arg0: i32, %arg1: i32, %arg2: memref<32x64x2x50xi32, #tpu.memory_space<hbm>>, %arg3: memref<32x6400xi32, #tpu.memory_space<hbm>>, %arg4: memref<100000x128xf32, #tpu.memory_space<hbm>>, %arg5: memref<128xf32, #tpu.memory_space<hbm>>, %arg6: memref<128xf32, #tpu.memory_space<hbm>>, %arg7: memref<4096x50x178xf32, #tpu.memory_space<hbm>>, %arg8: memref<64x2x50xi32, #tpu.memory_space<vmem>>, %arg9: memref<6416xi32, #tpu.memory_space<vmem>>, %arg10: memref<128xf32, #tpu.memory_space<vmem>>, %arg11: memref<128xf32, #tpu.memory_space<vmem>>, %arg12: memref<2x50x178xf32, #tpu.memory_space<vmem>>, %arg13: memref<2x50x178xf32, #tpu.memory_space<vmem>>, %arg14: memref<2x50x178xf32, #tpu.memory_space<vmem>>, %arg15: memref<!tpu.dma_semaphore, #tpu.memory_space<semaphore_mem>>, %arg16: memref<!tpu.dma_semaphore, #tpu.memory_space<semaphore_mem>>, %arg17: memref<!tpu.dma_semaphore, #tpu.memory_space<semaphore_mem>>, %arg18: memref<!tpu.dma_semaphore, #tpu.memory_space<semaphore_mem>>, %arg19: memref<!tpu.dma_semaphore, #tpu.memory_space<semaphore_mem>>, %arg20: memref<!tpu.dma_semaphore, #tpu.memory_space<semaphore_mem>>) attributes {dimension_semantics = [#tpu.dimension_semantics<core_parallel>, #tpu.dimension_semantics<subcore_parallel>], iteration_bounds = array<i64: 2, 16>, scalar_prefetch = 0 : i64, scratch_operands = 13 : i64, tpu.core_type = #tpu.core_type<sc_vector_subcore>, window_params = [{transform_indices = #map}, {transform_indices = #map1}, {transform_indices = #map1}, {transform_indices = #map2}, {transform_indices = #map2}, {transform_indices = #map3}]} {
    %mul3A = arith.constant 2 : i32
    %mul3A_0 = arith.muli %arg1, %mul3A : i32
    %add3A = arith.addi %mul3A_0, %arg0 : i32
    "tpu.region"() ({
      %run_scoped3A = tpu.sem_alloc : memref<!tpu.dma_semaphore, #tpu.memory_space<semaphore_mem>>
      %dma_start3A_410 = arith.constant 0 : i32
      %dma_start3A_411 = arith.constant 0 : i32
      %dma_start3A_412 = arith.constant 0 : i32
      %dma_start3A_413 = tpu.memref_slice %arg2[%add3A, %dma_start3A_410, %dma_start3A_411, %dma_start3A_412] : memref<32x64x2x50xi32, #tpu.memory_space<hbm>> -> memref<1x64x2x50xi32, #tpu.memory_space<hbm>>
      %dma_start3A_414 = tpu.memref_squeeze %dma_start3A_413 : memref<1x64x2x50xi32, #tpu.memory_space<hbm>> -> memref<64x2x50xi32, #tpu.memory_space<hbm>>
      %dma_start3A_415 = arith.constant 0 : i32
      %dma_start3A_416 = arith.constant 0 : i32
      %dma_start3A_417 = arith.constant 0 : i32
      %dma_start3A_418 = tpu.memref_slice %arg2[%add3A, %dma_start3A_415, %dma_start3A_416, %dma_start3A_417] : memref<32x64x2x50xi32, #tpu.memory_space<hbm>> -> memref<1x64x2x50xi32, #tpu.memory_space<hbm>>
      %dma_start3A_419 = tpu.memref_squeeze %dma_start3A_418 : memref<1x64x2x50xi32, #tpu.memory_space<hbm>> -> memref<64x2x50xi32, #tpu.memory_space<hbm>>
      tpu.enqueue_dma source(%dma_start3A_419 : memref<64x2x50xi32, #tpu.memory_space<hbm>>) target(%arg8 : memref<64x2x50xi32, #tpu.memory_space<vmem>>) target_semaphore(%run_scoped3A : memref<!tpu.dma_semaphore, #tpu.memory_space<semaphore_mem>>)
      %dma_wait3A_420 = arith.constant 0 : i32
      %dma_wait3A_421 = arith.constant 0 : i32
      %dma_wait3A_422 = arith.constant 0 : i32
      %dma_wait3A_423 = tpu.memref_slice %arg2[%add3A, %dma_wait3A_420, %dma_wait3A_421, %dma_wait3A_422] : memref<32x64x2x50xi32, #tpu.memory_space<hbm>> -> memref<1x64x2x50xi32, #tpu.memory_space<hbm>>
      %dma_wait3A_424 = tpu.memref_squeeze %dma_wait3A_423 : memref<1x64x2x50xi32, #tpu.memory_space<hbm>> -> memref<64x2x50xi32, #tpu.memory_space<hbm>>
      %dma_wait3A_425 = arith.constant 0 : i32
      %dma_wait3A_426 = arith.constant 0 : i32
      %dma_wait3A_427 = arith.constant 0 : i32
      %dma_wait3A_428 = tpu.memref_slice %arg2[%add3A, %dma_wait3A_425, %dma_wait3A_426, %dma_wait3A_427] : memref<32x64x2x50xi32, #tpu.memory_space<hbm>> -> memref<1x64x2x50xi32, #tpu.memory_space<hbm>>
      %dma_wait3A_429 = tpu.memref_squeeze %dma_wait3A_428 : memref<1x64x2x50xi32, #tpu.memory_space<hbm>> -> memref<64x2x50xi32, #tpu.memory_space<hbm>>
      tpu.wait_dma2 semaphore(%run_scoped3A : memref<!tpu.dma_semaphore, #tpu.memory_space<semaphore_mem>>) src(%dma_wait3A_429 : memref<64x2x50xi32, #tpu.memory_space<hbm>>) dst(%arg8 : memref<64x2x50xi32, #tpu.memory_space<vmem>>)
      tpu.yield
    }) : () -> ()
    "tpu.region"() ({
      %run_scoped3A = tpu.sem_alloc : memref<!tpu.dma_semaphore, #tpu.memory_space<semaphore_mem>>
      %dma_start3A_410 = arith.constant 0 : i32
      %dma_start3A_411 = tpu.memref_slice %arg9[%dma_start3A_410] : memref<6416xi32, #tpu.memory_space<vmem>> -> memref<6400xi32, #tpu.memory_space<vmem>>
      %dma_start3A_412 = arith.constant 0 : i32
      %dma_start3A_413 = tpu.memref_slice %arg3[%add3A, %dma_start3A_412] : memref<32x6400xi32, #tpu.memory_space<hbm>> -> memref<1x6400xi32, #tpu.memory_space<hbm>>
      %dma_start3A_414 = tpu.memref_squeeze %dma_start3A_413 : memref<1x6400xi32, #tpu.memory_space<hbm>> -> memref<6400xi32, #tpu.memory_space<hbm>>
      %dma_start3A_415 = arith.constant 0 : i32
      %dma_start3A_416 = tpu.memref_slice %arg9[%dma_start3A_415] : memref<6416xi32, #tpu.memory_space<vmem>> -> memref<6400xi32, #tpu.memory_space<vmem>>
      %dma_start3A_417 = arith.constant 0 : i32
      %dma_start3A_418 = tpu.memref_slice %arg3[%add3A, %dma_start3A_417] : memref<32x6400xi32, #tpu.memory_space<hbm>> -> memref<1x6400xi32, #tpu.memory_space<hbm>>
      %dma_start3A_419 = tpu.memref_squeeze %dma_start3A_418 : memref<1x6400xi32, #tpu.memory_space<hbm>> -> memref<6400xi32, #tpu.memory_space<hbm>>
      tpu.enqueue_dma source(%dma_start3A_419 : memref<6400xi32, #tpu.memory_space<hbm>>) target(%dma_start3A_416 : memref<6400xi32, #tpu.memory_space<vmem>>) target_semaphore(%run_scoped3A : memref<!tpu.dma_semaphore, #tpu.memory_space<semaphore_mem>>)
      %dma_wait3A_420 = arith.constant 0 : i32
      %dma_wait3A_421 = tpu.memref_slice %arg9[%dma_wait3A_420] : memref<6416xi32, #tpu.memory_space<vmem>> -> memref<6400xi32, #tpu.memory_space<vmem>>
      %dma_wait3A_422 = arith.constant 0 : i32
      %dma_wait3A_423 = tpu.memref_slice %arg3[%add3A, %dma_wait3A_422] : memref<32x6400xi32, #tpu.memory_space<hbm>> -> memref<1x6400xi32, #tpu.memory_space<hbm>>
      %dma_wait3A_424 = tpu.memref_squeeze %dma_wait3A_423 : memref<1x6400xi32, #tpu.memory_space<hbm>> -> memref<6400xi32, #tpu.memory_space<hbm>>
      %dma_wait3A_425 = arith.constant 0 : i32
      %dma_wait3A_426 = tpu.memref_slice %arg9[%dma_wait3A_425] : memref<6416xi32, #tpu.memory_space<vmem>> -> memref<6400xi32, #tpu.memory_space<vmem>>
      %dma_wait3A_427 = arith.constant 0 : i32
      %dma_wait3A_428 = tpu.memref_slice %arg3[%add3A, %dma_wait3A_427] : memref<32x6400xi32, #tpu.memory_space<hbm>> -> memref<1x6400xi32, #tpu.memory_space<hbm>>
      %dma_wait3A_429 = tpu.memref_squeeze %dma_wait3A_428 : memref<1x6400xi32, #tpu.memory_space<hbm>> -> memref<6400xi32, #tpu.memory_space<hbm>>
      tpu.wait_dma2 semaphore(%run_scoped3A : memref<!tpu.dma_semaphore, #tpu.memory_space<semaphore_mem>>) src(%dma_wait3A_429 : memref<6400xi32, #tpu.memory_space<hbm>>) dst(%dma_wait3A_426 : memref<6400xi32, #tpu.memory_space<vmem>>)
      tpu.yield
    }) : () -> ()
    "tpu.region"() ({
      %run_scoped3A = tpu.sem_alloc : memref<!tpu.dma_semaphore, #tpu.memory_space<semaphore_mem>>
      tpu.enqueue_dma source(%arg5 : memref<128xf32, #tpu.memory_space<hbm>>) target(%arg10 : memref<128xf32, #tpu.memory_space<vmem>>) target_semaphore(%run_scoped3A : memref<!tpu.dma_semaphore, #tpu.memory_space<semaphore_mem>>)
      tpu.wait_dma2 semaphore(%run_scoped3A : memref<!tpu.dma_semaphore, #tpu.memory_space<semaphore_mem>>) src(%arg5 : memref<128xf32, #tpu.memory_space<hbm>>) dst(%arg10 : memref<128xf32, #tpu.memory_space<vmem>>)
      tpu.yield
    }) : () -> ()
    "tpu.region"() ({
      %run_scoped3A = tpu.sem_alloc : memref<!tpu.dma_semaphore, #tpu.memory_space<semaphore_mem>>
      tpu.enqueue_dma source(%arg6 : memref<128xf32, #tpu.memory_space<hbm>>) target(%arg11 : memref<128xf32, #tpu.memory_space<vmem>>) target_semaphore(%run_scoped3A : memref<!tpu.dma_semaphore, #tpu.memory_space<semaphore_mem>>)
      tpu.wait_dma2 semaphore(%run_scoped3A : memref<!tpu.dma_semaphore, #tpu.memory_space<semaphore_mem>>) src(%arg6 : memref<128xf32, #tpu.memory_space<hbm>>) dst(%arg11 : memref<128xf32, #tpu.memory_space<vmem>>)
      tpu.yield
    }) : () -> ()
    %mul3A_1 = arith.constant 128 : i32
    %mul3A_2 = arith.muli %add3A, %mul3A_1 : i32
    %get3A = arith.constant 0 : index
    %get3A_3 = tpu.vector_load %arg10[%get3A] {strides = array<i32>} : memref<128xf32, #tpu.memory_space<vmem>>, vector<16xf32>,
    %get3A_4 = arith.constant 16 : index
    %get3A_5 = tpu.vector_load %arg10[%get3A_4] {strides = array<i32>} : memref<128xf32, #tpu.memory_space<vmem>>, vector<16xf32>,
    %get3A_6 = arith.constant 32 : index
    %get3A_7 = tpu.vector_load %arg10[%get3A_6] {strides = array<i32>} : memref<128xf32, #tpu.memory_space<vmem>>, vector<16xf32>,
    %get3A_8 = arith.constant 48 : index
    %get3A_9 = tpu.vector_load %arg10[%get3A_8] {strides = array<i32>} : memref<128xf32, #tpu.memory_space<vmem>>, vector<16xf32>,
    %get3A_10 = arith.constant 64 : index
    %get3A_11 = tpu.vector_load %arg10[%get3A_10] {strides = array<i32>} : memref<128xf32, #tpu.memory_space<vmem>>, vector<16xf32>,
    %get3A_12 = arith.constant 80 : index
    %get3A_13 = tpu.vector_load %arg10[%get3A_12] {strides = array<i32>} : memref<128xf32, #tpu.memory_space<vmem>>, vector<16xf32>,
    %get3A_14 = arith.constant 96 : index
    %get3A_15 = tpu.vector_load %arg10[%get3A_14] {strides = array<i32>} : memref<128xf32, #tpu.memory_space<vmem>>, vector<16xf32>,
    %get3A_16 = arith.constant 112 : index
    %get3A_17 = tpu.vector_load %arg10[%get3A_16] {strides = array<i32>} : memref<128xf32, #tpu.memory_space<vmem>>, vector<16xf32>,
    %get3A_18 = arith.constant 0 : index
    %get3A_19 = tpu.vector_load %arg11[%get3A_18] {strides = array<i32>} : memref<128xf32, #tpu.memory_space<vmem>>, vector<16xf32>,
    %get3A_20 = arith.constant 16 : index
    %get3A_21 = tpu.vector_load %arg11[%get3A_20] {strides = array<i32>} : memref<128xf32, #tpu.memory_space<vmem>>, vector<16xf32>,
    %get3A_22 = arith.constant 32 : index
    %get3A_23 = tpu.vector_load %arg11[%get3A_22] {strides = array<i32>} : memref<128xf32, #tpu.memory_space<vmem>>, vector<16xf32>,
    %get3A_24 = arith.constant 34 : index
    %get3A_25 = tpu.vector_load %arg11[%get3A_24] {strides = array<i32>} : memref<128xf32, #tpu.memory_space<vmem>>, vector<16xf32>,
    %get3A_26 = arith.constant 64 : index
    %get3A_27 = tpu.vector_load %arg11[%get3A_26] {strides = array<i32>} : memref<128xf32, #tpu.memory_space<vmem>>, vector<16xf32>,
    %get3A_28 = arith.constant 80 : index
    %get3A_29 = tpu.vector_load %arg11[%get3A_28] {strides = array<i32>} : memref<128xf32, #tpu.memory_space<vmem>>, vector<16xf32>,
    %get3A_30 = arith.constant 96 : index
    %get3A_31 = tpu.vector_load %arg11[%get3A_30] {strides = array<i32>} : memref<128xf32, #tpu.memory_space<vmem>>, vector<16xf32>,
    %get3A_32 = arith.constant 98 : index
    %get3A_33 = tpu.vector_load %arg11[%get3A_32] {strides = array<i32>} : memref<128xf32, #tpu.memory_space<vmem>>, vector<16xf32>,
    %dma_start3A = arith.constant 0 : i32
    %dma_start3A_34 = arith.constant 0 : i32
    %dma_start3A_35 = arith.constant 0 : i32
    %dma_start3A_36 = arith.constant 0 : i32
    %dma_start3A_37 = arith.constant 0 : i32
    %dma_start3A_38 = tpu.memref_slice %arg12[%dma_start3A_35, %dma_start3A_36, %dma_start3A_37] : memref<2x50x178xf32, #tpu.memory_space<vmem>> -> memref<1x50x128xf32, #tpu.memory_space<vmem>>
    %dma_start3A_39 = tpu.memref_squeeze %dma_start3A_38 : memref<1x50x128xf32, #tpu.memory_space<vmem>> -> memref<50x128xf32, #tpu.memory_space<vmem>>
    %dma_start3A_40 = arith.constant 0 : i32
    %dma_start3A_41 = tpu.memref_slice %arg8[%dma_start3A, %dma_start3A_34, %dma_start3A_40] : memref<64x2x50xi32, #tpu.memory_space<vmem>> -> memref<1x1x50xi32, #tpu.memory_space<vmem>>
    %dma_start3A_42 = tpu.memref_squeeze %dma_start3A_41 : memref<1x1x50xi32, #tpu.memory_space<vmem>> -> memref<50xi32, #tpu.memory_space<vmem>>
    %dma_start3A_43 = arith.constant 0 : i32
    %dma_start3A_44 = arith.constant 0 : i32
    %dma_start3A_45 = tpu.memref_slice %arg4[%dma_start3A_43, %dma_start3A_44] : memref<100000x128xf32, #tpu.memory_space<hbm>> -> memref<100000x128xf32, #tpu.memory_space<hbm>>
    tpu.enqueue_indirect_dma source(%dma_start3A_45 : memref<100000x128xf32, #tpu.memory_space<hbm>>) target(%dma_start3A_39 : memref<50x128xf32, #tpu.memory_space<vmem>>) offsets(%dma_start3A_42 : memref<50xi32, #tpu.memory_space<vmem>>) semaphore(%arg15 : memref<!tpu.dma_semaphore, #tpu.memory_space<semaphore_mem>>)
    %dma_start3A_46 = arith.constant 0 : i32
    %dma_start3A_47 = arith.constant 1 : i32
    %dma_start3A_48 = arith.constant 1 : i32
    %dma_start3A_49 = arith.constant 0 : i32
    %dma_start3A_50 = arith.constant 0 : i32
    %dma_start3A_51 = tpu.memref_slice %arg12[%dma_start3A_48, %dma_start3A_49, %dma_start3A_50] : memref<2x50x178xf32, #tpu.memory_space<vmem>> -> memref<1x50x128xf32, #tpu.memory_space<vmem>>
    %dma_start3A_52 = tpu.memref_squeeze %dma_start3A_51 : memref<1x50x128xf32, #tpu.memory_space<vmem>> -> memref<50x128xf32, #tpu.memory_space<vmem>>
    %dma_start3A_53 = arith.constant 0 : i32
    %dma_start3A_54 = tpu.memref_slice %arg8[%dma_start3A_46, %dma_start3A_47, %dma_start3A_53] : memref<64x2x50xi32, #tpu.memory_space<vmem>> -> memref<1x1x50xi32, #tpu.memory_space<vmem>>
    %dma_start3A_55 = tpu.memref_squeeze %dma_start3A_54 : memref<1x1x50xi32, #tpu.memory_space<vmem>> -> memref<50xi32, #tpu.memory_space<vmem>>
    %dma_start3A_56 = arith.constant 0 : i32
    %dma_start3A_57 = arith.constant 0 : i32
    %dma_start3A_58 = tpu.memref_slice %arg4[%dma_start3A_56, %dma_start3A_57] : memref<100000x128xf32, #tpu.memory_space<hbm>> -> memref<100000x128xf32, #tpu.memory_space<hbm>>
    tpu.enqueue_indirect_dma source(%dma_start3A_58 : memref<100000x128xf32, #tpu.memory_space<hbm>>) target(%dma_start3A_52 : memref<50x128xf32, #tpu.memory_space<vmem>>) offsets(%dma_start3A_55 : memref<50xi32, #tpu.memory_space<vmem>>) semaphore(%arg15 : memref<!tpu.dma_semaphore, #tpu.memory_space<semaphore_mem>>)
    %dma_start3A_59 = arith.constant 1 : i32
    %dma_start3A_60 = arith.constant 0 : i32
    %dma_start3A_61 = arith.constant 0 : i32
    %dma_start3A_62 = arith.constant 0 : i32
    %dma_start3A_63 = arith.constant 0 : i32
    %dma_start3A_64 = tpu.memref_slice %arg13[%dma_start3A_61, %dma_start3A_62, %dma_start3A_63] : memref<2x50x178xf32, #tpu.memory_space<vmem>> -> memref<1x50x128xf32, #tpu.memory_space<vmem>>
    %dma_start3A_65 = tpu.memref_squeeze %dma_start3A_64 : memref<1x50x128xf32, #tpu.memory_space<vmem>> -> memref<50x128xf32, #tpu.memory_space<vmem>>
    %dma_start3A_66 = arith.constant 0 : i32
    %dma_start3A_67 = tpu.memref_slice %arg8[%dma_start3A_59, %dma_start3A_60, %dma_start3A_66] : memref<64x2x50xi32, #tpu.memory_space<vmem>> -> memref<1x1x50xi32, #tpu.memory_space<vmem>>
    %dma_start3A_68 = tpu.memref_squeeze %dma_start3A_67 : memref<1x1x50xi32, #tpu.memory_space<vmem>> -> memref<50xi32, #tpu.memory_space<vmem>>
    %dma_start3A_69 = arith.constant 0 : i32
    %dma_start3A_70 = arith.constant 0 : i32
    %dma_start3A_71 = tpu.memref_slice %arg4[%dma_start3A_69, %dma_start3A_70] : memref<100000x128xf32, #tpu.memory_space<hbm>> -> memref<100000x128xf32, #tpu.memory_space<hbm>>
    tpu.enqueue_indirect_dma source(%dma_start3A_71 : memref<100000x128xf32, #tpu.memory_space<hbm>>) target(%dma_start3A_65 : memref<50x128xf32, #tpu.memory_space<vmem>>) offsets(%dma_start3A_68 : memref<50xi32, #tpu.memory_space<vmem>>) semaphore(%arg16 : memref<!tpu.dma_semaphore, #tpu.memory_space<semaphore_mem>>)
    %dma_start3A_72 = arith.constant 1 : i32
    %dma_start3A_73 = arith.constant 1 : i32
    %dma_start3A_74 = arith.constant 1 : i32
    %dma_start3A_75 = arith.constant 0 : i32
    %dma_start3A_76 = arith.constant 0 : i32
    %dma_start3A_77 = tpu.memref_slice %arg13[%dma_start3A_74, %dma_start3A_75, %dma_start3A_76] : memref<2x50x178xf32, #tpu.memory_space<vmem>> -> memref<1x50x128xf32, #tpu.memory_space<vmem>>
    %dma_start3A_78 = tpu.memref_squeeze %dma_start3A_77 : memref<1x50x128xf32, #tpu.memory_space<vmem>> -> memref<50x128xf32, #tpu.memory_space<vmem>>
    %dma_start3A_79 = arith.constant 0 : i32
    %dma_start3A_80 = tpu.memref_slice %arg8[%dma_start3A_72, %dma_start3A_73, %dma_start3A_79] : memref<64x2x50xi32, #tpu.memory_space<vmem>> -> memref<1x1x50xi32, #tpu.memory_space<vmem>>
    %dma_start3A_81 = tpu.memref_squeeze %dma_start3A_80 : memref<1x1x50xi32, #tpu.memory_space<vmem>> -> memref<50xi32, #tpu.memory_space<vmem>>
    %dma_start3A_82 = arith.constant 0 : i32
    %dma_start3A_83 = arith.constant 0 : i32
    %dma_start3A_84 = tpu.memref_slice %arg4[%dma_start3A_82, %dma_start3A_83] : memref<100000x128xf32, #tpu.memory_space<hbm>> -> memref<100000x128xf32, #tpu.memory_space<hbm>>
    tpu.enqueue_indirect_dma source(%dma_start3A_84 : memref<100000x128xf32, #tpu.memory_space<hbm>>) target(%dma_start3A_78 : memref<50x128xf32, #tpu.memory_space<vmem>>) offsets(%dma_start3A_81 : memref<50xi32, #tpu.memory_space<vmem>>) semaphore(%arg16 : memref<!tpu.dma_semaphore, #tpu.memory_space<semaphore_mem>>)
    %dma_wait3A = arith.constant 0 : i32
    %dma_wait3A_85 = arith.constant 0 : i32
    %dma_wait3A_86 = arith.constant 0 : i32
    %dma_wait3A_87 = arith.constant 0 : i32
    %dma_wait3A_88 = arith.constant 0 : i32
    %dma_wait3A_89 = tpu.memref_slice %arg12[%dma_wait3A_86, %dma_wait3A_87, %dma_wait3A_88] : memref<2x50x178xf32, #tpu.memory_space<vmem>> -> memref<1x50x128xf32, #tpu.memory_space<vmem>>
    %dma_wait3A_90 = tpu.memref_squeeze %dma_wait3A_89 : memref<1x50x128xf32, #tpu.memory_space<vmem>> -> memref<50x128xf32, #tpu.memory_space<vmem>>
    %dma_wait3A_91 = arith.constant 0 : i32
    %dma_wait3A_92 = tpu.memref_slice %arg8[%dma_wait3A, %dma_wait3A_85, %dma_wait3A_91] : memref<64x2x50xi32, #tpu.memory_space<vmem>> -> memref<1x1x50xi32, #tpu.memory_space<vmem>>
    %dma_wait3A_93 = tpu.memref_squeeze %dma_wait3A_92 : memref<1x1x50xi32, #tpu.memory_space<vmem>> -> memref<50xi32, #tpu.memory_space<vmem>>
    %dma_wait3A_94 = arith.constant 0 : i32
    %dma_wait3A_95 = arith.constant 0 : i32
    %dma_wait3A_96 = tpu.memref_slice %arg4[%dma_wait3A_94, %dma_wait3A_95] : memref<100000x128xf32, #tpu.memory_space<hbm>> -> memref<100000x128xf32, #tpu.memory_space<hbm>>
    tpu.wait_indirect_dma semaphore(%arg15 : memref<!tpu.dma_semaphore, #tpu.memory_space<semaphore_mem>>) src(%dma_wait3A_96 : memref<100000x128xf32, #tpu.memory_space<hbm>>) dst(%dma_wait3A_90 : memref<50x128xf32, #tpu.memory_space<vmem>>)
    %dma_wait3A_97 = arith.constant 0 : i32
    %dma_wait3A_98 = arith.constant 1 : i32
    %dma_wait3A_99 = arith.constant 1 : i32
    %dma_wait3A_100 = arith.constant 0 : i32
    %dma_wait3A_101 = arith.constant 0 : i32
    %dma_wait3A_102 = tpu.memref_slice %arg12[%dma_wait3A_99, %dma_wait3A_100, %dma_wait3A_101] : memref<2x50x178xf32, #tpu.memory_space<vmem>> -> memref<1x50x128xf32, #tpu.memory_space<vmem>>
    %dma_wait3A_103 = tpu.memref_squeeze %dma_wait3A_102 : memref<1x50x128xf32, #tpu.memory_space<vmem>> -> memref<50x128xf32, #tpu.memory_space<vmem>>
    %dma_wait3A_104 = arith.constant 0 : i32
    %dma_wait3A_105 = tpu.memref_slice %arg8[%dma_wait3A_97, %dma_wait3A_98, %dma_wait3A_104] : memref<64x2x50xi32, #tpu.memory_space<vmem>> -> memref<1x1x50xi32, #tpu.memory_space<vmem>>
    %dma_wait3A_106 = tpu.memref_squeeze %dma_wait3A_105 : memref<1x1x50xi32, #tpu.memory_space<vmem>> -> memref<50xi32, #tpu.memory_space<vmem>>
    %dma_wait3A_107 = arith.constant 0 : i32
    %dma_wait3A_108 = arith.constant 0 : i32
    %dma_wait3A_109 = tpu.memref_slice %arg4[%dma_wait3A_107, %dma_wait3A_108] : memref<100000x128xf32, #tpu.memory_space<hbm>> -> memref<100000x128xf32, #tpu.memory_space<hbm>>
    tpu.wait_indirect_dma semaphore(%arg15 : memref<!tpu.dma_semaphore, #tpu.memory_space<semaphore_mem>>) src(%dma_wait3A_109 : memref<100000x128xf32, #tpu.memory_space<hbm>>) dst(%dma_wait3A_103 : memref<50x128xf32, #tpu.memory_space<vmem>>)
    %scan3A = arith.constant 0 : i32
    %scan3A_110 = arith.constant 0 : i32
    %scan3A_111 = arith.constant 50 : i32
    %scan3A_112 = arith.addi %scan3A_110, %scan3A_111 : i32
    %scan3A_113 = arith.constant 5 : i32
    %scan3A_114 = scf.for %scan3A_410 = %scan3A_110 to %scan3A_112 step %scan3A_113 iter_args(%scan3A_411 = %scan3A) -> (i32)  : i32 {
      %add3A_412 = arith.constant 0 : i32
      %add3A_413 = arith.addi %add3A_412, %scan3A_410 : i32
      %broadcast_in_dim3A = vector.broadcast %add3A_413 : i32 to vector<16xi32>
      %gather3A = tpu.vector_load_idx %arg9[%broadcast_in_dim3A] : memref<6416xi32, #tpu.memory_space<vmem>>[vector<16xi32>], vector<16xi32>,
      %gt3A_414 = arith.constant 0 : i32
      %gt3A_415 = vector.broadcast %gt3A_414 : i32 to vector<16xi32>
      %gt3A_416 = arith.cmpi sgt, %gather3A, %gt3A_415 : vector<16xi32>
      %select_n3A_417 = arith.select %gt3A_416, %get3A_27, %get3A_19 : vector<16xi1>, vector<16xf32>
      %swap3A_418 = arith.constant 0 : i32
      %swap3A_419 = arith.index_cast %swap3A_418 : i32 to index
      %swap3A_420 = arith.index_cast %scan3A_410 : i32 to index
      %swap3A_421 = arith.constant 128 : index
      %swap3A_422 = tpu.vector_load %arg12[%swap3A_419, %swap3A_420, %swap3A_421] {strides = array<i32>} : memref<2x50x178xf32, #tpu.memory_space<vmem>>, vector<16xf32>,
      tpu.vector_store %arg12[%swap3A_419, %swap3A_420, %swap3A_421], %select_n3A_417 {strides = array<i32>} : memref<2x50x178xf32, #tpu.memory_space<vmem>>, vector<16xf32>,
      %select_n3A_423 = arith.select %gt3A_416, %get3A_29, %get3A_21 : vector<16xi1>, vector<16xf32>
      %swap3A_424 = arith.constant 0 : i32
      %swap3A_425 = arith.index_cast %swap3A_424 : i32 to index
      %swap3A_426 = arith.index_cast %scan3A_410 : i32 to index
      %swap3A_427 = arith.constant 144 : index
      %swap3A_428 = tpu.vector_load %arg12[%swap3A_425, %swap3A_426, %swap3A_427] {strides = array<i32>} : memref<2x50x178xf32, #tpu.memory_space<vmem>>, vector<16xf32>,
      tpu.vector_store %arg12[%swap3A_425, %swap3A_426, %swap3A_427], %select_n3A_423 {strides = array<i32>} : memref<2x50x178xf32, #tpu.memory_space<vmem>>, vector<16xf32>,
      %select_n3A_429 = arith.select %gt3A_416, %get3A_31, %get3A_23 : vector<16xi1>, vector<16xf32>
      %swap3A_430 = arith.constant 0 : i32
      %swap3A_431 = arith.index_cast %swap3A_430 : i32 to index
      %swap3A_432 = arith.index_cast %scan3A_410 : i32 to index
      %swap3A_433 = arith.constant 160 : index
      %swap3A_434 = tpu.vector_load %arg12[%swap3A_431, %swap3A_432, %swap3A_433] {strides = array<i32>} : memref<2x50x178xf32, #tpu.memory_space<vmem>>, vector<16xf32>,
      tpu.vector_store %arg12[%swap3A_431, %swap3A_432, %swap3A_433], %select_n3A_429 {strides = array<i32>} : memref<2x50x178xf32, #tpu.memory_space<vmem>>, vector<16xf32>,
      %select_n3A_435 = arith.select %gt3A_416, %get3A_33, %get3A_25 : vector<16xi1>, vector<16xf32>
      %swap3A_436 = arith.constant 0 : i32
      %swap3A_437 = arith.index_cast %swap3A_436 : i32 to index
      %swap3A_438 = arith.index_cast %scan3A_410 : i32 to index
      %swap3A_439 = arith.constant 162 : index
      %swap3A_440 = tpu.vector_load %arg12[%swap3A_437, %swap3A_438, %swap3A_439] {strides = array<i32>} : memref<2x50x178xf32, #tpu.memory_space<vmem>>, vector<16xf32>,
      tpu.vector_store %arg12[%swap3A_437, %swap3A_438, %swap3A_439], %select_n3A_435 {strides = array<i32>} : memref<2x50x178xf32, #tpu.memory_space<vmem>>, vector<16xf32>,
      %scan3A_441 = arith.constant 0 : i32
      %scan3A_442 = arith.constant 1 : i32
      %scan3A_443 = arith.addi %scan3A_410, %scan3A_442 : i32
      %add3A_444 = arith.constant 0 : i32
      %add3A_445 = arith.addi %add3A_444, %scan3A_443 : i32
      %broadcast_in_dim3A_446 = vector.broadcast %add3A_445 : i32 to vector<16xi32>
      %gather3A_447 = tpu.vector_load_idx %arg9[%broadcast_in_dim3A_446] : memref<6416xi32, #tpu.memory_space<vmem>>[vector<16xi32>], vector<16xi32>,
      %gt3A_448 = arith.constant 0 : i32
      %gt3A_449 = vector.broadcast %gt3A_448 : i32 to vector<16xi32>
      %gt3A_450 = arith.cmpi sgt, %gather3A_447, %gt3A_449 : vector<16xi32>
      %select_n3A_451 = arith.select %gt3A_450, %get3A_27, %get3A_19 : vector<16xi1>, vector<16xf32>
      %swap3A_452 = arith.constant 0 : i32
      %swap3A_453 = arith.index_cast %swap3A_452 : i32 to index
      %swap3A_454 = arith.index_cast %scan3A_443 : i32 to index
      %swap3A_455 = arith.constant 128 : index
      %swap3A_456 = tpu.vector_load %arg12[%swap3A_453, %swap3A_454, %swap3A_455] {strides = array<i32>} : memref<2x50x178xf32, #tpu.memory_space<vmem>>, vector<16xf32>,
      tpu.vector_store %arg12[%swap3A_453, %swap3A_454, %swap3A_455], %select_n3A_451 {strides = array<i32>} : memref<2x50x178xf32, #tpu.memory_space<vmem>>, vector<16xf32>,
      %select_n3A_457 = arith.select %gt3A_450, %get3A_29, %get3A_21 : vector<16xi1>, vector<16xf32>
      %swap3A_458 = arith.constant 0 : i32
      %swap3A_459 = arith.index_cast %swap3A_458 : i32 to index
      %swap3A_460 = arith.index_cast %scan3A_443 : i32 to index
      %swap3A_461 = arith.constant 144 : index
      %swap3A_462 = tpu.vector_load %arg12[%swap3A_459, %swap3A_460, %swap3A_461] {strides = array<i32>} : memref<2x50x178xf32, #tpu.memory_space<vmem>>, vector<16xf32>,
      tpu.vector_store %arg12[%swap3A_459, %swap3A_460, %swap3A_461], %select_n3A_457 {strides = array<i32>} : memref<2x50x178xf32, #tpu.memory_space<vmem>>, vector<16xf32>,
      %select_n3A_463 = arith.select %gt3A_450, %get3A_31, %get3A_23 : vector<16xi1>, vector<16xf32>
      %swap3A_464 = arith.constant 0 : i32
      %swap3A_465 = arith.index_cast %swap3A_464 : i32 to index
      %swap3A_466 = arith.index_cast %scan3A_443 : i32 to index
      %swap3A_467 = arith.constant 160 : index
      %swap3A_468 = tpu.vector_load %arg12[%swap3A_465, %swap3A_466, %swap3A_467] {strides = array<i32>} : memref<2x50x178xf32, #tpu.memory_space<vmem>>, vector<16xf32>,
      tpu.vector_store %arg12[%swap3A_465, %swap3A_466, %swap3A_467], %select_n3A_463 {strides = array<i32>} : memref<2x50x178xf32, #tpu.memory_space<vmem>>, vector<16xf32>,
      %select_n3A_469 = arith.select %gt3A_450, %get3A_33, %get3A_25 : vector<16xi1>, vector<16xf32>
      %swap3A_470 = arith.constant 0 : i32
      %swap3A_471 = arith.index_cast %swap3A_470 : i32 to index
      %swap3A_472 = arith.index_cast %scan3A_443 : i32 to index
      %swap3A_473 = arith.constant 162 : index
      %swap3A_474 = tpu.vector_load %arg12[%swap3A_471, %swap3A_472, %swap3A_473] {strides = array<i32>} : memref<2x50x178xf32, #tpu.memory_space<vmem>>, vector<16xf32>,
      tpu.vector_store %arg12[%swap3A_471, %swap3A_472, %swap3A_473], %select_n3A_469 {strides = array<i32>} : memref<2x50x178xf32, #tpu.memory_space<vmem>>, vector<16xf32>,
      %scan3A_475 = arith.constant 0 : i32
      %scan3A_476 = arith.constant 2 : i32
      %scan3A_477 = arith.addi %scan3A_410, %scan3A_476 : i32
      %add3A_478 = arith.constant 0 : i32
      %add3A_479 = arith.addi %add3A_478, %scan3A_477 : i32
      %broadcast_in_dim3A_480 = vector.broadcast %add3A_479 : i32 to vector<16xi32>
      %gather3A_481 = tpu.vector_load_idx %arg9[%broadcast_in_dim3A_480] : memref<6416xi32, #tpu.memory_space<vmem>>[vector<16xi32>], vector<16xi32>,
      %gt3A_482 = arith.constant 0 : i32
      %gt3A_483 = vector.broadcast %gt3A_482 : i32 to vector<16xi32>
      %gt3A_484 = arith.cmpi sgt, %gather3A_481, %gt3A_483 : vector<16xi32>
      %select_n3A_485 = arith.select %gt3A_484, %get3A_27, %get3A_19 : vector<16xi1>, vector<16xf32>
      %swap3A_486 = arith.constant 0 : i32
      %swap3A_487 = arith.index_cast %swap3A_486 : i32 to index
      %swap3A_488 = arith.index_cast %scan3A_477 : i32 to index
      %swap3A_489 = arith.constant 128 : index
      %swap3A_490 = tpu.vector_load %arg12[%swap3A_487, %swap3A_488, %swap3A_489] {strides = array<i32>} : memref<2x50x178xf32, #tpu.memory_space<vmem>>, vector<16xf32>,
      tpu.vector_store %arg12[%swap3A_487, %swap3A_488, %swap3A_489], %select_n3A_485 {strides = array<i32>} : memref<2x50x178xf32, #tpu.memory_space<vmem>>, vector<16xf32>,
      %select_n3A_491 = arith.select %gt3A_484, %get3A_29, %get3A_21 : vector<16xi1>, vector<16xf32>
      %swap3A_492 = arith.constant 0 : i32
      %swap3A_493 = arith.index_cast %swap3A_492 : i32 to index
      %swap3A_494 = arith.index_cast %scan3A_477 : i32 to index
      %swap3A_495 = arith.constant 144 : index
      %swap3A_496 = tpu.vector_load %arg12[%swap3A_493, %swap3A_494, %swap3A_495] {strides = array<i32>} : memref<2x50x178xf32, #tpu.memory_space<vmem>>, vector<16xf32>,
      tpu.vector_store %arg12[%swap3A_493, %swap3A_494, %swap3A_495], %select_n3A_491 {strides = array<i32>} : memref<2x50x178xf32, #tpu.memory_space<vmem>>, vector<16xf32>,
      %select_n3A_497 = arith.select %gt3A_484, %get3A_31, %get3A_23 : vector<16xi1>, vector<16xf32>
      %swap3A_498 = arith.constant 0 : i32
      %swap3A_499 = arith.index_cast %swap3A_498 : i32 to index
      %swap3A_500 = arith.index_cast %scan3A_477 : i32 to index
      %swap3A_501 = arith.constant 160 : index
      %swap3A_502 = tpu.vector_load %arg12[%swap3A_499, %swap3A_500, %swap3A_501] {strides = array<i32>} : memref<2x50x178xf32, #tpu.memory_space<vmem>>, vector<16xf32>,
      tpu.vector_store %arg12[%swap3A_499, %swap3A_500, %swap3A_501], %select_n3A_497 {strides = array<i32>} : memref<2x50x178xf32, #tpu.memory_space<vmem>>, vector<16xf32>,
      %select_n3A_503 = arith.select %gt3A_484, %get3A_33, %get3A_25 : vector<16xi1>, vector<16xf32>
      %swap3A_504 = arith.constant 0 : i32
      %swap3A_505 = arith.index_cast %swap3A_504 : i32 to index
      %swap3A_506 = arith.index_cast %scan3A_477 : i32 to index
      %swap3A_507 = arith.constant 162 : index
      %swap3A_508 = tpu.vector_load %arg12[%swap3A_505, %swap3A_506, %swap3A_507] {strides = array<i32>} : memref<2x50x178xf32, #tpu.memory_space<vmem>>, vector<16xf32>,
      tpu.vector_store %arg12[%swap3A_505, %swap3A_506, %swap3A_507], %select_n3A_503 {strides = array<i32>} : memref<2x50x178xf32, #tpu.memory_space<vmem>>, vector<16xf32>,
      %scan3A_509 = arith.constant 0 : i32
      %scan3A_510 = arith.constant 3 : i32
      %scan3A_511 = arith.addi %scan3A_410, %scan3A_510 : i32
      %add3A_512 = arith.constant 0 : i32
      %add3A_513 = arith.addi %add3A_512, %scan3A_511 : i32
      %broadcast_in_dim3A_514 = vector.broadcast %add3A_513 : i32 to vector<16xi32>
      %gather3A_515 = tpu.vector_load_idx %arg9[%broadcast_in_dim3A_514] : memref<6416xi32, #tpu.memory_space<vmem>>[vector<16xi32>], vector<16xi32>,
      %gt3A_516 = arith.constant 0 : i32
      %gt3A_517 = vector.broadcast %gt3A_516 : i32 to vector<16xi32>
      %gt3A_518 = arith.cmpi sgt, %gather3A_515, %gt3A_517 : vector<16xi32>
      %select_n3A_519 = arith.select %gt3A_518, %get3A_27, %get3A_19 : vector<16xi1>, vector<16xf32>
      %swap3A_520 = arith.constant 0 : i32
      %swap3A_521 = arith.index_cast %swap3A_520 : i32 to index
      %swap3A_522 = arith.index_cast %scan3A_511 : i32 to index
      %swap3A_523 = arith.constant 128 : index
      %swap3A_524 = tpu.vector_load %arg12[%swap3A_521, %swap3A_522, %swap3A_523] {strides = array<i32>} : memref<2x50x178xf32, #tpu.memory_space<vmem>>, vector<16xf32>,
      tpu.vector_store %arg12[%swap3A_521, %swap3A_522, %swap3A_523], %select_n3A_519 {strides = array<i32>} : memref<2x50x178xf32, #tpu.memory_space<vmem>>, vector<16xf32>,
      %select_n3A_525 = arith.select %gt3A_518, %get3A_29, %get3A_21 : vector<16xi1>, vector<16xf32>
      %swap3A_526 = arith.constant 0 : i32
      %swap3A_527 = arith.index_cast %swap3A_526 : i32 to index
      %swap3A_528 = arith.index_cast %scan3A_511 : i32 to index
      %swap3A_529 = arith.constant 144 : index
      %swap3A_530 = tpu.vector_load %arg12[%swap3A_527, %swap3A_528, %swap3A_529] {strides = array<i32>} : memref<2x50x178xf32, #tpu.memory_space<vmem>>, vector<16xf32>,
      tpu.vector_store %arg12[%swap3A_527, %swap3A_528, %swap3A_529], %select_n3A_525 {strides = array<i32>} : memref<2x50x178xf32, #tpu.memory_space<vmem>>, vector<16xf32>,
      %select_n3A_531 = arith.select %gt3A_518, %get3A_31, %get3A_23 : vector<16xi1>, vector<16xf32>
      %swap3A_532 = arith.constant 0 : i32
      %swap3A_533 = arith.index_cast %swap3A_532 : i32 to index
      %swap3A_534 = arith.index_cast %scan3A_511 : i32 to index
      %swap3A_535 = arith.constant 160 : index
      %swap3A_536 = tpu.vector_load %arg12[%swap3A_533, %swap3A_534, %swap3A_535] {strides = array<i32>} : memref<2x50x178xf32, #tpu.memory_space<vmem>>, vector<16xf32>,
      tpu.vector_store %arg12[%swap3A_533, %swap3A_534, %swap3A_535], %select_n3A_531 {strides = array<i32>} : memref<2x50x178xf32, #tpu.memory_space<vmem>>, vector<16xf32>,
      %select_n3A_537 = arith.select %gt3A_518, %get3A_33, %get3A_25 : vector<16xi1>, vector<16xf32>
      %swap3A_538 = arith.constant 0 : i32
      %swap3A_539 = arith.index_cast %swap3A_538 : i32 to index
      %swap3A_540 = arith.index_cast %scan3A_511 : i32 to index
      %swap3A_541 = arith.constant 162 : index
      %swap3A_542 = tpu.vector_load %arg12[%swap3A_539, %swap3A_540, %swap3A_541] {strides = array<i32>} : memref<2x50x178xf32, #tpu.memory_space<vmem>>, vector<16xf32>,
      tpu.vector_store %arg12[%swap3A_539, %swap3A_540, %swap3A_541], %select_n3A_537 {strides = array<i32>} : memref<2x50x178xf32, #tpu.memory_space<vmem>>, vector<16xf32>,
      %scan3A_543 = arith.constant 0 : i32
      %scan3A_544 = arith.constant 4 : i32
      %scan3A_545 = arith.addi %scan3A_410, %scan3A_544 : i32
      %add3A_546 = arith.constant 0 : i32
      %add3A_547 = arith.addi %add3A_546, %scan3A_545 : i32
      %broadcast_in_dim3A_548 = vector.broadcast %add3A_547 : i32 to vector<16xi32>
      %gather3A_549 = tpu.vector_load_idx %arg9[%broadcast_in_dim3A_548] : memref<6416xi32, #tpu.memory_space<vmem>>[vector<16xi32>], vector<16xi32>,
      %gt3A_550 = arith.constant 0 : i32
      %gt3A_551 = vector.broadcast %gt3A_550 : i32 to vector<16xi32>
      %gt3A_552 = arith.cmpi sgt, %gather3A_549, %gt3A_551 : vector<16xi32>
      %select_n3A_553 = arith.select %gt3A_552, %get3A_27, %get3A_19 : vector<16xi1>, vector<16xf32>
      %swap3A_554 = arith.constant 0 : i32
      %swap3A_555 = arith.index_cast %swap3A_554 : i32 to index
      %swap3A_556 = arith.index_cast %scan3A_545 : i32 to index
      %swap3A_557 = arith.constant 128 : index
      %swap3A_558 = tpu.vector_load %arg12[%swap3A_555, %swap3A_556, %swap3A_557] {strides = array<i32>} : memref<2x50x178xf32, #tpu.memory_space<vmem>>, vector<16xf32>,
      tpu.vector_store %arg12[%swap3A_555, %swap3A_556, %swap3A_557], %select_n3A_553 {strides = array<i32>} : memref<2x50x178xf32, #tpu.memory_space<vmem>>, vector<16xf32>,
      %select_n3A_559 = arith.select %gt3A_552, %get3A_29, %get3A_21 : vector<16xi1>, vector<16xf32>
      %swap3A_560 = arith.constant 0 : i32
      %swap3A_561 = arith.index_cast %swap3A_560 : i32 to index
      %swap3A_562 = arith.index_cast %scan3A_545 : i32 to index
      %swap3A_563 = arith.constant 144 : index
      %swap3A_564 = tpu.vector_load %arg12[%swap3A_561, %swap3A_562, %swap3A_563] {strides = array<i32>} : memref<2x50x178xf32, #tpu.memory_space<vmem>>, vector<16xf32>,
      tpu.vector_store %arg12[%swap3A_561, %swap3A_562, %swap3A_563], %select_n3A_559 {strides = array<i32>} : memref<2x50x178xf32, #tpu.memory_space<vmem>>, vector<16xf32>,
      %select_n3A_565 = arith.select %gt3A_552, %get3A_31, %get3A_23 : vector<16xi1>, vector<16xf32>
      %swap3A_566 = arith.constant 0 : i32
      %swap3A_567 = arith.index_cast %swap3A_566 : i32 to index
      %swap3A_568 = arith.index_cast %scan3A_545 : i32 to index
      %swap3A_569 = arith.constant 160 : index
      %swap3A_570 = tpu.vector_load %arg12[%swap3A_567, %swap3A_568, %swap3A_569] {strides = array<i32>} : memref<2x50x178xf32, #tpu.memory_space<vmem>>, vector<16xf32>,
      tpu.vector_store %arg12[%swap3A_567, %swap3A_568, %swap3A_569], %select_n3A_565 {strides = array<i32>} : memref<2x50x178xf32, #tpu.memory_space<vmem>>, vector<16xf32>,
      %select_n3A_571 = arith.select %gt3A_552, %get3A_33, %get3A_25 : vector<16xi1>, vector<16xf32>
      %swap3A_572 = arith.constant 0 : i32
      %swap3A_573 = arith.index_cast %swap3A_572 : i32 to index
      %swap3A_574 = arith.index_cast %scan3A_545 : i32 to index
      %swap3A_575 = arith.constant 162 : index
      %swap3A_576 = tpu.vector_load %arg12[%swap3A_573, %swap3A_574, %swap3A_575] {strides = array<i32>} : memref<2x50x178xf32, #tpu.memory_space<vmem>>, vector<16xf32>,
      tpu.vector_store %arg12[%swap3A_573, %swap3A_574, %swap3A_575], %select_n3A_571 {strides = array<i32>} : memref<2x50x178xf32, #tpu.memory_space<vmem>>, vector<16xf32>,
      %scan3A_577 = arith.constant 0 : i32
      scf.yield %scan3A_577 : i32
    }
    %scan3A_115 = arith.constant 50 : i32
    %get3A_116 = arith.constant 48 : index
    %get3A_117 = tpu.vector_load %arg9[%get3A_116] {strides = array<i32>} : memref<6416xi32, #tpu.memory_space<vmem>>, vector<16xi32>,
    %iota3A = tpu.iota {dimensions = array<i32: 0>} : vector<16xi32>
    %add3A_118 = arith.constant 48 : i32
    %add3A_119 = vector.broadcast %add3A_118 : i32 to vector<16xi32>
    %add3A_120 = arith.addi %iota3A, %add3A_119 : vector<16xi32>
    %gt3A = arith.constant 0 : i32
    %gt3A_121 = vector.broadcast %gt3A : i32 to vector<16xi32>
    %gt3A_122 = arith.cmpi sgt, %get3A_117, %gt3A_121 : vector<16xi32>
    %lt3A = arith.constant 50 : i32
    %lt3A_123 = vector.broadcast %lt3A : i32 to vector<16xi32>
    %lt3A_124 = arith.cmpi slt, %add3A_120, %lt3A_123 : vector<16xi32>
    %and3A = arith.andi %gt3A_122, %lt3A_124 : vector<16xi1>
    %all_reduce_ffs3A = tpu.all_reduce %and3A {dim = 0 : i64, kind = #tpu.reduction_kind<find_first_set>} : vector<16xi1> -> vector<16xi32>
    %slice3A = vector.extract_strided_slice %all_reduce_ffs3A {offsets = [0], sizes = [1], strides = [1]} : vector<16xi32> to vector<1xi32>
    %squeeze3A = vector.extract %slice3A[0] : i32 from vector<1xi32>
    %lt3A_125 = arith.constant 16 : i32
    %lt3A_126 = arith.cmpi slt, %squeeze3A, %lt3A_125 : i32
    %add3A_127 = arith.constant 48 : i32
    %add3A_128 = arith.addi %add3A_127, %squeeze3A : i32
    %jit3A = arith.constant 0 : i32
    %select_n3A = arith.select %lt3A_126, %add3A_128, %jit3A : i32
    %get3A_129 = arith.constant 32 : index
    %get3A_130 = tpu.vector_load %arg9[%get3A_129] {strides = array<i32>} : memref<6416xi32, #tpu.memory_space<vmem>>, vector<16xi32>,
    %iota3A_131 = tpu.iota {dimensions = array<i32: 0>} : vector<16xi32>
    %add3A_132 = arith.constant 32 : i32
    %add3A_133 = vector.broadcast %add3A_132 : i32 to vector<16xi32>
    %add3A_134 = arith.addi %iota3A_131, %add3A_133 : vector<16xi32>
    %gt3A_135 = arith.constant 0 : i32
    %gt3A_136 = vector.broadcast %gt3A_135 : i32 to vector<16xi32>
    %gt3A_137 = arith.cmpi sgt, %get3A_130, %gt3A_136 : vector<16xi32>
    %lt3A_138 = arith.constant 50 : i32
    %lt3A_139 = vector.broadcast %lt3A_138 : i32 to vector<16xi32>
    %lt3A_140 = arith.cmpi slt, %add3A_134, %lt3A_139 : vector<16xi32>
    %and3A_141 = arith.andi %gt3A_137, %lt3A_140 : vector<16xi1>
    %all_reduce_ffs3A_142 = tpu.all_reduce %and3A_141 {dim = 0 : i64, kind = #tpu.reduction_kind<find_first_set>} : vector<16xi1> -> vector<16xi32>
    %slice3A_143 = vector.extract_strided_slice %all_reduce_ffs3A_142 {offsets = [0], sizes = [1], strides = [1]} : vector<16xi32> to vector<1xi32>
    %squeeze3A_144 = vector.extract %slice3A_143[0] : i32 from vector<1xi32>
    %lt3A_145 = arith.constant 16 : i32
    %lt3A_146 = arith.cmpi slt, %squeeze3A_144, %lt3A_145 : i32
    %add3A_147 = arith.constant 32 : i32
    %add3A_148 = arith.addi %add3A_147, %squeeze3A_144 : i32
    %select_n3A_149 = arith.select %lt3A_146, %add3A_148, %select_n3A : i32
    %get3A_150 = arith.constant 16 : index
    %get3A_151 = tpu.vector_load %arg9[%get3A_150] {strides = array<i32>} : memref<6416xi32, #tpu.memory_space<vmem>>, vector<16xi32>,
    %iota3A_152 = tpu.iota {dimensions = array<i32: 0>} : vector<16xi32>
    %add3A_153 = arith.constant 16 : i32
    %add3A_154 = vector.broadcast %add3A_153 : i32 to vector<16xi32>
    %add3A_155 = arith.addi %iota3A_152, %add3A_154 : vector<16xi32>
    %gt3A_156 = arith.constant 0 : i32
    %gt3A_157 = vector.broadcast %gt3A_156 : i32 to vector<16xi32>
    %gt3A_158 = arith.cmpi sgt, %get3A_151, %gt3A_157 : vector<16xi32>
    %lt3A_159 = arith.constant 50 : i32
    %lt3A_160 = vector.broadcast %lt3A_159 : i32 to vector<16xi32>
    %lt3A_161 = arith.cmpi slt, %add3A_155, %lt3A_160 : vector<16xi32>
    %and3A_162 = arith.andi %gt3A_158, %lt3A_161 : vector<16xi1>
    %all_reduce_ffs3A_163 = tpu.all_reduce %and3A_162 {dim = 0 : i64, kind = #tpu.reduction_kind<find_first_set>} : vector<16xi1> -> vector<16xi32>
    %slice3A_164 = vector.extract_strided_slice %all_reduce_ffs3A_163 {offsets = [0], sizes = [1], strides = [1]} : vector<16xi32> to vector<1xi32>
    %squeeze3A_165 = vector.extract %slice3A_164[0] : i32 from vector<1xi32>
    %lt3A_166 = arith.constant 16 : i32
    %lt3A_167 = arith.cmpi slt, %squeeze3A_165, %lt3A_166 : i32
    %add3A_168 = arith.constant 16 : i32
    %add3A_169 = arith.addi %add3A_168, %squeeze3A_165 : i32
    %select_n3A_170 = arith.select %lt3A_167, %add3A_169, %select_n3A_149 : i32
    %get3A_171 = arith.constant 0 : index
    %get3A_172 = tpu.vector_load %arg9[%get3A_171] {strides = array<i32>} : memref<6416xi32, #tpu.memory_space<vmem>>, vector<16xi32>,
    %iota3A_173 = tpu.iota {dimensions = array<i32: 0>} : vector<16xi32>
    %add3A_174 = arith.constant 0 : i32
    %add3A_175 = vector.broadcast %add3A_174 : i32 to vector<16xi32>
    %add3A_176 = arith.addi %iota3A_173, %add3A_175 : vector<16xi32>
    %gt3A_177 = arith.constant 0 : i32
    %gt3A_178 = vector.broadcast %gt3A_177 : i32 to vector<16xi32>
    %gt3A_179 = arith.cmpi sgt, %get3A_172, %gt3A_178 : vector<16xi32>
    %lt3A_180 = arith.constant 50 : i32
    %lt3A_181 = vector.broadcast %lt3A_180 : i32 to vector<16xi32>
    %lt3A_182 = arith.cmpi slt, %add3A_176, %lt3A_181 : vector<16xi32>
    %and3A_183 = arith.andi %gt3A_179, %lt3A_182 : vector<16xi1>
    %all_reduce_ffs3A_184 = tpu.all_reduce %and3A_183 {dim = 0 : i64, kind = #tpu.reduction_kind<find_first_set>} : vector<16xi1> -> vector<16xi32>
    %slice3A_185 = vector.extract_strided_slice %all_reduce_ffs3A_184 {offsets = [0], sizes = [1], strides = [1]} : vector<16xi32> to vector<1xi32>
    %squeeze3A_186 = vector.extract %slice3A_185[0] : i32 from vector<1xi32>
    %lt3A_187 = arith.constant 16 : i32
    %lt3A_188 = arith.cmpi slt, %squeeze3A_186, %lt3A_187 : i32
    %add3A_189 = arith.constant 0 : i32
    %add3A_190 = arith.addi %add3A_189, %squeeze3A_186 : i32
    %select_n3A_191 = arith.select %lt3A_188, %add3A_190, %select_n3A_170 : i32
    %swap3A = arith.constant 0 : i32
    %swap3A_192 = arith.index_cast %swap3A : i32 to index
    %swap3A_193 = arith.index_cast %select_n3A_191 : i32 to index
    %swap3A_194 = arith.constant 0 : index
    %swap3A_195 = tpu.vector_load %arg12[%swap3A_192, %swap3A_193, %swap3A_194] {strides = array<i32>} : memref<2x50x178xf32, #tpu.memory_space<vmem>>, vector<16xf32>,
    tpu.vector_store %arg12[%swap3A_192, %swap3A_193, %swap3A_194], %get3A_3 {strides = array<i32>} : memref<2x50x178xf32, #tpu.memory_space<vmem>>, vector<16xf32>,
    %swap3A_196 = arith.constant 0 : i32
    %swap3A_197 = arith.index_cast %swap3A_196 : i32 to index
    %swap3A_198 = arith.index_cast %select_n3A_191 : i32 to index
    %swap3A_199 = arith.constant 16 : index
    %swap3A_200 = tpu.vector_load %arg12[%swap3A_197, %swap3A_198, %swap3A_199] {strides = array<i32>} : memref<2x50x178xf32, #tpu.memory_space<vmem>>, vector<16xf32>,
    tpu.vector_store %arg12[%swap3A_197, %swap3A_198, %swap3A_199], %get3A_5 {strides = array<i32>} : memref<2x50x178xf32, #tpu.memory_space<vmem>>, vector<16xf32>,
    %swap3A_201 = arith.constant 0 : i32
    %swap3A_202 = arith.index_cast %swap3A_201 : i32 to index
    %swap3A_203 = arith.index_cast %select_n3A_191 : i32 to index
    %swap3A_204 = arith.constant 32 : index
    %swap3A_205 = tpu.vector_load %arg12[%swap3A_202, %swap3A_203, %swap3A_204] {strides = array<i32>} : memref<2x50x178xf32, #tpu.memory_space<vmem>>, vector<16xf32>,
    tpu.vector_store %arg12[%swap3A_202, %swap3A_203, %swap3A_204], %get3A_7 {strides = array<i32>} : memref<2x50x178xf32, #tpu.memory_space<vmem>>, vector<16xf32>,
    %swap3A_206 = arith.constant 0 : i32
    %swap3A_207 = arith.index_cast %swap3A_206 : i32 to index
    %swap3A_208 = arith.index_cast %select_n3A_191 : i32 to index
    %swap3A_209 = arith.constant 48 : index
    %swap3A_210 = tpu.vector_load %arg12[%swap3A_207, %swap3A_208, %swap3A_209] {strides = array<i32>} : memref<2x50x178xf32, #tpu.memory_space<vmem>>, vector<16xf32>,
    tpu.vector_store %arg12[%swap3A_207, %swap3A_208, %swap3A_209], %get3A_9 {strides = array<i32>} : memref<2x50x178xf32, #tpu.memory_space<vmem>>, vector<16xf32>,
    %swap3A_211 = arith.constant 0 : i32
    %swap3A_212 = arith.index_cast %swap3A_211 : i32 to index
    %swap3A_213 = arith.index_cast %select_n3A_191 : i32 to index
    %swap3A_214 = arith.constant 64 : index
    %swap3A_215 = tpu.vector_load %arg12[%swap3A_212, %swap3A_213, %swap3A_214] {strides = array<i32>} : memref<2x50x178xf32, #tpu.memory_space<vmem>>, vector<16xf32>,
    tpu.vector_store %arg12[%swap3A_212, %swap3A_213, %swap3A_214], %get3A_11 {strides = array<i32>} : memref<2x50x178xf32, #tpu.memory_space<vmem>>, vector<16xf32>,
    %swap3A_216 = arith.constant 0 : i32
    %swap3A_217 = arith.index_cast %swap3A_216 : i32 to index
    %swap3A_218 = arith.index_cast %select_n3A_191 : i32 to index
    %swap3A_219 = arith.constant 80 : index
    %swap3A_220 = tpu.vector_load %arg12[%swap3A_217, %swap3A_218, %swap3A_219] {strides = array<i32>} : memref<2x50x178xf32, #tpu.memory_space<vmem>>, vector<16xf32>,
    tpu.vector_store %arg12[%swap3A_217, %swap3A_218, %swap3A_219], %get3A_13 {strides = array<i32>} : memref<2x50x178xf32, #tpu.memory_space<vmem>>, vector<16xf32>,
    %swap3A_221 = arith.constant 0 : i32
    %swap3A_222 = arith.index_cast %swap3A_221 : i32 to index
    %swap3A_223 = arith.index_cast %select_n3A_191 : i32 to index
    %swap3A_224 = arith.constant 96 : index
    %swap3A_225 = tpu.vector_load %arg12[%swap3A_222, %swap3A_223, %swap3A_224] {strides = array<i32>} : memref<2x50x178xf32, #tpu.memory_space<vmem>>, vector<16xf32>,
    tpu.vector_store %arg12[%swap3A_222, %swap3A_223, %swap3A_224], %get3A_15 {strides = array<i32>} : memref<2x50x178xf32, #tpu.memory_space<vmem>>, vector<16xf32>,
    %swap3A_226 = arith.constant 0 : i32
    %swap3A_227 = arith.index_cast %swap3A_226 : i32 to index
    %swap3A_228 = arith.index_cast %select_n3A_191 : i32 to index
    %swap3A_229 = arith.constant 112 : index
    %swap3A_230 = tpu.vector_load %arg12[%swap3A_227, %swap3A_228, %swap3A_229] {strides = array<i32>} : memref<2x50x178xf32, #tpu.memory_space<vmem>>, vector<16xf32>,
    tpu.vector_store %arg12[%swap3A_227, %swap3A_228, %swap3A_229], %get3A_17 {strides = array<i32>} : memref<2x50x178xf32, #tpu.memory_space<vmem>>, vector<16xf32>,
    %scan3A_231 = arith.constant 0 : i32
    %scan3A_232 = arith.constant 0 : i32
    %scan3A_233 = arith.constant 50 : i32
    %scan3A_234 = arith.addi %scan3A_232, %scan3A_233 : i32
    %scan3A_235 = arith.constant 5 : i32
    %scan3A_236 = scf.for %scan3A_410 = %scan3A_232 to %scan3A_234 step %scan3A_235 iter_args(%scan3A_411 = %scan3A_231) -> (i32)  : i32 {
      %add3A_412 = arith.constant 50 : i32
      %add3A_413 = arith.addi %add3A_412, %scan3A_410 : i32
      %broadcast_in_dim3A = vector.broadcast %add3A_413 : i32 to vector<16xi32>
      %gather3A = tpu.vector_load_idx %arg9[%broadcast_in_dim3A] : memref<6416xi32, #tpu.memory_space<vmem>>[vector<16xi32>], vector<16xi32>,
      %gt3A_414 = arith.constant 0 : i32
      %gt3A_415 = vector.broadcast %gt3A_414 : i32 to vector<16xi32>
      %gt3A_416 = arith.cmpi sgt, %gather3A, %gt3A_415 : vector<16xi32>
      %select_n3A_417 = arith.select %gt3A_416, %get3A_27, %get3A_19 : vector<16xi1>, vector<16xf32>
      %swap3A_418 = arith.constant 1 : i32
      %swap3A_419 = arith.index_cast %swap3A_418 : i32 to index
      %swap3A_420 = arith.index_cast %scan3A_410 : i32 to index
      %swap3A_421 = arith.constant 128 : index
      %swap3A_422 = tpu.vector_load %arg12[%swap3A_419, %swap3A_420, %swap3A_421] {strides = array<i32>} : memref<2x50x178xf32, #tpu.memory_space<vmem>>, vector<16xf32>,
      tpu.vector_store %arg12[%swap3A_419, %swap3A_420, %swap3A_421], %select_n3A_417 {strides = array<i32>} : memref<2x50x178xf32, #tpu.memory_space<vmem>>, vector<16xf32>,
      %select_n3A_423 = arith.select %gt3A_416, %get3A_29, %get3A_21 : vector<16xi1>, vector<16xf32>
      %swap3A_424 = arith.constant 1 : i32
      %swap3A_425 = arith.index_cast %swap3A_424 : i32 to index
      %swap3A_426 = arith.index_cast %scan3A_410 : i32 to index
      %swap3A_427 = arith.constant 144 : index
      %swap3A_428 = tpu.vector_load %arg12[%swap3A_425, %swap3A_426, %swap3A_427] {strides = array<i32>} : memref<2x50x178xf32, #tpu.memory_space<vmem>>, vector<16xf32>,
      tpu.vector_store %arg12[%swap3A_425, %swap3A_426, %swap3A_427], %select_n3A_423 {strides = array<i32>} : memref<2x50x178xf32, #tpu.memory_space<vmem>>, vector<16xf32>,
      %select_n3A_429 = arith.select %gt3A_416, %get3A_31, %get3A_23 : vector<16xi1>, vector<16xf32>
      %swap3A_430 = arith.constant 1 : i32
      %swap3A_431 = arith.index_cast %swap3A_430 : i32 to index
      %swap3A_432 = arith.index_cast %scan3A_410 : i32 to index
      %swap3A_433 = arith.constant 160 : index
      %swap3A_434 = tpu.vector_load %arg12[%swap3A_431, %swap3A_432, %swap3A_433] {strides = array<i32>} : memref<2x50x178xf32, #tpu.memory_space<vmem>>, vector<16xf32>,
      tpu.vector_store %arg12[%swap3A_431, %swap3A_432, %swap3A_433], %select_n3A_429 {strides = array<i32>} : memref<2x50x178xf32, #tpu.memory_space<vmem>>, vector<16xf32>,
      %select_n3A_435 = arith.select %gt3A_416, %get3A_33, %get3A_25 : vector<16xi1>, vector<16xf32>
      %swap3A_436 = arith.constant 1 : i32
      %swap3A_437 = arith.index_cast %swap3A_436 : i32 to index
      %swap3A_438 = arith.index_cast %scan3A_410 : i32 to index
      %swap3A_439 = arith.constant 162 : index
      %swap3A_440 = tpu.vector_load %arg12[%swap3A_437, %swap3A_438, %swap3A_439] {strides = array<i32>} : memref<2x50x178xf32, #tpu.memory_space<vmem>>, vector<16xf32>,
      tpu.vector_store %arg12[%swap3A_437, %swap3A_438, %swap3A_439], %select_n3A_435 {strides = array<i32>} : memref<2x50x178xf32, #tpu.memory_space<vmem>>, vector<16xf32>,
      %scan3A_441 = arith.constant 0 : i32
      %scan3A_442 = arith.constant 1 : i32
      %scan3A_443 = arith.addi %scan3A_410, %scan3A_442 : i32
      %add3A_444 = arith.constant 50 : i32
      %add3A_445 = arith.addi %add3A_444, %scan3A_443 : i32
      %broadcast_in_dim3A_446 = vector.broadcast %add3A_445 : i32 to vector<16xi32>
      %gather3A_447 = tpu.vector_load_idx %arg9[%broadcast_in_dim3A_446] : memref<6416xi32, #tpu.memory_space<vmem>>[vector<16xi32>], vector<16xi32>,
      %gt3A_448 = arith.constant 0 : i32
      %gt3A_449 = vector.broadcast %gt3A_448 : i32 to vector<16xi32>
      %gt3A_450 = arith.cmpi sgt, %gather3A_447, %gt3A_449 : vector<16xi32>
      %select_n3A_451 = arith.select %gt3A_450, %get3A_27, %get3A_19 : vector<16xi1>, vector<16xf32>
      %swap3A_452 = arith.constant 1 : i32
      %swap3A_453 = arith.index_cast %swap3A_452 : i32 to index
      %swap3A_454 = arith.index_cast %scan3A_443 : i32 to index
      %swap3A_455 = arith.constant 128 : index
      %swap3A_456 = tpu.vector_load %arg12[%swap3A_453, %swap3A_454, %swap3A_455] {strides = array<i32>} : memref<2x50x178xf32, #tpu.memory_space<vmem>>, vector<16xf32>,
      tpu.vector_store %arg12[%swap3A_453, %swap3A_454, %swap3A_455], %select_n3A_451 {strides = array<i32>} : memref<2x50x178xf32, #tpu.memory_space<vmem>>, vector<16xf32>,
      %select_n3A_457 = arith.select %gt3A_450, %get3A_29, %get3A_21 : vector<16xi1>, vector<16xf32>
      %swap3A_458 = arith.constant 1 : i32
      %swap3A_459 = arith.index_cast %swap3A_458 : i32 to index
      %swap3A_460 = arith.index_cast %scan3A_443 : i32 to index
      %swap3A_461 = arith.constant 144 : index
      %swap3A_462 = tpu.vector_load %arg12[%swap3A_459, %swap3A_460, %swap3A_461] {strides = array<i32>} : memref<2x50x178xf32, #tpu.memory_space<vmem>>, vector<16xf32>,
      tpu.vector_store %arg12[%swap3A_459, %swap3A_460, %swap3A_461], %select_n3A_457 {strides = array<i32>} : memref<2x50x178xf32, #tpu.memory_space<vmem>>, vector<16xf32>,
      %select_n3A_463 = arith.select %gt3A_450, %get3A_31, %get3A_23 : vector<16xi1>, vector<16xf32>
      %swap3A_464 = arith.constant 1 : i32
      %swap3A_465 = arith.index_cast %swap3A_464 : i32 to index
      %swap3A_466 = arith.index_cast %scan3A_443 : i32 to index
      %swap3A_467 = arith.constant 160 : index
      %swap3A_468 = tpu.vector_load %arg12[%swap3A_465, %swap3A_466, %swap3A_467] {strides = array<i32>} : memref<2x50x178xf32, #tpu.memory_space<vmem>>, vector<16xf32>,
      tpu.vector_store %arg12[%swap3A_465, %swap3A_466, %swap3A_467], %select_n3A_463 {strides = array<i32>} : memref<2x50x178xf32, #tpu.memory_space<vmem>>, vector<16xf32>,
      %select_n3A_469 = arith.select %gt3A_450, %get3A_33, %get3A_25 : vector<16xi1>, vector<16xf32>
      %swap3A_470 = arith.constant 1 : i32
      %swap3A_471 = arith.index_cast %swap3A_470 : i32 to index
      %swap3A_472 = arith.index_cast %scan3A_443 : i32 to index
      %swap3A_473 = arith.constant 162 : index
      %swap3A_474 = tpu.vector_load %arg12[%swap3A_471, %swap3A_472, %swap3A_473] {strides = array<i32>} : memref<2x50x178xf32, #tpu.memory_space<vmem>>, vector<16xf32>,
      tpu.vector_store %arg12[%swap3A_471, %swap3A_472, %swap3A_473], %select_n3A_469 {strides = array<i32>} : memref<2x50x178xf32, #tpu.memory_space<vmem>>, vector<16xf32>,
      %scan3A_475 = arith.constant 0 : i32
      %scan3A_476 = arith.constant 2 : i32
      %scan3A_477 = arith.addi %scan3A_410, %scan3A_476 : i32
      %add3A_478 = arith.constant 50 : i32
      %add3A_479 = arith.addi %add3A_478, %scan3A_477 : i32
      %broadcast_in_dim3A_480 = vector.broadcast %add3A_479 : i32 to vector<16xi32>
      %gather3A_481 = tpu.vector_load_idx %arg9[%broadcast_in_dim3A_480] : memref<6416xi32, #tpu.memory_space<vmem>>[vector<16xi32>], vector<16xi32>,
      %gt3A_482 = arith.constant 0 : i32
      %gt3A_483 = vector.broadcast %gt3A_482 : i32 to vector<16xi32>
      %gt3A_484 = arith.cmpi sgt, %gather3A_481, %gt3A_483 : vector<16xi32>
      %select_n3A_485 = arith.select %gt3A_484, %get3A_27, %get3A_19 : vector<16xi1>, vector<16xf32>
      %swap3A_486 = arith.constant 1 : i32
      %swap3A_487 = arith.index_cast %swap3A_486 : i32 to index
      %swap3A_488 = arith.index_cast %scan3A_477 : i32 to index
      %swap3A_489 = arith.constant 128 : index
      %swap3A_490 = tpu.vector_load %arg12[%swap3A_487, %swap3A_488, %swap3A_489] {strides = array<i32>} : memref<2x50x178xf32, #tpu.memory_space<vmem>>, vector<16xf32>,
      tpu.vector_store %arg12[%swap3A_487, %swap3A_488, %swap3A_489], %select_n3A_485 {strides = array<i32>} : memref<2x50x178xf32, #tpu.memory_space<vmem>>, vector<16xf32>,
      %select_n3A_491 = arith.select %gt3A_484, %get3A_29, %get3A_21 : vector<16xi1>, vector<16xf32>
      %swap3A_492 = arith.constant 1 : i32
      %swap3A_493 = arith.index_cast %swap3A_492 : i32 to index
      %swap3A_494 = arith.index_cast %scan3A_477 : i32 to index
      %swap3A_495 = arith.constant 144 : index
      %swap3A_496 = tpu.vector_load %arg12[%swap3A_493, %swap3A_494, %swap3A_495] {strides = array<i32>} : memref<2x50x178xf32, #tpu.memory_space<vmem>>, vector<16xf32>,
      tpu.vector_store %arg12[%swap3A_493, %swap3A_494, %swap3A_495], %select_n3A_491 {strides = array<i32>} : memref<2x50x178xf32, #tpu.memory_space<vmem>>, vector<16xf32>,
      %select_n3A_497 = arith.select %gt3A_484, %get3A_31, %get3A_23 : vector<16xi1>, vector<16xf32>
      %swap3A_498 = arith.constant 1 : i32
      %swap3A_499 = arith.index_cast %swap3A_498 : i32 to index
      %swap3A_500 = arith.index_cast %scan3A_477 : i32 to index
      %swap3A_501 = arith.constant 160 : index
      %swap3A_502 = tpu.vector_load %arg12[%swap3A_499, %swap3A_500, %swap3A_501] {strides = array<i32>} : memref<2x50x178xf32, #tpu.memory_space<vmem>>, vector<16xf32>,
      tpu.vector_store %arg12[%swap3A_499, %swap3A_500, %swap3A_501], %select_n3A_497 {strides = array<i32>} : memref<2x50x178xf32, #tpu.memory_space<vmem>>, vector<16xf32>,
      %select_n3A_503 = arith.select %gt3A_484, %get3A_33, %get3A_25 : vector<16xi1>, vector<16xf32>
      %swap3A_504 = arith.constant 1 : i32
      %swap3A_505 = arith.index_cast %swap3A_504 : i32 to index
      %swap3A_506 = arith.index_cast %scan3A_477 : i32 to index
      %swap3A_507 = arith.constant 162 : index
      %swap3A_508 = tpu.vector_load %arg12[%swap3A_505, %swap3A_506, %swap3A_507] {strides = array<i32>} : memref<2x50x178xf32, #tpu.memory_space<vmem>>, vector<16xf32>,
      tpu.vector_store %arg12[%swap3A_505, %swap3A_506, %swap3A_507], %select_n3A_503 {strides = array<i32>} : memref<2x50x178xf32, #tpu.memory_space<vmem>>, vector<16xf32>,
      %scan3A_509 = arith.constant 0 : i32
      %scan3A_510 = arith.constant 3 : i32
      %scan3A_511 = arith.addi %scan3A_410, %scan3A_510 : i32
      %add3A_512 = arith.constant 50 : i32
      %add3A_513 = arith.addi %add3A_512, %scan3A_511 : i32
      %broadcast_in_dim3A_514 = vector.broadcast %add3A_513 : i32 to vector<16xi32>
      %gather3A_515 = tpu.vector_load_idx %arg9[%broadcast_in_dim3A_514] : memref<6416xi32, #tpu.memory_space<vmem>>[vector<16xi32>], vector<16xi32>,
      %gt3A_516 = arith.constant 0 : i32
      %gt3A_517 = vector.broadcast %gt3A_516 : i32 to vector<16xi32>
      %gt3A_518 = arith.cmpi sgt, %gather3A_515, %gt3A_517 : vector<16xi32>
      %select_n3A_519 = arith.select %gt3A_518, %get3A_27, %get3A_19 : vector<16xi1>, vector<16xf32>
      %swap3A_520 = arith.constant 1 : i32
      %swap3A_521 = arith.index_cast %swap3A_520 : i32 to index
      %swap3A_522 = arith.index_cast %scan3A_511 : i32 to index
      %swap3A_523 = arith.constant 128 : index
      %swap3A_524 = tpu.vector_load %arg12[%swap3A_521, %swap3A_522, %swap3A_523] {strides = array<i32>} : memref<2x50x178xf32, #tpu.memory_space<vmem>>, vector<16xf32>,
      tpu.vector_store %arg12[%swap3A_521, %swap3A_522, %swap3A_523], %select_n3A_519 {strides = array<i32>} : memref<2x50x178xf32, #tpu.memory_space<vmem>>, vector<16xf32>,
      %select_n3A_525 = arith.select %gt3A_518, %get3A_29, %get3A_21 : vector<16xi1>, vector<16xf32>
      %swap3A_526 = arith.constant 1 : i32
      %swap3A_527 = arith.index_cast %swap3A_526 : i32 to index
      %swap3A_528 = arith.index_cast %scan3A_511 : i32 to index
      %swap3A_529 = arith.constant 144 : index
      %swap3A_530 = tpu.vector_load %arg12[%swap3A_527, %swap3A_528, %swap3A_529] {strides = array<i32>} : memref<2x50x178xf32, #tpu.memory_space<vmem>>, vector<16xf32>,
      tpu.vector_store %arg12[%swap3A_527, %swap3A_528, %swap3A_529], %select_n3A_525 {strides = array<i32>} : memref<2x50x178xf32, #tpu.memory_space<vmem>>, vector<16xf32>,
      %select_n3A_531 = arith.select %gt3A_518, %get3A_31, %get3A_23 : vector<16xi1>, vector<16xf32>
      %swap3A_532 = arith.constant 1 : i32
      %swap3A_533 = arith.index_cast %swap3A_532 : i32 to index
      %swap3A_534 = arith.index_cast %scan3A_511 : i32 to index
      %swap3A_535 = arith.constant 160 : index
      %swap3A_536 = tpu.vector_load %arg12[%swap3A_533, %swap3A_534, %swap3A_535] {strides = array<i32>} : memref<2x50x178xf32, #tpu.memory_space<vmem>>, vector<16xf32>,
      tpu.vector_store %arg12[%swap3A_533, %swap3A_534, %swap3A_535], %select_n3A_531 {strides = array<i32>} : memref<2x50x178xf32, #tpu.memory_space<vmem>>, vector<16xf32>,
      %select_n3A_537 = arith.select %gt3A_518, %get3A_33, %get3A_25 : vector<16xi1>, vector<16xf32>
      %swap3A_538 = arith.constant 1 : i32
      %swap3A_539 = arith.index_cast %swap3A_538 : i32 to index
      %swap3A_540 = arith.index_cast %scan3A_511 : i32 to index
      %swap3A_541 = arith.constant 162 : index
      %swap3A_542 = tpu.vector_load %arg12[%swap3A_539, %swap3A_540, %swap3A_541] {strides = array<i32>} : memref<2x50x178xf32, #tpu.memory_space<vmem>>, vector<16xf32>,
      tpu.vector_store %arg12[%swap3A_539, %swap3A_540, %swap3A_541], %select_n3A_537 {strides = array<i32>} : memref<2x50x178xf32, #tpu.memory_space<vmem>>, vector<16xf32>,
      %scan3A_543 = arith.constant 0 : i32
      %scan3A_544 = arith.constant 4 : i32
      %scan3A_545 = arith.addi %scan3A_410, %scan3A_544 : i32
      %add3A_546 = arith.constant 50 : i32
      %add3A_547 = arith.addi %add3A_546, %scan3A_545 : i32
      %broadcast_in_dim3A_548 = vector.broadcast %add3A_547 : i32 to vector<16xi32>
      %gather3A_549 = tpu.vector_load_idx %arg9[%broadcast_in_dim3A_548] : memref<6416xi32, #tpu.memory_space<vmem>>[vector<16xi32>], vector<16xi32>,
      %gt3A_550 = arith.constant 0 : i32
      %gt3A_551 = vector.broadcast %gt3A_550 : i32 to vector<16xi32>
      %gt3A_552 = arith.cmpi sgt, %gather3A_549, %gt3A_551 : vector<16xi32>
      %select_n3A_553 = arith.select %gt3A_552, %get3A_27, %get3A_19 : vector<16xi1>, vector<16xf32>
      %swap3A_554 = arith.constant 1 : i32
      %swap3A_555 = arith.index_cast %swap3A_554 : i32 to index
      %swap3A_556 = arith.index_cast %scan3A_545 : i32 to index
      %swap3A_557 = arith.constant 128 : index
      %swap3A_558 = tpu.vector_load %arg12[%swap3A_555, %swap3A_556, %swap3A_557] {strides = array<i32>} : memref<2x50x178xf32, #tpu.memory_space<vmem>>, vector<16xf32>,
      tpu.vector_store %arg12[%swap3A_555, %swap3A_556, %swap3A_557], %select_n3A_553 {strides = array<i32>} : memref<2x50x178xf32, #tpu.memory_space<vmem>>, vector<16xf32>,
      %select_n3A_559 = arith.select %gt3A_552, %get3A_29, %get3A_21 : vector<16xi1>, vector<16xf32>
      %swap3A_560 = arith.constant 1 : i32
      %swap3A_561 = arith.index_cast %swap3A_560 : i32 to index
      %swap3A_562 = arith.index_cast %scan3A_545 : i32 to index
      %swap3A_563 = arith.constant 144 : index
      %swap3A_564 = tpu.vector_load %arg12[%swap3A_561, %swap3A_562, %swap3A_563] {strides = array<i32>} : memref<2x50x178xf32, #tpu.memory_space<vmem>>, vector<16xf32>,
      tpu.vector_store %arg12[%swap3A_561, %swap3A_562, %swap3A_563], %select_n3A_559 {strides = array<i32>} : memref<2x50x178xf32, #tpu.memory_space<vmem>>, vector<16xf32>,
      %select_n3A_565 = arith.select %gt3A_552, %get3A_31, %get3A_23 : vector<16xi1>, vector<16xf32>
      %swap3A_566 = arith.constant 1 : i32
      %swap3A_567 = arith.index_cast %swap3A_566 : i32 to index
      %swap3A_568 = arith.index_cast %scan3A_545 : i32 to index
      %swap3A_569 = arith.constant 160 : index
      %swap3A_570 = tpu.vector_load %arg12[%swap3A_567, %swap3A_568, %swap3A_569] {strides = array<i32>} : memref<2x50x178xf32, #tpu.memory_space<vmem>>, vector<16xf32>,
      tpu.vector_store %arg12[%swap3A_567, %swap3A_568, %swap3A_569], %select_n3A_565 {strides = array<i32>} : memref<2x50x178xf32, #tpu.memory_space<vmem>>, vector<16xf32>,
      %select_n3A_571 = arith.select %gt3A_552, %get3A_33, %get3A_25 : vector<16xi1>, vector<16xf32>
      %swap3A_572 = arith.constant 1 : i32
      %swap3A_573 = arith.index_cast %swap3A_572 : i32 to index
      %swap3A_574 = arith.index_cast %scan3A_545 : i32 to index
      %swap3A_575 = arith.constant 162 : index
      %swap3A_576 = tpu.vector_load %arg12[%swap3A_573, %swap3A_574, %swap3A_575] {strides = array<i32>} : memref<2x50x178xf32, #tpu.memory_space<vmem>>, vector<16xf32>,
      tpu.vector_store %arg12[%swap3A_573, %swap3A_574, %swap3A_575], %select_n3A_571 {strides = array<i32>} : memref<2x50x178xf32, #tpu.memory_space<vmem>>, vector<16xf32>,
      %scan3A_577 = arith.constant 0 : i32
      scf.yield %scan3A_577 : i32
    }
    %scan3A_237 = arith.constant 50 : i32
    %get3A_238 = arith.constant 98 : index
    %get3A_239 = tpu.vector_load %arg9[%get3A_238] {strides = array<i32>} : memref<6416xi32, #tpu.memory_space<vmem>>, vector<16xi32>,
    %iota3A_240 = tpu.iota {dimensions = array<i32: 0>} : vector<16xi32>
    %add3A_241 = arith.constant 48 : i32
    %add3A_242 = vector.broadcast %add3A_241 : i32 to vector<16xi32>
    %add3A_243 = arith.addi %iota3A_240, %add3A_242 : vector<16xi32>
    %gt3A_244 = arith.constant 0 : i32
    %gt3A_245 = vector.broadcast %gt3A_244 : i32 to vector<16xi32>
    %gt3A_246 = arith.cmpi sgt, %get3A_239, %gt3A_245 : vector<16xi32>
    %lt3A_247 = arith.constant 50 : i32
    %lt3A_248 = vector.broadcast %lt3A_247 : i32 to vector<16xi32>
    %lt3A_249 = arith.cmpi slt, %add3A_243, %lt3A_248 : vector<16xi32>
    %and3A_250 = arith.andi %gt3A_246, %lt3A_249 : vector<16xi1>
    %all_reduce_ffs3A_251 = tpu.all_reduce %and3A_250 {dim = 0 : i64, kind = #tpu.reduction_kind<find_first_set>} : vector<16xi1> -> vector<16xi32>
    %slice3A_252 = vector.extract_strided_slice %all_reduce_ffs3A_251 {offsets = [0], sizes = [1], strides = [1]} : vector<16xi32> to vector<1xi32>
    %squeeze3A_253 = vector.extract %slice3A_252[0] : i32 from vector<1xi32>
    %lt3A_254 = arith.constant 16 : i32
    %lt3A_255 = arith.cmpi slt, %squeeze3A_253, %lt3A_254 : i32
    %add3A_256 = arith.constant 48 : i32
    %add3A_257 = arith.addi %add3A_256, %squeeze3A_253 : i32
    %jit3A_258 = arith.constant 0 : i32
    %select_n3A_259 = arith.select %lt3A_255, %add3A_257, %jit3A_258 : i32
    %get3A_260 = arith.constant 82 : index
    %get3A_261 = tpu.vector_load %arg9[%get3A_260] {strides = array<i32>} : memref<6416xi32, #tpu.memory_space<vmem>>, vector<16xi32>,
    %iota3A_262 = tpu.iota {dimensions = array<i32: 0>} : vector<16xi32>
    %add3A_263 = arith.constant 32 : i32
    %add3A_264 = vector.broadcast %add3A_263 : i32 to vector<16xi32>
    %add3A_265 = arith.addi %iota3A_262, %add3A_264 : vector<16xi32>
    %gt3A_266 = arith.constant 0 : i32
    %gt3A_267 = vector.broadcast %gt3A_266 : i32 to vector<16xi32>
    %gt3A_268 = arith.cmpi sgt, %get3A_261, %gt3A_267 : vector<16xi32>
    %lt3A_269 = arith.constant 50 : i32
    %lt3A_270 = vector.broadcast %lt3A_269 : i32 to vector<16xi32>
    %lt3A_271 = arith.cmpi slt, %add3A_265, %lt3A_270 : vector<16xi32>
    %and3A_272 = arith.andi %gt3A_268, %lt3A_271 : vector<16xi1>
    %all_reduce_ffs3A_273 = tpu.all_reduce %and3A_272 {dim = 0 : i64, kind = #tpu.reduction_kind<find_first_set>} : vector<16xi1> -> vector<16xi32>
    %slice3A_274 = vector.extract_strided_slice %all_reduce_ffs3A_273 {offsets = [0], sizes = [1], strides = [1]} : vector<16xi32> to vector<1xi32>
    %squeeze3A_275 = vector.extract %slice3A_274[0] : i32 from vector<1xi32>
    %lt3A_276 = arith.constant 16 : i32
    %lt3A_277 = arith.cmpi slt, %squeeze3A_275, %lt3A_276 : i32
    %add3A_278 = arith.constant 32 : i32
    %add3A_279 = arith.addi %add3A_278, %squeeze3A_275 : i32
    %select_n3A_280 = arith.select %lt3A_277, %add3A_279, %select_n3A_259 : i32
    %get3A_281 = arith.constant 66 : index
    %get3A_282 = tpu.vector_load %arg9[%get3A_281] {strides = array<i32>} : memref<6416xi32, #tpu.memory_space<vmem>>, vector<16xi32>,
    %iota3A_283 = tpu.iota {dimensions = array<i32: 0>} : vector<16xi32>
    %add3A_284 = arith.constant 16 : i32
    %add3A_285 = vector.broadcast %add3A_284 : i32 to vector<16xi32>
    %add3A_286 = arith.addi %iota3A_283, %add3A_285 : vector<16xi32>
    %gt3A_287 = arith.constant 0 : i32
    %gt3A_288 = vector.broadcast %gt3A_287 : i32 to vector<16xi32>
    %gt3A_289 = arith.cmpi sgt, %get3A_282, %gt3A_288 : vector<16xi32>
    %lt3A_290 = arith.constant 50 : i32
    %lt3A_291 = vector.broadcast %lt3A_290 : i32 to vector<16xi32>
    %lt3A_292 = arith.cmpi slt, %add3A_286, %lt3A_291 : vector<16xi32>
    %and3A_293 = arith.andi %gt3A_289, %lt3A_292 : vector<16xi1>
    %all_reduce_ffs3A_294 = tpu.all_reduce %and3A_293 {dim = 0 : i64, kind = #tpu.reduction_kind<find_first_set>} : vector<16xi1> -> vector<16xi32>
    %slice3A_295 = vector.extract_strided_slice %all_reduce_ffs3A_294 {offsets = [0], sizes = [1], strides = [1]} : vector<16xi32> to vector<1xi32>
    %squeeze3A_296 = vector.extract %slice3A_295[0] : i32 from vector<1xi32>
    %lt3A_297 = arith.constant 16 : i32
    %lt3A_298 = arith.cmpi slt, %squeeze3A_296, %lt3A_297 : i32
    %add3A_299 = arith.constant 16 : i32
    %add3A_300 = arith.addi %add3A_299, %squeeze3A_296 : i32
    %select_n3A_301 = arith.select %lt3A_298, %add3A_300, %select_n3A_280 : i32
    %get3A_302 = arith.constant 50 : index
    %get3A_303 = tpu.vector_load %arg9[%get3A_302] {strides = array<i32>} : memref<6416xi32, #tpu.memory_space<vmem>>, vector<16xi32>,
    %iota3A_304 = tpu.iota {dimensions = array<i32: 0>} : vector<16xi32>
    %add3A_305 = arith.constant 0 : i32
    %add3A_306 = vector.broadcast %add3A_305 : i32 to vector<16xi32>
    %add3A_307 = arith.addi %iota3A_304, %add3A_306 : vector<16xi32>
    %gt3A_308 = arith.constant 0 : i32
    %gt3A_309 = vector.broadcast %gt3A_308 : i32 to vector<16xi32>
    %gt3A_310 = arith.cmpi sgt, %get3A_303, %gt3A_309 : vector<16xi32>
    %lt3A_311 = arith.constant 50 : i32
    %lt3A_312 = vector.broadcast %lt3A_311 : i32 to vector<16xi32>
    %lt3A_313 = arith.cmpi slt, %add3A_307, %lt3A_312 : vector<16xi32>
    %and3A_314 = arith.andi %gt3A_310, %lt3A_313 : vector<16xi1>
    %all_reduce_ffs3A_315 = tpu.all_reduce %and3A_314 {dim = 0 : i64, kind = #tpu.reduction_kind<find_first_set>} : vector<16xi1> -> vector<16xi32>
    %slice3A_316 = vector.extract_strided_slice %all_reduce_ffs3A_315 {offsets = [0], sizes = [1], strides = [1]} : vector<16xi32> to vector<1xi32>
    %squeeze3A_317 = vector.extract %slice3A_316[0] : i32 from vector<1xi32>
    %lt3A_318 = arith.constant 16 : i32
    %lt3A_319 = arith.cmpi slt, %squeeze3A_317, %lt3A_318 : i32
    %add3A_320 = arith.constant 0 : i32
    %add3A_321 = arith.addi %add3A_320, %squeeze3A_317 : i32
    %select_n3A_322 = arith.select %lt3A_319, %add3A_321, %select_n3A_301 : i32
    %swap3A_323 = arith.constant 1 : i32
    %swap3A_324 = arith.index_cast %swap3A_323 : i32 to index
    %swap3A_325 = arith.index_cast %select_n3A_322 : i32 to index
    %swap3A_326 = arith.constant 0 : index
    %swap3A_327 = tpu.vector_load %arg12[%swap3A_324, %swap3A_325, %swap3A_326] {strides = array<i32>} : memref<2x50x178xf32, #tpu.memory_space<vmem>>, vector<16xf32>,
    tpu.vector_store %arg12[%swap3A_324, %swap3A_325, %swap3A_326], %get3A_3 {strides = array<i32>} : memref<2x50x178xf32, #tpu.memory_space<vmem>>, vector<16xf32>,
    %swap3A_328 = arith.constant 1 : i32
    %swap3A_329 = arith.index_cast %swap3A_328 : i32 to index
    %swap3A_330 = arith.index_cast %select_n3A_322 : i32 to index
    %swap3A_331 = arith.constant 16 : index
    %swap3A_332 = tpu.vector_load %arg12[%swap3A_329, %swap3A_330, %swap3A_331] {strides = array<i32>} : memref<2x50x178xf32, #tpu.memory_space<vmem>>, vector<16xf32>,
    tpu.vector_store %arg12[%swap3A_329, %swap3A_330, %swap3A_331], %get3A_5 {strides = array<i32>} : memref<2x50x178xf32, #tpu.memory_space<vmem>>, vector<16xf32>,
    %swap3A_333 = arith.constant 1 : i32
    %swap3A_334 = arith.index_cast %swap3A_333 : i32 to index
    %swap3A_335 = arith.index_cast %select_n3A_322 : i32 to index
    %swap3A_336 = arith.constant 32 : index
    %swap3A_337 = tpu.vector_load %arg12[%swap3A_334, %swap3A_335, %swap3A_336] {strides = array<i32>} : memref<2x50x178xf32, #tpu.memory_space<vmem>>, vector<16xf32>,
    tpu.vector_store %arg12[%swap3A_334, %swap3A_335, %swap3A_336], %get3A_7 {strides = array<i32>} : memref<2x50x178xf32, #tpu.memory_space<vmem>>, vector<16xf32>,
    %swap3A_338 = arith.constant 1 : i32
    %swap3A_339 = arith.index_cast %swap3A_338 : i32 to index
    %swap3A_340 = arith.index_cast %select_n3A_322 : i32 to index
    %swap3A_341 = arith.constant 48 : index
    %swap3A_342 = tpu.vector_load %arg12[%swap3A_339, %swap3A_340, %swap3A_341] {strides = array<i32>} : memref<2x50x178xf32, #tpu.memory_space<vmem>>, vector<16xf32>,
    tpu.vector_store %arg12[%swap3A_339, %swap3A_340, %swap3A_341], %get3A_9 {strides = array<i32>} : memref<2x50x178xf32, #tpu.memory_space<vmem>>, vector<16xf32>,
    %swap3A_343 = arith.constant 1 : i32
    %swap3A_344 = arith.index_cast %swap3A_343 : i32 to index
    %swap3A_345 = arith.index_cast %select_n3A_322 : i32 to index
    %swap3A_346 = arith.constant 64 : index
    %swap3A_347 = tpu.vector_load %arg12[%swap3A_344, %swap3A_345, %swap3A_346] {strides = array<i32>} : memref<2x50x178xf32, #tpu.memory_space<vmem>>, vector<16xf32>,
    tpu.vector_store %arg12[%swap3A_344, %swap3A_345, %swap3A_346], %get3A_11 {strides = array<i32>} : memref<2x50x178xf32, #tpu.memory_space<vmem>>, vector<16xf32>,
    %swap3A_348 = arith.constant 1 : i32
    %swap3A_349 = arith.index_cast %swap3A_348 : i32 to index
    %swap3A_350 = arith.index_cast %select_n3A_322 : i32 to index
    %swap3A_351 = arith.constant 80 : index
    %swap3A_352 = tpu.vector_load %arg12[%swap3A_349, %swap3A_350, %swap3A_351] {strides = array<i32>} : memref<2x50x178xf32, #tpu.memory_space<vmem>>, vector<16xf32>,
    tpu.vector_store %arg12[%swap3A_349, %swap3A_350, %swap3A_351], %get3A_13 {strides = array<i32>} : memref<2x50x178xf32, #tpu.memory_space<vmem>>, vector<16xf32>,
    %swap3A_353 = arith.constant 1 : i32
    %swap3A_354 = arith.index_cast %swap3A_353 : i32 to index
    %swap3A_355 = arith.index_cast %select_n3A_322 : i32 to index
    %swap3A_356 = arith.constant 96 : index
    %swap3A_357 = tpu.vector_load %arg12[%swap3A_354, %swap3A_355, %swap3A_356] {strides = array<i32>} : memref<2x50x178xf32, #tpu.memory_space<vmem>>, vector<16xf32>,
    tpu.vector_store %arg12[%swap3A_354, %swap3A_355, %swap3A_356], %get3A_15 {strides = array<i32>} : memref<2x50x178xf32, #tpu.memory_space<vmem>>, vector<16xf32>,
    %swap3A_358 = arith.constant 1 : i32
    %swap3A_359 = arith.index_cast %swap3A_358 : i32 to index
    %swap3A_360 = arith.index_cast %select_n3A_322 : i32 to index
    %swap3A_361 = arith.constant 112 : index
    %swap3A_362 = tpu.vector_load %arg12[%swap3A_359, %swap3A_360, %swap3A_361] {strides = array<i32>} : memref<2x50x178xf32, #tpu.memory_space<vmem>>, vector<16xf32>,
    tpu.vector_store %arg12[%swap3A_359, %swap3A_360, %swap3A_361], %get3A_17 {strides = array<i32>} : memref<2x50x178xf32, #tpu.memory_space<vmem>>, vector<16xf32>,
    %add3A_363 = arith.constant 0 : i32
    %add3A_364 = arith.addi %mul3A_2, %add3A_363 : i32
    %dma_start3A_365 = arith.constant 0 : i32
    %dma_start3A_366 = arith.constant 0 : i32
    %dma_start3A_367 = tpu.memref_slice %arg7[%add3A_364, %dma_start3A_365, %dma_start3A_366] : memref<4096x50x178xf32, #tpu.memory_space<hbm>> -> memref<2x50x178xf32, #tpu.memory_space<hbm>>
    %dma_start3A_368 = arith.constant 0 : i32
    %dma_start3A_369 = arith.constant 0 : i32
    %dma_start3A_370 = tpu.memref_slice %arg7[%add3A_364, %dma_start3A_368, %dma_start3A_369] : memref<4096x50x178xf32, #tpu.memory_space<hbm>> -> memref<2x50x178xf32, #tpu.memory_space<hbm>>
    tpu.enqueue_dma source(%arg12 : memref<2x50x178xf32, #tpu.memory_space<vmem>>) target(%dma_start3A_370 : memref<2x50x178xf32, #tpu.memory_space<hbm>>) target_semaphore(%arg18 : memref<!tpu.dma_semaphore, #tpu.memory_space<semaphore_mem>>)
    %dma_start3A_371 = arith.constant 2 : i32
    %dma_start3A_372 = arith.constant 0 : i32
    %dma_start3A_373 = arith.constant 0 : i32
    %dma_start3A_374 = arith.constant 0 : i32
    %dma_start3A_375 = arith.constant 0 : i32
    %dma_start3A_376 = tpu.memref_slice %arg14[%dma_start3A_373, %dma_start3A_374, %dma_start3A_375] : memref<2x50x178xf32, #tpu.memory_space<vmem>> -> memref<1x50x128xf32, #tpu.memory_space<vmem>>
    %dma_start3A_377 = tpu.memref_squeeze %dma_start3A_376 : memref<1x50x128xf32, #tpu.memory_space<vmem>> -> memref<50x128xf32, #tpu.memory_space<vmem>>
    %dma_start3A_378 = arith.constant 0 : i32
    %dma_start3A_379 = tpu.memref_slice %arg8[%dma_start3A_371, %dma_start3A_372, %dma_start3A_378] : memref<64x2x50xi32, #tpu.memory_space<vmem>> -> memref<1x1x50xi32, #tpu.memory_space<vmem>>
    %dma_start3A_380 = tpu.memref_squeeze %dma_start3A_379 : memref<1x1x50xi32, #tpu.memory_space<vmem>> -> memref<50xi32, #tpu.memory_space<vmem>>
    %dma_start3A_381 = arith.constant 0 : i32
    %dma_start3A_382 = arith.constant 0 : i32
    %dma_start3A_383 = tpu.memref_slice %arg4[%dma_start3A_381, %dma_start3A_382] : memref<100000x128xf32, #tpu.memory_space<hbm>> -> memref<100000x128xf32, #tpu.memory_space<hbm>>
    tpu.enqueue_indirect_dma source(%dma_start3A_383 : memref<100000x128xf32, #tpu.memory_space<hbm>>) target(%dma_start3A_377 : memref<50x128xf32, #tpu.memory_space<vmem>>) offsets(%dma_start3A_380 : memref<50xi32, #tpu.memory_space<vmem>>) semaphore(%arg17 : memref<!tpu.dma_semaphore, #tpu.memory_space<semaphore_mem>>)
    %dma_start3A_384 = arith.constant 2 : i32
    %dma_start3A_385 = arith.constant 1 : i32
    %dma_start3A_386 = arith.constant 1 : i32
    %dma_start3A_387 = arith.constant 0 : i32
    %dma_start3A_388 = arith.constant 0 : i32
    %dma_start3A_389 = tpu.memref_slice %arg14[%dma_start3A_386, %dma_start3A_387, %dma_start3A_388] : memref<2x50x178xf32, #tpu.memory_space<vmem>> -> memref<1x50x128xf32, #tpu.memory_space<vmem>>
    %dma_start3A_390 = tpu.memref_squeeze %dma_start3A_389 : memref<1x50x128xf32, #tpu.memory_space<vmem>> -> memref<50x128xf32, #tpu.memory_space<vmem>>
    %dma_start3A_391 = arith.constant 0 : i32
    %dma_start3A_392 = tpu.memref_slice %arg8[%dma_start3A_384, %dma_start3A_385, %dma_start3A_391] : memref<64x2x50xi32, #tpu.memory_space<vmem>> -> memref<1x1x50xi32, #tpu.memory_space<vmem>>
    %dma_start3A_393 = tpu.memref_squeeze %dma_start3A_392 : memref<1x1x50xi32, #tpu.memory_space<vmem>> -> memref<50xi32, #tpu.memory_space<vmem>>
    %dma_start3A_394 = arith.constant 0 : i32
    %dma_start3A_395 = arith.constant 0 : i32
    %dma_start3A_396 = tpu.memref_slice %arg4[%dma_start3A_394, %dma_start3A_395] : memref<100000x128xf32, #tpu.memory_space<hbm>> -> memref<100000x128xf32, #tpu.memory_space<hbm>>
    tpu.enqueue_indirect_dma source(%dma_start3A_396 : memref<100000x128xf32, #tpu.memory_space<hbm>>) target(%dma_start3A_390 : memref<50x128xf32, #tpu.memory_space<vmem>>) offsets(%dma_start3A_393 : memref<50xi32, #tpu.memory_space<vmem>>) semaphore(%arg17 : memref<!tpu.dma_semaphore, #tpu.memory_space<semaphore_mem>>)
    %scan3A_397 = arith.constant 0 : i32
    %scan3A_398 = arith.constant 0 : i32
    %scan3A_399 = arith.constant 21 : i32
    %scan3A_400 = arith.addi %scan3A_398, %scan3A_399 : i32
    %scan3A_401 = arith.constant 1 : i32
    %scan3A_402 = scf.for %scan3A_410 = %scan3A_398 to %scan3A_400 step %scan3A_401 iter_args(%scan3A_411 = %scan3A_397) -> (i32)  : i32 {
      %mul3A_412 = arith.constant 3 : i32
      %mul3A_413 = arith.muli %mul3A_412, %scan3A_410 : i32
      %add3A_414 = arith.constant 1 : i32
      %add3A_415 = arith.addi %add3A_414, %mul3A_413 : i32
      %add3A_416 = arith.constant 0 : i32
      %add3A_417 = arith.addi %add3A_415, %add3A_416 : i32
      %dma_wait3A_418 = arith.constant 0 : i32
      %dma_wait3A_419 = arith.constant 0 : i32
      %dma_wait3A_420 = arith.constant 0 : i32
      %dma_wait3A_421 = arith.constant 0 : i32
      %dma_wait3A_422 = arith.constant 0 : i32
      %dma_wait3A_423 = tpu.memref_slice %arg13[%dma_wait3A_420, %dma_wait3A_421, %dma_wait3A_422] : memref<2x50x178xf32, #tpu.memory_space<vmem>> -> memref<1x50x128xf32, #tpu.memory_space<vmem>>
      %dma_wait3A_424 = tpu.memref_squeeze %dma_wait3A_423 : memref<1x50x128xf32, #tpu.memory_space<vmem>> -> memref<50x128xf32, #tpu.memory_space<vmem>>
      %dma_wait3A_425 = arith.constant 0 : i32
      %dma_wait3A_426 = tpu.memref_slice %arg8[%dma_wait3A_418, %dma_wait3A_419, %dma_wait3A_425] : memref<64x2x50xi32, #tpu.memory_space<vmem>> -> memref<1x1x50xi32, #tpu.memory_space<vmem>>
      %dma_wait3A_427 = tpu.memref_squeeze %dma_wait3A_426 : memref<1x1x50xi32, #tpu.memory_space<vmem>> -> memref<50xi32, #tpu.memory_space<vmem>>
      %dma_wait3A_428 = arith.constant 0 : i32
      %dma_wait3A_429 = arith.constant 0 : i32
      %dma_wait3A_430 = tpu.memref_slice %arg4[%dma_wait3A_428, %dma_wait3A_429] : memref<100000x128xf32, #tpu.memory_space<hbm>> -> memref<100000x128xf32, #tpu.memory_space<hbm>>
      tpu.wait_indirect_dma semaphore(%arg16 : memref<!tpu.dma_semaphore, #tpu.memory_space<semaphore_mem>>) src(%dma_wait3A_430 : memref<100000x128xf32, #tpu.memory_space<hbm>>) dst(%dma_wait3A_424 : memref<50x128xf32, #tpu.memory_space<vmem>>)
      %dma_wait3A_431 = arith.constant 0 : i32
      %dma_wait3A_432 = arith.constant 1 : i32
      %dma_wait3A_433 = arith.constant 1 : i32
      %dma_wait3A_434 = arith.constant 0 : i32
      %dma_wait3A_435 = arith.constant 0 : i32
      %dma_wait3A_436 = tpu.memref_slice %arg13[%dma_wait3A_433, %dma_wait3A_434, %dma_wait3A_435] : memref<2x50x178xf32, #tpu.memory_space<vmem>> -> memref<1x50x128xf32, #tpu.memory_space<vmem>>
      %dma_wait3A_437 = tpu.memref_squeeze %dma_wait3A_436 : memref<1x50x128xf32, #tpu.memory_space<vmem>> -> memref<50x128xf32, #tpu.memory_space<vmem>>
      %dma_wait3A_438 = arith.constant 0 : i32
      %dma_wait3A_439 = tpu.memref_slice %arg8[%dma_wait3A_431, %dma_wait3A_432, %dma_wait3A_438] : memref<64x2x50xi32, #tpu.memory_space<vmem>> -> memref<1x1x50xi32, #tpu.memory_space<vmem>>
      %dma_wait3A_440 = tpu.memref_squeeze %dma_wait3A_439 : memref<1x1x50xi32, #tpu.memory_space<vmem>> -> memref<50xi32, #tpu.memory_space<vmem>>
      %dma_wait3A_441 = arith.constant 0 : i32
      %dma_wait3A_442 = arith.constant 0 : i32
      %dma_wait3A_443 = tpu.memref_slice %arg4[%dma_wait3A_441, %dma_wait3A_442] : memref<100000x128xf32, #tpu.memory_space<hbm>> -> memref<100000x128xf32, #tpu.memory_space<hbm>>
      tpu.wait_indirect_dma semaphore(%arg16 : memref<!tpu.dma_semaphore, #tpu.memory_space<semaphore_mem>>) src(%dma_wait3A_443 : memref<100000x128xf32, #tpu.memory_space<hbm>>) dst(%dma_wait3A_437 : memref<50x128xf32, #tpu.memory_space<vmem>>)
      %scan3A_444 = arith.constant 0 : i32
      %scan3A_445 = arith.constant 0 : i32
      %scan3A_446 = arith.constant 50 : i32
      %scan3A_447 = arith.addi %scan3A_445, %scan3A_446 : i32
      %scan3A_448 = arith.constant 5 : i32
      %scan3A_449 = scf.for %scan3A_1437 = %scan3A_445 to %scan3A_447 step %scan3A_448 iter_args(%scan3A_1438 = %scan3A_444) -> (i32)  : i32 {
        %mul3A_1439 = arith.constant 100 : i32
        %mul3A_1440 = arith.muli %add3A_417, %mul3A_1439 : i32
        %add3A_1441 = arith.constant 0 : i32
        %add3A_1442 = arith.addi %mul3A_1440, %add3A_1441 : i32
        %add3A_1443 = arith.addi %add3A_1442, %scan3A_1437 : i32
        %broadcast_in_dim3A = vector.broadcast %add3A_1443 : i32 to vector<16xi32>
        %gather3A = tpu.vector_load_idx %arg9[%broadcast_in_dim3A] : memref<6416xi32, #tpu.memory_space<vmem>>[vector<16xi32>], vector<16xi32>,
        %gt3A_1444 = arith.constant 0 : i32
        %gt3A_1445 = vector.broadcast %gt3A_1444 : i32 to vector<16xi32>
        %gt3A_1446 = arith.cmpi sgt, %gather3A, %gt3A_1445 : vector<16xi32>
        %select_n3A_1447 = arith.select %gt3A_1446, %get3A_27, %get3A_19 : vector<16xi1>, vector<16xf32>
        %swap3A_1448 = arith.constant 0 : i32
        %swap3A_1449 = arith.index_cast %swap3A_1448 : i32 to index
        %swap3A_1450 = arith.index_cast %scan3A_1437 : i32 to index
        %swap3A_1451 = arith.constant 128 : index
        %swap3A_1452 = tpu.vector_load %arg13[%swap3A_1449, %swap3A_1450, %swap3A_1451] {strides = array<i32>} : memref<2x50x178xf32, #tpu.memory_space<vmem>>, vector<16xf32>,
        tpu.vector_store %arg13[%swap3A_1449, %swap3A_1450, %swap3A_1451], %select_n3A_1447 {strides = array<i32>} : memref<2x50x178xf32, #tpu.memory_space<vmem>>, vector<16xf32>,
        %select_n3A_1453 = arith.select %gt3A_1446, %get3A_29, %get3A_21 : vector<16xi1>, vector<16xf32>
        %swap3A_1454 = arith.constant 0 : i32
        %swap3A_1455 = arith.index_cast %swap3A_1454 : i32 to index
        %swap3A_1456 = arith.index_cast %scan3A_1437 : i32 to index
        %swap3A_1457 = arith.constant 144 : index
        %swap3A_1458 = tpu.vector_load %arg13[%swap3A_1455, %swap3A_1456, %swap3A_1457] {strides = array<i32>} : memref<2x50x178xf32, #tpu.memory_space<vmem>>, vector<16xf32>,
        tpu.vector_store %arg13[%swap3A_1455, %swap3A_1456, %swap3A_1457], %select_n3A_1453 {strides = array<i32>} : memref<2x50x178xf32, #tpu.memory_space<vmem>>, vector<16xf32>,
        %select_n3A_1459 = arith.select %gt3A_1446, %get3A_31, %get3A_23 : vector<16xi1>, vector<16xf32>
        %swap3A_1460 = arith.constant 0 : i32
        %swap3A_1461 = arith.index_cast %swap3A_1460 : i32 to index
        %swap3A_1462 = arith.index_cast %scan3A_1437 : i32 to index
        %swap3A_1463 = arith.constant 160 : index
        %swap3A_1464 = tpu.vector_load %arg13[%swap3A_1461, %swap3A_1462, %swap3A_1463] {strides = array<i32>} : memref<2x50x178xf32, #tpu.memory_space<vmem>>, vector<16xf32>,
        tpu.vector_store %arg13[%swap3A_1461, %swap3A_1462, %swap3A_1463], %select_n3A_1459 {strides = array<i32>} : memref<2x50x178xf32, #tpu.memory_space<vmem>>, vector<16xf32>,
        %select_n3A_1465 = arith.select %gt3A_1446, %get3A_33, %get3A_25 : vector<16xi1>, vector<16xf32>
        %swap3A_1466 = arith.constant 0 : i32
        %swap3A_1467 = arith.index_cast %swap3A_1466 : i32 to index
        %swap3A_1468 = arith.index_cast %scan3A_1437 : i32 to index
        %swap3A_1469 = arith.constant 162 : index
        %swap3A_1470 = tpu.vector_load %arg13[%swap3A_1467, %swap3A_1468, %swap3A_1469] {strides = array<i32>} : memref<2x50x178xf32, #tpu.memory_space<vmem>>, vector<16xf32>,
        tpu.vector_store %arg13[%swap3A_1467, %swap3A_1468, %swap3A_1469], %select_n3A_1465 {strides = array<i32>} : memref<2x50x178xf32, #tpu.memory_space<vmem>>, vector<16xf32>,
        %scan3A_1471 = arith.constant 0 : i32
        %scan3A_1472 = arith.constant 1 : i32
        %scan3A_1473 = arith.addi %scan3A_1437, %scan3A_1472 : i32
        %mul3A_1474 = arith.constant 100 : i32
        %mul3A_1475 = arith.muli %add3A_417, %mul3A_1474 : i32
        %add3A_1476 = arith.constant 0 : i32
        %add3A_1477 = arith.addi %mul3A_1475, %add3A_1476 : i32
        %add3A_1478 = arith.addi %add3A_1477, %scan3A_1473 : i32
        %broadcast_in_dim3A_1479 = vector.broadcast %add3A_1478 : i32 to vector<16xi32>
        %gather3A_1480 = tpu.vector_load_idx %arg9[%broadcast_in_dim3A_1479] : memref<6416xi32, #tpu.memory_space<vmem>>[vector<16xi32>], vector<16xi32>,
        %gt3A_1481 = arith.constant 0 : i32
        %gt3A_1482 = vector.broadcast %gt3A_1481 : i32 to vector<16xi32>
        %gt3A_1483 = arith.cmpi sgt, %gather3A_1480, %gt3A_1482 : vector<16xi32>
        %select_n3A_1484 = arith.select %gt3A_1483, %get3A_27, %get3A_19 : vector<16xi1>, vector<16xf32>
        %swap3A_1485 = arith.constant 0 : i32
        %swap3A_1486 = arith.index_cast %swap3A_1485 : i32 to index
        %swap3A_1487 = arith.index_cast %scan3A_1473 : i32 to index
        %swap3A_1488 = arith.constant 128 : index
        %swap3A_1489 = tpu.vector_load %arg13[%swap3A_1486, %swap3A_1487, %swap3A_1488] {strides = array<i32>} : memref<2x50x178xf32, #tpu.memory_space<vmem>>, vector<16xf32>,
        tpu.vector_store %arg13[%swap3A_1486, %swap3A_1487, %swap3A_1488], %select_n3A_1484 {strides = array<i32>} : memref<2x50x178xf32, #tpu.memory_space<vmem>>, vector<16xf32>,
        %select_n3A_1490 = arith.select %gt3A_1483, %get3A_29, %get3A_21 : vector<16xi1>, vector<16xf32>
        %swap3A_1491 = arith.constant 0 : i32
        %swap3A_1492 = arith.index_cast %swap3A_1491 : i32 to index
        %swap3A_1493 = arith.index_cast %scan3A_1473 : i32 to index
        %swap3A_1494 = arith.constant 144 : index
        %swap3A_1495 = tpu.vector_load %arg13[%swap3A_1492, %swap3A_1493, %swap3A_1494] {strides = array<i32>} : memref<2x50x178xf32, #tpu.memory_space<vmem>>, vector<16xf32>,
        tpu.vector_store %arg13[%swap3A_1492, %swap3A_1493, %swap3A_1494], %select_n3A_1490 {strides = array<i32>} : memref<2x50x178xf32, #tpu.memory_space<vmem>>, vector<16xf32>,
        %select_n3A_1496 = arith.select %gt3A_1483, %get3A_31, %get3A_23 : vector<16xi1>, vector<16xf32>
        %swap3A_1497 = arith.constant 0 : i32
        %swap3A_1498 = arith.index_cast %swap3A_1497 : i32 to index
        %swap3A_1499 = arith.index_cast %scan3A_1473 : i32 to index
        %swap3A_1500 = arith.constant 160 : index
        %swap3A_1501 = tpu.vector_load %arg13[%swap3A_1498, %swap3A_1499, %swap3A_1500] {strides = array<i32>} : memref<2x50x178xf32, #tpu.memory_space<vmem>>, vector<16xf32>,
        tpu.vector_store %arg13[%swap3A_1498, %swap3A_1499, %swap3A_1500], %select_n3A_1496 {strides = array<i32>} : memref<2x50x178xf32, #tpu.memory_space<vmem>>, vector<16xf32>,
        %select_n3A_1502 = arith.select %gt3A_1483, %get3A_33, %get3A_25 : vector<16xi1>, vector<16xf32>
        %swap3A_1503 = arith.constant 0 : i32
        %swap3A_1504 = arith.index_cast %swap3A_1503 : i32 to index
        %swap3A_1505 = arith.index_cast %scan3A_1473 : i32 to index
        %swap3A_1506 = arith.constant 162 : index
        %swap3A_1507 = tpu.vector_load %arg13[%swap3A_1504, %swap3A_1505, %swap3A_1506] {strides = array<i32>} : memref<2x50x178xf32, #tpu.memory_space<vmem>>, vector<16xf32>,
        tpu.vector_store %arg13[%swap3A_1504, %swap3A_1505, %swap3A_1506], %select_n3A_1502 {strides = array<i32>} : memref<2x50x178xf32, #tpu.memory_space<vmem>>, vector<16xf32>,
        %scan3A_1508 = arith.constant 0 : i32
        %scan3A_1509 = arith.constant 2 : i32
        %scan3A_1510 = arith.addi %scan3A_1437, %scan3A_1509 : i32
        %mul3A_1511 = arith.constant 100 : i32
        %mul3A_1512 = arith.muli %add3A_417, %mul3A_1511 : i32
        %add3A_1513 = arith.constant 0 : i32
        %add3A_1514 = arith.addi %mul3A_1512, %add3A_1513 : i32
        %add3A_1515 = arith.addi %add3A_1514, %scan3A_1510 : i32
        %broadcast_in_dim3A_1516 = vector.broadcast %add3A_1515 : i32 to vector<16xi32>
        %gather3A_1517 = tpu.vector_load_idx %arg9[%broadcast_in_dim3A_1516] : memref<6416xi32, #tpu.memory_space<vmem>>[vector<16xi32>], vector<16xi32>,
        %gt3A_1518 = arith.constant 0 : i32
        %gt3A_1519 = vector.broadcast %gt3A_1518 : i32 to vector<16xi32>
        %gt3A_1520 = arith.cmpi sgt, %gather3A_1517, %gt3A_1519 : vector<16xi32>
        %select_n3A_1521 = arith.select %gt3A_1520, %get3A_27, %get3A_19 : vector<16xi1>, vector<16xf32>
        %swap3A_1522 = arith.constant 0 : i32
        %swap3A_1523 = arith.index_cast %swap3A_1522 : i32 to index
        %swap3A_1524 = arith.index_cast %scan3A_1510 : i32 to index
        %swap3A_1525 = arith.constant 128 : index
        %swap3A_1526 = tpu.vector_load %arg13[%swap3A_1523, %swap3A_1524, %swap3A_1525] {strides = array<i32>} : memref<2x50x178xf32, #tpu.memory_space<vmem>>, vector<16xf32>,
        tpu.vector_store %arg13[%swap3A_1523, %swap3A_1524, %swap3A_1525], %select_n3A_1521 {strides = array<i32>} : memref<2x50x178xf32, #tpu.memory_space<vmem>>, vector<16xf32>,
        %select_n3A_1527 = arith.select %gt3A_1520, %get3A_29, %get3A_21 : vector<16xi1>, vector<16xf32>
        %swap3A_1528 = arith.constant 0 : i32
        %swap3A_1529 = arith.index_cast %swap3A_1528 : i32 to index
        %swap3A_1530 = arith.index_cast %scan3A_1510 : i32 to index
        %swap3A_1531 = arith.constant 144 : index
        %swap3A_1532 = tpu.vector_load %arg13[%swap3A_1529, %swap3A_1530, %swap3A_1531] {strides = array<i32>} : memref<2x50x178xf32, #tpu.memory_space<vmem>>, vector<16xf32>,
        tpu.vector_store %arg13[%swap3A_1529, %swap3A_1530, %swap3A_1531], %select_n3A_1527 {strides = array<i32>} : memref<2x50x178xf32, #tpu.memory_space<vmem>>, vector<16xf32>,
        %select_n3A_1533 = arith.select %gt3A_1520, %get3A_31, %get3A_23 : vector<16xi1>, vector<16xf32>
        %swap3A_1534 = arith.constant 0 : i32
        %swap3A_1535 = arith.index_cast %swap3A_1534 : i32 to index
        %swap3A_1536 = arith.index_cast %scan3A_1510 : i32 to index
        %swap3A_1537 = arith.constant 160 : index
        %swap3A_1538 = tpu.vector_load %arg13[%swap3A_1535, %swap3A_1536, %swap3A_1537] {strides = array<i32>} : memref<2x50x178xf32, #tpu.memory_space<vmem>>, vector<16xf32>,
        tpu.vector_store %arg13[%swap3A_1535, %swap3A_1536, %swap3A_1537], %select_n3A_1533 {strides = array<i32>} : memref<2x50x178xf32, #tpu.memory_space<vmem>>, vector<16xf32>,
        %select_n3A_1539 = arith.select %gt3A_1520, %get3A_33, %get3A_25 : vector<16xi1>, vector<16xf32>
        %swap3A_1540 = arith.constant 0 : i32
        %swap3A_1541 = arith.index_cast %swap3A_1540 : i32 to index
        %swap3A_1542 = arith.index_cast %scan3A_1510 : i32 to index
        %swap3A_1543 = arith.constant 162 : index
        %swap3A_1544 = tpu.vector_load %arg13[%swap3A_1541, %swap3A_1542, %swap3A_1543] {strides = array<i32>} : memref<2x50x178xf32, #tpu.memory_space<vmem>>, vector<16xf32>,
        tpu.vector_store %arg13[%swap3A_1541, %swap3A_1542, %swap3A_1543], %select_n3A_1539 {strides = array<i32>} : memref<2x50x178xf32, #tpu.memory_space<vmem>>, vector<16xf32>,
        %scan3A_1545 = arith.constant 0 : i32
        %scan3A_1546 = arith.constant 3 : i32
        %scan3A_1547 = arith.addi %scan3A_1437, %scan3A_1546 : i32
        %mul3A_1548 = arith.constant 100 : i32
        %mul3A_1549 = arith.muli %add3A_417, %mul3A_1548 : i32
        %add3A_1550 = arith.constant 0 : i32
        %add3A_1551 = arith.addi %mul3A_1549, %add3A_1550 : i32
        %add3A_1552 = arith.addi %add3A_1551, %scan3A_1547 : i32
        %broadcast_in_dim3A_1553 = vector.broadcast %add3A_1552 : i32 to vector<16xi32>
        %gather3A_1554 = tpu.vector_load_idx %arg9[%broadcast_in_dim3A_1553] : memref<6416xi32, #tpu.memory_space<vmem>>[vector<16xi32>], vector<16xi32>,
        %gt3A_1555 = arith.constant 0 : i32
        %gt3A_1556 = vector.broadcast %gt3A_1555 : i32 to vector<16xi32>
        %gt3A_1557 = arith.cmpi sgt, %gather3A_1554, %gt3A_1556 : vector<16xi32>
        %select_n3A_1558 = arith.select %gt3A_1557, %get3A_27, %get3A_19 : vector<16xi1>, vector<16xf32>
        %swap3A_1559 = arith.constant 0 : i32
        %swap3A_1560 = arith.index_cast %swap3A_1559 : i32 to index
        %swap3A_1561 = arith.index_cast %scan3A_1547 : i32 to index
        %swap3A_1562 = arith.constant 128 : index
        %swap3A_1563 = tpu.vector_load %arg13[%swap3A_1560, %swap3A_1561, %swap3A_1562] {strides = array<i32>} : memref<2x50x178xf32, #tpu.memory_space<vmem>>, vector<16xf32>,
        tpu.vector_store %arg13[%swap3A_1560, %swap3A_1561, %swap3A_1562], %select_n3A_1558 {strides = array<i32>} : memref<2x50x178xf32, #tpu.memory_space<vmem>>, vector<16xf32>,
        %select_n3A_1564 = arith.select %gt3A_1557, %get3A_29, %get3A_21 : vector<16xi1>, vector<16xf32>
        %swap3A_1565 = arith.constant 0 : i32
        %swap3A_1566 = arith.index_cast %swap3A_1565 : i32 to index
        %swap3A_1567 = arith.index_cast %scan3A_1547 : i32 to index
        %swap3A_1568 = arith.constant 144 : index
        %swap3A_1569 = tpu.vector_load %arg13[%swap3A_1566, %swap3A_1567, %swap3A_1568] {strides = array<i32>} : memref<2x50x178xf32, #tpu.memory_space<vmem>>, vector<16xf32>,
        tpu.vector_store %arg13[%swap3A_1566, %swap3A_1567, %swap3A_1568], %select_n3A_1564 {strides = array<i32>} : memref<2x50x178xf32, #tpu.memory_space<vmem>>, vector<16xf32>,
        %select_n3A_1570 = arith.select %gt3A_1557, %get3A_31, %get3A_23 : vector<16xi1>, vector<16xf32>
        %swap3A_1571 = arith.constant 0 : i32
        %swap3A_1572 = arith.index_cast %swap3A_1571 : i32 to index
        %swap3A_1573 = arith.index_cast %scan3A_1547 : i32 to index
        %swap3A_1574 = arith.constant 160 : index
        %swap3A_1575 = tpu.vector_load %arg13[%swap3A_1572, %swap3A_1573, %swap3A_1574] {strides = array<i32>} : memref<2x50x178xf32, #tpu.memory_space<vmem>>, vector<16xf32>,
        tpu.vector_store %arg13[%swap3A_1572, %swap3A_1573, %swap3A_1574], %select_n3A_1570 {strides = array<i32>} : memref<2x50x178xf32, #tpu.memory_space<vmem>>, vector<16xf32>,
        %select_n3A_1576 = arith.select %gt3A_1557, %get3A_33, %get3A_25 : vector<16xi1>, vector<16xf32>
        %swap3A_1577 = arith.constant 0 : i32
        %swap3A_1578 = arith.index_cast %swap3A_1577 : i32 to index
        %swap3A_1579 = arith.index_cast %scan3A_1547 : i32 to index
        %swap3A_1580 = arith.constant 162 : index
        %swap3A_1581 = tpu.vector_load %arg13[%swap3A_1578, %swap3A_1579, %swap3A_1580] {strides = array<i32>} : memref<2x50x178xf32, #tpu.memory_space<vmem>>, vector<16xf32>,
        tpu.vector_store %arg13[%swap3A_1578, %swap3A_1579, %swap3A_1580], %select_n3A_1576 {strides = array<i32>} : memref<2x50x178xf32, #tpu.memory_space<vmem>>, vector<16xf32>,
        %scan3A_1582 = arith.constant 0 : i32
        %scan3A_1583 = arith.constant 4 : i32
        %scan3A_1584 = arith.addi %scan3A_1437, %scan3A_1583 : i32
        %mul3A_1585 = arith.constant 100 : i32
        %mul3A_1586 = arith.muli %add3A_417, %mul3A_1585 : i32
        %add3A_1587 = arith.constant 0 : i32
        %add3A_1588 = arith.addi %mul3A_1586, %add3A_1587 : i32
        %add3A_1589 = arith.addi %add3A_1588, %scan3A_1584 : i32
        %broadcast_in_dim3A_1590 = vector.broadcast %add3A_1589 : i32 to vector<16xi32>
        %gather3A_1591 = tpu.vector_load_idx %arg9[%broadcast_in_dim3A_1590] : memref<6416xi32, #tpu.memory_space<vmem>>[vector<16xi32>], vector<16xi32>,
        %gt3A_1592 = arith.constant 0 : i32
        %gt3A_1593 = vector.broadcast %gt3A_1592 : i32 to vector<16xi32>
        %gt3A_1594 = arith.cmpi sgt, %gather3A_1591, %gt3A_1593 : vector<16xi32>
        %select_n3A_1595 = arith.select %gt3A_1594, %get3A_27, %get3A_19 : vector<16xi1>, vector<16xf32>
        %swap3A_1596 = arith.constant 0 : i32
        %swap3A_1597 = arith.index_cast %swap3A_1596 : i32 to index
        %swap3A_1598 = arith.index_cast %scan3A_1584 : i32 to index
        %swap3A_1599 = arith.constant 128 : index
        %swap3A_1600 = tpu.vector_load %arg13[%swap3A_1597, %swap3A_1598, %swap3A_1599] {strides = array<i32>} : memref<2x50x178xf32, #tpu.memory_space<vmem>>, vector<16xf32>,
        tpu.vector_store %arg13[%swap3A_1597, %swap3A_1598, %swap3A_1599], %select_n3A_1595 {strides = array<i32>} : memref<2x50x178xf32, #tpu.memory_space<vmem>>, vector<16xf32>,
        %select_n3A_1601 = arith.select %gt3A_1594, %get3A_29, %get3A_21 : vector<16xi1>, vector<16xf32>
        %swap3A_1602 = arith.constant 0 : i32
        %swap3A_1603 = arith.index_cast %swap3A_1602 : i32 to index
        %swap3A_1604 = arith.index_cast %scan3A_1584 : i32 to index
        %swap3A_1605 = arith.constant 144 : index
        %swap3A_1606 = tpu.vector_load %arg13[%swap3A_1603, %swap3A_1604, %swap3A_1605] {strides = array<i32>} : memref<2x50x178xf32, #tpu.memory_space<vmem>>, vector<16xf32>,
        tpu.vector_store %arg13[%swap3A_1603, %swap3A_1604, %swap3A_1605], %select_n3A_1601 {strides = array<i32>} : memref<2x50x178xf32, #tpu.memory_space<vmem>>, vector<16xf32>,
        %select_n3A_1607 = arith.select %gt3A_1594, %get3A_31, %get3A_23 : vector<16xi1>, vector<16xf32>
        %swap3A_1608 = arith.constant 0 : i32
        %swap3A_1609 = arith.index_cast %swap3A_1608 : i32 to index
        %swap3A_1610 = arith.index_cast %scan3A_1584 : i32 to index
        %swap3A_1611 = arith.constant 160 : index
        %swap3A_1612 = tpu.vector_load %arg13[%swap3A_1609, %swap3A_1610, %swap3A_1611] {strides = array<i32>} : memref<2x50x178xf32, #tpu.memory_space<vmem>>, vector<16xf32>,
        tpu.vector_store %arg13[%swap3A_1609, %swap3A_1610, %swap3A_1611], %select_n3A_1607 {strides = array<i32>} : memref<2x50x178xf32, #tpu.memory_space<vmem>>, vector<16xf32>,
        %select_n3A_1613 = arith.select %gt3A_1594, %get3A_33, %get3A_25 : vector<16xi1>, vector<16xf32>
        %swap3A_1614 = arith.constant 0 : i32
        %swap3A_1615 = arith.index_cast %swap3A_1614 : i32 to index
        %swap3A_1616 = arith.index_cast %scan3A_1584 : i32 to index
        %swap3A_1617 = arith.constant 162 : index
        %swap3A_1618 = tpu.vector_load %arg13[%swap3A_1615, %swap3A_1616, %swap3A_1617] {strides = array<i32>} : memref<2x50x178xf32, #tpu.memory_space<vmem>>, vector<16xf32>,
        tpu.vector_store %arg13[%swap3A_1615, %swap3A_1616, %swap3A_1617], %select_n3A_1613 {strides = array<i32>} : memref<2x50x178xf32, #tpu.memory_space<vmem>>, vector<16xf32>,
        %scan3A_1619 = arith.constant 0 : i32
        scf.yield %scan3A_1619 : i32
      }
      %scan3A_450 = arith.constant 50 : i32
      %mul3A_451 = arith.constant 100 : i32
      %mul3A_452 = arith.muli %add3A_417, %mul3A_451 : i32
      %add3A_453 = arith.constant 0 : i32
      %add3A_454 = arith.addi %mul3A_452, %add3A_453 : i32
      %add3A_455 = arith.constant 48 : i32
      %add3A_456 = arith.addi %add3A_454, %add3A_455 : i32
      %get3A_457 = arith.index_cast %add3A_456 : i32 to index
      %get3A_458 = tpu.vector_load %arg9[%get3A_457] {strides = array<i32>} : memref<6416xi32, #tpu.memory_space<vmem>>, vector<16xi32>,
      %iota3A_459 = tpu.iota {dimensions = array<i32: 0>} : vector<16xi32>
      %add3A_460 = arith.constant 48 : i32
      %add3A_461 = vector.broadcast %add3A_460 : i32 to vector<16xi32>
      %add3A_462 = arith.addi %iota3A_459, %add3A_461 : vector<16xi32>
      %gt3A_463 = arith.constant 0 : i32
      %gt3A_464 = vector.broadcast %gt3A_463 : i32 to vector<16xi32>
      %gt3A_465 = arith.cmpi sgt, %get3A_458, %gt3A_464 : vector<16xi32>
      %lt3A_466 = arith.constant 50 : i32
      %lt3A_467 = vector.broadcast %lt3A_466 : i32 to vector<16xi32>
      %lt3A_468 = arith.cmpi slt, %add3A_462, %lt3A_467 : vector<16xi32>
      %and3A_469 = arith.andi %gt3A_465, %lt3A_468 : vector<16xi1>
      %all_reduce_ffs3A_470 = tpu.all_reduce %and3A_469 {dim = 0 : i64, kind = #tpu.reduction_kind<find_first_set>} : vector<16xi1> -> vector<16xi32>
      %slice3A_471 = vector.extract_strided_slice %all_reduce_ffs3A_470 {offsets = [0], sizes = [1], strides = [1]} : vector<16xi32> to vector<1xi32>
      %squeeze3A_472 = vector.extract %slice3A_471[0] : i32 from vector<1xi32>
      %lt3A_473 = arith.constant 16 : i32
      %lt3A_474 = arith.cmpi slt, %squeeze3A_472, %lt3A_473 : i32
      %add3A_475 = arith.constant 48 : i32
      %add3A_476 = arith.addi %add3A_475, %squeeze3A_472 : i32
      %jit3A_477 = arith.constant 0 : i32
      %select_n3A_478 = arith.select %lt3A_474, %add3A_476, %jit3A_477 : i32
      %add3A_479 = arith.constant 32 : i32
      %add3A_480 = arith.addi %add3A_454, %add3A_479 : i32
      %get3A_481 = arith.index_cast %add3A_480 : i32 to index
      %get3A_482 = tpu.vector_load %arg9[%get3A_481] {strides = array<i32>} : memref<6416xi32, #tpu.memory_space<vmem>>, vector<16xi32>,
      %iota3A_483 = tpu.iota {dimensions = array<i32: 0>} : vector<16xi32>
      %add3A_484 = arith.constant 32 : i32
      %add3A_485 = vector.broadcast %add3A_484 : i32 to vector<16xi32>
      %add3A_486 = arith.addi %iota3A_483, %add3A_485 : vector<16xi32>
      %gt3A_487 = arith.constant 0 : i32
      %gt3A_488 = vector.broadcast %gt3A_487 : i32 to vector<16xi32>
      %gt3A_489 = arith.cmpi sgt, %get3A_482, %gt3A_488 : vector<16xi32>
      %lt3A_490 = arith.constant 50 : i32
      %lt3A_491 = vector.broadcast %lt3A_490 : i32 to vector<16xi32>
      %lt3A_492 = arith.cmpi slt, %add3A_486, %lt3A_491 : vector<16xi32>
      %and3A_493 = arith.andi %gt3A_489, %lt3A_492 : vector<16xi1>
      %all_reduce_ffs3A_494 = tpu.all_reduce %and3A_493 {dim = 0 : i64, kind = #tpu.reduction_kind<find_first_set>} : vector<16xi1> -> vector<16xi32>
      %slice3A_495 = vector.extract_strided_slice %all_reduce_ffs3A_494 {offsets = [0], sizes = [1], strides = [1]} : vector<16xi32> to vector<1xi32>
      %squeeze3A_496 = vector.extract %slice3A_495[0] : i32 from vector<1xi32>
      %lt3A_497 = arith.constant 16 : i32
      %lt3A_498 = arith.cmpi slt, %squeeze3A_496, %lt3A_497 : i32
      %add3A_499 = arith.constant 32 : i32
      %add3A_500 = arith.addi %add3A_499, %squeeze3A_496 : i32
      %select_n3A_501 = arith.select %lt3A_498, %add3A_500, %select_n3A_478 : i32
      %add3A_502 = arith.constant 16 : i32
      %add3A_503 = arith.addi %add3A_454, %add3A_502 : i32
      %get3A_504 = arith.index_cast %add3A_503 : i32 to index
      %get3A_505 = tpu.vector_load %arg9[%get3A_504] {strides = array<i32>} : memref<6416xi32, #tpu.memory_space<vmem>>, vector<16xi32>,
      %iota3A_506 = tpu.iota {dimensions = array<i32: 0>} : vector<16xi32>
      %add3A_507 = arith.constant 16 : i32
      %add3A_508 = vector.broadcast %add3A_507 : i32 to vector<16xi32>
      %add3A_509 = arith.addi %iota3A_506, %add3A_508 : vector<16xi32>
      %gt3A_510 = arith.constant 0 : i32
      %gt3A_511 = vector.broadcast %gt3A_510 : i32 to vector<16xi32>
      %gt3A_512 = arith.cmpi sgt, %get3A_505, %gt3A_511 : vector<16xi32>
      %lt3A_513 = arith.constant 50 : i32
      %lt3A_514 = vector.broadcast %lt3A_513 : i32 to vector<16xi32>
      %lt3A_515 = arith.cmpi slt, %add3A_509, %lt3A_514 : vector<16xi32>
      %and3A_516 = arith.andi %gt3A_512, %lt3A_515 : vector<16xi1>
      %all_reduce_ffs3A_517 = tpu.all_reduce %and3A_516 {dim = 0 : i64, kind = #tpu.reduction_kind<find_first_set>} : vector<16xi1> -> vector<16xi32>
      %slice3A_518 = vector.extract_strided_slice %all_reduce_ffs3A_517 {offsets = [0], sizes = [1], strides = [1]} : vector<16xi32> to vector<1xi32>
      %squeeze3A_519 = vector.extract %slice3A_518[0] : i32 from vector<1xi32>
      %lt3A_520 = arith.constant 16 : i32
      %lt3A_521 = arith.cmpi slt, %squeeze3A_519, %lt3A_520 : i32
      %add3A_522 = arith.constant 16 : i32
      %add3A_523 = arith.addi %add3A_522, %squeeze3A_519 : i32
      %select_n3A_524 = arith.select %lt3A_521, %add3A_523, %select_n3A_501 : i32
      %add3A_525 = arith.constant 0 : i32
      %add3A_526 = arith.addi %add3A_454, %add3A_525 : i32
      %get3A_527 = arith.index_cast %add3A_526 : i32 to index
      %get3A_528 = tpu.vector_load %arg9[%get3A_527] {strides = array<i32>} : memref<6416xi32, #tpu.memory_space<vmem>>, vector<16xi32>,
      %iota3A_529 = tpu.iota {dimensions = array<i32: 0>} : vector<16xi32>
      %add3A_530 = arith.constant 0 : i32
      %add3A_531 = vector.broadcast %add3A_530 : i32 to vector<16xi32>
      %add3A_532 = arith.addi %iota3A_529, %add3A_531 : vector<16xi32>
      %gt3A_533 = arith.constant 0 : i32
      %gt3A_534 = vector.broadcast %gt3A_533 : i32 to vector<16xi32>
      %gt3A_535 = arith.cmpi sgt, %get3A_528, %gt3A_534 : vector<16xi32>
      %lt3A_536 = arith.constant 50 : i32
      %lt3A_537 = vector.broadcast %lt3A_536 : i32 to vector<16xi32>
      %lt3A_538 = arith.cmpi slt, %add3A_532, %lt3A_537 : vector<16xi32>
      %and3A_539 = arith.andi %gt3A_535, %lt3A_538 : vector<16xi1>
      %all_reduce_ffs3A_540 = tpu.all_reduce %and3A_539 {dim = 0 : i64, kind = #tpu.reduction_kind<find_first_set>} : vector<16xi1> -> vector<16xi32>
      %slice3A_541 = vector.extract_strided_slice %all_reduce_ffs3A_540 {offsets = [0], sizes = [1], strides = [1]} : vector<16xi32> to vector<1xi32>
      %squeeze3A_542 = vector.extract %slice3A_541[0] : i32 from vector<1xi32>
      %lt3A_543 = arith.constant 16 : i32
      %lt3A_544 = arith.cmpi slt, %squeeze3A_542, %lt3A_543 : i32
      %add3A_545 = arith.constant 0 : i32
      %add3A_546 = arith.addi %add3A_545, %squeeze3A_542 : i32
      %select_n3A_547 = arith.select %lt3A_544, %add3A_546, %select_n3A_524 : i32
      %swap3A_548 = arith.constant 0 : i32
      %swap3A_549 = arith.index_cast %swap3A_548 : i32 to index
      %swap3A_550 = arith.index_cast %select_n3A_547 : i32 to index
      %swap3A_551 = arith.constant 0 : index
      %swap3A_552 = tpu.vector_load %arg13[%swap3A_549, %swap3A_550, %swap3A_551] {strides = array<i32>} : memref<2x50x178xf32, #tpu.memory_space<vmem>>, vector<16xf32>,
      tpu.vector_store %arg13[%swap3A_549, %swap3A_550, %swap3A_551], %get3A_3 {strides = array<i32>} : memref<2x50x178xf32, #tpu.memory_space<vmem>>, vector<16xf32>,
      %swap3A_553 = arith.constant 0 : i32
      %swap3A_554 = arith.index_cast %swap3A_553 : i32 to index
      %swap3A_555 = arith.index_cast %select_n3A_547 : i32 to index
      %swap3A_556 = arith.constant 16 : index
      %swap3A_557 = tpu.vector_load %arg13[%swap3A_554, %swap3A_555, %swap3A_556] {strides = array<i32>} : memref<2x50x178xf32, #tpu.memory_space<vmem>>, vector<16xf32>,
      tpu.vector_store %arg13[%swap3A_554, %swap3A_555, %swap3A_556], %get3A_5 {strides = array<i32>} : memref<2x50x178xf32, #tpu.memory_space<vmem>>, vector<16xf32>,
      %swap3A_558 = arith.constant 0 : i32
      %swap3A_559 = arith.index_cast %swap3A_558 : i32 to index
      %swap3A_560 = arith.index_cast %select_n3A_547 : i32 to index
      %swap3A_561 = arith.constant 32 : index
      %swap3A_562 = tpu.vector_load %arg13[%swap3A_559, %swap3A_560, %swap3A_561] {strides = array<i32>} : memref<2x50x178xf32, #tpu.memory_space<vmem>>, vector<16xf32>,
      tpu.vector_store %arg13[%swap3A_559, %swap3A_560, %swap3A_561], %get3A_7 {strides = array<i32>} : memref<2x50x178xf32, #tpu.memory_space<vmem>>, vector<16xf32>,
      %swap3A_563 = arith.constant 0 : i32
      %swap3A_564 = arith.index_cast %swap3A_563 : i32 to index
      %swap3A_565 = arith.index_cast %select_n3A_547 : i32 to index
      %swap3A_566 = arith.constant 48 : index
      %swap3A_567 = tpu.vector_load %arg13[%swap3A_564, %swap3A_565, %swap3A_566] {strides = array<i32>} : memref<2x50x178xf32, #tpu.memory_space<vmem>>, vector<16xf32>,
      tpu.vector_store %arg13[%swap3A_564, %swap3A_565, %swap3A_566], %get3A_9 {strides = array<i32>} : memref<2x50x178xf32, #tpu.memory_space<vmem>>, vector<16xf32>,
      %swap3A_568 = arith.constant 0 : i32
      %swap3A_569 = arith.index_cast %swap3A_568 : i32 to index
      %swap3A_570 = arith.index_cast %select_n3A_547 : i32 to index
      %swap3A_571 = arith.constant 64 : index
      %swap3A_572 = tpu.vector_load %arg13[%swap3A_569, %swap3A_570, %swap3A_571] {strides = array<i32>} : memref<2x50x178xf32, #tpu.memory_space<vmem>>, vector<16xf32>,
      tpu.vector_store %arg13[%swap3A_569, %swap3A_570, %swap3A_571], %get3A_11 {strides = array<i32>} : memref<2x50x178xf32, #tpu.memory_space<vmem>>, vector<16xf32>,
      %swap3A_573 = arith.constant 0 : i32
      %swap3A_574 = arith.index_cast %swap3A_573 : i32 to index
      %swap3A_575 = arith.index_cast %select_n3A_547 : i32 to index
      %swap3A_576 = arith.constant 80 : index
      %swap3A_577 = tpu.vector_load %arg13[%swap3A_574, %swap3A_575, %swap3A_576] {strides = array<i32>} : memref<2x50x178xf32, #tpu.memory_space<vmem>>, vector<16xf32>,
      tpu.vector_store %arg13[%swap3A_574, %swap3A_575, %swap3A_576], %get3A_13 {strides = array<i32>} : memref<2x50x178xf32, #tpu.memory_space<vmem>>, vector<16xf32>,
      %swap3A_578 = arith.constant 0 : i32
      %swap3A_579 = arith.index_cast %swap3A_578 : i32 to index
      %swap3A_580 = arith.index_cast %select_n3A_547 : i32 to index
      %swap3A_581 = arith.constant 96 : index
      %swap3A_582 = tpu.vector_load %arg13[%swap3A_579, %swap3A_580, %swap3A_581] {strides = array<i32>} : memref<2x50x178xf32, #tpu.memory_space<vmem>>, vector<16xf32>,
      tpu.vector_store %arg13[%swap3A_579, %swap3A_580, %swap3A_581], %get3A_15 {strides = array<i32>} : memref<2x50x178xf32, #tpu.memory_space<vmem>>, vector<16xf32>,
      %swap3A_583 = arith.constant 0 : i32
      %swap3A_584 = arith.index_cast %swap3A_583 : i32 to index
      %swap3A_585 = arith.index_cast %select_n3A_547 : i32 to index
      %swap3A_586 = arith.constant 112 : index
      %swap3A_587 = tpu.vector_load %arg13[%swap3A_584, %swap3A_585, %swap3A_586] {strides = array<i32>} : memref<2x50x178xf32, #tpu.memory_space<vmem>>, vector<16xf32>,
      tpu.vector_store %arg13[%swap3A_584, %swap3A_585, %swap3A_586], %get3A_17 {strides = array<i32>} : memref<2x50x178xf32, #tpu.memory_space<vmem>>, vector<16xf32>,
      %scan3A_588 = arith.constant 0 : i32
      %scan3A_589 = arith.constant 0 : i32
      %scan3A_590 = arith.constant 50 : i32
      %scan3A_591 = arith.addi %scan3A_589, %scan3A_590 : i32
      %scan3A_592 = arith.constant 5 : i32
      %scan3A_593 = scf.for %scan3A_1437 = %scan3A_589 to %scan3A_591 step %scan3A_592 iter_args(%scan3A_1438 = %scan3A_588) -> (i32)  : i32 {
        %mul3A_1439 = arith.constant 100 : i32
        %mul3A_1440 = arith.muli %add3A_417, %mul3A_1439 : i32
        %add3A_1441 = arith.constant 50 : i32
        %add3A_1442 = arith.addi %mul3A_1440, %add3A_1441 : i32
        %add3A_1443 = arith.addi %add3A_1442, %scan3A_1437 : i32
        %broadcast_in_dim3A = vector.broadcast %add3A_1443 : i32 to vector<16xi32>
        %gather3A = tpu.vector_load_idx %arg9[%broadcast_in_dim3A] : memref<6416xi32, #tpu.memory_space<vmem>>[vector<16xi32>], vector<16xi32>,
        %gt3A_1444 = arith.constant 0 : i32
        %gt3A_1445 = vector.broadcast %gt3A_1444 : i32 to vector<16xi32>
        %gt3A_1446 = arith.cmpi sgt, %gather3A, %gt3A_1445 : vector<16xi32>
        %select_n3A_1447 = arith.select %gt3A_1446, %get3A_27, %get3A_19 : vector<16xi1>, vector<16xf32>
        %swap3A_1448 = arith.constant 1 : i32
        %swap3A_1449 = arith.index_cast %swap3A_1448 : i32 to index
        %swap3A_1450 = arith.index_cast %scan3A_1437 : i32 to index
        %swap3A_1451 = arith.constant 128 : index
        %swap3A_1452 = tpu.vector_load %arg13[%swap3A_1449, %swap3A_1450, %swap3A_1451] {strides = array<i32>} : memref<2x50x178xf32, #tpu.memory_space<vmem>>, vector<16xf32>,
        tpu.vector_store %arg13[%swap3A_1449, %swap3A_1450, %swap3A_1451], %select_n3A_1447 {strides = array<i32>} : memref<2x50x178xf32, #tpu.memory_space<vmem>>, vector<16xf32>,
        %select_n3A_1453 = arith.select %gt3A_1446, %get3A_29, %get3A_21 : vector<16xi1>, vector<16xf32>
        %swap3A_1454 = arith.constant 1 : i32
        %swap3A_1455 = arith.index_cast %swap3A_1454 : i32 to index
        %swap3A_1456 = arith.index_cast %scan3A_1437 : i32 to index
        %swap3A_1457 = arith.constant 144 : index
        %swap3A_1458 = tpu.vector_load %arg13[%swap3A_1455, %swap3A_1456, %swap3A_1457] {strides = array<i32>} : memref<2x50x178xf32, #tpu.memory_space<vmem>>, vector<16xf32>,
        tpu.vector_store %arg13[%swap3A_1455, %swap3A_1456, %swap3A_1457], %select_n3A_1453 {strides = array<i32>} : memref<2x50x178xf32, #tpu.memory_space<vmem>>, vector<16xf32>,
        %select_n3A_1459 = arith.select %gt3A_1446, %get3A_31, %get3A_23 : vector<16xi1>, vector<16xf32>
        %swap3A_1460 = arith.constant 1 : i32
        %swap3A_1461 = arith.index_cast %swap3A_1460 : i32 to index
        %swap3A_1462 = arith.index_cast %scan3A_1437 : i32 to index
        %swap3A_1463 = arith.constant 160 : index
        %swap3A_1464 = tpu.vector_load %arg13[%swap3A_1461, %swap3A_1462, %swap3A_1463] {strides = array<i32>} : memref<2x50x178xf32, #tpu.memory_space<vmem>>, vector<16xf32>,
        tpu.vector_store %arg13[%swap3A_1461, %swap3A_1462, %swap3A_1463], %select_n3A_1459 {strides = array<i32>} : memref<2x50x178xf32, #tpu.memory_space<vmem>>, vector<16xf32>,
        %select_n3A_1465 = arith.select %gt3A_1446, %get3A_33, %get3A_25 : vector<16xi1>, vector<16xf32>
        %swap3A_1466 = arith.constant 1 : i32
        %swap3A_1467 = arith.index_cast %swap3A_1466 : i32 to index
        %swap3A_1468 = arith.index_cast %scan3A_1437 : i32 to index
        %swap3A_1469 = arith.constant 162 : index
        %swap3A_1470 = tpu.vector_load %arg13[%swap3A_1467, %swap3A_1468, %swap3A_1469] {strides = array<i32>} : memref<2x50x178xf32, #tpu.memory_space<vmem>>, vector<16xf32>,
        tpu.vector_store %arg13[%swap3A_1467, %swap3A_1468, %swap3A_1469], %select_n3A_1465 {strides = array<i32>} : memref<2x50x178xf32, #tpu.memory_space<vmem>>, vector<16xf32>,
        %scan3A_1471 = arith.constant 0 : i32
        %scan3A_1472 = arith.constant 1 : i32
        %scan3A_1473 = arith.addi %scan3A_1437, %scan3A_1472 : i32
        %mul3A_1474 = arith.constant 100 : i32
        %mul3A_1475 = arith.muli %add3A_417, %mul3A_1474 : i32
        %add3A_1476 = arith.constant 50 : i32
        %add3A_1477 = arith.addi %mul3A_1475, %add3A_1476 : i32
        %add3A_1478 = arith.addi %add3A_1477, %scan3A_1473 : i32
        %broadcast_in_dim3A_1479 = vector.broadcast %add3A_1478 : i32 to vector<16xi32>
        %gather3A_1480 = tpu.vector_load_idx %arg9[%broadcast_in_dim3A_1479] : memref<6416xi32, #tpu.memory_space<vmem>>[vector<16xi32>], vector<16xi32>,
        %gt3A_1481 = arith.constant 0 : i32
        %gt3A_1482 = vector.broadcast %gt3A_1481 : i32 to vector<16xi32>
        %gt3A_1483 = arith.cmpi sgt, %gather3A_1480, %gt3A_1482 : vector<16xi32>
        %select_n3A_1484 = arith.select %gt3A_1483, %get3A_27, %get3A_19 : vector<16xi1>, vector<16xf32>
        %swap3A_1485 = arith.constant 1 : i32
        %swap3A_1486 = arith.index_cast %swap3A_1485 : i32 to index
        %swap3A_1487 = arith.index_cast %scan3A_1473 : i32 to index
        %swap3A_1488 = arith.constant 128 : index
        %swap3A_1489 = tpu.vector_load %arg13[%swap3A_1486, %swap3A_1487, %swap3A_1488] {strides = array<i32>} : memref<2x50x178xf32, #tpu.memory_space<vmem>>, vector<16xf32>,
        tpu.vector_store %arg13[%swap3A_1486, %swap3A_1487, %swap3A_1488], %select_n3A_1484 {strides = array<i32>} : memref<2x50x178xf32, #tpu.memory_space<vmem>>, vector<16xf32>,
        %select_n3A_1490 = arith.select %gt3A_1483, %get3A_29, %get3A_21 : vector<16xi1>, vector<16xf32>
        %swap3A_1491 = arith.constant 1 : i32
        %swap3A_1492 = arith.index_cast %swap3A_1491 : i32 to index
        %swap3A_1493 = arith.index_cast %scan3A_1473 : i32 to index
        %swap3A_1494 = arith.constant 144 : index
        %swap3A_1495 = tpu.vector_load %arg13[%swap3A_1492, %swap3A_1493, %swap3A_1494] {strides = array<i32>} : memref<2x50x178xf32, #tpu.memory_space<vmem>>, vector<16xf32>,
        tpu.vector_store %arg13[%swap3A_1492, %swap3A_1493, %swap3A_1494], %select_n3A_1490 {strides = array<i32>} : memref<2x50x178xf32, #tpu.memory_space<vmem>>, vector<16xf32>,
        %select_n3A_1496 = arith.select %gt3A_1483, %get3A_31, %get3A_23 : vector<16xi1>, vector<16xf32>
        %swap3A_1497 = arith.constant 1 : i32
        %swap3A_1498 = arith.index_cast %swap3A_1497 : i32 to index
        %swap3A_1499 = arith.index_cast %scan3A_1473 : i32 to index
        %swap3A_1500 = arith.constant 160 : index
        %swap3A_1501 = tpu.vector_load %arg13[%swap3A_1498, %swap3A_1499, %swap3A_1500] {strides = array<i32>} : memref<2x50x178xf32, #tpu.memory_space<vmem>>, vector<16xf32>,
        tpu.vector_store %arg13[%swap3A_1498, %swap3A_1499, %swap3A_1500], %select_n3A_1496 {strides = array<i32>} : memref<2x50x178xf32, #tpu.memory_space<vmem>>, vector<16xf32>,
        %select_n3A_1502 = arith.select %gt3A_1483, %get3A_33, %get3A_25 : vector<16xi1>, vector<16xf32>
        %swap3A_1503 = arith.constant 1 : i32
        %swap3A_1504 = arith.index_cast %swap3A_1503 : i32 to index
        %swap3A_1505 = arith.index_cast %scan3A_1473 : i32 to index
        %swap3A_1506 = arith.constant 162 : index
        %swap3A_1507 = tpu.vector_load %arg13[%swap3A_1504, %swap3A_1505, %swap3A_1506] {strides = array<i32>} : memref<2x50x178xf32, #tpu.memory_space<vmem>>, vector<16xf32>,
        tpu.vector_store %arg13[%swap3A_1504, %swap3A_1505, %swap3A_1506], %select_n3A_1502 {strides = array<i32>} : memref<2x50x178xf32, #tpu.memory_space<vmem>>, vector<16xf32>,
        %scan3A_1508 = arith.constant 0 : i32
        %scan3A_1509 = arith.constant 2 : i32
        %scan3A_1510 = arith.addi %scan3A_1437, %scan3A_1509 : i32
        %mul3A_1511 = arith.constant 100 : i32
        %mul3A_1512 = arith.muli %add3A_417, %mul3A_1511 : i32
        %add3A_1513 = arith.constant 50 : i32
        %add3A_1514 = arith.addi %mul3A_1512, %add3A_1513 : i32
        %add3A_1515 = arith.addi %add3A_1514, %scan3A_1510 : i32
        %broadcast_in_dim3A_1516 = vector.broadcast %add3A_1515 : i32 to vector<16xi32>
        %gather3A_1517 = tpu.vector_load_idx %arg9[%broadcast_in_dim3A_1516] : memref<6416xi32, #tpu.memory_space<vmem>>[vector<16xi32>], vector<16xi32>,
        %gt3A_1518 = arith.constant 0 : i32
        %gt3A_1519 = vector.broadcast %gt3A_1518 : i32 to vector<16xi32>
        %gt3A_1520 = arith.cmpi sgt, %gather3A_1517, %gt3A_1519 : vector<16xi32>
        %select_n3A_1521 = arith.select %gt3A_1520, %get3A_27, %get3A_19 : vector<16xi1>, vector<16xf32>
        %swap3A_1522 = arith.constant 1 : i32
        %swap3A_1523 = arith.index_cast %swap3A_1522 : i32 to index
        %swap3A_1524 = arith.index_cast %scan3A_1510 : i32 to index
        %swap3A_1525 = arith.constant 128 : index
        %swap3A_1526 = tpu.vector_load %arg13[%swap3A_1523, %swap3A_1524, %swap3A_1525] {strides = array<i32>} : memref<2x50x178xf32, #tpu.memory_space<vmem>>, vector<16xf32>,
        tpu.vector_store %arg13[%swap3A_1523, %swap3A_1524, %swap3A_1525], %select_n3A_1521 {strides = array<i32>} : memref<2x50x178xf32, #tpu.memory_space<vmem>>, vector<16xf32>,
        %select_n3A_1527 = arith.select %gt3A_1520, %get3A_29, %get3A_21 : vector<16xi1>, vector<16xf32>
        %swap3A_1528 = arith.constant 1 : i32
        %swap3A_1529 = arith.index_cast %swap3A_1528 : i32 to index
        %swap3A_1530 = arith.index_cast %scan3A_1510 : i32 to index
        %swap3A_1531 = arith.constant 144 : index
        %swap3A_1532 = tpu.vector_load %arg13[%swap3A_1529, %swap3A_1530, %swap3A_1531] {strides = array<i32>} : memref<2x50x178xf32, #tpu.memory_space<vmem>>, vector<16xf32>,
        tpu.vector_store %arg13[%swap3A_1529, %swap3A_1530, %swap3A_1531], %select_n3A_1527 {strides = array<i32>} : memref<2x50x178xf32, #tpu.memory_space<vmem>>, vector<16xf32>,
        %select_n3A_1533 = arith.select %gt3A_1520, %get3A_31, %get3A_23 : vector<16xi1>, vector<16xf32>
        %swap3A_1534 = arith.constant 1 : i32
        %swap3A_1535 = arith.index_cast %swap3A_1534 : i32 to index
        %swap3A_1536 = arith.index_cast %scan3A_1510 : i32 to index
        %swap3A_1537 = arith.constant 160 : index
        %swap3A_1538 = tpu.vector_load %arg13[%swap3A_1535, %swap3A_1536, %swap3A_1537] {strides = array<i32>} : memref<2x50x178xf32, #tpu.memory_space<vmem>>, vector<16xf32>,
        tpu.vector_store %arg13[%swap3A_1535, %swap3A_1536, %swap3A_1537], %select_n3A_1533 {strides = array<i32>} : memref<2x50x178xf32, #tpu.memory_space<vmem>>, vector<16xf32>,
        %select_n3A_1539 = arith.select %gt3A_1520, %get3A_33, %get3A_25 : vector<16xi1>, vector<16xf32>
        %swap3A_1540 = arith.constant 1 : i32
        %swap3A_1541 = arith.index_cast %swap3A_1540 : i32 to index
        %swap3A_1542 = arith.index_cast %scan3A_1510 : i32 to index
        %swap3A_1543 = arith.constant 162 : index
        %swap3A_1544 = tpu.vector_load %arg13[%swap3A_1541, %swap3A_1542, %swap3A_1543] {strides = array<i32>} : memref<2x50x178xf32, #tpu.memory_space<vmem>>, vector<16xf32>,
        tpu.vector_store %arg13[%swap3A_1541, %swap3A_1542, %swap3A_1543], %select_n3A_1539 {strides = array<i32>} : memref<2x50x178xf32, #tpu.memory_space<vmem>>, vector<16xf32>,
        %scan3A_1545 = arith.constant 0 : i32
        %scan3A_1546 = arith.constant 3 : i32
        %scan3A_1547 = arith.addi %scan3A_1437, %scan3A_1546 : i32
        %mul3A_1548 = arith.constant 100 : i32
        %mul3A_1549 = arith.muli %add3A_417, %mul3A_1548 : i32
        %add3A_1550 = arith.constant 50 : i32
        %add3A_1551 = arith.addi %mul3A_1549, %add3A_1550 : i32
        %add3A_1552 = arith.addi %add3A_1551, %scan3A_1547 : i32
        %broadcast_in_dim3A_1553 = vector.broadcast %add3A_1552 : i32 to vector<16xi32>
        %gather3A_1554 = tpu.vector_load_idx %arg9[%broadcast_in_dim3A_1553] : memref<6416xi32, #tpu.memory_space<vmem>>[vector<16xi32>], vector<16xi32>,
        %gt3A_1555 = arith.constant 0 : i32
        %gt3A_1556 = vector.broadcast %gt3A_1555 : i32 to vector<16xi32>
        %gt3A_1557 = arith.cmpi sgt, %gather3A_1554, %gt3A_1556 : vector<16xi32>
        %select_n3A_1558 = arith.select %gt3A_1557, %get3A_27, %get3A_19 : vector<16xi1>, vector<16xf32>
        %swap3A_1559 = arith.constant 1 : i32
        %swap3A_1560 = arith.index_cast %swap3A_1559 : i32 to index
        %swap3A_1561 = arith.index_cast %scan3A_1547 : i32 to index
        %swap3A_1562 = arith.constant 128 : index
        %swap3A_1563 = tpu.vector_load %arg13[%swap3A_1560, %swap3A_1561, %swap3A_1562] {strides = array<i32>} : memref<2x50x178xf32, #tpu.memory_space<vmem>>, vector<16xf32>,
        tpu.vector_store %arg13[%swap3A_1560, %swap3A_1561, %swap3A_1562], %select_n3A_1558 {strides = array<i32>} : memref<2x50x178xf32, #tpu.memory_space<vmem>>, vector<16xf32>,
        %select_n3A_1564 = arith.select %gt3A_1557, %get3A_29, %get3A_21 : vector<16xi1>, vector<16xf32>
        %swap3A_1565 = arith.constant 1 : i32
        %swap3A_1566 = arith.index_cast %swap3A_1565 : i32 to index
        %swap3A_1567 = arith.index_cast %scan3A_1547 : i32 to index
        %swap3A_1568 = arith.constant 144 : index
        %swap3A_1569 = tpu.vector_load %arg13[%swap3A_1566, %swap3A_1567, %swap3A_1568] {strides = array<i32>} : memref<2x50x178xf32, #tpu.memory_space<vmem>>, vector<16xf32>,
        tpu.vector_store %arg13[%swap3A_1566, %swap3A_1567, %swap3A_1568], %select_n3A_1564 {strides = array<i32>} : memref<2x50x178xf32, #tpu.memory_space<vmem>>, vector<16xf32>,
        %select_n3A_1570 = arith.select %gt3A_1557, %get3A_31, %get3A_23 : vector<16xi1>, vector<16xf32>
        %swap3A_1571 = arith.constant 1 : i32
        %swap3A_1572 = arith.index_cast %swap3A_1571 : i32 to index
        %swap3A_1573 = arith.index_cast %scan3A_1547 : i32 to index
        %swap3A_1574 = arith.constant 160 : index
        %swap3A_1575 = tpu.vector_load %arg13[%swap3A_1572, %swap3A_1573, %swap3A_1574] {strides = array<i32>} : memref<2x50x178xf32, #tpu.memory_space<vmem>>, vector<16xf32>,
        tpu.vector_store %arg13[%swap3A_1572, %swap3A_1573, %swap3A_1574], %select_n3A_1570 {strides = array<i32>} : memref<2x50x178xf32, #tpu.memory_space<vmem>>, vector<16xf32>,
        %select_n3A_1576 = arith.select %gt3A_1557, %get3A_33, %get3A_25 : vector<16xi1>, vector<16xf32>
        %swap3A_1577 = arith.constant 1 : i32
        %swap3A_1578 = arith.index_cast %swap3A_1577 : i32 to index
        %swap3A_1579 = arith.index_cast %scan3A_1547 : i32 to index
        %swap3A_1580 = arith.constant 162 : index
        %swap3A_1581 = tpu.vector_load %arg13[%swap3A_1578, %swap3A_1579, %swap3A_1580] {strides = array<i32>} : memref<2x50x178xf32, #tpu.memory_space<vmem>>, vector<16xf32>,
        tpu.vector_store %arg13[%swap3A_1578, %swap3A_1579, %swap3A_1580], %select_n3A_1576 {strides = array<i32>} : memref<2x50x178xf32, #tpu.memory_space<vmem>>, vector<16xf32>,
        %scan3A_1582 = arith.constant 0 : i32
        %scan3A_1583 = arith.constant 4 : i32
        %scan3A_1584 = arith.addi %scan3A_1437, %scan3A_1583 : i32
        %mul3A_1585 = arith.constant 100 : i32
        %mul3A_1586 = arith.muli %add3A_417, %mul3A_1585 : i32
        %add3A_1587 = arith.constant 50 : i32
        %add3A_1588 = arith.addi %mul3A_1586, %add3A_1587 : i32
        %add3A_1589 = arith.addi %add3A_1588, %scan3A_1584 : i32
        %broadcast_in_dim3A_1590 = vector.broadcast %add3A_1589 : i32 to vector<16xi32>
        %gather3A_1591 = tpu.vector_load_idx %arg9[%broadcast_in_dim3A_1590] : memref<6416xi32, #tpu.memory_space<vmem>>[vector<16xi32>], vector<16xi32>,
        %gt3A_1592 = arith.constant 0 : i32
        %gt3A_1593 = vector.broadcast %gt3A_1592 : i32 to vector<16xi32>
        %gt3A_1594 = arith.cmpi sgt, %gather3A_1591, %gt3A_1593 : vector<16xi32>
        %select_n3A_1595 = arith.select %gt3A_1594, %get3A_27, %get3A_19 : vector<16xi1>, vector<16xf32>
        %swap3A_1596 = arith.constant 1 : i32
        %swap3A_1597 = arith.index_cast %swap3A_1596 : i32 to index
        %swap3A_1598 = arith.index_cast %scan3A_1584 : i32 to index
        %swap3A_1599 = arith.constant 128 : index
        %swap3A_1600 = tpu.vector_load %arg13[%swap3A_1597, %swap3A_1598, %swap3A_1599] {strides = array<i32>} : memref<2x50x178xf32, #tpu.memory_space<vmem>>, vector<16xf32>,
        tpu.vector_store %arg13[%swap3A_1597, %swap3A_1598, %swap3A_1599], %select_n3A_1595 {strides = array<i32>} : memref<2x50x178xf32, #tpu.memory_space<vmem>>, vector<16xf32>,
        %select_n3A_1601 = arith.select %gt3A_1594, %get3A_29, %get3A_21 : vector<16xi1>, vector<16xf32>
        %swap3A_1602 = arith.constant 1 : i32
        %swap3A_1603 = arith.index_cast %swap3A_1602 : i32 to index
        %swap3A_1604 = arith.index_cast %scan3A_1584 : i32 to index
        %swap3A_1605 = arith.constant 144 : index
        %swap3A_1606 = tpu.vector_load %arg13[%swap3A_1603, %swap3A_1604, %swap3A_1605] {strides = array<i32>} : memref<2x50x178xf32, #tpu.memory_space<vmem>>, vector<16xf32>,
        tpu.vector_store %arg13[%swap3A_1603, %swap3A_1604, %swap3A_1605], %select_n3A_1601 {strides = array<i32>} : memref<2x50x178xf32, #tpu.memory_space<vmem>>, vector<16xf32>,
        %select_n3A_1607 = arith.select %gt3A_1594, %get3A_31, %get3A_23 : vector<16xi1>, vector<16xf32>
        %swap3A_1608 = arith.constant 1 : i32
        %swap3A_1609 = arith.index_cast %swap3A_1608 : i32 to index
        %swap3A_1610 = arith.index_cast %scan3A_1584 : i32 to index
        %swap3A_1611 = arith.constant 160 : index
        %swap3A_1612 = tpu.vector_load %arg13[%swap3A_1609, %swap3A_1610, %swap3A_1611] {strides = array<i32>} : memref<2x50x178xf32, #tpu.memory_space<vmem>>, vector<16xf32>,
        tpu.vector_store %arg13[%swap3A_1609, %swap3A_1610, %swap3A_1611], %select_n3A_1607 {strides = array<i32>} : memref<2x50x178xf32, #tpu.memory_space<vmem>>, vector<16xf32>,
        %select_n3A_1613 = arith.select %gt3A_1594, %get3A_33, %get3A_25 : vector<16xi1>, vector<16xf32>
        %swap3A_1614 = arith.constant 1 : i32
        %swap3A_1615 = arith.index_cast %swap3A_1614 : i32 to index
        %swap3A_1616 = arith.index_cast %scan3A_1584 : i32 to index
        %swap3A_1617 = arith.constant 162 : index
        %swap3A_1618 = tpu.vector_load %arg13[%swap3A_1615, %swap3A_1616, %swap3A_1617] {strides = array<i32>} : memref<2x50x178xf32, #tpu.memory_space<vmem>>, vector<16xf32>,
        tpu.vector_store %arg13[%swap3A_1615, %swap3A_1616, %swap3A_1617], %select_n3A_1613 {strides = array<i32>} : memref<2x50x178xf32, #tpu.memory_space<vmem>>, vector<16xf32>,
        %scan3A_1619 = arith.constant 0 : i32
        scf.yield %scan3A_1619 : i32
      }
      %scan3A_594 = arith.constant 50 : i32
      %mul3A_595 = arith.constant 100 : i32
      %mul3A_596 = arith.muli %add3A_417, %mul3A_595 : i32
      %add3A_597 = arith.constant 50 : i32
      %add3A_598 = arith.addi %mul3A_596, %add3A_597 : i32
      %add3A_599 = arith.constant 48 : i32
      %add3A_600 = arith.addi %add3A_598, %add3A_599 : i32
      %get3A_601 = arith.index_cast %add3A_600 : i32 to index
      %get3A_602 = tpu.vector_load %arg9[%get3A_601] {strides = array<i32>} : memref<6416xi32, #tpu.memory_space<vmem>>, vector<16xi32>,
      %iota3A_603 = tpu.iota {dimensions = array<i32: 0>} : vector<16xi32>
      %add3A_604 = arith.constant 48 : i32
      %add3A_605 = vector.broadcast %add3A_604 : i32 to vector<16xi32>
      %add3A_606 = arith.addi %iota3A_603, %add3A_605 : vector<16xi32>
      %gt3A_607 = arith.constant 0 : i32
      %gt3A_608 = vector.broadcast %gt3A_607 : i32 to vector<16xi32>
      %gt3A_609 = arith.cmpi sgt, %get3A_602, %gt3A_608 : vector<16xi32>
      %lt3A_610 = arith.constant 50 : i32
      %lt3A_611 = vector.broadcast %lt3A_610 : i32 to vector<16xi32>
      %lt3A_612 = arith.cmpi slt, %add3A_606, %lt3A_611 : vector<16xi32>
      %and3A_613 = arith.andi %gt3A_609, %lt3A_612 : vector<16xi1>
      %all_reduce_ffs3A_614 = tpu.all_reduce %and3A_613 {dim = 0 : i64, kind = #tpu.reduction_kind<find_first_set>} : vector<16xi1> -> vector<16xi32>
      %slice3A_615 = vector.extract_strided_slice %all_reduce_ffs3A_614 {offsets = [0], sizes = [1], strides = [1]} : vector<16xi32> to vector<1xi32>
      %squeeze3A_616 = vector.extract %slice3A_615[0] : i32 from vector<1xi32>
      %lt3A_617 = arith.constant 16 : i32
      %lt3A_618 = arith.cmpi slt, %squeeze3A_616, %lt3A_617 : i32
      %add3A_619 = arith.constant 48 : i32
      %add3A_620 = arith.addi %add3A_619, %squeeze3A_616 : i32
      %jit3A_621 = arith.constant 0 : i32
      %select_n3A_622 = arith.select %lt3A_618, %add3A_620, %jit3A_621 : i32
      %add3A_623 = arith.constant 32 : i32
      %add3A_624 = arith.addi %add3A_598, %add3A_623 : i32
      %get3A_625 = arith.index_cast %add3A_624 : i32 to index
      %get3A_626 = tpu.vector_load %arg9[%get3A_625] {strides = array<i32>} : memref<6416xi32, #tpu.memory_space<vmem>>, vector<16xi32>,
      %iota3A_627 = tpu.iota {dimensions = array<i32: 0>} : vector<16xi32>
      %add3A_628 = arith.constant 32 : i32
      %add3A_629 = vector.broadcast %add3A_628 : i32 to vector<16xi32>
      %add3A_630 = arith.addi %iota3A_627, %add3A_629 : vector<16xi32>
      %gt3A_631 = arith.constant 0 : i32
      %gt3A_632 = vector.broadcast %gt3A_631 : i32 to vector<16xi32>
      %gt3A_633 = arith.cmpi sgt, %get3A_626, %gt3A_632 : vector<16xi32>
      %lt3A_634 = arith.constant 50 : i32
      %lt3A_635 = vector.broadcast %lt3A_634 : i32 to vector<16xi32>
      %lt3A_636 = arith.cmpi slt, %add3A_630, %lt3A_635 : vector<16xi32>
      %and3A_637 = arith.andi %gt3A_633, %lt3A_636 : vector<16xi1>
      %all_reduce_ffs3A_638 = tpu.all_reduce %and3A_637 {dim = 0 : i64, kind = #tpu.reduction_kind<find_first_set>} : vector<16xi1> -> vector<16xi32>
      %slice3A_639 = vector.extract_strided_slice %all_reduce_ffs3A_638 {offsets = [0], sizes = [1], strides = [1]} : vector<16xi32> to vector<1xi32>
      %squeeze3A_640 = vector.extract %slice3A_639[0] : i32 from vector<1xi32>
      %lt3A_641 = arith.constant 16 : i32
      %lt3A_642 = arith.cmpi slt, %squeeze3A_640, %lt3A_641 : i32
      %add3A_643 = arith.constant 32 : i32
      %add3A_644 = arith.addi %add3A_643, %squeeze3A_640 : i32
      %select_n3A_645 = arith.select %lt3A_642, %add3A_644, %select_n3A_622 : i32
      %add3A_646 = arith.constant 16 : i32
      %add3A_647 = arith.addi %add3A_598, %add3A_646 : i32
      %get3A_648 = arith.index_cast %add3A_647 : i32 to index
      %get3A_649 = tpu.vector_load %arg9[%get3A_648] {strides = array<i32>} : memref<6416xi32, #tpu.memory_space<vmem>>, vector<16xi32>,
      %iota3A_650 = tpu.iota {dimensions = array<i32: 0>} : vector<16xi32>
      %add3A_651 = arith.constant 16 : i32
      %add3A_652 = vector.broadcast %add3A_651 : i32 to vector<16xi32>
      %add3A_653 = arith.addi %iota3A_650, %add3A_652 : vector<16xi32>
      %gt3A_654 = arith.constant 0 : i32
      %gt3A_655 = vector.broadcast %gt3A_654 : i32 to vector<16xi32>
      %gt3A_656 = arith.cmpi sgt, %get3A_649, %gt3A_655 : vector<16xi32>
      %lt3A_657 = arith.constant 50 : i32
      %lt3A_658 = vector.broadcast %lt3A_657 : i32 to vector<16xi32>
      %lt3A_659 = arith.cmpi slt, %add3A_653, %lt3A_658 : vector<16xi32>
      %and3A_660 = arith.andi %gt3A_656, %lt3A_659 : vector<16xi1>
      %all_reduce_ffs3A_661 = tpu.all_reduce %and3A_660 {dim = 0 : i64, kind = #tpu.reduction_kind<find_first_set>} : vector<16xi1> -> vector<16xi32>
      %slice3A_662 = vector.extract_strided_slice %all_reduce_ffs3A_661 {offsets = [0], sizes = [1], strides = [1]} : vector<16xi32> to vector<1xi32>
      %squeeze3A_663 = vector.extract %slice3A_662[0] : i32 from vector<1xi32>
      %lt3A_664 = arith.constant 16 : i32
      %lt3A_665 = arith.cmpi slt, %squeeze3A_663, %lt3A_664 : i32
      %add3A_666 = arith.constant 16 : i32
      %add3A_667 = arith.addi %add3A_666, %squeeze3A_663 : i32
      %select_n3A_668 = arith.select %lt3A_665, %add3A_667, %select_n3A_645 : i32
      %add3A_669 = arith.constant 0 : i32
      %add3A_670 = arith.addi %add3A_598, %add3A_669 : i32
      %get3A_671 = arith.index_cast %add3A_670 : i32 to index
      %get3A_672 = tpu.vector_load %arg9[%get3A_671] {strides = array<i32>} : memref<6416xi32, #tpu.memory_space<vmem>>, vector<16xi32>,
      %iota3A_673 = tpu.iota {dimensions = array<i32: 0>} : vector<16xi32>
      %add3A_674 = arith.constant 0 : i32
      %add3A_675 = vector.broadcast %add3A_674 : i32 to vector<16xi32>
      %add3A_676 = arith.addi %iota3A_673, %add3A_675 : vector<16xi32>
      %gt3A_677 = arith.constant 0 : i32
      %gt3A_678 = vector.broadcast %gt3A_677 : i32 to vector<16xi32>
      %gt3A_679 = arith.cmpi sgt, %get3A_672, %gt3A_678 : vector<16xi32>
      %lt3A_680 = arith.constant 50 : i32
      %lt3A_681 = vector.broadcast %lt3A_680 : i32 to vector<16xi32>
      %lt3A_682 = arith.cmpi slt, %add3A_676, %lt3A_681 : vector<16xi32>
      %and3A_683 = arith.andi %gt3A_679, %lt3A_682 : vector<16xi1>
      %all_reduce_ffs3A_684 = tpu.all_reduce %and3A_683 {dim = 0 : i64, kind = #tpu.reduction_kind<find_first_set>} : vector<16xi1> -> vector<16xi32>
      %slice3A_685 = vector.extract_strided_slice %all_reduce_ffs3A_684 {offsets = [0], sizes = [1], strides = [1]} : vector<16xi32> to vector<1xi32>
      %squeeze3A_686 = vector.extract %slice3A_685[0] : i32 from vector<1xi32>
      %lt3A_687 = arith.constant 16 : i32
      %lt3A_688 = arith.cmpi slt, %squeeze3A_686, %lt3A_687 : i32
      %add3A_689 = arith.constant 0 : i32
      %add3A_690 = arith.addi %add3A_689, %squeeze3A_686 : i32
      %select_n3A_691 = arith.select %lt3A_688, %add3A_690, %select_n3A_668 : i32
      %swap3A_692 = arith.constant 1 : i32
      %swap3A_693 = arith.index_cast %swap3A_692 : i32 to index
      %swap3A_694 = arith.index_cast %select_n3A_691 : i32 to index
      %swap3A_695 = arith.constant 0 : index
      %swap3A_696 = tpu.vector_load %arg13[%swap3A_693, %swap3A_694, %swap3A_695] {strides = array<i32>} : memref<2x50x178xf32, #tpu.memory_space<vmem>>, vector<16xf32>,
      tpu.vector_store %arg13[%swap3A_693, %swap3A_694, %swap3A_695], %get3A_3 {strides = array<i32>} : memref<2x50x178xf32, #tpu.memory_space<vmem>>, vector<16xf32>,
      %swap3A_697 = arith.constant 1 : i32
      %swap3A_698 = arith.index_cast %swap3A_697 : i32 to index
      %swap3A_699 = arith.index_cast %select_n3A_691 : i32 to index
      %swap3A_700 = arith.constant 16 : index
      %swap3A_701 = tpu.vector_load %arg13[%swap3A_698, %swap3A_699, %swap3A_700] {strides = array<i32>} : memref<2x50x178xf32, #tpu.memory_space<vmem>>, vector<16xf32>,
      tpu.vector_store %arg13[%swap3A_698, %swap3A_699, %swap3A_700], %get3A_5 {strides = array<i32>} : memref<2x50x178xf32, #tpu.memory_space<vmem>>, vector<16xf32>,
      %swap3A_702 = arith.constant 1 : i32
      %swap3A_703 = arith.index_cast %swap3A_702 : i32 to index
      %swap3A_704 = arith.index_cast %select_n3A_691 : i32 to index
      %swap3A_705 = arith.constant 32 : index
      %swap3A_706 = tpu.vector_load %arg13[%swap3A_703, %swap3A_704, %swap3A_705] {strides = array<i32>} : memref<2x50x178xf32, #tpu.memory_space<vmem>>, vector<16xf32>,
      tpu.vector_store %arg13[%swap3A_703, %swap3A_704, %swap3A_705], %get3A_7 {strides = array<i32>} : memref<2x50x178xf32, #tpu.memory_space<vmem>>, vector<16xf32>,
      %swap3A_707 = arith.constant 1 : i32
      %swap3A_708 = arith.index_cast %swap3A_707 : i32 to index
      %swap3A_709 = arith.index_cast %select_n3A_691 : i32 to index
      %swap3A_710 = arith.constant 48 : index
      %swap3A_711 = tpu.vector_load %arg13[%swap3A_708, %swap3A_709, %swap3A_710] {strides = array<i32>} : memref<2x50x178xf32, #tpu.memory_space<vmem>>, vector<16xf32>,
      tpu.vector_store %arg13[%swap3A_708, %swap3A_709, %swap3A_710], %get3A_9 {strides = array<i32>} : memref<2x50x178xf32, #tpu.memory_space<vmem>>, vector<16xf32>,
      %swap3A_712 = arith.constant 1 : i32
      %swap3A_713 = arith.index_cast %swap3A_712 : i32 to index
      %swap3A_714 = arith.index_cast %select_n3A_691 : i32 to index
      %swap3A_715 = arith.constant 64 : index
      %swap3A_716 = tpu.vector_load %arg13[%swap3A_713, %swap3A_714, %swap3A_715] {strides = array<i32>} : memref<2x50x178xf32, #tpu.memory_space<vmem>>, vector<16xf32>,
      tpu.vector_store %arg13[%swap3A_713, %swap3A_714, %swap3A_715], %get3A_11 {strides = array<i32>} : memref<2x50x178xf32, #tpu.memory_space<vmem>>, vector<16xf32>,
      %swap3A_717 = arith.constant 1 : i32
      %swap3A_718 = arith.index_cast %swap3A_717 : i32 to index
      %swap3A_719 = arith.index_cast %select_n3A_691 : i32 to index
      %swap3A_720 = arith.constant 80 : index
      %swap3A_721 = tpu.vector_load %arg13[%swap3A_718, %swap3A_719, %swap3A_720] {strides = array<i32>} : memref<2x50x178xf32, #tpu.memory_space<vmem>>, vector<16xf32>,
      tpu.vector_store %arg13[%swap3A_718, %swap3A_719, %swap3A_720], %get3A_13 {strides = array<i32>} : memref<2x50x178xf32, #tpu.memory_space<vmem>>, vector<16xf32>,
      %swap3A_722 = arith.constant 1 : i32
      %swap3A_723 = arith.index_cast %swap3A_722 : i32 to index
      %swap3A_724 = arith.index_cast %select_n3A_691 : i32 to index
      %swap3A_725 = arith.constant 96 : index
      %swap3A_726 = tpu.vector_load %arg13[%swap3A_723, %swap3A_724, %swap3A_725] {strides = array<i32>} : memref<2x50x178xf32, #tpu.memory_space<vmem>>, vector<16xf32>,
      tpu.vector_store %arg13[%swap3A_723, %swap3A_724, %swap3A_725], %get3A_15 {strides = array<i32>} : memref<2x50x178xf32, #tpu.memory_space<vmem>>, vector<16xf32>,
      %swap3A_727 = arith.constant 1 : i32
      %swap3A_728 = arith.index_cast %swap3A_727 : i32 to index
      %swap3A_729 = arith.index_cast %select_n3A_691 : i32 to index
      %swap3A_730 = arith.constant 112 : index
      %swap3A_731 = tpu.vector_load %arg13[%swap3A_728, %swap3A_729, %swap3A_730] {strides = array<i32>} : memref<2x50x178xf32, #tpu.memory_space<vmem>>, vector<16xf32>,
      tpu.vector_store %arg13[%swap3A_728, %swap3A_729, %swap3A_730], %get3A_17 {strides = array<i32>} : memref<2x50x178xf32, #tpu.memory_space<vmem>>, vector<16xf32>,
      %mul3A_732 = arith.constant 2 : i32
      %mul3A_733 = arith.muli %add3A_417, %mul3A_732 : i32
      %add3A_734 = arith.addi %mul3A_2, %mul3A_733 : i32
      %dma_start3A_735 = arith.constant 0 : i32
      %dma_start3A_736 = arith.constant 0 : i32
      %dma_start3A_737 = tpu.memref_slice %arg7[%add3A_734, %dma_start3A_735, %dma_start3A_736] : memref<4096x50x178xf32, #tpu.memory_space<hbm>> -> memref<2x50x178xf32, #tpu.memory_space<hbm>>
      %dma_start3A_738 = arith.constant 0 : i32
      %dma_start3A_739 = arith.constant 0 : i32
      %dma_start3A_740 = tpu.memref_slice %arg7[%add3A_734, %dma_start3A_738, %dma_start3A_739] : memref<4096x50x178xf32, #tpu.memory_space<hbm>> -> memref<2x50x178xf32, #tpu.memory_space<hbm>>
      tpu.enqueue_dma source(%arg13 : memref<2x50x178xf32, #tpu.memory_space<vmem>>) target(%dma_start3A_740 : memref<2x50x178xf32, #tpu.memory_space<hbm>>) target_semaphore(%arg19 : memref<!tpu.dma_semaphore, #tpu.memory_space<semaphore_mem>>)
      %dma_wait3A_741 = arith.constant 0 : i32
      %dma_wait3A_742 = arith.constant 0 : i32
      %dma_wait3A_743 = tpu.memref_slice %arg7[%mul3A_2, %dma_wait3A_741, %dma_wait3A_742] : memref<4096x50x178xf32, #tpu.memory_space<hbm>> -> memref<2x50x178xf32, #tpu.memory_space<hbm>>
      %dma_wait3A_744 = arith.constant 0 : i32
      %dma_wait3A_745 = arith.constant 0 : i32
      %dma_wait3A_746 = tpu.memref_slice %arg7[%mul3A_2, %dma_wait3A_744, %dma_wait3A_745] : memref<4096x50x178xf32, #tpu.memory_space<hbm>> -> memref<2x50x178xf32, #tpu.memory_space<hbm>>
      tpu.wait_dma2 semaphore(%arg18 : memref<!tpu.dma_semaphore, #tpu.memory_space<semaphore_mem>>) src(%arg12 : memref<2x50x178xf32, #tpu.memory_space<vmem>>) dst(%dma_wait3A_746 : memref<2x50x178xf32, #tpu.memory_space<hbm>>)
      %add3A_747 = arith.constant 2 : i32
      %add3A_748 = arith.addi %add3A_417, %add3A_747 : i32
      %lt3A_749 = arith.constant 64 : i32
      %lt3A_750 = arith.cmpi slt, %add3A_748, %lt3A_749 : i32
      %convert_element_type3A = arith.extui %lt3A_750 : i1 to i32
      %cond3A = arith.constant 0 : i32
      %cond3A_751 = arith.cmpi ne, %convert_element_type3A, %cond3A : i32
      scf.if %cond3A_751 {
        %add3A_1437 = arith.constant 2 : i32
        %add3A_1438 = arith.addi %add3A_417, %add3A_1437 : i32
        %dma_start3A_1439 = arith.constant 0 : i32
        %dma_start3A_1440 = arith.constant 0 : i32
        %dma_start3A_1441 = arith.constant 0 : i32
        %dma_start3A_1442 = arith.constant 0 : i32
        %dma_start3A_1443 = tpu.memref_slice %arg12[%dma_start3A_1440, %dma_start3A_1441, %dma_start3A_1442] : memref<2x50x178xf32, #tpu.memory_space<vmem>> -> memref<1x50x128xf32, #tpu.memory_space<vmem>>
        %dma_start3A_1444 = tpu.memref_squeeze %dma_start3A_1443 : memref<1x50x128xf32, #tpu.memory_space<vmem>> -> memref<50x128xf32, #tpu.memory_space<vmem>>
        %dma_start3A_1445 = arith.constant 0 : i32
        %dma_start3A_1446 = tpu.memref_slice %arg8[%add3A_1438, %dma_start3A_1439, %dma_start3A_1445] : memref<64x2x50xi32, #tpu.memory_space<vmem>> -> memref<1x1x50xi32, #tpu.memory_space<vmem>>
        %dma_start3A_1447 = tpu.memref_squeeze %dma_start3A_1446 : memref<1x1x50xi32, #tpu.memory_space<vmem>> -> memref<50xi32, #tpu.memory_space<vmem>>
        %dma_start3A_1448 = arith.constant 0 : i32
        %dma_start3A_1449 = arith.constant 0 : i32
        %dma_start3A_1450 = tpu.memref_slice %arg4[%dma_start3A_1448, %dma_start3A_1449] : memref<100000x128xf32, #tpu.memory_space<hbm>> -> memref<100000x128xf32, #tpu.memory_space<hbm>>
        tpu.enqueue_indirect_dma source(%dma_start3A_1450 : memref<100000x128xf32, #tpu.memory_space<hbm>>) target(%dma_start3A_1444 : memref<50x128xf32, #tpu.memory_space<vmem>>) offsets(%dma_start3A_1447 : memref<50xi32, #tpu.memory_space<vmem>>) semaphore(%arg15 : memref<!tpu.dma_semaphore, #tpu.memory_space<semaphore_mem>>)
        %dma_start3A_1451 = arith.constant 1 : i32
        %dma_start3A_1452 = arith.constant 1 : i32
        %dma_start3A_1453 = arith.constant 0 : i32
        %dma_start3A_1454 = arith.constant 0 : i32
        %dma_start3A_1455 = tpu.memref_slice %arg12[%dma_start3A_1452, %dma_start3A_1453, %dma_start3A_1454] : memref<2x50x178xf32, #tpu.memory_space<vmem>> -> memref<1x50x128xf32, #tpu.memory_space<vmem>>
        %dma_start3A_1456 = tpu.memref_squeeze %dma_start3A_1455 : memref<1x50x128xf32, #tpu.memory_space<vmem>> -> memref<50x128xf32, #tpu.memory_space<vmem>>
        %dma_start3A_1457 = arith.constant 0 : i32
        %dma_start3A_1458 = tpu.memref_slice %arg8[%add3A_1438, %dma_start3A_1451, %dma_start3A_1457] : memref<64x2x50xi32, #tpu.memory_space<vmem>> -> memref<1x1x50xi32, #tpu.memory_space<vmem>>
        %dma_start3A_1459 = tpu.memref_squeeze %dma_start3A_1458 : memref<1x1x50xi32, #tpu.memory_space<vmem>> -> memref<50xi32, #tpu.memory_space<vmem>>
        %dma_start3A_1460 = arith.constant 0 : i32
        %dma_start3A_1461 = arith.constant 0 : i32
        %dma_start3A_1462 = tpu.memref_slice %arg4[%dma_start3A_1460, %dma_start3A_1461] : memref<100000x128xf32, #tpu.memory_space<hbm>> -> memref<100000x128xf32, #tpu.memory_space<hbm>>
        tpu.enqueue_indirect_dma source(%dma_start3A_1462 : memref<100000x128xf32, #tpu.memory_space<hbm>>) target(%dma_start3A_1456 : memref<50x128xf32, #tpu.memory_space<vmem>>) offsets(%dma_start3A_1459 : memref<50xi32, #tpu.memory_space<vmem>>) semaphore(%arg15 : memref<!tpu.dma_semaphore, #tpu.memory_space<semaphore_mem>>)
      } else {
      }
      %mul3A_752 = arith.constant 3 : i32
      %mul3A_753 = arith.muli %mul3A_752, %scan3A_410 : i32
      %add3A_754 = arith.constant 1 : i32
      %add3A_755 = arith.addi %add3A_754, %mul3A_753 : i32
      %add3A_756 = arith.constant 1 : i32
      %add3A_757 = arith.addi %add3A_755, %add3A_756 : i32
      %dma_wait3A_758 = arith.constant 0 : i32
      %dma_wait3A_759 = arith.constant 0 : i32
      %dma_wait3A_760 = arith.constant 0 : i32
      %dma_wait3A_761 = arith.constant 0 : i32
      %dma_wait3A_762 = arith.constant 0 : i32
      %dma_wait3A_763 = tpu.memref_slice %arg14[%dma_wait3A_760, %dma_wait3A_761, %dma_wait3A_762] : memref<2x50x178xf32, #tpu.memory_space<vmem>> -> memref<1x50x128xf32, #tpu.memory_space<vmem>>
      %dma_wait3A_764 = tpu.memref_squeeze %dma_wait3A_763 : memref<1x50x128xf32, #tpu.memory_space<vmem>> -> memref<50x128xf32, #tpu.memory_space<vmem>>
      %dma_wait3A_765 = arith.constant 0 : i32
      %dma_wait3A_766 = tpu.memref_slice %arg8[%dma_wait3A_758, %dma_wait3A_759, %dma_wait3A_765] : memref<64x2x50xi32, #tpu.memory_space<vmem>> -> memref<1x1x50xi32, #tpu.memory_space<vmem>>
      %dma_wait3A_767 = tpu.memref_squeeze %dma_wait3A_766 : memref<1x1x50xi32, #tpu.memory_space<vmem>> -> memref<50xi32, #tpu.memory_space<vmem>>
      %dma_wait3A_768 = arith.constant 0 : i32
      %dma_wait3A_769 = arith.constant 0 : i32
      %dma_wait3A_770 = tpu.memref_slice %arg4[%dma_wait3A_768, %dma_wait3A_769] : memref<100000x128xf32, #tpu.memory_space<hbm>> -> memref<100000x128xf32, #tpu.memory_space<hbm>>
      tpu.wait_indirect_dma semaphore(%arg17 : memref<!tpu.dma_semaphore, #tpu.memory_space<semaphore_mem>>) src(%dma_wait3A_770 : memref<100000x128xf32, #tpu.memory_space<hbm>>) dst(%dma_wait3A_764 : memref<50x128xf32, #tpu.memory_space<vmem>>)
      %dma_wait3A_771 = arith.constant 0 : i32
      %dma_wait3A_772 = arith.constant 1 : i32
      %dma_wait3A_773 = arith.constant 1 : i32
      %dma_wait3A_774 = arith.constant 0 : i32
      %dma_wait3A_775 = arith.constant 0 : i32
      %dma_wait3A_776 = tpu.memref_slice %arg14[%dma_wait3A_773, %dma_wait3A_774, %dma_wait3A_775] : memref<2x50x178xf32, #tpu.memory_space<vmem>> -> memref<1x50x128xf32, #tpu.memory_space<vmem>>
      %dma_wait3A_777 = tpu.memref_squeeze %dma_wait3A_776 : memref<1x50x128xf32, #tpu.memory_space<vmem>> -> memref<50x128xf32, #tpu.memory_space<vmem>>
      %dma_wait3A_778 = arith.constant 0 : i32
      %dma_wait3A_779 = tpu.memref_slice %arg8[%dma_wait3A_771, %dma_wait3A_772, %dma_wait3A_778] : memref<64x2x50xi32, #tpu.memory_space<vmem>> -> memref<1x1x50xi32, #tpu.memory_space<vmem>>
      %dma_wait3A_780 = tpu.memref_squeeze %dma_wait3A_779 : memref<1x1x50xi32, #tpu.memory_space<vmem>> -> memref<50xi32, #tpu.memory_space<vmem>>
      %dma_wait3A_781 = arith.constant 0 : i32
      %dma_wait3A_782 = arith.constant 0 : i32
      %dma_wait3A_783 = tpu.memref_slice %arg4[%dma_wait3A_781, %dma_wait3A_782] : memref<100000x128xf32, #tpu.memory_space<hbm>> -> memref<100000x128xf32, #tpu.memory_space<hbm>>
      tpu.wait_indirect_dma semaphore(%arg17 : memref<!tpu.dma_semaphore, #tpu.memory_space<semaphore_mem>>) src(%dma_wait3A_783 : memref<100000x128xf32, #tpu.memory_space<hbm>>) dst(%dma_wait3A_777 : memref<50x128xf32, #tpu.memory_space<vmem>>)
      %scan3A_784 = arith.constant 0 : i32
      %scan3A_785 = arith.constant 0 : i32
      %scan3A_786 = arith.constant 50 : i32
      %scan3A_787 = arith.addi %scan3A_785, %scan3A_786 : i32
      %scan3A_788 = arith.constant 5 : i32
      %scan3A_789 = scf.for %scan3A_1437 = %scan3A_785 to %scan3A_787 step %scan3A_788 iter_args(%scan3A_1438 = %scan3A_784) -> (i32)  : i32 {
        %mul3A_1439 = arith.constant 100 : i32
        %mul3A_1440 = arith.muli %add3A_757, %mul3A_1439 : i32
        %add3A_1441 = arith.constant 0 : i32
        %add3A_1442 = arith.addi %mul3A_1440, %add3A_1441 : i32
        %add3A_1443 = arith.addi %add3A_1442, %scan3A_1437 : i32
        %broadcast_in_dim3A = vector.broadcast %add3A_1443 : i32 to vector<16xi32>
        %gather3A = tpu.vector_load_idx %arg9[%broadcast_in_dim3A] : memref<6416xi32, #tpu.memory_space<vmem>>[vector<16xi32>], vector<16xi32>,
        %gt3A_1444 = arith.constant 0 : i32
        %gt3A_1445 = vector.broadcast %gt3A_1444 : i32 to vector<16xi32>
        %gt3A_1446 = arith.cmpi sgt, %gather3A, %gt3A_1445 : vector<16xi32>
        %select_n3A_1447 = arith.select %gt3A_1446, %get3A_27, %get3A_19 : vector<16xi1>, vector<16xf32>
        %swap3A_1448 = arith.constant 0 : i32
        %swap3A_1449 = arith.index_cast %swap3A_1448 : i32 to index
        %swap3A_1450 = arith.index_cast %scan3A_1437 : i32 to index
        %swap3A_1451 = arith.constant 128 : index
        %swap3A_1452 = tpu.vector_load %arg14[%swap3A_1449, %swap3A_1450, %swap3A_1451] {strides = array<i32>} : memref<2x50x178xf32, #tpu.memory_space<vmem>>, vector<16xf32>,
        tpu.vector_store %arg14[%swap3A_1449, %swap3A_1450, %swap3A_1451], %select_n3A_1447 {strides = array<i32>} : memref<2x50x178xf32, #tpu.memory_space<vmem>>, vector<16xf32>,
        %select_n3A_1453 = arith.select %gt3A_1446, %get3A_29, %get3A_21 : vector<16xi1>, vector<16xf32>
        %swap3A_1454 = arith.constant 0 : i32
        %swap3A_1455 = arith.index_cast %swap3A_1454 : i32 to index
        %swap3A_1456 = arith.index_cast %scan3A_1437 : i32 to index
        %swap3A_1457 = arith.constant 144 : index
        %swap3A_1458 = tpu.vector_load %arg14[%swap3A_1455, %swap3A_1456, %swap3A_1457] {strides = array<i32>} : memref<2x50x178xf32, #tpu.memory_space<vmem>>, vector<16xf32>,
        tpu.vector_store %arg14[%swap3A_1455, %swap3A_1456, %swap3A_1457], %select_n3A_1453 {strides = array<i32>} : memref<2x50x178xf32, #tpu.memory_space<vmem>>, vector<16xf32>,
        %select_n3A_1459 = arith.select %gt3A_1446, %get3A_31, %get3A_23 : vector<16xi1>, vector<16xf32>
        %swap3A_1460 = arith.constant 0 : i32
        %swap3A_1461 = arith.index_cast %swap3A_1460 : i32 to index
        %swap3A_1462 = arith.index_cast %scan3A_1437 : i32 to index
        %swap3A_1463 = arith.constant 160 : index
        %swap3A_1464 = tpu.vector_load %arg14[%swap3A_1461, %swap3A_1462, %swap3A_1463] {strides = array<i32>} : memref<2x50x178xf32, #tpu.memory_space<vmem>>, vector<16xf32>,
        tpu.vector_store %arg14[%swap3A_1461, %swap3A_1462, %swap3A_1463], %select_n3A_1459 {strides = array<i32>} : memref<2x50x178xf32, #tpu.memory_space<vmem>>, vector<16xf32>,
        %select_n3A_1465 = arith.select %gt3A_1446, %get3A_33, %get3A_25 : vector<16xi1>, vector<16xf32>
        %swap3A_1466 = arith.constant 0 : i32
        %swap3A_1467 = arith.index_cast %swap3A_1466 : i32 to index
        %swap3A_1468 = arith.index_cast %scan3A_1437 : i32 to index
        %swap3A_1469 = arith.constant 162 : index
        %swap3A_1470 = tpu.vector_load %arg14[%swap3A_1467, %swap3A_1468, %swap3A_1469] {strides = array<i32>} : memref<2x50x178xf32, #tpu.memory_space<vmem>>, vector<16xf32>,
        tpu.vector_store %arg14[%swap3A_1467, %swap3A_1468, %swap3A_1469], %select_n3A_1465 {strides = array<i32>} : memref<2x50x178xf32, #tpu.memory_space<vmem>>, vector<16xf32>,
        %scan3A_1471 = arith.constant 0 : i32
        %scan3A_1472 = arith.constant 1 : i32
        %scan3A_1473 = arith.addi %scan3A_1437, %scan3A_1472 : i32
        %mul3A_1474 = arith.constant 100 : i32
        %mul3A_1475 = arith.muli %add3A_757, %mul3A_1474 : i32
        %add3A_1476 = arith.constant 0 : i32
        %add3A_1477 = arith.addi %mul3A_1475, %add3A_1476 : i32
        %add3A_1478 = arith.addi %add3A_1477, %scan3A_1473 : i32
        %broadcast_in_dim3A_1479 = vector.broadcast %add3A_1478 : i32 to vector<16xi32>
        %gather3A_1480 = tpu.vector_load_idx %arg9[%broadcast_in_dim3A_1479] : memref<6416xi32, #tpu.memory_space<vmem>>[vector<16xi32>], vector<16xi32>,
        %gt3A_1481 = arith.constant 0 : i32
        %gt3A_1482 = vector.broadcast %gt3A_1481 : i32 to vector<16xi32>
        %gt3A_1483 = arith.cmpi sgt, %gather3A_1480, %gt3A_1482 : vector<16xi32>
        %select_n3A_1484 = arith.select %gt3A_1483, %get3A_27, %get3A_19 : vector<16xi1>, vector<16xf32>
        %swap3A_1485 = arith.constant 0 : i32
        %swap3A_1486 = arith.index_cast %swap3A_1485 : i32 to index
        %swap3A_1487 = arith.index_cast %scan3A_1473 : i32 to index
        %swap3A_1488 = arith.constant 128 : index
        %swap3A_1489 = tpu.vector_load %arg14[%swap3A_1486, %swap3A_1487, %swap3A_1488] {strides = array<i32>} : memref<2x50x178xf32, #tpu.memory_space<vmem>>, vector<16xf32>,
        tpu.vector_store %arg14[%swap3A_1486, %swap3A_1487, %swap3A_1488], %select_n3A_1484 {strides = array<i32>} : memref<2x50x178xf32, #tpu.memory_space<vmem>>, vector<16xf32>,
        %select_n3A_1490 = arith.select %gt3A_1483, %get3A_29, %get3A_21 : vector<16xi1>, vector<16xf32>
        %swap3A_1491 = arith.constant 0 : i32
        %swap3A_1492 = arith.index_cast %swap3A_1491 : i32 to index
        %swap3A_1493 = arith.index_cast %scan3A_1473 : i32 to index
        %swap3A_1494 = arith.constant 144 : index
        %swap3A_1495 = tpu.vector_load %arg14[%swap3A_1492, %swap3A_1493, %swap3A_1494] {strides = array<i32>} : memref<2x50x178xf32, #tpu.memory_space<vmem>>, vector<16xf32>,
        tpu.vector_store %arg14[%swap3A_1492, %swap3A_1493, %swap3A_1494], %select_n3A_1490 {strides = array<i32>} : memref<2x50x178xf32, #tpu.memory_space<vmem>>, vector<16xf32>,
        %select_n3A_1496 = arith.select %gt3A_1483, %get3A_31, %get3A_23 : vector<16xi1>, vector<16xf32>
        %swap3A_1497 = arith.constant 0 : i32
        %swap3A_1498 = arith.index_cast %swap3A_1497 : i32 to index
        %swap3A_1499 = arith.index_cast %scan3A_1473 : i32 to index
        %swap3A_1500 = arith.constant 160 : index
        %swap3A_1501 = tpu.vector_load %arg14[%swap3A_1498, %swap3A_1499, %swap3A_1500] {strides = array<i32>} : memref<2x50x178xf32, #tpu.memory_space<vmem>>, vector<16xf32>,
        tpu.vector_store %arg14[%swap3A_1498, %swap3A_1499, %swap3A_1500], %select_n3A_1496 {strides = array<i32>} : memref<2x50x178xf32, #tpu.memory_space<vmem>>, vector<16xf32>,
        %select_n3A_1502 = arith.select %gt3A_1483, %get3A_33, %get3A_25 : vector<16xi1>, vector<16xf32>
        %swap3A_1503 = arith.constant 0 : i32
        %swap3A_1504 = arith.index_cast %swap3A_1503 : i32 to index
        %swap3A_1505 = arith.index_cast %scan3A_1473 : i32 to index
        %swap3A_1506 = arith.constant 162 : index
        %swap3A_1507 = tpu.vector_load %arg14[%swap3A_1504, %swap3A_1505, %swap3A_1506] {strides = array<i32>} : memref<2x50x178xf32, #tpu.memory_space<vmem>>, vector<16xf32>,
        tpu.vector_store %arg14[%swap3A_1504, %swap3A_1505, %swap3A_1506], %select_n3A_1502 {strides = array<i32>} : memref<2x50x178xf32, #tpu.memory_space<vmem>>, vector<16xf32>,
        %scan3A_1508 = arith.constant 0 : i32
        %scan3A_1509 = arith.constant 2 : i32
        %scan3A_1510 = arith.addi %scan3A_1437, %scan3A_1509 : i32
        %mul3A_1511 = arith.constant 100 : i32
        %mul3A_1512 = arith.muli %add3A_757, %mul3A_1511 : i32
        %add3A_1513 = arith.constant 0 : i32
        %add3A_1514 = arith.addi %mul3A_1512, %add3A_1513 : i32
        %add3A_1515 = arith.addi %add3A_1514, %scan3A_1510 : i32
        %broadcast_in_dim3A_1516 = vector.broadcast %add3A_1515 : i32 to vector<16xi32>
        %gather3A_1517 = tpu.vector_load_idx %arg9[%broadcast_in_dim3A_1516] : memref<6416xi32, #tpu.memory_space<vmem>>[vector<16xi32>], vector<16xi32>,
        %gt3A_1518 = arith.constant 0 : i32
        %gt3A_1519 = vector.broadcast %gt3A_1518 : i32 to vector<16xi32>
        %gt3A_1520 = arith.cmpi sgt, %gather3A_1517, %gt3A_1519 : vector<16xi32>
        %select_n3A_1521 = arith.select %gt3A_1520, %get3A_27, %get3A_19 : vector<16xi1>, vector<16xf32>
        %swap3A_1522 = arith.constant 0 : i32
        %swap3A_1523 = arith.index_cast %swap3A_1522 : i32 to index
        %swap3A_1524 = arith.index_cast %scan3A_1510 : i32 to index
        %swap3A_1525 = arith.constant 128 : index
        %swap3A_1526 = tpu.vector_load %arg14[%swap3A_1523, %swap3A_1524, %swap3A_1525] {strides = array<i32>} : memref<2x50x178xf32, #tpu.memory_space<vmem>>, vector<16xf32>,
        tpu.vector_store %arg14[%swap3A_1523, %swap3A_1524, %swap3A_1525], %select_n3A_1521 {strides = array<i32>} : memref<2x50x178xf32, #tpu.memory_space<vmem>>, vector<16xf32>,
        %select_n3A_1527 = arith.select %gt3A_1520, %get3A_29, %get3A_21 : vector<16xi1>, vector<16xf32>
        %swap3A_1528 = arith.constant 0 : i32
        %swap3A_1529 = arith.index_cast %swap3A_1528 : i32 to index
        %swap3A_1530 = arith.index_cast %scan3A_1510 : i32 to index
        %swap3A_1531 = arith.constant 144 : index
        %swap3A_1532 = tpu.vector_load %arg14[%swap3A_1529, %swap3A_1530, %swap3A_1531] {strides = array<i32>} : memref<2x50x178xf32, #tpu.memory_space<vmem>>, vector<16xf32>,
        tpu.vector_store %arg14[%swap3A_1529, %swap3A_1530, %swap3A_1531], %select_n3A_1527 {strides = array<i32>} : memref<2x50x178xf32, #tpu.memory_space<vmem>>, vector<16xf32>,
        %select_n3A_1533 = arith.select %gt3A_1520, %get3A_31, %get3A_23 : vector<16xi1>, vector<16xf32>
        %swap3A_1534 = arith.constant 0 : i32
        %swap3A_1535 = arith.index_cast %swap3A_1534 : i32 to index
        %swap3A_1536 = arith.index_cast %scan3A_1510 : i32 to index
        %swap3A_1537 = arith.constant 160 : index
        %swap3A_1538 = tpu.vector_load %arg14[%swap3A_1535, %swap3A_1536, %swap3A_1537] {strides = array<i32>} : memref<2x50x178xf32, #tpu.memory_space<vmem>>, vector<16xf32>,
        tpu.vector_store %arg14[%swap3A_1535, %swap3A_1536, %swap3A_1537], %select_n3A_1533 {strides = array<i32>} : memref<2x50x178xf32, #tpu.memory_space<vmem>>, vector<16xf32>,
        %select_n3A_1539 = arith.select %gt3A_1520, %get3A_33, %get3A_25 : vector<16xi1>, vector<16xf32>
        %swap3A_1540 = arith.constant 0 : i32
        %swap3A_1541 = arith.index_cast %swap3A_1540 : i32 to index
        %swap3A_1542 = arith.index_cast %scan3A_1510 : i32 to index
        %swap3A_1543 = arith.constant 162 : index
        %swap3A_1544 = tpu.vector_load %arg14[%swap3A_1541, %swap3A_1542, %swap3A_1543] {strides = array<i32>} : memref<2x50x178xf32, #tpu.memory_space<vmem>>, vector<16xf32>,
        tpu.vector_store %arg14[%swap3A_1541, %swap3A_1542, %swap3A_1543], %select_n3A_1539 {strides = array<i32>} : memref<2x50x178xf32, #tpu.memory_space<vmem>>, vector<16xf32>,
        %scan3A_1545 = arith.constant 0 : i32
        %scan3A_1546 = arith.constant 3 : i32
        %scan3A_1547 = arith.addi %scan3A_1437, %scan3A_1546 : i32
        %mul3A_1548 = arith.constant 100 : i32
        %mul3A_1549 = arith.muli %add3A_757, %mul3A_1548 : i32
        %add3A_1550 = arith.constant 0 : i32
        %add3A_1551 = arith.addi %mul3A_1549, %add3A_1550 : i32
        %add3A_1552 = arith.addi %add3A_1551, %scan3A_1547 : i32
        %broadcast_in_dim3A_1553 = vector.broadcast %add3A_1552 : i32 to vector<16xi32>
        %gather3A_1554 = tpu.vector_load_idx %arg9[%broadcast_in_dim3A_1553] : memref<6416xi32, #tpu.memory_space<vmem>>[vector<16xi32>], vector<16xi32>,
        %gt3A_1555 = arith.constant 0 : i32
        %gt3A_1556 = vector.broadcast %gt3A_1555 : i32 to vector<16xi32>
        %gt3A_1557 = arith.cmpi sgt, %gather3A_1554, %gt3A_1556 : vector<16xi32>
        %select_n3A_1558 = arith.select %gt3A_1557, %get3A_27, %get3A_19 : vector<16xi1>, vector<16xf32>
        %swap3A_1559 = arith.constant 0 : i32
        %swap3A_1560 = arith.index_cast %swap3A_1559 : i32 to index
        %swap3A_1561 = arith.index_cast %scan3A_1547 : i32 to index
        %swap3A_1562 = arith.constant 128 : index
        %swap3A_1563 = tpu.vector_load %arg14[%swap3A_1560, %swap3A_1561, %swap3A_1562] {strides = array<i32>} : memref<2x50x178xf32, #tpu.memory_space<vmem>>, vector<16xf32>,
        tpu.vector_store %arg14[%swap3A_1560, %swap3A_1561, %swap3A_1562], %select_n3A_1558 {strides = array<i32>} : memref<2x50x178xf32, #tpu.memory_space<vmem>>, vector<16xf32>,
        %select_n3A_1564 = arith.select %gt3A_1557, %get3A_29, %get3A_21 : vector<16xi1>, vector<16xf32>
        %swap3A_1565 = arith.constant 0 : i32
        %swap3A_1566 = arith.index_cast %swap3A_1565 : i32 to index
        %swap3A_1567 = arith.index_cast %scan3A_1547 : i32 to index
        %swap3A_1568 = arith.constant 144 : index
        %swap3A_1569 = tpu.vector_load %arg14[%swap3A_1566, %swap3A_1567, %swap3A_1568] {strides = array<i32>} : memref<2x50x178xf32, #tpu.memory_space<vmem>>, vector<16xf32>,
        tpu.vector_store %arg14[%swap3A_1566, %swap3A_1567, %swap3A_1568], %select_n3A_1564 {strides = array<i32>} : memref<2x50x178xf32, #tpu.memory_space<vmem>>, vector<16xf32>,
        %select_n3A_1570 = arith.select %gt3A_1557, %get3A_31, %get3A_23 : vector<16xi1>, vector<16xf32>
        %swap3A_1571 = arith.constant 0 : i32
        %swap3A_1572 = arith.index_cast %swap3A_1571 : i32 to index
        %swap3A_1573 = arith.index_cast %scan3A_1547 : i32 to index
        %swap3A_1574 = arith.constant 160 : index
        %swap3A_1575 = tpu.vector_load %arg14[%swap3A_1572, %swap3A_1573, %swap3A_1574] {strides = array<i32>} : memref<2x50x178xf32, #tpu.memory_space<vmem>>, vector<16xf32>,
        tpu.vector_store %arg14[%swap3A_1572, %swap3A_1573, %swap3A_1574], %select_n3A_1570 {strides = array<i32>} : memref<2x50x178xf32, #tpu.memory_space<vmem>>, vector<16xf32>,
        %select_n3A_1576 = arith.select %gt3A_1557, %get3A_33, %get3A_25 : vector<16xi1>, vector<16xf32>
        %swap3A_1577 = arith.constant 0 : i32
        %swap3A_1578 = arith.index_cast %swap3A_1577 : i32 to index
        %swap3A_1579 = arith.index_cast %scan3A_1547 : i32 to index
        %swap3A_1580 = arith.constant 162 : index
        %swap3A_1581 = tpu.vector_load %arg14[%swap3A_1578, %swap3A_1579, %swap3A_1580] {strides = array<i32>} : memref<2x50x178xf32, #tpu.memory_space<vmem>>, vector<16xf32>,
        tpu.vector_store %arg14[%swap3A_1578, %swap3A_1579, %swap3A_1580], %select_n3A_1576 {strides = array<i32>} : memref<2x50x178xf32, #tpu.memory_space<vmem>>, vector<16xf32>,
        %scan3A_1582 = arith.constant 0 : i32
        %scan3A_1583 = arith.constant 4 : i32
        %scan3A_1584 = arith.addi %scan3A_1437, %scan3A_1583 : i32
        %mul3A_1585 = arith.constant 100 : i32
        %mul3A_1586 = arith.muli %add3A_757, %mul3A_1585 : i32
        %add3A_1587 = arith.constant 0 : i32
        %add3A_1588 = arith.addi %mul3A_1586, %add3A_1587 : i32
        %add3A_1589 = arith.addi %add3A_1588, %scan3A_1584 : i32
        %broadcast_in_dim3A_1590 = vector.broadcast %add3A_1589 : i32 to vector<16xi32>
        %gather3A_1591 = tpu.vector_load_idx %arg9[%broadcast_in_dim3A_1590] : memref<6416xi32, #tpu.memory_space<vmem>>[vector<16xi32>], vector<16xi32>,
        %gt3A_1592 = arith.constant 0 : i32
        %gt3A_1593 = vector.broadcast %gt3A_1592 : i32 to vector<16xi32>
        %gt3A_1594 = arith.cmpi sgt, %gather3A_1591, %gt3A_1593 : vector<16xi32>
        %select_n3A_1595 = arith.select %gt3A_1594, %get3A_27, %get3A_19 : vector<16xi1>, vector<16xf32>
        %swap3A_1596 = arith.constant 0 : i32
        %swap3A_1597 = arith.index_cast %swap3A_1596 : i32 to index
        %swap3A_1598 = arith.index_cast %scan3A_1584 : i32 to index
        %swap3A_1599 = arith.constant 128 : index
        %swap3A_1600 = tpu.vector_load %arg14[%swap3A_1597, %swap3A_1598, %swap3A_1599] {strides = array<i32>} : memref<2x50x178xf32, #tpu.memory_space<vmem>>, vector<16xf32>,
        tpu.vector_store %arg14[%swap3A_1597, %swap3A_1598, %swap3A_1599], %select_n3A_1595 {strides = array<i32>} : memref<2x50x178xf32, #tpu.memory_space<vmem>>, vector<16xf32>,
        %select_n3A_1601 = arith.select %gt3A_1594, %get3A_29, %get3A_21 : vector<16xi1>, vector<16xf32>
        %swap3A_1602 = arith.constant 0 : i32
        %swap3A_1603 = arith.index_cast %swap3A_1602 : i32 to index
        %swap3A_1604 = arith.index_cast %scan3A_1584 : i32 to index
        %swap3A_1605 = arith.constant 144 : index
        %swap3A_1606 = tpu.vector_load %arg14[%swap3A_1603, %swap3A_1604, %swap3A_1605] {strides = array<i32>} : memref<2x50x178xf32, #tpu.memory_space<vmem>>, vector<16xf32>,
        tpu.vector_store %arg14[%swap3A_1603, %swap3A_1604, %swap3A_1605], %select_n3A_1601 {strides = array<i32>} : memref<2x50x178xf32, #tpu.memory_space<vmem>>, vector<16xf32>,
        %select_n3A_1607 = arith.select %gt3A_1594, %get3A_31, %get3A_23 : vector<16xi1>, vector<16xf32>
        %swap3A_1608 = arith.constant 0 : i32
        %swap3A_1609 = arith.index_cast %swap3A_1608 : i32 to index
        %swap3A_1610 = arith.index_cast %scan3A_1584 : i32 to index
        %swap3A_1611 = arith.constant 160 : index
        %swap3A_1612 = tpu.vector_load %arg14[%swap3A_1609, %swap3A_1610, %swap3A_1611] {strides = array<i32>} : memref<2x50x178xf32, #tpu.memory_space<vmem>>, vector<16xf32>,
        tpu.vector_store %arg14[%swap3A_1609, %swap3A_1610, %swap3A_1611], %select_n3A_1607 {strides = array<i32>} : memref<2x50x178xf32, #tpu.memory_space<vmem>>, vector<16xf32>,
        %select_n3A_1613 = arith.select %gt3A_1594, %get3A_33, %get3A_25 : vector<16xi1>, vector<16xf32>
        %swap3A_1614 = arith.constant 0 : i32
        %swap3A_1615 = arith.index_cast %swap3A_1614 : i32 to index
        %swap3A_1616 = arith.index_cast %scan3A_1584 : i32 to index
        %swap3A_1617 = arith.constant 162 : index
        %swap3A_1618 = tpu.vector_load %arg14[%swap3A_1615, %swap3A_1616, %swap3A_1617] {strides = array<i32>} : memref<2x50x178xf32, #tpu.memory_space<vmem>>, vector<16xf32>,
        tpu.vector_store %arg14[%swap3A_1615, %swap3A_1616, %swap3A_1617], %select_n3A_1613 {strides = array<i32>} : memref<2x50x178xf32, #tpu.memory_space<vmem>>, vector<16xf32>,
        %scan3A_1619 = arith.constant 0 : i32
        scf.yield %scan3A_1619 : i32
      }
      %scan3A_790 = arith.constant 50 : i32
      %mul3A_791 = arith.constant 100 : i32
      %mul3A_792 = arith.muli %add3A_757, %mul3A_791 : i32
      %add3A_793 = arith.constant 0 : i32
      %add3A_794 = arith.addi %mul3A_792, %add3A_793 : i32
      %add3A_795 = arith.constant 48 : i32
      %add3A_796 = arith.addi %add3A_794, %add3A_795 : i32
      %get3A_797 = arith.index_cast %add3A_796 : i32 to index
      %get3A_798 = tpu.vector_load %arg9[%get3A_797] {strides = array<i32>} : memref<6416xi32, #tpu.memory_space<vmem>>, vector<16xi32>,
      %iota3A_799 = tpu.iota {dimensions = array<i32: 0>} : vector<16xi32>
      %add3A_800 = arith.constant 48 : i32
      %add3A_801 = vector.broadcast %add3A_800 : i32 to vector<16xi32>
      %add3A_802 = arith.addi %iota3A_799, %add3A_801 : vector<16xi32>
      %gt3A_803 = arith.constant 0 : i32
      %gt3A_804 = vector.broadcast %gt3A_803 : i32 to vector<16xi32>
      %gt3A_805 = arith.cmpi sgt, %get3A_798, %gt3A_804 : vector<16xi32>
      %lt3A_806 = arith.constant 50 : i32
      %lt3A_807 = vector.broadcast %lt3A_806 : i32 to vector<16xi32>
      %lt3A_808 = arith.cmpi slt, %add3A_802, %lt3A_807 : vector<16xi32>
      %and3A_809 = arith.andi %gt3A_805, %lt3A_808 : vector<16xi1>
      %all_reduce_ffs3A_810 = tpu.all_reduce %and3A_809 {dim = 0 : i64, kind = #tpu.reduction_kind<find_first_set>} : vector<16xi1> -> vector<16xi32>
      %slice3A_811 = vector.extract_strided_slice %all_reduce_ffs3A_810 {offsets = [0], sizes = [1], strides = [1]} : vector<16xi32> to vector<1xi32>
      %squeeze3A_812 = vector.extract %slice3A_811[0] : i32 from vector<1xi32>
      %lt3A_813 = arith.constant 16 : i32
      %lt3A_814 = arith.cmpi slt, %squeeze3A_812, %lt3A_813 : i32
      %add3A_815 = arith.constant 48 : i32
      %add3A_816 = arith.addi %add3A_815, %squeeze3A_812 : i32
      %jit3A_817 = arith.constant 0 : i32
      %select_n3A_818 = arith.select %lt3A_814, %add3A_816, %jit3A_817 : i32
      %add3A_819 = arith.constant 32 : i32
      %add3A_820 = arith.addi %add3A_794, %add3A_819 : i32
      %get3A_821 = arith.index_cast %add3A_820 : i32 to index
      %get3A_822 = tpu.vector_load %arg9[%get3A_821] {strides = array<i32>} : memref<6416xi32, #tpu.memory_space<vmem>>, vector<16xi32>,
      %iota3A_823 = tpu.iota {dimensions = array<i32: 0>} : vector<16xi32>
      %add3A_824 = arith.constant 32 : i32
      %add3A_825 = vector.broadcast %add3A_824 : i32 to vector<16xi32>
      %add3A_826 = arith.addi %iota3A_823, %add3A_825 : vector<16xi32>
      %gt3A_827 = arith.constant 0 : i32
      %gt3A_828 = vector.broadcast %gt3A_827 : i32 to vector<16xi32>
      %gt3A_829 = arith.cmpi sgt, %get3A_822, %gt3A_828 : vector<16xi32>
      %lt3A_830 = arith.constant 50 : i32
      %lt3A_831 = vector.broadcast %lt3A_830 : i32 to vector<16xi32>
      %lt3A_832 = arith.cmpi slt, %add3A_826, %lt3A_831 : vector<16xi32>
      %and3A_833 = arith.andi %gt3A_829, %lt3A_832 : vector<16xi1>
      %all_reduce_ffs3A_834 = tpu.all_reduce %and3A_833 {dim = 0 : i64, kind = #tpu.reduction_kind<find_first_set>} : vector<16xi1> -> vector<16xi32>
      %slice3A_835 = vector.extract_strided_slice %all_reduce_ffs3A_834 {offsets = [0], sizes = [1], strides = [1]} : vector<16xi32> to vector<1xi32>
      %squeeze3A_836 = vector.extract %slice3A_835[0] : i32 from vector<1xi32>
      %lt3A_837 = arith.constant 16 : i32
      %lt3A_838 = arith.cmpi slt, %squeeze3A_836, %lt3A_837 : i32
      %add3A_839 = arith.constant 32 : i32
      %add3A_840 = arith.addi %add3A_839, %squeeze3A_836 : i32
      %select_n3A_841 = arith.select %lt3A_838, %add3A_840, %select_n3A_818 : i32
      %add3A_842 = arith.constant 16 : i32
      %add3A_843 = arith.addi %add3A_794, %add3A_842 : i32
      %get3A_844 = arith.index_cast %add3A_843 : i32 to index
      %get3A_845 = tpu.vector_load %arg9[%get3A_844] {strides = array<i32>} : memref<6416xi32, #tpu.memory_space<vmem>>, vector<16xi32>,
      %iota3A_846 = tpu.iota {dimensions = array<i32: 0>} : vector<16xi32>
      %add3A_847 = arith.constant 16 : i32
      %add3A_848 = vector.broadcast %add3A_847 : i32 to vector<16xi32>
      %add3A_849 = arith.addi %iota3A_846, %add3A_848 : vector<16xi32>
      %gt3A_850 = arith.constant 0 : i32
      %gt3A_851 = vector.broadcast %gt3A_850 : i32 to vector<16xi32>
      %gt3A_852 = arith.cmpi sgt, %get3A_845, %gt3A_851 : vector<16xi32>
      %lt3A_853 = arith.constant 50 : i32
      %lt3A_854 = vector.broadcast %lt3A_853 : i32 to vector<16xi32>
      %lt3A_855 = arith.cmpi slt, %add3A_849, %lt3A_854 : vector<16xi32>
      %and3A_856 = arith.andi %gt3A_852, %lt3A_855 : vector<16xi1>
      %all_reduce_ffs3A_857 = tpu.all_reduce %and3A_856 {dim = 0 : i64, kind = #tpu.reduction_kind<find_first_set>} : vector<16xi1> -> vector<16xi32>
      %slice3A_858 = vector.extract_strided_slice %all_reduce_ffs3A_857 {offsets = [0], sizes = [1], strides = [1]} : vector<16xi32> to vector<1xi32>
      %squeeze3A_859 = vector.extract %slice3A_858[0] : i32 from vector<1xi32>
      %lt3A_860 = arith.constant 16 : i32
      %lt3A_861 = arith.cmpi slt, %squeeze3A_859, %lt3A_860 : i32
      %add3A_862 = arith.constant 16 : i32
      %add3A_863 = arith.addi %add3A_862, %squeeze3A_859 : i32
      %select_n3A_864 = arith.select %lt3A_861, %add3A_863, %select_n3A_841 : i32
      %add3A_865 = arith.constant 0 : i32
      %add3A_866 = arith.addi %add3A_794, %add3A_865 : i32
      %get3A_867 = arith.index_cast %add3A_866 : i32 to index
      %get3A_868 = tpu.vector_load %arg9[%get3A_867] {strides = array<i32>} : memref<6416xi32, #tpu.memory_space<vmem>>, vector<16xi32>,
      %iota3A_869 = tpu.iota {dimensions = array<i32: 0>} : vector<16xi32>
      %add3A_870 = arith.constant 0 : i32
      %add3A_871 = vector.broadcast %add3A_870 : i32 to vector<16xi32>
      %add3A_872 = arith.addi %iota3A_869, %add3A_871 : vector<16xi32>
      %gt3A_873 = arith.constant 0 : i32
      %gt3A_874 = vector.broadcast %gt3A_873 : i32 to vector<16xi32>
      %gt3A_875 = arith.cmpi sgt, %get3A_868, %gt3A_874 : vector<16xi32>
      %lt3A_876 = arith.constant 50 : i32
      %lt3A_877 = vector.broadcast %lt3A_876 : i32 to vector<16xi32>
      %lt3A_878 = arith.cmpi slt, %add3A_872, %lt3A_877 : vector<16xi32>
      %and3A_879 = arith.andi %gt3A_875, %lt3A_878 : vector<16xi1>
      %all_reduce_ffs3A_880 = tpu.all_reduce %and3A_879 {dim = 0 : i64, kind = #tpu.reduction_kind<find_first_set>} : vector<16xi1> -> vector<16xi32>
      %slice3A_881 = vector.extract_strided_slice %all_reduce_ffs3A_880 {offsets = [0], sizes = [1], strides = [1]} : vector<16xi32> to vector<1xi32>
      %squeeze3A_882 = vector.extract %slice3A_881[0] : i32 from vector<1xi32>
      %lt3A_883 = arith.constant 16 : i32
      %lt3A_884 = arith.cmpi slt, %squeeze3A_882, %lt3A_883 : i32
      %add3A_885 = arith.constant 0 : i32
      %add3A_886 = arith.addi %add3A_885, %squeeze3A_882 : i32
      %select_n3A_887 = arith.select %lt3A_884, %add3A_886, %select_n3A_864 : i32
      %swap3A_888 = arith.constant 0 : i32
      %swap3A_889 = arith.index_cast %swap3A_888 : i32 to index
      %swap3A_890 = arith.index_cast %select_n3A_887 : i32 to index
      %swap3A_891 = arith.constant 0 : index
      %swap3A_892 = tpu.vector_load %arg14[%swap3A_889, %swap3A_890, %swap3A_891] {strides = array<i32>} : memref<2x50x178xf32, #tpu.memory_space<vmem>>, vector<16xf32>,
      tpu.vector_store %arg14[%swap3A_889, %swap3A_890, %swap3A_891], %get3A_3 {strides = array<i32>} : memref<2x50x178xf32, #tpu.memory_space<vmem>>, vector<16xf32>,
      %swap3A_893 = arith.constant 0 : i32
      %swap3A_894 = arith.index_cast %swap3A_893 : i32 to index
      %swap3A_895 = arith.index_cast %select_n3A_887 : i32 to index
      %swap3A_896 = arith.constant 16 : index
      %swap3A_897 = tpu.vector_load %arg14[%swap3A_894, %swap3A_895, %swap3A_896] {strides = array<i32>} : memref<2x50x178xf32, #tpu.memory_space<vmem>>, vector<16xf32>,
      tpu.vector_store %arg14[%swap3A_894, %swap3A_895, %swap3A_896], %get3A_5 {strides = array<i32>} : memref<2x50x178xf32, #tpu.memory_space<vmem>>, vector<16xf32>,
      %swap3A_898 = arith.constant 0 : i32
      %swap3A_899 = arith.index_cast %swap3A_898 : i32 to index
      %swap3A_900 = arith.index_cast %select_n3A_887 : i32 to index
      %swap3A_901 = arith.constant 32 : index
      %swap3A_902 = tpu.vector_load %arg14[%swap3A_899, %swap3A_900, %swap3A_901] {strides = array<i32>} : memref<2x50x178xf32, #tpu.memory_space<vmem>>, vector<16xf32>,
      tpu.vector_store %arg14[%swap3A_899, %swap3A_900, %swap3A_901], %get3A_7 {strides = array<i32>} : memref<2x50x178xf32, #tpu.memory_space<vmem>>, vector<16xf32>,
      %swap3A_903 = arith.constant 0 : i32
      %swap3A_904 = arith.index_cast %swap3A_903 : i32 to index
      %swap3A_905 = arith.index_cast %select_n3A_887 : i32 to index
      %swap3A_906 = arith.constant 48 : index
      %swap3A_907 = tpu.vector_load %arg14[%swap3A_904, %swap3A_905, %swap3A_906] {strides = array<i32>} : memref<2x50x178xf32, #tpu.memory_space<vmem>>, vector<16xf32>,
      tpu.vector_store %arg14[%swap3A_904, %swap3A_905, %swap3A_906], %get3A_9 {strides = array<i32>} : memref<2x50x178xf32, #tpu.memory_space<vmem>>, vector<16xf32>,
      %swap3A_908 = arith.constant 0 : i32
      %swap3A_909 = arith.index_cast %swap3A_908 : i32 to index
      %swap3A_910 = arith.index_cast %select_n3A_887 : i32 to index
      %swap3A_911 = arith.constant 64 : index
      %swap3A_912 = tpu.vector_load %arg14[%swap3A_909, %swap3A_910, %swap3A_911] {strides = array<i32>} : memref<2x50x178xf32, #tpu.memory_space<vmem>>, vector<16xf32>,
      tpu.vector_store %arg14[%swap3A_909, %swap3A_910, %swap3A_911], %get3A_11 {strides = array<i32>} : memref<2x50x178xf32, #tpu.memory_space<vmem>>, vector<16xf32>,
      %swap3A_913 = arith.constant 0 : i32
      %swap3A_914 = arith.index_cast %swap3A_913 : i32 to index
      %swap3A_915 = arith.index_cast %select_n3A_887 : i32 to index
      %swap3A_916 = arith.constant 80 : index
      %swap3A_917 = tpu.vector_load %arg14[%swap3A_914, %swap3A_915, %swap3A_916] {strides = array<i32>} : memref<2x50x178xf32, #tpu.memory_space<vmem>>, vector<16xf32>,
      tpu.vector_store %arg14[%swap3A_914, %swap3A_915, %swap3A_916], %get3A_13 {strides = array<i32>} : memref<2x50x178xf32, #tpu.memory_space<vmem>>, vector<16xf32>,
      %swap3A_918 = arith.constant 0 : i32
      %swap3A_919 = arith.index_cast %swap3A_918 : i32 to index
      %swap3A_920 = arith.index_cast %select_n3A_887 : i32 to index
      %swap3A_921 = arith.constant 96 : index
      %swap3A_922 = tpu.vector_load %arg14[%swap3A_919, %swap3A_920, %swap3A_921] {strides = array<i32>} : memref<2x50x178xf32, #tpu.memory_space<vmem>>, vector<16xf32>,
      tpu.vector_store %arg14[%swap3A_919, %swap3A_920, %swap3A_921], %get3A_15 {strides = array<i32>} : memref<2x50x178xf32, #tpu.memory_space<vmem>>, vector<16xf32>,
      %swap3A_923 = arith.constant 0 : i32
      %swap3A_924 = arith.index_cast %swap3A_923 : i32 to index
      %swap3A_925 = arith.index_cast %select_n3A_887 : i32 to index
      %swap3A_926 = arith.constant 112 : index
      %swap3A_927 = tpu.vector_load %arg14[%swap3A_924, %swap3A_925, %swap3A_926] {strides = array<i32>} : memref<2x50x178xf32, #tpu.memory_space<vmem>>, vector<16xf32>,
      tpu.vector_store %arg14[%swap3A_924, %swap3A_925, %swap3A_926], %get3A_17 {strides = array<i32>} : memref<2x50x178xf32, #tpu.memory_space<vmem>>, vector<16xf32>,
      %scan3A_928 = arith.constant 0 : i32
      %scan3A_929 = arith.constant 0 : i32
      %scan3A_930 = arith.constant 50 : i32
      %scan3A_931 = arith.addi %scan3A_929, %scan3A_930 : i32
      %scan3A_932 = arith.constant 5 : i32
      %scan3A_933 = scf.for %scan3A_1437 = %scan3A_929 to %scan3A_931 step %scan3A_932 iter_args(%scan3A_1438 = %scan3A_928) -> (i32)  : i32 {
        %mul3A_1439 = arith.constant 100 : i32
        %mul3A_1440 = arith.muli %add3A_757, %mul3A_1439 : i32
        %add3A_1441 = arith.constant 50 : i32
        %add3A_1442 = arith.addi %mul3A_1440, %add3A_1441 : i32
        %add3A_1443 = arith.addi %add3A_1442, %scan3A_1437 : i32
        %broadcast_in_dim3A = vector.broadcast %add3A_1443 : i32 to vector<16xi32>
        %gather3A = tpu.vector_load_idx %arg9[%broadcast_in_dim3A] : memref<6416xi32, #tpu.memory_space<vmem>>[vector<16xi32>], vector<16xi32>,
        %gt3A_1444 = arith.constant 0 : i32
        %gt3A_1445 = vector.broadcast %gt3A_1444 : i32 to vector<16xi32>
        %gt3A_1446 = arith.cmpi sgt, %gather3A, %gt3A_1445 : vector<16xi32>
        %select_n3A_1447 = arith.select %gt3A_1446, %get3A_27, %get3A_19 : vector<16xi1>, vector<16xf32>
        %swap3A_1448 = arith.constant 1 : i32
        %swap3A_1449 = arith.index_cast %swap3A_1448 : i32 to index
        %swap3A_1450 = arith.index_cast %scan3A_1437 : i32 to index
        %swap3A_1451 = arith.constant 128 : index
        %swap3A_1452 = tpu.vector_load %arg14[%swap3A_1449, %swap3A_1450, %swap3A_1451] {strides = array<i32>} : memref<2x50x178xf32, #tpu.memory_space<vmem>>, vector<16xf32>,
        tpu.vector_store %arg14[%swap3A_1449, %swap3A_1450, %swap3A_1451], %select_n3A_1447 {strides = array<i32>} : memref<2x50x178xf32, #tpu.memory_space<vmem>>, vector<16xf32>,
        %select_n3A_1453 = arith.select %gt3A_1446, %get3A_29, %get3A_21 : vector<16xi1>, vector<16xf32>
        %swap3A_1454 = arith.constant 1 : i32
        %swap3A_1455 = arith.index_cast %swap3A_1454 : i32 to index
        %swap3A_1456 = arith.index_cast %scan3A_1437 : i32 to index
        %swap3A_1457 = arith.constant 144 : index
        %swap3A_1458 = tpu.vector_load %arg14[%swap3A_1455, %swap3A_1456, %swap3A_1457] {strides = array<i32>} : memref<2x50x178xf32, #tpu.memory_space<vmem>>, vector<16xf32>,
        tpu.vector_store %arg14[%swap3A_1455, %swap3A_1456, %swap3A_1457], %select_n3A_1453 {strides = array<i32>} : memref<2x50x178xf32, #tpu.memory_space<vmem>>, vector<16xf32>,
        %select_n3A_1459 = arith.select %gt3A_1446, %get3A_31, %get3A_23 : vector<16xi1>, vector<16xf32>
        %swap3A_1460 = arith.constant 1 : i32
        %swap3A_1461 = arith.index_cast %swap3A_1460 : i32 to index
        %swap3A_1462 = arith.index_cast %scan3A_1437 : i32 to index
        %swap3A_1463 = arith.constant 160 : index
        %swap3A_1464 = tpu.vector_load %arg14[%swap3A_1461, %swap3A_1462, %swap3A_1463] {strides = array<i32>} : memref<2x50x178xf32, #tpu.memory_space<vmem>>, vector<16xf32>,
        tpu.vector_store %arg14[%swap3A_1461, %swap3A_1462, %swap3A_1463], %select_n3A_1459 {strides = array<i32>} : memref<2x50x178xf32, #tpu.memory_space<vmem>>, vector<16xf32>,
        %select_n3A_1465 = arith.select %gt3A_1446, %get3A_33, %get3A_25 : vector<16xi1>, vector<16xf32>
        %swap3A_1466 = arith.constant 1 : i32
        %swap3A_1467 = arith.index_cast %swap3A_1466 : i32 to index
        %swap3A_1468 = arith.index_cast %scan3A_1437 : i32 to index
        %swap3A_1469 = arith.constant 162 : index
        %swap3A_1470 = tpu.vector_load %arg14[%swap3A_1467, %swap3A_1468, %swap3A_1469] {strides = array<i32>} : memref<2x50x178xf32, #tpu.memory_space<vmem>>, vector<16xf32>,
        tpu.vector_store %arg14[%swap3A_1467, %swap3A_1468, %swap3A_1469], %select_n3A_1465 {strides = array<i32>} : memref<2x50x178xf32, #tpu.memory_space<vmem>>, vector<16xf32>,
        %scan3A_1471 = arith.constant 0 : i32
        %scan3A_1472 = arith.constant 1 : i32
        %scan3A_1473 = arith.addi %scan3A_1437, %scan3A_1472 : i32
        %mul3A_1474 = arith.constant 100 : i32
        %mul3A_1475 = arith.muli %add3A_757, %mul3A_1474 : i32
        %add3A_1476 = arith.constant 50 : i32
        %add3A_1477 = arith.addi %mul3A_1475, %add3A_1476 : i32
        %add3A_1478 = arith.addi %add3A_1477, %scan3A_1473 : i32
        %broadcast_in_dim3A_1479 = vector.broadcast %add3A_1478 : i32 to vector<16xi32>
        %gather3A_1480 = tpu.vector_load_idx %arg9[%broadcast_in_dim3A_1479] : memref<6416xi32, #tpu.memory_space<vmem>>[vector<16xi32>], vector<16xi32>,
        %gt3A_1481 = arith.constant 0 : i32
        %gt3A_1482 = vector.broadcast %gt3A_1481 : i32 to vector<16xi32>
        %gt3A_1483 = arith.cmpi sgt, %gather3A_1480, %gt3A_1482 : vector<16xi32>
        %select_n3A_1484 = arith.select %gt3A_1483, %get3A_27, %get3A_19 : vector<16xi1>, vector<16xf32>
        %swap3A_1485 = arith.constant 1 : i32
        %swap3A_1486 = arith.index_cast %swap3A_1485 : i32 to index
        %swap3A_1487 = arith.index_cast %scan3A_1473 : i32 to index
        %swap3A_1488 = arith.constant 128 : index
        %swap3A_1489 = tpu.vector_load %arg14[%swap3A_1486, %swap3A_1487, %swap3A_1488] {strides = array<i32>} : memref<2x50x178xf32, #tpu.memory_space<vmem>>, vector<16xf32>,
        tpu.vector_store %arg14[%swap3A_1486, %swap3A_1487, %swap3A_1488], %select_n3A_1484 {strides = array<i32>} : memref<2x50x178xf32, #tpu.memory_space<vmem>>, vector<16xf32>,
        %select_n3A_1490 = arith.select %gt3A_1483, %get3A_29, %get3A_21 : vector<16xi1>, vector<16xf32>
        %swap3A_1491 = arith.constant 1 : i32
        %swap3A_1492 = arith.index_cast %swap3A_1491 : i32 to index
        %swap3A_1493 = arith.index_cast %scan3A_1473 : i32 to index
        %swap3A_1494 = arith.constant 144 : index
        %swap3A_1495 = tpu.vector_load %arg14[%swap3A_1492, %swap3A_1493, %swap3A_1494] {strides = array<i32>} : memref<2x50x178xf32, #tpu.memory_space<vmem>>, vector<16xf32>,
        tpu.vector_store %arg14[%swap3A_1492, %swap3A_1493, %swap3A_1494], %select_n3A_1490 {strides = array<i32>} : memref<2x50x178xf32, #tpu.memory_space<vmem>>, vector<16xf32>,
        %select_n3A_1496 = arith.select %gt3A_1483, %get3A_31, %get3A_23 : vector<16xi1>, vector<16xf32>
        %swap3A_1497 = arith.constant 1 : i32
        %swap3A_1498 = arith.index_cast %swap3A_1497 : i32 to index
        %swap3A_1499 = arith.index_cast %scan3A_1473 : i32 to index
        %swap3A_1500 = arith.constant 160 : index
        %swap3A_1501 = tpu.vector_load %arg14[%swap3A_1498, %swap3A_1499, %swap3A_1500] {strides = array<i32>} : memref<2x50x178xf32, #tpu.memory_space<vmem>>, vector<16xf32>,
        tpu.vector_store %arg14[%swap3A_1498, %swap3A_1499, %swap3A_1500], %select_n3A_1496 {strides = array<i32>} : memref<2x50x178xf32, #tpu.memory_space<vmem>>, vector<16xf32>,
        %select_n3A_1502 = arith.select %gt3A_1483, %get3A_33, %get3A_25 : vector<16xi1>, vector<16xf32>
        %swap3A_1503 = arith.constant 1 : i32
        %swap3A_1504 = arith.index_cast %swap3A_1503 : i32 to index
        %swap3A_1505 = arith.index_cast %scan3A_1473 : i32 to index
        %swap3A_1506 = arith.constant 162 : index
        %swap3A_1507 = tpu.vector_load %arg14[%swap3A_1504, %swap3A_1505, %swap3A_1506] {strides = array<i32>} : memref<2x50x178xf32, #tpu.memory_space<vmem>>, vector<16xf32>,
        tpu.vector_store %arg14[%swap3A_1504, %swap3A_1505, %swap3A_1506], %select_n3A_1502 {strides = array<i32>} : memref<2x50x178xf32, #tpu.memory_space<vmem>>, vector<16xf32>,
        %scan3A_1508 = arith.constant 0 : i32
        %scan3A_1509 = arith.constant 2 : i32
        %scan3A_1510 = arith.addi %scan3A_1437, %scan3A_1509 : i32
        %mul3A_1511 = arith.constant 100 : i32
        %mul3A_1512 = arith.muli %add3A_757, %mul3A_1511 : i32
        %add3A_1513 = arith.constant 50 : i32
        %add3A_1514 = arith.addi %mul3A_1512, %add3A_1513 : i32
        %add3A_1515 = arith.addi %add3A_1514, %scan3A_1510 : i32
        %broadcast_in_dim3A_1516 = vector.broadcast %add3A_1515 : i32 to vector<16xi32>
        %gather3A_1517 = tpu.vector_load_idx %arg9[%broadcast_in_dim3A_1516] : memref<6416xi32, #tpu.memory_space<vmem>>[vector<16xi32>], vector<16xi32>,
        %gt3A_1518 = arith.constant 0 : i32
        %gt3A_1519 = vector.broadcast %gt3A_1518 : i32 to vector<16xi32>
        %gt3A_1520 = arith.cmpi sgt, %gather3A_1517, %gt3A_1519 : vector<16xi32>
        %select_n3A_1521 = arith.select %gt3A_1520, %get3A_27, %get3A_19 : vector<16xi1>, vector<16xf32>
        %swap3A_1522 = arith.constant 1 : i32
        %swap3A_1523 = arith.index_cast %swap3A_1522 : i32 to index
        %swap3A_1524 = arith.index_cast %scan3A_1510 : i32 to index
        %swap3A_1525 = arith.constant 128 : index
        %swap3A_1526 = tpu.vector_load %arg14[%swap3A_1523, %swap3A_1524, %swap3A_1525] {strides = array<i32>} : memref<2x50x178xf32, #tpu.memory_space<vmem>>, vector<16xf32>,
        tpu.vector_store %arg14[%swap3A_1523, %swap3A_1524, %swap3A_1525], %select_n3A_1521 {strides = array<i32>} : memref<2x50x178xf32, #tpu.memory_space<vmem>>, vector<16xf32>,
        %select_n3A_1527 = arith.select %gt3A_1520, %get3A_29, %get3A_21 : vector<16xi1>, vector<16xf32>
        %swap3A_1528 = arith.constant 1 : i32
        %swap3A_1529 = arith.index_cast %swap3A_1528 : i32 to index
        %swap3A_1530 = arith.index_cast %scan3A_1510 : i32 to index
        %swap3A_1531 = arith.constant 144 : index
        %swap3A_1532 = tpu.vector_load %arg14[%swap3A_1529, %swap3A_1530, %swap3A_1531] {strides = array<i32>} : memref<2x50x178xf32, #tpu.memory_space<vmem>>, vector<16xf32>,
        tpu.vector_store %arg14[%swap3A_1529, %swap3A_1530, %swap3A_1531], %select_n3A_1527 {strides = array<i32>} : memref<2x50x178xf32, #tpu.memory_space<vmem>>, vector<16xf32>,
        %select_n3A_1533 = arith.select %gt3A_1520, %get3A_31, %get3A_23 : vector<16xi1>, vector<16xf32>
        %swap3A_1534 = arith.constant 1 : i32
        %swap3A_1535 = arith.index_cast %swap3A_1534 : i32 to index
        %swap3A_1536 = arith.index_cast %scan3A_1510 : i32 to index
        %swap3A_1537 = arith.constant 160 : index
        %swap3A_1538 = tpu.vector_load %arg14[%swap3A_1535, %swap3A_1536, %swap3A_1537] {strides = array<i32>} : memref<2x50x178xf32, #tpu.memory_space<vmem>>, vector<16xf32>,
        tpu.vector_store %arg14[%swap3A_1535, %swap3A_1536, %swap3A_1537], %select_n3A_1533 {strides = array<i32>} : memref<2x50x178xf32, #tpu.memory_space<vmem>>, vector<16xf32>,
        %select_n3A_1539 = arith.select %gt3A_1520, %get3A_33, %get3A_25 : vector<16xi1>, vector<16xf32>
        %swap3A_1540 = arith.constant 1 : i32
        %swap3A_1541 = arith.index_cast %swap3A_1540 : i32 to index
        %swap3A_1542 = arith.index_cast %scan3A_1510 : i32 to index
        %swap3A_1543 = arith.constant 162 : index
        %swap3A_1544 = tpu.vector_load %arg14[%swap3A_1541, %swap3A_1542, %swap3A_1543] {strides = array<i32>} : memref<2x50x178xf32, #tpu.memory_space<vmem>>, vector<16xf32>,
        tpu.vector_store %arg14[%swap3A_1541, %swap3A_1542, %swap3A_1543], %select_n3A_1539 {strides = array<i32>} : memref<2x50x178xf32, #tpu.memory_space<vmem>>, vector<16xf32>,
        %scan3A_1545 = arith.constant 0 : i32
        %scan3A_1546 = arith.constant 3 : i32
        %scan3A_1547 = arith.addi %scan3A_1437, %scan3A_1546 : i32
        %mul3A_1548 = arith.constant 100 : i32
        %mul3A_1549 = arith.muli %add3A_757, %mul3A_1548 : i32
        %add3A_1550 = arith.constant 50 : i32
        %add3A_1551 = arith.addi %mul3A_1549, %add3A_1550 : i32
        %add3A_1552 = arith.addi %add3A_1551, %scan3A_1547 : i32
        %broadcast_in_dim3A_1553 = vector.broadcast %add3A_1552 : i32 to vector<16xi32>
        %gather3A_1554 = tpu.vector_load_idx %arg9[%broadcast_in_dim3A_1553] : memref<6416xi32, #tpu.memory_space<vmem>>[vector<16xi32>], vector<16xi32>,
        %gt3A_1555 = arith.constant 0 : i32
        %gt3A_1556 = vector.broadcast %gt3A_1555 : i32 to vector<16xi32>
        %gt3A_1557 = arith.cmpi sgt, %gather3A_1554, %gt3A_1556 : vector<16xi32>
        %select_n3A_1558 = arith.select %gt3A_1557, %get3A_27, %get3A_19 : vector<16xi1>, vector<16xf32>
        %swap3A_1559 = arith.constant 1 : i32
        %swap3A_1560 = arith.index_cast %swap3A_1559 : i32 to index
        %swap3A_1561 = arith.index_cast %scan3A_1547 : i32 to index
        %swap3A_1562 = arith.constant 128 : index
        %swap3A_1563 = tpu.vector_load %arg14[%swap3A_1560, %swap3A_1561, %swap3A_1562] {strides = array<i32>} : memref<2x50x178xf32, #tpu.memory_space<vmem>>, vector<16xf32>,
        tpu.vector_store %arg14[%swap3A_1560, %swap3A_1561, %swap3A_1562], %select_n3A_1558 {strides = array<i32>} : memref<2x50x178xf32, #tpu.memory_space<vmem>>, vector<16xf32>,
        %select_n3A_1564 = arith.select %gt3A_1557, %get3A_29, %get3A_21 : vector<16xi1>, vector<16xf32>
        %swap3A_1565 = arith.constant 1 : i32
        %swap3A_1566 = arith.index_cast %swap3A_1565 : i32 to index
        %swap3A_1567 = arith.index_cast %scan3A_1547 : i32 to index
        %swap3A_1568 = arith.constant 144 : index
        %swap3A_1569 = tpu.vector_load %arg14[%swap3A_1566, %swap3A_1567, %swap3A_1568] {strides = array<i32>} : memref<2x50x178xf32, #tpu.memory_space<vmem>>, vector<16xf32>,
        tpu.vector_store %arg14[%swap3A_1566, %swap3A_1567, %swap3A_1568], %select_n3A_1564 {strides = array<i32>} : memref<2x50x178xf32, #tpu.memory_space<vmem>>, vector<16xf32>,
        %select_n3A_1570 = arith.select %gt3A_1557, %get3A_31, %get3A_23 : vector<16xi1>, vector<16xf32>
        %swap3A_1571 = arith.constant 1 : i32
        %swap3A_1572 = arith.index_cast %swap3A_1571 : i32 to index
        %swap3A_1573 = arith.index_cast %scan3A_1547 : i32 to index
        %swap3A_1574 = arith.constant 160 : index
        %swap3A_1575 = tpu.vector_load %arg14[%swap3A_1572, %swap3A_1573, %swap3A_1574] {strides = array<i32>} : memref<2x50x178xf32, #tpu.memory_space<vmem>>, vector<16xf32>,
        tpu.vector_store %arg14[%swap3A_1572, %swap3A_1573, %swap3A_1574], %select_n3A_1570 {strides = array<i32>} : memref<2x50x178xf32, #tpu.memory_space<vmem>>, vector<16xf32>,
        %select_n3A_1576 = arith.select %gt3A_1557, %get3A_33, %get3A_25 : vector<16xi1>, vector<16xf32>
        %swap3A_1577 = arith.constant 1 : i32
        %swap3A_1578 = arith.index_cast %swap3A_1577 : i32 to index
        %swap3A_1579 = arith.index_cast %scan3A_1547 : i32 to index
        %swap3A_1580 = arith.constant 162 : index
        %swap3A_1581 = tpu.vector_load %arg14[%swap3A_1578, %swap3A_1579, %swap3A_1580] {strides = array<i32>} : memref<2x50x178xf32, #tpu.memory_space<vmem>>, vector<16xf32>,
        tpu.vector_store %arg14[%swap3A_1578, %swap3A_1579, %swap3A_1580], %select_n3A_1576 {strides = array<i32>} : memref<2x50x178xf32, #tpu.memory_space<vmem>>, vector<16xf32>,
        %scan3A_1582 = arith.constant 0 : i32
        %scan3A_1583 = arith.constant 4 : i32
        %scan3A_1584 = arith.addi %scan3A_1437, %scan3A_1583 : i32
        %mul3A_1585 = arith.constant 100 : i32
        %mul3A_1586 = arith.muli %add3A_757, %mul3A_1585 : i32
        %add3A_1587 = arith.constant 50 : i32
        %add3A_1588 = arith.addi %mul3A_1586, %add3A_1587 : i32
        %add3A_1589 = arith.addi %add3A_1588, %scan3A_1584 : i32
        %broadcast_in_dim3A_1590 = vector.broadcast %add3A_1589 : i32 to vector<16xi32>
        %gather3A_1591 = tpu.vector_load_idx %arg9[%broadcast_in_dim3A_1590] : memref<6416xi32, #tpu.memory_space<vmem>>[vector<16xi32>], vector<16xi32>,
        %gt3A_1592 = arith.constant 0 : i32
        %gt3A_1593 = vector.broadcast %gt3A_1592 : i32 to vector<16xi32>
        %gt3A_1594 = arith.cmpi sgt, %gather3A_1591, %gt3A_1593 : vector<16xi32>
        %select_n3A_1595 = arith.select %gt3A_1594, %get3A_27, %get3A_19 : vector<16xi1>, vector<16xf32>
        %swap3A_1596 = arith.constant 1 : i32
        %swap3A_1597 = arith.index_cast %swap3A_1596 : i32 to index
        %swap3A_1598 = arith.index_cast %scan3A_1584 : i32 to index
        %swap3A_1599 = arith.constant 128 : index
        %swap3A_1600 = tpu.vector_load %arg14[%swap3A_1597, %swap3A_1598, %swap3A_1599] {strides = array<i32>} : memref<2x50x178xf32, #tpu.memory_space<vmem>>, vector<16xf32>,
        tpu.vector_store %arg14[%swap3A_1597, %swap3A_1598, %swap3A_1599], %select_n3A_1595 {strides = array<i32>} : memref<2x50x178xf32, #tpu.memory_space<vmem>>, vector<16xf32>,
        %select_n3A_1601 = arith.select %gt3A_1594, %get3A_29, %get3A_21 : vector<16xi1>, vector<16xf32>
        %swap3A_1602 = arith.constant 1 : i32
        %swap3A_1603 = arith.index_cast %swap3A_1602 : i32 to index
        %swap3A_1604 = arith.index_cast %scan3A_1584 : i32 to index
        %swap3A_1605 = arith.constant 144 : index
        %swap3A_1606 = tpu.vector_load %arg14[%swap3A_1603, %swap3A_1604, %swap3A_1605] {strides = array<i32>} : memref<2x50x178xf32, #tpu.memory_space<vmem>>, vector<16xf32>,
        tpu.vector_store %arg14[%swap3A_1603, %swap3A_1604, %swap3A_1605], %select_n3A_1601 {strides = array<i32>} : memref<2x50x178xf32, #tpu.memory_space<vmem>>, vector<16xf32>,
        %select_n3A_1607 = arith.select %gt3A_1594, %get3A_31, %get3A_23 : vector<16xi1>, vector<16xf32>
        %swap3A_1608 = arith.constant 1 : i32
        %swap3A_1609 = arith.index_cast %swap3A_1608 : i32 to index
        %swap3A_1610 = arith.index_cast %scan3A_1584 : i32 to index
        %swap3A_1611 = arith.constant 160 : index
        %swap3A_1612 = tpu.vector_load %arg14[%swap3A_1609, %swap3A_1610, %swap3A_1611] {strides = array<i32>} : memref<2x50x178xf32, #tpu.memory_space<vmem>>, vector<16xf32>,
        tpu.vector_store %arg14[%swap3A_1609, %swap3A_1610, %swap3A_1611], %select_n3A_1607 {strides = array<i32>} : memref<2x50x178xf32, #tpu.memory_space<vmem>>, vector<16xf32>,
        %select_n3A_1613 = arith.select %gt3A_1594, %get3A_33, %get3A_25 : vector<16xi1>, vector<16xf32>
        %swap3A_1614 = arith.constant 1 : i32
        %swap3A_1615 = arith.index_cast %swap3A_1614 : i32 to index
        %swap3A_1616 = arith.index_cast %scan3A_1584 : i32 to index
        %swap3A_1617 = arith.constant 162 : index
        %swap3A_1618 = tpu.vector_load %arg14[%swap3A_1615, %swap3A_1616, %swap3A_1617] {strides = array<i32>} : memref<2x50x178xf32, #tpu.memory_space<vmem>>, vector<16xf32>,
        tpu.vector_store %arg14[%swap3A_1615, %swap3A_1616, %swap3A_1617], %select_n3A_1613 {strides = array<i32>} : memref<2x50x178xf32, #tpu.memory_space<vmem>>, vector<16xf32>,
        %scan3A_1619 = arith.constant 0 : i32
        scf.yield %scan3A_1619 : i32
      }
      %scan3A_934 = arith.constant 50 : i32
      %mul3A_935 = arith.constant 100 : i32
      %mul3A_936 = arith.muli %add3A_757, %mul3A_935 : i32
      %add3A_937 = arith.constant 50 : i32
      %add3A_938 = arith.addi %mul3A_936, %add3A_937 : i32
      %add3A_939 = arith.constant 48 : i32
      %add3A_940 = arith.addi %add3A_938, %add3A_939 : i32
      %get3A_941 = arith.index_cast %add3A_940 : i32 to index
      %get3A_942 = tpu.vector_load %arg9[%get3A_941] {strides = array<i32>} : memref<6416xi32, #tpu.memory_space<vmem>>, vector<16xi32>,
      %iota3A_943 = tpu.iota {dimensions = array<i32: 0>} : vector<16xi32>
      %add3A_944 = arith.constant 48 : i32
      %add3A_945 = vector.broadcast %add3A_944 : i32 to vector<16xi32>
      %add3A_946 = arith.addi %iota3A_943, %add3A_945 : vector<16xi32>
      %gt3A_947 = arith.constant 0 : i32
      %gt3A_948 = vector.broadcast %gt3A_947 : i32 to vector<16xi32>
      %gt3A_949 = arith.cmpi sgt, %get3A_942, %gt3A_948 : vector<16xi32>
      %lt3A_950 = arith.constant 50 : i32
      %lt3A_951 = vector.broadcast %lt3A_950 : i32 to vector<16xi32>
      %lt3A_952 = arith.cmpi slt, %add3A_946, %lt3A_951 : vector<16xi32>
      %and3A_953 = arith.andi %gt3A_949, %lt3A_952 : vector<16xi1>
      %all_reduce_ffs3A_954 = tpu.all_reduce %and3A_953 {dim = 0 : i64, kind = #tpu.reduction_kind<find_first_set>} : vector<16xi1> -> vector<16xi32>
      %slice3A_955 = vector.extract_strided_slice %all_reduce_ffs3A_954 {offsets = [0], sizes = [1], strides = [1]} : vector<16xi32> to vector<1xi32>
      %squeeze3A_956 = vector.extract %slice3A_955[0] : i32 from vector<1xi32>
      %lt3A_957 = arith.constant 16 : i32
      %lt3A_958 = arith.cmpi slt, %squeeze3A_956, %lt3A_957 : i32
      %add3A_959 = arith.constant 48 : i32
      %add3A_960 = arith.addi %add3A_959, %squeeze3A_956 : i32
      %jit3A_961 = arith.constant 0 : i32
      %select_n3A_962 = arith.select %lt3A_958, %add3A_960, %jit3A_961 : i32
      %add3A_963 = arith.constant 32 : i32
      %add3A_964 = arith.addi %add3A_938, %add3A_963 : i32
      %get3A_965 = arith.index_cast %add3A_964 : i32 to index
      %get3A_966 = tpu.vector_load %arg9[%get3A_965] {strides = array<i32>} : memref<6416xi32, #tpu.memory_space<vmem>>, vector<16xi32>,
      %iota3A_967 = tpu.iota {dimensions = array<i32: 0>} : vector<16xi32>
      %add3A_968 = arith.constant 32 : i32
      %add3A_969 = vector.broadcast %add3A_968 : i32 to vector<16xi32>
      %add3A_970 = arith.addi %iota3A_967, %add3A_969 : vector<16xi32>
      %gt3A_971 = arith.constant 0 : i32
      %gt3A_972 = vector.broadcast %gt3A_971 : i32 to vector<16xi32>
      %gt3A_973 = arith.cmpi sgt, %get3A_966, %gt3A_972 : vector<16xi32>
      %lt3A_974 = arith.constant 50 : i32
      %lt3A_975 = vector.broadcast %lt3A_974 : i32 to vector<16xi32>
      %lt3A_976 = arith.cmpi slt, %add3A_970, %lt3A_975 : vector<16xi32>
      %and3A_977 = arith.andi %gt3A_973, %lt3A_976 : vector<16xi1>
      %all_reduce_ffs3A_978 = tpu.all_reduce %and3A_977 {dim = 0 : i64, kind = #tpu.reduction_kind<find_first_set>} : vector<16xi1> -> vector<16xi32>
      %slice3A_979 = vector.extract_strided_slice %all_reduce_ffs3A_978 {offsets = [0], sizes = [1], strides = [1]} : vector<16xi32> to vector<1xi32>
      %squeeze3A_980 = vector.extract %slice3A_979[0] : i32 from vector<1xi32>
      %lt3A_981 = arith.constant 16 : i32
      %lt3A_982 = arith.cmpi slt, %squeeze3A_980, %lt3A_981 : i32
      %add3A_983 = arith.constant 32 : i32
      %add3A_984 = arith.addi %add3A_983, %squeeze3A_980 : i32
      %select_n3A_985 = arith.select %lt3A_982, %add3A_984, %select_n3A_962 : i32
      %add3A_986 = arith.constant 16 : i32
      %add3A_987 = arith.addi %add3A_938, %add3A_986 : i32
      %get3A_988 = arith.index_cast %add3A_987 : i32 to index
      %get3A_989 = tpu.vector_load %arg9[%get3A_988] {strides = array<i32>} : memref<6416xi32, #tpu.memory_space<vmem>>, vector<16xi32>,
      %iota3A_990 = tpu.iota {dimensions = array<i32: 0>} : vector<16xi32>
      %add3A_991 = arith.constant 16 : i32
      %add3A_992 = vector.broadcast %add3A_991 : i32 to vector<16xi32>
      %add3A_993 = arith.addi %iota3A_990, %add3A_992 : vector<16xi32>
      %gt3A_994 = arith.constant 0 : i32
      %gt3A_995 = vector.broadcast %gt3A_994 : i32 to vector<16xi32>
      %gt3A_996 = arith.cmpi sgt, %get3A_989, %gt3A_995 : vector<16xi32>
      %lt3A_997 = arith.constant 50 : i32
      %lt3A_998 = vector.broadcast %lt3A_997 : i32 to vector<16xi32>
      %lt3A_999 = arith.cmpi slt, %add3A_993, %lt3A_998 : vector<16xi32>
      %and3A_1000 = arith.andi %gt3A_996, %lt3A_999 : vector<16xi1>
      %all_reduce_ffs3A_1001 = tpu.all_reduce %and3A_1000 {dim = 0 : i64, kind = #tpu.reduction_kind<find_first_set>} : vector<16xi1> -> vector<16xi32>
      %slice3A_1002 = vector.extract_strided_slice %all_reduce_ffs3A_1001 {offsets = [0], sizes = [1], strides = [1]} : vector<16xi32> to vector<1xi32>
      %squeeze3A_1003 = vector.extract %slice3A_1002[0] : i32 from vector<1xi32>
      %lt3A_1004 = arith.constant 16 : i32
      %lt3A_1005 = arith.cmpi slt, %squeeze3A_1003, %lt3A_1004 : i32
      %add3A_1006 = arith.constant 16 : i32
      %add3A_1007 = arith.addi %add3A_1006, %squeeze3A_1003 : i32
      %select_n3A_1008 = arith.select %lt3A_1005, %add3A_1007, %select_n3A_985 : i32
      %add3A_1009 = arith.constant 0 : i32
      %add3A_1010 = arith.addi %add3A_938, %add3A_1009 : i32
      %get3A_1011 = arith.index_cast %add3A_1010 : i32 to index
      %get3A_1012 = tpu.vector_load %arg9[%get3A_1011] {strides = array<i32>} : memref<6416xi32, #tpu.memory_space<vmem>>, vector<16xi32>,
      %iota3A_1013 = tpu.iota {dimensions = array<i32: 0>} : vector<16xi32>
      %add3A_1014 = arith.constant 0 : i32
      %add3A_1015 = vector.broadcast %add3A_1014 : i32 to vector<16xi32>
      %add3A_1016 = arith.addi %iota3A_1013, %add3A_1015 : vector<16xi32>
      %gt3A_1017 = arith.constant 0 : i32
      %gt3A_1018 = vector.broadcast %gt3A_1017 : i32 to vector<16xi32>
      %gt3A_1019 = arith.cmpi sgt, %get3A_1012, %gt3A_1018 : vector<16xi32>
      %lt3A_1020 = arith.constant 50 : i32
      %lt3A_1021 = vector.broadcast %lt3A_1020 : i32 to vector<16xi32>
      %lt3A_1022 = arith.cmpi slt, %add3A_1016, %lt3A_1021 : vector<16xi32>
      %and3A_1023 = arith.andi %gt3A_1019, %lt3A_1022 : vector<16xi1>
      %all_reduce_ffs3A_1024 = tpu.all_reduce %and3A_1023 {dim = 0 : i64, kind = #tpu.reduction_kind<find_first_set>} : vector<16xi1> -> vector<16xi32>
      %slice3A_1025 = vector.extract_strided_slice %all_reduce_ffs3A_1024 {offsets = [0], sizes = [1], strides = [1]} : vector<16xi32> to vector<1xi32>
      %squeeze3A_1026 = vector.extract %slice3A_1025[0] : i32 from vector<1xi32>
      %lt3A_1027 = arith.constant 16 : i32
      %lt3A_1028 = arith.cmpi slt, %squeeze3A_1026, %lt3A_1027 : i32
      %add3A_1029 = arith.constant 0 : i32
      %add3A_1030 = arith.addi %add3A_1029, %squeeze3A_1026 : i32
      %select_n3A_1031 = arith.select %lt3A_1028, %add3A_1030, %select_n3A_1008 : i32
      %swap3A_1032 = arith.constant 1 : i32
      %swap3A_1033 = arith.index_cast %swap3A_1032 : i32 to index
      %swap3A_1034 = arith.index_cast %select_n3A_1031 : i32 to index
      %swap3A_1035 = arith.constant 0 : index
      %swap3A_1036 = tpu.vector_load %arg14[%swap3A_1033, %swap3A_1034, %swap3A_1035] {strides = array<i32>} : memref<2x50x178xf32, #tpu.memory_space<vmem>>, vector<16xf32>,
      tpu.vector_store %arg14[%swap3A_1033, %swap3A_1034, %swap3A_1035], %get3A_3 {strides = array<i32>} : memref<2x50x178xf32, #tpu.memory_space<vmem>>, vector<16xf32>,
      %swap3A_1037 = arith.constant 1 : i32
      %swap3A_1038 = arith.index_cast %swap3A_1037 : i32 to index
      %swap3A_1039 = arith.index_cast %select_n3A_1031 : i32 to index
      %swap3A_1040 = arith.constant 16 : index
      %swap3A_1041 = tpu.vector_load %arg14[%swap3A_1038, %swap3A_1039, %swap3A_1040] {strides = array<i32>} : memref<2x50x178xf32, #tpu.memory_space<vmem>>, vector<16xf32>,
      tpu.vector_store %arg14[%swap3A_1038, %swap3A_1039, %swap3A_1040], %get3A_5 {strides = array<i32>} : memref<2x50x178xf32, #tpu.memory_space<vmem>>, vector<16xf32>,
      %swap3A_1042 = arith.constant 1 : i32
      %swap3A_1043 = arith.index_cast %swap3A_1042 : i32 to index
      %swap3A_1044 = arith.index_cast %select_n3A_1031 : i32 to index
      %swap3A_1045 = arith.constant 32 : index
      %swap3A_1046 = tpu.vector_load %arg14[%swap3A_1043, %swap3A_1044, %swap3A_1045] {strides = array<i32>} : memref<2x50x178xf32, #tpu.memory_space<vmem>>, vector<16xf32>,
      tpu.vector_store %arg14[%swap3A_1043, %swap3A_1044, %swap3A_1045], %get3A_7 {strides = array<i32>} : memref<2x50x178xf32, #tpu.memory_space<vmem>>, vector<16xf32>,
      %swap3A_1047 = arith.constant 1 : i32
      %swap3A_1048 = arith.index_cast %swap3A_1047 : i32 to index
      %swap3A_1049 = arith.index_cast %select_n3A_1031 : i32 to index
      %swap3A_1050 = arith.constant 48 : index
      %swap3A_1051 = tpu.vector_load %arg14[%swap3A_1048, %swap3A_1049, %swap3A_1050] {strides = array<i32>} : memref<2x50x178xf32, #tpu.memory_space<vmem>>, vector<16xf32>,
      tpu.vector_store %arg14[%swap3A_1048, %swap3A_1049, %swap3A_1050], %get3A_9 {strides = array<i32>} : memref<2x50x178xf32, #tpu.memory_space<vmem>>, vector<16xf32>,
      %swap3A_1052 = arith.constant 1 : i32
      %swap3A_1053 = arith.index_cast %swap3A_1052 : i32 to index
      %swap3A_1054 = arith.index_cast %select_n3A_1031 : i32 to index
      %swap3A_1055 = arith.constant 64 : index
      %swap3A_1056 = tpu.vector_load %arg14[%swap3A_1053, %swap3A_1054, %swap3A_1055] {strides = array<i32>} : memref<2x50x178xf32, #tpu.memory_space<vmem>>, vector<16xf32>,
      tpu.vector_store %arg14[%swap3A_1053, %swap3A_1054, %swap3A_1055], %get3A_11 {strides = array<i32>} : memref<2x50x178xf32, #tpu.memory_space<vmem>>, vector<16xf32>,
      %swap3A_1057 = arith.constant 1 : i32
      %swap3A_1058 = arith.index_cast %swap3A_1057 : i32 to index
      %swap3A_1059 = arith.index_cast %select_n3A_1031 : i32 to index
      %swap3A_1060 = arith.constant 80 : index
      %swap3A_1061 = tpu.vector_load %arg14[%swap3A_1058, %swap3A_1059, %swap3A_1060] {strides = array<i32>} : memref<2x50x178xf32, #tpu.memory_space<vmem>>, vector<16xf32>,
      tpu.vector_store %arg14[%swap3A_1058, %swap3A_1059, %swap3A_1060], %get3A_13 {strides = array<i32>} : memref<2x50x178xf32, #tpu.memory_space<vmem>>, vector<16xf32>,
      %swap3A_1062 = arith.constant 1 : i32
      %swap3A_1063 = arith.index_cast %swap3A_1062 : i32 to index
      %swap3A_1064 = arith.index_cast %select_n3A_1031 : i32 to index
      %swap3A_1065 = arith.constant 96 : index
      %swap3A_1066 = tpu.vector_load %arg14[%swap3A_1063, %swap3A_1064, %swap3A_1065] {strides = array<i32>} : memref<2x50x178xf32, #tpu.memory_space<vmem>>, vector<16xf32>,
      tpu.vector_store %arg14[%swap3A_1063, %swap3A_1064, %swap3A_1065], %get3A_15 {strides = array<i32>} : memref<2x50x178xf32, #tpu.memory_space<vmem>>, vector<16xf32>,
      %swap3A_1067 = arith.constant 1 : i32
      %swap3A_1068 = arith.index_cast %swap3A_1067 : i32 to index
      %swap3A_1069 = arith.index_cast %select_n3A_1031 : i32 to index
      %swap3A_1070 = arith.constant 112 : index
      %swap3A_1071 = tpu.vector_load %arg14[%swap3A_1068, %swap3A_1069, %swap3A_1070] {strides = array<i32>} : memref<2x50x178xf32, #tpu.memory_space<vmem>>, vector<16xf32>,
      tpu.vector_store %arg14[%swap3A_1068, %swap3A_1069, %swap3A_1070], %get3A_17 {strides = array<i32>} : memref<2x50x178xf32, #tpu.memory_space<vmem>>, vector<16xf32>,
      %mul3A_1072 = arith.constant 2 : i32
      %mul3A_1073 = arith.muli %add3A_757, %mul3A_1072 : i32
      %add3A_1074 = arith.addi %mul3A_2, %mul3A_1073 : i32
      %dma_start3A_1075 = arith.constant 0 : i32
      %dma_start3A_1076 = arith.constant 0 : i32
      %dma_start3A_1077 = tpu.memref_slice %arg7[%add3A_1074, %dma_start3A_1075, %dma_start3A_1076] : memref<4096x50x178xf32, #tpu.memory_space<hbm>> -> memref<2x50x178xf32, #tpu.memory_space<hbm>>
      %dma_start3A_1078 = arith.constant 0 : i32
      %dma_start3A_1079 = arith.constant 0 : i32
      %dma_start3A_1080 = tpu.memref_slice %arg7[%add3A_1074, %dma_start3A_1078, %dma_start3A_1079] : memref<4096x50x178xf32, #tpu.memory_space<hbm>> -> memref<2x50x178xf32, #tpu.memory_space<hbm>>
      tpu.enqueue_dma source(%arg14 : memref<2x50x178xf32, #tpu.memory_space<vmem>>) target(%dma_start3A_1080 : memref<2x50x178xf32, #tpu.memory_space<hbm>>) target_semaphore(%arg20 : memref<!tpu.dma_semaphore, #tpu.memory_space<semaphore_mem>>)
      %dma_wait3A_1081 = arith.constant 0 : i32
      %dma_wait3A_1082 = arith.constant 0 : i32
      %dma_wait3A_1083 = tpu.memref_slice %arg7[%mul3A_2, %dma_wait3A_1081, %dma_wait3A_1082] : memref<4096x50x178xf32, #tpu.memory_space<hbm>> -> memref<2x50x178xf32, #tpu.memory_space<hbm>>
      %dma_wait3A_1084 = arith.constant 0 : i32
      %dma_wait3A_1085 = arith.constant 0 : i32
      %dma_wait3A_1086 = tpu.memref_slice %arg7[%mul3A_2, %dma_wait3A_1084, %dma_wait3A_1085] : memref<4096x50x178xf32, #tpu.memory_space<hbm>> -> memref<2x50x178xf32, #tpu.memory_space<hbm>>
      tpu.wait_dma2 semaphore(%arg19 : memref<!tpu.dma_semaphore, #tpu.memory_space<semaphore_mem>>) src(%arg13 : memref<2x50x178xf32, #tpu.memory_space<vmem>>) dst(%dma_wait3A_1086 : memref<2x50x178xf32, #tpu.memory_space<hbm>>)
      %add3A_1087 = arith.constant 2 : i32
      %add3A_1088 = arith.addi %add3A_757, %add3A_1087 : i32
      %lt3A_1089 = arith.constant 64 : i32
      %lt3A_1090 = arith.cmpi slt, %add3A_1088, %lt3A_1089 : i32
      %convert_element_type3A_1091 = arith.extui %lt3A_1090 : i1 to i32
      %cond3A_1092 = arith.constant 0 : i32
      %cond3A_1093 = arith.cmpi ne, %convert_element_type3A_1091, %cond3A_1092 : i32
      scf.if %cond3A_1093 {
        %add3A_1437 = arith.constant 2 : i32
        %add3A_1438 = arith.addi %add3A_757, %add3A_1437 : i32
        %dma_start3A_1439 = arith.constant 0 : i32
        %dma_start3A_1440 = arith.constant 0 : i32
        %dma_start3A_1441 = arith.constant 0 : i32
        %dma_start3A_1442 = arith.constant 0 : i32
        %dma_start3A_1443 = tpu.memref_slice %arg13[%dma_start3A_1440, %dma_start3A_1441, %dma_start3A_1442] : memref<2x50x178xf32, #tpu.memory_space<vmem>> -> memref<1x50x128xf32, #tpu.memory_space<vmem>>
        %dma_start3A_1444 = tpu.memref_squeeze %dma_start3A_1443 : memref<1x50x128xf32, #tpu.memory_space<vmem>> -> memref<50x128xf32, #tpu.memory_space<vmem>>
        %dma_start3A_1445 = arith.constant 0 : i32
        %dma_start3A_1446 = tpu.memref_slice %arg8[%add3A_1438, %dma_start3A_1439, %dma_start3A_1445] : memref<64x2x50xi32, #tpu.memory_space<vmem>> -> memref<1x1x50xi32, #tpu.memory_space<vmem>>
        %dma_start3A_1447 = tpu.memref_squeeze %dma_start3A_1446 : memref<1x1x50xi32, #tpu.memory_space<vmem>> -> memref<50xi32, #tpu.memory_space<vmem>>
        %dma_start3A_1448 = arith.constant 0 : i32
        %dma_start3A_1449 = arith.constant 0 : i32
        %dma_start3A_1450 = tpu.memref_slice %arg4[%dma_start3A_1448, %dma_start3A_1449] : memref<100000x128xf32, #tpu.memory_space<hbm>> -> memref<100000x128xf32, #tpu.memory_space<hbm>>
        tpu.enqueue_indirect_dma source(%dma_start3A_1450 : memref<100000x128xf32, #tpu.memory_space<hbm>>) target(%dma_start3A_1444 : memref<50x128xf32, #tpu.memory_space<vmem>>) offsets(%dma_start3A_1447 : memref<50xi32, #tpu.memory_space<vmem>>) semaphore(%arg16 : memref<!tpu.dma_semaphore, #tpu.memory_space<semaphore_mem>>)
        %dma_start3A_1451 = arith.constant 1 : i32
        %dma_start3A_1452 = arith.constant 1 : i32
        %dma_start3A_1453 = arith.constant 0 : i32
        %dma_start3A_1454 = arith.constant 0 : i32
        %dma_start3A_1455 = tpu.memref_slice %arg13[%dma_start3A_1452, %dma_start3A_1453, %dma_start3A_1454] : memref<2x50x178xf32, #tpu.memory_space<vmem>> -> memref<1x50x128xf32, #tpu.memory_space<vmem>>
        %dma_start3A_1456 = tpu.memref_squeeze %dma_start3A_1455 : memref<1x50x128xf32, #tpu.memory_space<vmem>> -> memref<50x128xf32, #tpu.memory_space<vmem>>
        %dma_start3A_1457 = arith.constant 0 : i32
        %dma_start3A_1458 = tpu.memref_slice %arg8[%add3A_1438, %dma_start3A_1451, %dma_start3A_1457] : memref<64x2x50xi32, #tpu.memory_space<vmem>> -> memref<1x1x50xi32, #tpu.memory_space<vmem>>
        %dma_start3A_1459 = tpu.memref_squeeze %dma_start3A_1458 : memref<1x1x50xi32, #tpu.memory_space<vmem>> -> memref<50xi32, #tpu.memory_space<vmem>>
        %dma_start3A_1460 = arith.constant 0 : i32
        %dma_start3A_1461 = arith.constant 0 : i32
        %dma_start3A_1462 = tpu.memref_slice %arg4[%dma_start3A_1460, %dma_start3A_1461] : memref<100000x128xf32, #tpu.memory_space<hbm>> -> memref<100000x128xf32, #tpu.memory_space<hbm>>
        tpu.enqueue_indirect_dma source(%dma_start3A_1462 : memref<100000x128xf32, #tpu.memory_space<hbm>>) target(%dma_start3A_1456 : memref<50x128xf32, #tpu.memory_space<vmem>>) offsets(%dma_start3A_1459 : memref<50xi32, #tpu.memory_space<vmem>>) semaphore(%arg16 : memref<!tpu.dma_semaphore, #tpu.memory_space<semaphore_mem>>)
      } else {
      }
      %mul3A_1094 = arith.constant 3 : i32
      %mul3A_1095 = arith.muli %mul3A_1094, %scan3A_410 : i32
      %add3A_1096 = arith.constant 1 : i32
      %add3A_1097 = arith.addi %add3A_1096, %mul3A_1095 : i32
      %add3A_1098 = arith.constant 2 : i32
      %add3A_1099 = arith.addi %add3A_1097, %add3A_1098 : i32
      %dma_wait3A_1100 = arith.constant 0 : i32
      %dma_wait3A_1101 = arith.constant 0 : i32
      %dma_wait3A_1102 = arith.constant 0 : i32
      %dma_wait3A_1103 = arith.constant 0 : i32
      %dma_wait3A_1104 = arith.constant 0 : i32
      %dma_wait3A_1105 = tpu.memref_slice %arg12[%dma_wait3A_1102, %dma_wait3A_1103, %dma_wait3A_1104] : memref<2x50x178xf32, #tpu.memory_space<vmem>> -> memref<1x50x128xf32, #tpu.memory_space<vmem>>
      %dma_wait3A_1106 = tpu.memref_squeeze %dma_wait3A_1105 : memref<1x50x128xf32, #tpu.memory_space<vmem>> -> memref<50x128xf32, #tpu.memory_space<vmem>>
      %dma_wait3A_1107 = arith.constant 0 : i32
      %dma_wait3A_1108 = tpu.memref_slice %arg8[%dma_wait3A_1100, %dma_wait3A_1101, %dma_wait3A_1107] : memref<64x2x50xi32, #tpu.memory_space<vmem>> -> memref<1x1x50xi32, #tpu.memory_space<vmem>>
      %dma_wait3A_1109 = tpu.memref_squeeze %dma_wait3A_1108 : memref<1x1x50xi32, #tpu.memory_space<vmem>> -> memref<50xi32, #tpu.memory_space<vmem>>
      %dma_wait3A_1110 = arith.constant 0 : i32
      %dma_wait3A_1111 = arith.constant 0 : i32
      %dma_wait3A_1112 = tpu.memref_slice %arg4[%dma_wait3A_1110, %dma_wait3A_1111] : memref<100000x128xf32, #tpu.memory_space<hbm>> -> memref<100000x128xf32, #tpu.memory_space<hbm>>
      tpu.wait_indirect_dma semaphore(%arg15 : memref<!tpu.dma_semaphore, #tpu.memory_space<semaphore_mem>>) src(%dma_wait3A_1112 : memref<100000x128xf32, #tpu.memory_space<hbm>>) dst(%dma_wait3A_1106 : memref<50x128xf32, #tpu.memory_space<vmem>>)
      %dma_wait3A_1113 = arith.constant 0 : i32
      %dma_wait3A_1114 = arith.constant 1 : i32
      %dma_wait3A_1115 = arith.constant 1 : i32
      %dma_wait3A_1116 = arith.constant 0 : i32
      %dma_wait3A_1117 = arith.constant 0 : i32
      %dma_wait3A_1118 = tpu.memref_slice %arg12[%dma_wait3A_1115, %dma_wait3A_1116, %dma_wait3A_1117] : memref<2x50x178xf32, #tpu.memory_space<vmem>> -> memref<1x50x128xf32, #tpu.memory_space<vmem>>
      %dma_wait3A_1119 = tpu.memref_squeeze %dma_wait3A_1118 : memref<1x50x128xf32, #tpu.memory_space<vmem>> -> memref<50x128xf32, #tpu.memory_space<vmem>>
      %dma_wait3A_1120 = arith.constant 0 : i32
      %dma_wait3A_1121 = tpu.memref_slice %arg8[%dma_wait3A_1113, %dma_wait3A_1114, %dma_wait3A_1120] : memref<64x2x50xi32, #tpu.memory_space<vmem>> -> memref<1x1x50xi32, #tpu.memory_space<vmem>>
      %dma_wait3A_1122 = tpu.memref_squeeze %dma_wait3A_1121 : memref<1x1x50xi32, #tpu.memory_space<vmem>> -> memref<50xi32, #tpu.memory_space<vmem>>
      %dma_wait3A_1123 = arith.constant 0 : i32
      %dma_wait3A_1124 = arith.constant 0 : i32
      %dma_wait3A_1125 = tpu.memref_slice %arg4[%dma_wait3A_1123, %dma_wait3A_1124] : memref<100000x128xf32, #tpu.memory_space<hbm>> -> memref<100000x128xf32, #tpu.memory_space<hbm>>
      tpu.wait_indirect_dma semaphore(%arg15 : memref<!tpu.dma_semaphore, #tpu.memory_space<semaphore_mem>>) src(%dma_wait3A_1125 : memref<100000x128xf32, #tpu.memory_space<hbm>>) dst(%dma_wait3A_1119 : memref<50x128xf32, #tpu.memory_space<vmem>>)
      %scan3A_1126 = arith.constant 0 : i32
      %scan3A_1127 = arith.constant 0 : i32
      %scan3A_1128 = arith.constant 50 : i32
      %scan3A_1129 = arith.addi %scan3A_1127, %scan3A_1128 : i32
      %scan3A_1130 = arith.constant 5 : i32
      %scan3A_1131 = scf.for %scan3A_1437 = %scan3A_1127 to %scan3A_1129 step %scan3A_1130 iter_args(%scan3A_1438 = %scan3A_1126) -> (i32)  : i32 {
        %mul3A_1439 = arith.constant 100 : i32
        %mul3A_1440 = arith.muli %add3A_1099, %mul3A_1439 : i32
        %add3A_1441 = arith.constant 0 : i32
        %add3A_1442 = arith.addi %mul3A_1440, %add3A_1441 : i32
        %add3A_1443 = arith.addi %add3A_1442, %scan3A_1437 : i32
        %broadcast_in_dim3A = vector.broadcast %add3A_1443 : i32 to vector<16xi32>
        %gather3A = tpu.vector_load_idx %arg9[%broadcast_in_dim3A] : memref<6416xi32, #tpu.memory_space<vmem>>[vector<16xi32>], vector<16xi32>,
        %gt3A_1444 = arith.constant 0 : i32
        %gt3A_1445 = vector.broadcast %gt3A_1444 : i32 to vector<16xi32>
        %gt3A_1446 = arith.cmpi sgt, %gather3A, %gt3A_1445 : vector<16xi32>
        %select_n3A_1447 = arith.select %gt3A_1446, %get3A_27, %get3A_19 : vector<16xi1>, vector<16xf32>
        %swap3A_1448 = arith.constant 0 : i32
        %swap3A_1449 = arith.index_cast %swap3A_1448 : i32 to index
        %swap3A_1450 = arith.index_cast %scan3A_1437 : i32 to index
        %swap3A_1451 = arith.constant 128 : index
        %swap3A_1452 = tpu.vector_load %arg12[%swap3A_1449, %swap3A_1450, %swap3A_1451] {strides = array<i32>} : memref<2x50x178xf32, #tpu.memory_space<vmem>>, vector<16xf32>,
        tpu.vector_store %arg12[%swap3A_1449, %swap3A_1450, %swap3A_1451], %select_n3A_1447 {strides = array<i32>} : memref<2x50x178xf32, #tpu.memory_space<vmem>>, vector<16xf32>,
        %select_n3A_1453 = arith.select %gt3A_1446, %get3A_29, %get3A_21 : vector<16xi1>, vector<16xf32>
        %swap3A_1454 = arith.constant 0 : i32
        %swap3A_1455 = arith.index_cast %swap3A_1454 : i32 to index
        %swap3A_1456 = arith.index_cast %scan3A_1437 : i32 to index
        %swap3A_1457 = arith.constant 144 : index
        %swap3A_1458 = tpu.vector_load %arg12[%swap3A_1455, %swap3A_1456, %swap3A_1457] {strides = array<i32>} : memref<2x50x178xf32, #tpu.memory_space<vmem>>, vector<16xf32>,
        tpu.vector_store %arg12[%swap3A_1455, %swap3A_1456, %swap3A_1457], %select_n3A_1453 {strides = array<i32>} : memref<2x50x178xf32, #tpu.memory_space<vmem>>, vector<16xf32>,
        %select_n3A_1459 = arith.select %gt3A_1446, %get3A_31, %get3A_23 : vector<16xi1>, vector<16xf32>
        %swap3A_1460 = arith.constant 0 : i32
        %swap3A_1461 = arith.index_cast %swap3A_1460 : i32 to index
        %swap3A_1462 = arith.index_cast %scan3A_1437 : i32 to index
        %swap3A_1463 = arith.constant 160 : index
        %swap3A_1464 = tpu.vector_load %arg12[%swap3A_1461, %swap3A_1462, %swap3A_1463] {strides = array<i32>} : memref<2x50x178xf32, #tpu.memory_space<vmem>>, vector<16xf32>,
        tpu.vector_store %arg12[%swap3A_1461, %swap3A_1462, %swap3A_1463], %select_n3A_1459 {strides = array<i32>} : memref<2x50x178xf32, #tpu.memory_space<vmem>>, vector<16xf32>,
        %select_n3A_1465 = arith.select %gt3A_1446, %get3A_33, %get3A_25 : vector<16xi1>, vector<16xf32>
        %swap3A_1466 = arith.constant 0 : i32
        %swap3A_1467 = arith.index_cast %swap3A_1466 : i32 to index
        %swap3A_1468 = arith.index_cast %scan3A_1437 : i32 to index
        %swap3A_1469 = arith.constant 162 : index
        %swap3A_1470 = tpu.vector_load %arg12[%swap3A_1467, %swap3A_1468, %swap3A_1469] {strides = array<i32>} : memref<2x50x178xf32, #tpu.memory_space<vmem>>, vector<16xf32>,
        tpu.vector_store %arg12[%swap3A_1467, %swap3A_1468, %swap3A_1469], %select_n3A_1465 {strides = array<i32>} : memref<2x50x178xf32, #tpu.memory_space<vmem>>, vector<16xf32>,
        %scan3A_1471 = arith.constant 0 : i32
        %scan3A_1472 = arith.constant 1 : i32
        %scan3A_1473 = arith.addi %scan3A_1437, %scan3A_1472 : i32
        %mul3A_1474 = arith.constant 100 : i32
        %mul3A_1475 = arith.muli %add3A_1099, %mul3A_1474 : i32
        %add3A_1476 = arith.constant 0 : i32
        %add3A_1477 = arith.addi %mul3A_1475, %add3A_1476 : i32
        %add3A_1478 = arith.addi %add3A_1477, %scan3A_1473 : i32
        %broadcast_in_dim3A_1479 = vector.broadcast %add3A_1478 : i32 to vector<16xi32>
        %gather3A_1480 = tpu.vector_load_idx %arg9[%broadcast_in_dim3A_1479] : memref<6416xi32, #tpu.memory_space<vmem>>[vector<16xi32>], vector<16xi32>,
        %gt3A_1481 = arith.constant 0 : i32
        %gt3A_1482 = vector.broadcast %gt3A_1481 : i32 to vector<16xi32>
        %gt3A_1483 = arith.cmpi sgt, %gather3A_1480, %gt3A_1482 : vector<16xi32>
        %select_n3A_1484 = arith.select %gt3A_1483, %get3A_27, %get3A_19 : vector<16xi1>, vector<16xf32>
        %swap3A_1485 = arith.constant 0 : i32
        %swap3A_1486 = arith.index_cast %swap3A_1485 : i32 to index
        %swap3A_1487 = arith.index_cast %scan3A_1473 : i32 to index
        %swap3A_1488 = arith.constant 128 : index
        %swap3A_1489 = tpu.vector_load %arg12[%swap3A_1486, %swap3A_1487, %swap3A_1488] {strides = array<i32>} : memref<2x50x178xf32, #tpu.memory_space<vmem>>, vector<16xf32>,
        tpu.vector_store %arg12[%swap3A_1486, %swap3A_1487, %swap3A_1488], %select_n3A_1484 {strides = array<i32>} : memref<2x50x178xf32, #tpu.memory_space<vmem>>, vector<16xf32>,
        %select_n3A_1490 = arith.select %gt3A_1483, %get3A_29, %get3A_21 : vector<16xi1>, vector<16xf32>
        %swap3A_1491 = arith.constant 0 : i32
        %swap3A_1492 = arith.index_cast %swap3A_1491 : i32 to index
        %swap3A_1493 = arith.index_cast %scan3A_1473 : i32 to index
        %swap3A_1494 = arith.constant 144 : index
        %swap3A_1495 = tpu.vector_load %arg12[%swap3A_1492, %swap3A_1493, %swap3A_1494] {strides = array<i32>} : memref<2x50x178xf32, #tpu.memory_space<vmem>>, vector<16xf32>,
        tpu.vector_store %arg12[%swap3A_1492, %swap3A_1493, %swap3A_1494], %select_n3A_1490 {strides = array<i32>} : memref<2x50x178xf32, #tpu.memory_space<vmem>>, vector<16xf32>,
        %select_n3A_1496 = arith.select %gt3A_1483, %get3A_31, %get3A_23 : vector<16xi1>, vector<16xf32>
        %swap3A_1497 = arith.constant 0 : i32
        %swap3A_1498 = arith.index_cast %swap3A_1497 : i32 to index
        %swap3A_1499 = arith.index_cast %scan3A_1473 : i32 to index
        %swap3A_1500 = arith.constant 160 : index
        %swap3A_1501 = tpu.vector_load %arg12[%swap3A_1498, %swap3A_1499, %swap3A_1500] {strides = array<i32>} : memref<2x50x178xf32, #tpu.memory_space<vmem>>, vector<16xf32>,
        tpu.vector_store %arg12[%swap3A_1498, %swap3A_1499, %swap3A_1500], %select_n3A_1496 {strides = array<i32>} : memref<2x50x178xf32, #tpu.memory_space<vmem>>, vector<16xf32>,
        %select_n3A_1502 = arith.select %gt3A_1483, %get3A_33, %get3A_25 : vector<16xi1>, vector<16xf32>
        %swap3A_1503 = arith.constant 0 : i32
        %swap3A_1504 = arith.index_cast %swap3A_1503 : i32 to index
        %swap3A_1505 = arith.index_cast %scan3A_1473 : i32 to index
        %swap3A_1506 = arith.constant 162 : index
        %swap3A_1507 = tpu.vector_load %arg12[%swap3A_1504, %swap3A_1505, %swap3A_1506] {strides = array<i32>} : memref<2x50x178xf32, #tpu.memory_space<vmem>>, vector<16xf32>,
        tpu.vector_store %arg12[%swap3A_1504, %swap3A_1505, %swap3A_1506], %select_n3A_1502 {strides = array<i32>} : memref<2x50x178xf32, #tpu.memory_space<vmem>>, vector<16xf32>,
        %scan3A_1508 = arith.constant 0 : i32
        %scan3A_1509 = arith.constant 2 : i32
        %scan3A_1510 = arith.addi %scan3A_1437, %scan3A_1509 : i32
        %mul3A_1511 = arith.constant 100 : i32
        %mul3A_1512 = arith.muli %add3A_1099, %mul3A_1511 : i32
        %add3A_1513 = arith.constant 0 : i32
        %add3A_1514 = arith.addi %mul3A_1512, %add3A_1513 : i32
        %add3A_1515 = arith.addi %add3A_1514, %scan3A_1510 : i32
        %broadcast_in_dim3A_1516 = vector.broadcast %add3A_1515 : i32 to vector<16xi32>
        %gather3A_1517 = tpu.vector_load_idx %arg9[%broadcast_in_dim3A_1516] : memref<6416xi32, #tpu.memory_space<vmem>>[vector<16xi32>], vector<16xi32>,
        %gt3A_1518 = arith.constant 0 : i32
        %gt3A_1519 = vector.broadcast %gt3A_1518 : i32 to vector<16xi32>
        %gt3A_1520 = arith.cmpi sgt, %gather3A_1517, %gt3A_1519 : vector<16xi32>
        %select_n3A_1521 = arith.select %gt3A_1520, %get3A_27, %get3A_19 : vector<16xi1>, vector<16xf32>
        %swap3A_1522 = arith.constant 0 : i32
        %swap3A_1523 = arith.index_cast %swap3A_1522 : i32 to index
        %swap3A_1524 = arith.index_cast %scan3A_1510 : i32 to index
        %swap3A_1525 = arith.constant 128 : index
        %swap3A_1526 = tpu.vector_load %arg12[%swap3A_1523, %swap3A_1524, %swap3A_1525] {strides = array<i32>} : memref<2x50x178xf32, #tpu.memory_space<vmem>>, vector<16xf32>,
        tpu.vector_store %arg12[%swap3A_1523, %swap3A_1524, %swap3A_1525], %select_n3A_1521 {strides = array<i32>} : memref<2x50x178xf32, #tpu.memory_space<vmem>>, vector<16xf32>,
        %select_n3A_1527 = arith.select %gt3A_1520, %get3A_29, %get3A_21 : vector<16xi1>, vector<16xf32>
        %swap3A_1528 = arith.constant 0 : i32
        %swap3A_1529 = arith.index_cast %swap3A_1528 : i32 to index
        %swap3A_1530 = arith.index_cast %scan3A_1510 : i32 to index
        %swap3A_1531 = arith.constant 144 : index
        %swap3A_1532 = tpu.vector_load %arg12[%swap3A_1529, %swap3A_1530, %swap3A_1531] {strides = array<i32>} : memref<2x50x178xf32, #tpu.memory_space<vmem>>, vector<16xf32>,
        tpu.vector_store %arg12[%swap3A_1529, %swap3A_1530, %swap3A_1531], %select_n3A_1527 {strides = array<i32>} : memref<2x50x178xf32, #tpu.memory_space<vmem>>, vector<16xf32>,
        %select_n3A_1533 = arith.select %gt3A_1520, %get3A_31, %get3A_23 : vector<16xi1>, vector<16xf32>
        %swap3A_1534 = arith.constant 0 : i32
        %swap3A_1535 = arith.index_cast %swap3A_1534 : i32 to index
        %swap3A_1536 = arith.index_cast %scan3A_1510 : i32 to index
        %swap3A_1537 = arith.constant 160 : index
        %swap3A_1538 = tpu.vector_load %arg12[%swap3A_1535, %swap3A_1536, %swap3A_1537] {strides = array<i32>} : memref<2x50x178xf32, #tpu.memory_space<vmem>>, vector<16xf32>,
        tpu.vector_store %arg12[%swap3A_1535, %swap3A_1536, %swap3A_1537], %select_n3A_1533 {strides = array<i32>} : memref<2x50x178xf32, #tpu.memory_space<vmem>>, vector<16xf32>,
        %select_n3A_1539 = arith.select %gt3A_1520, %get3A_33, %get3A_25 : vector<16xi1>, vector<16xf32>
        %swap3A_1540 = arith.constant 0 : i32
        %swap3A_1541 = arith.index_cast %swap3A_1540 : i32 to index
        %swap3A_1542 = arith.index_cast %scan3A_1510 : i32 to index
        %swap3A_1543 = arith.constant 162 : index
        %swap3A_1544 = tpu.vector_load %arg12[%swap3A_1541, %swap3A_1542, %swap3A_1543] {strides = array<i32>} : memref<2x50x178xf32, #tpu.memory_space<vmem>>, vector<16xf32>,
        tpu.vector_store %arg12[%swap3A_1541, %swap3A_1542, %swap3A_1543], %select_n3A_1539 {strides = array<i32>} : memref<2x50x178xf32, #tpu.memory_space<vmem>>, vector<16xf32>,
        %scan3A_1545 = arith.constant 0 : i32
        %scan3A_1546 = arith.constant 3 : i32
        %scan3A_1547 = arith.addi %scan3A_1437, %scan3A_1546 : i32
        %mul3A_1548 = arith.constant 100 : i32
        %mul3A_1549 = arith.muli %add3A_1099, %mul3A_1548 : i32
        %add3A_1550 = arith.constant 0 : i32
        %add3A_1551 = arith.addi %mul3A_1549, %add3A_1550 : i32
        %add3A_1552 = arith.addi %add3A_1551, %scan3A_1547 : i32
        %broadcast_in_dim3A_1553 = vector.broadcast %add3A_1552 : i32 to vector<16xi32>
        %gather3A_1554 = tpu.vector_load_idx %arg9[%broadcast_in_dim3A_1553] : memref<6416xi32, #tpu.memory_space<vmem>>[vector<16xi32>], vector<16xi32>,
        %gt3A_1555 = arith.constant 0 : i32
        %gt3A_1556 = vector.broadcast %gt3A_1555 : i32 to vector<16xi32>
        %gt3A_1557 = arith.cmpi sgt, %gather3A_1554, %gt3A_1556 : vector<16xi32>
        %select_n3A_1558 = arith.select %gt3A_1557, %get3A_27, %get3A_19 : vector<16xi1>, vector<16xf32>
        %swap3A_1559 = arith.constant 0 : i32
        %swap3A_1560 = arith.index_cast %swap3A_1559 : i32 to index
        %swap3A_1561 = arith.index_cast %scan3A_1547 : i32 to index
        %swap3A_1562 = arith.constant 128 : index
        %swap3A_1563 = tpu.vector_load %arg12[%swap3A_1560, %swap3A_1561, %swap3A_1562] {strides = array<i32>} : memref<2x50x178xf32, #tpu.memory_space<vmem>>, vector<16xf32>,
        tpu.vector_store %arg12[%swap3A_1560, %swap3A_1561, %swap3A_1562], %select_n3A_1558 {strides = array<i32>} : memref<2x50x178xf32, #tpu.memory_space<vmem>>, vector<16xf32>,
        %select_n3A_1564 = arith.select %gt3A_1557, %get3A_29, %get3A_21 : vector<16xi1>, vector<16xf32>
        %swap3A_1565 = arith.constant 0 : i32
        %swap3A_1566 = arith.index_cast %swap3A_1565 : i32 to index
        %swap3A_1567 = arith.index_cast %scan3A_1547 : i32 to index
        %swap3A_1568 = arith.constant 144 : index
        %swap3A_1569 = tpu.vector_load %arg12[%swap3A_1566, %swap3A_1567, %swap3A_1568] {strides = array<i32>} : memref<2x50x178xf32, #tpu.memory_space<vmem>>, vector<16xf32>,
        tpu.vector_store %arg12[%swap3A_1566, %swap3A_1567, %swap3A_1568], %select_n3A_1564 {strides = array<i32>} : memref<2x50x178xf32, #tpu.memory_space<vmem>>, vector<16xf32>,
        %select_n3A_1570 = arith.select %gt3A_1557, %get3A_31, %get3A_23 : vector<16xi1>, vector<16xf32>
        %swap3A_1571 = arith.constant 0 : i32
        %swap3A_1572 = arith.index_cast %swap3A_1571 : i32 to index
        %swap3A_1573 = arith.index_cast %scan3A_1547 : i32 to index
        %swap3A_1574 = arith.constant 160 : index
        %swap3A_1575 = tpu.vector_load %arg12[%swap3A_1572, %swap3A_1573, %swap3A_1574] {strides = array<i32>} : memref<2x50x178xf32, #tpu.memory_space<vmem>>, vector<16xf32>,
        tpu.vector_store %arg12[%swap3A_1572, %swap3A_1573, %swap3A_1574], %select_n3A_1570 {strides = array<i32>} : memref<2x50x178xf32, #tpu.memory_space<vmem>>, vector<16xf32>,
        %select_n3A_1576 = arith.select %gt3A_1557, %get3A_33, %get3A_25 : vector<16xi1>, vector<16xf32>
        %swap3A_1577 = arith.constant 0 : i32
        %swap3A_1578 = arith.index_cast %swap3A_1577 : i32 to index
        %swap3A_1579 = arith.index_cast %scan3A_1547 : i32 to index
        %swap3A_1580 = arith.constant 162 : index
        %swap3A_1581 = tpu.vector_load %arg12[%swap3A_1578, %swap3A_1579, %swap3A_1580] {strides = array<i32>} : memref<2x50x178xf32, #tpu.memory_space<vmem>>, vector<16xf32>,
        tpu.vector_store %arg12[%swap3A_1578, %swap3A_1579, %swap3A_1580], %select_n3A_1576 {strides = array<i32>} : memref<2x50x178xf32, #tpu.memory_space<vmem>>, vector<16xf32>,
        %scan3A_1582 = arith.constant 0 : i32
        %scan3A_1583 = arith.constant 4 : i32
        %scan3A_1584 = arith.addi %scan3A_1437, %scan3A_1583 : i32
        %mul3A_1585 = arith.constant 100 : i32
        %mul3A_1586 = arith.muli %add3A_1099, %mul3A_1585 : i32
        %add3A_1587 = arith.constant 0 : i32
        %add3A_1588 = arith.addi %mul3A_1586, %add3A_1587 : i32
        %add3A_1589 = arith.addi %add3A_1588, %scan3A_1584 : i32
        %broadcast_in_dim3A_1590 = vector.broadcast %add3A_1589 : i32 to vector<16xi32>
        %gather3A_1591 = tpu.vector_load_idx %arg9[%broadcast_in_dim3A_1590] : memref<6416xi32, #tpu.memory_space<vmem>>[vector<16xi32>], vector<16xi32>,
        %gt3A_1592 = arith.constant 0 : i32
        %gt3A_1593 = vector.broadcast %gt3A_1592 : i32 to vector<16xi32>
        %gt3A_1594 = arith.cmpi sgt, %gather3A_1591, %gt3A_1593 : vector<16xi32>
        %select_n3A_1595 = arith.select %gt3A_1594, %get3A_27, %get3A_19 : vector<16xi1>, vector<16xf32>
        %swap3A_1596 = arith.constant 0 : i32
        %swap3A_1597 = arith.index_cast %swap3A_1596 : i32 to index
        %swap3A_1598 = arith.index_cast %scan3A_1584 : i32 to index
        %swap3A_1599 = arith.constant 128 : index
        %swap3A_1600 = tpu.vector_load %arg12[%swap3A_1597, %swap3A_1598, %swap3A_1599] {strides = array<i32>} : memref<2x50x178xf32, #tpu.memory_space<vmem>>, vector<16xf32>,
        tpu.vector_store %arg12[%swap3A_1597, %swap3A_1598, %swap3A_1599], %select_n3A_1595 {strides = array<i32>} : memref<2x50x178xf32, #tpu.memory_space<vmem>>, vector<16xf32>,
        %select_n3A_1601 = arith.select %gt3A_1594, %get3A_29, %get3A_21 : vector<16xi1>, vector<16xf32>
        %swap3A_1602 = arith.constant 0 : i32
        %swap3A_1603 = arith.index_cast %swap3A_1602 : i32 to index
        %swap3A_1604 = arith.index_cast %scan3A_1584 : i32 to index
        %swap3A_1605 = arith.constant 144 : index
        %swap3A_1606 = tpu.vector_load %arg12[%swap3A_1603, %swap3A_1604, %swap3A_1605] {strides = array<i32>} : memref<2x50x178xf32, #tpu.memory_space<vmem>>, vector<16xf32>,
        tpu.vector_store %arg12[%swap3A_1603, %swap3A_1604, %swap3A_1605], %select_n3A_1601 {strides = array<i32>} : memref<2x50x178xf32, #tpu.memory_space<vmem>>, vector<16xf32>,
        %select_n3A_1607 = arith.select %gt3A_1594, %get3A_31, %get3A_23 : vector<16xi1>, vector<16xf32>
        %swap3A_1608 = arith.constant 0 : i32
        %swap3A_1609 = arith.index_cast %swap3A_1608 : i32 to index
        %swap3A_1610 = arith.index_cast %scan3A_1584 : i32 to index
        %swap3A_1611 = arith.constant 160 : index
        %swap3A_1612 = tpu.vector_load %arg12[%swap3A_1609, %swap3A_1610, %swap3A_1611] {strides = array<i32>} : memref<2x50x178xf32, #tpu.memory_space<vmem>>, vector<16xf32>,
        tpu.vector_store %arg12[%swap3A_1609, %swap3A_1610, %swap3A_1611], %select_n3A_1607 {strides = array<i32>} : memref<2x50x178xf32, #tpu.memory_space<vmem>>, vector<16xf32>,
        %select_n3A_1613 = arith.select %gt3A_1594, %get3A_33, %get3A_25 : vector<16xi1>, vector<16xf32>
        %swap3A_1614 = arith.constant 0 : i32
        %swap3A_1615 = arith.index_cast %swap3A_1614 : i32 to index
        %swap3A_1616 = arith.index_cast %scan3A_1584 : i32 to index
        %swap3A_1617 = arith.constant 162 : index
        %swap3A_1618 = tpu.vector_load %arg12[%swap3A_1615, %swap3A_1616, %swap3A_1617] {strides = array<i32>} : memref<2x50x178xf32, #tpu.memory_space<vmem>>, vector<16xf32>,
        tpu.vector_store %arg12[%swap3A_1615, %swap3A_1616, %swap3A_1617], %select_n3A_1613 {strides = array<i32>} : memref<2x50x178xf32, #tpu.memory_space<vmem>>, vector<16xf32>,
        %scan3A_1619 = arith.constant 0 : i32
        scf.yield %scan3A_1619 : i32
      }
      %scan3A_1132 = arith.constant 50 : i32
      %mul3A_1133 = arith.constant 100 : i32
      %mul3A_1134 = arith.muli %add3A_1099, %mul3A_1133 : i32
      %add3A_1135 = arith.constant 0 : i32
      %add3A_1136 = arith.addi %mul3A_1134, %add3A_1135 : i32
      %add3A_1137 = arith.constant 48 : i32
      %add3A_1138 = arith.addi %add3A_1136, %add3A_1137 : i32
      %get3A_1139 = arith.index_cast %add3A_1138 : i32 to index
      %get3A_1140 = tpu.vector_load %arg9[%get3A_1139] {strides = array<i32>} : memref<6416xi32, #tpu.memory_space<vmem>>, vector<16xi32>,
      %iota3A_1141 = tpu.iota {dimensions = array<i32: 0>} : vector<16xi32>
      %add3A_1142 = arith.constant 48 : i32
      %add3A_1143 = vector.broadcast %add3A_1142 : i32 to vector<16xi32>
      %add3A_1144 = arith.addi %iota3A_1141, %add3A_1143 : vector<16xi32>
      %gt3A_1145 = arith.constant 0 : i32
      %gt3A_1146 = vector.broadcast %gt3A_1145 : i32 to vector<16xi32>
      %gt3A_1147 = arith.cmpi sgt, %get3A_1140, %gt3A_1146 : vector<16xi32>
      %lt3A_1148 = arith.constant 50 : i32
      %lt3A_1149 = vector.broadcast %lt3A_1148 : i32 to vector<16xi32>
      %lt3A_1150 = arith.cmpi slt, %add3A_1144, %lt3A_1149 : vector<16xi32>
      %and3A_1151 = arith.andi %gt3A_1147, %lt3A_1150 : vector<16xi1>
      %all_reduce_ffs3A_1152 = tpu.all_reduce %and3A_1151 {dim = 0 : i64, kind = #tpu.reduction_kind<find_first_set>} : vector<16xi1> -> vector<16xi32>
      %slice3A_1153 = vector.extract_strided_slice %all_reduce_ffs3A_1152 {offsets = [0], sizes = [1], strides = [1]} : vector<16xi32> to vector<1xi32>
      %squeeze3A_1154 = vector.extract %slice3A_1153[0] : i32 from vector<1xi32>
      %lt3A_1155 = arith.constant 16 : i32
      %lt3A_1156 = arith.cmpi slt, %squeeze3A_1154, %lt3A_1155 : i32
      %add3A_1157 = arith.constant 48 : i32
      %add3A_1158 = arith.addi %add3A_1157, %squeeze3A_1154 : i32
      %jit3A_1159 = arith.constant 0 : i32
      %select_n3A_1160 = arith.select %lt3A_1156, %add3A_1158, %jit3A_1159 : i32
      %add3A_1161 = arith.constant 32 : i32
      %add3A_1162 = arith.addi %add3A_1136, %add3A_1161 : i32
      %get3A_1163 = arith.index_cast %add3A_1162 : i32 to index
      %get3A_1164 = tpu.vector_load %arg9[%get3A_1163] {strides = array<i32>} : memref<6416xi32, #tpu.memory_space<vmem>>, vector<16xi32>,
      %iota3A_1165 = tpu.iota {dimensions = array<i32: 0>} : vector<16xi32>
      %add3A_1166 = arith.constant 32 : i32
      %add3A_1167 = vector.broadcast %add3A_1166 : i32 to vector<16xi32>
      %add3A_1168 = arith.addi %iota3A_1165, %add3A_1167 : vector<16xi32>
      %gt3A_1169 = arith.constant 0 : i32
      %gt3A_1170 = vector.broadcast %gt3A_1169 : i32 to vector<16xi32>
      %gt3A_1171 = arith.cmpi sgt, %get3A_1164, %gt3A_1170 : vector<16xi32>
      %lt3A_1172 = arith.constant 50 : i32
      %lt3A_1173 = vector.broadcast %lt3A_1172 : i32 to vector<16xi32>
      %lt3A_1174 = arith.cmpi slt, %add3A_1168, %lt3A_1173 : vector<16xi32>
      %and3A_1175 = arith.andi %gt3A_1171, %lt3A_1174 : vector<16xi1>
      %all_reduce_ffs3A_1176 = tpu.all_reduce %and3A_1175 {dim = 0 : i64, kind = #tpu.reduction_kind<find_first_set>} : vector<16xi1> -> vector<16xi32>
      %slice3A_1177 = vector.extract_strided_slice %all_reduce_ffs3A_1176 {offsets = [0], sizes = [1], strides = [1]} : vector<16xi32> to vector<1xi32>
      %squeeze3A_1178 = vector.extract %slice3A_1177[0] : i32 from vector<1xi32>
      %lt3A_1179 = arith.constant 16 : i32
      %lt3A_1180 = arith.cmpi slt, %squeeze3A_1178, %lt3A_1179 : i32
      %add3A_1181 = arith.constant 32 : i32
      %add3A_1182 = arith.addi %add3A_1181, %squeeze3A_1178 : i32
      %select_n3A_1183 = arith.select %lt3A_1180, %add3A_1182, %select_n3A_1160 : i32
      %add3A_1184 = arith.constant 16 : i32
      %add3A_1185 = arith.addi %add3A_1136, %add3A_1184 : i32
      %get3A_1186 = arith.index_cast %add3A_1185 : i32 to index
      %get3A_1187 = tpu.vector_load %arg9[%get3A_1186] {strides = array<i32>} : memref<6416xi32, #tpu.memory_space<vmem>>, vector<16xi32>,
      %iota3A_1188 = tpu.iota {dimensions = array<i32: 0>} : vector<16xi32>
      %add3A_1189 = arith.constant 16 : i32
      %add3A_1190 = vector.broadcast %add3A_1189 : i32 to vector<16xi32>
      %add3A_1191 = arith.addi %iota3A_1188, %add3A_1190 : vector<16xi32>
      %gt3A_1192 = arith.constant 0 : i32
      %gt3A_1193 = vector.broadcast %gt3A_1192 : i32 to vector<16xi32>
      %gt3A_1194 = arith.cmpi sgt, %get3A_1187, %gt3A_1193 : vector<16xi32>
      %lt3A_1195 = arith.constant 50 : i32
      %lt3A_1196 = vector.broadcast %lt3A_1195 : i32 to vector<16xi32>
      %lt3A_1197 = arith.cmpi slt, %add3A_1191, %lt3A_1196 : vector<16xi32>
      %and3A_1198 = arith.andi %gt3A_1194, %lt3A_1197 : vector<16xi1>
      %all_reduce_ffs3A_1199 = tpu.all_reduce %and3A_1198 {dim = 0 : i64, kind = #tpu.reduction_kind<find_first_set>} : vector<16xi1> -> vector<16xi32>
      %slice3A_1200 = vector.extract_strided_slice %all_reduce_ffs3A_1199 {offsets = [0], sizes = [1], strides = [1]} : vector<16xi32> to vector<1xi32>
      %squeeze3A_1201 = vector.extract %slice3A_1200[0] : i32 from vector<1xi32>
      %lt3A_1202 = arith.constant 16 : i32
      %lt3A_1203 = arith.cmpi slt, %squeeze3A_1201, %lt3A_1202 : i32
      %add3A_1204 = arith.constant 16 : i32
      %add3A_1205 = arith.addi %add3A_1204, %squeeze3A_1201 : i32
      %select_n3A_1206 = arith.select %lt3A_1203, %add3A_1205, %select_n3A_1183 : i32
      %add3A_1207 = arith.constant 0 : i32
      %add3A_1208 = arith.addi %add3A_1136, %add3A_1207 : i32
      %get3A_1209 = arith.index_cast %add3A_1208 : i32 to index
      %get3A_1210 = tpu.vector_load %arg9[%get3A_1209] {strides = array<i32>} : memref<6416xi32, #tpu.memory_space<vmem>>, vector<16xi32>,
      %iota3A_1211 = tpu.iota {dimensions = array<i32: 0>} : vector<16xi32>
      %add3A_1212 = arith.constant 0 : i32
      %add3A_1213 = vector.broadcast %add3A_1212 : i32 to vector<16xi32>
      %add3A_1214 = arith.addi %iota3A_1211, %add3A_1213 : vector<16xi32>
      %gt3A_1215 = arith.constant 0 : i32
      %gt3A_1216 = vector.broadcast %gt3A_1215 : i32 to vector<16xi32>
      %gt3A_1217 = arith.cmpi sgt, %get3A_1210, %gt3A_1216 : vector<16xi32>
      %lt3A_1218 = arith.constant 50 : i32
      %lt3A_1219 = vector.broadcast %lt3A_1218 : i32 to vector<16xi32>
      %lt3A_1220 = arith.cmpi slt, %add3A_1214, %lt3A_1219 : vector<16xi32>
      %and3A_1221 = arith.andi %gt3A_1217, %lt3A_1220 : vector<16xi1>
      %all_reduce_ffs3A_1222 = tpu.all_reduce %and3A_1221 {dim = 0 : i64, kind = #tpu.reduction_kind<find_first_set>} : vector<16xi1> -> vector<16xi32>
      %slice3A_1223 = vector.extract_strided_slice %all_reduce_ffs3A_1222 {offsets = [0], sizes = [1], strides = [1]} : vector<16xi32> to vector<1xi32>
      %squeeze3A_1224 = vector.extract %slice3A_1223[0] : i32 from vector<1xi32>
      %lt3A_1225 = arith.constant 16 : i32
      %lt3A_1226 = arith.cmpi slt, %squeeze3A_1224, %lt3A_1225 : i32
      %add3A_1227 = arith.constant 0 : i32
      %add3A_1228 = arith.addi %add3A_1227, %squeeze3A_1224 : i32
      %select_n3A_1229 = arith.select %lt3A_1226, %add3A_1228, %select_n3A_1206 : i32
      %swap3A_1230 = arith.constant 0 : i32
      %swap3A_1231 = arith.index_cast %swap3A_1230 : i32 to index
      %swap3A_1232 = arith.index_cast %select_n3A_1229 : i32 to index
      %swap3A_1233 = arith.constant 0 : index
      %swap3A_1234 = tpu.vector_load %arg12[%swap3A_1231, %swap3A_1232, %swap3A_1233] {strides = array<i32>} : memref<2x50x178xf32, #tpu.memory_space<vmem>>, vector<16xf32>,
      tpu.vector_store %arg12[%swap3A_1231, %swap3A_1232, %swap3A_1233], %get3A_3 {strides = array<i32>} : memref<2x50x178xf32, #tpu.memory_space<vmem>>, vector<16xf32>,
      %swap3A_1235 = arith.constant 0 : i32
      %swap3A_1236 = arith.index_cast %swap3A_1235 : i32 to index
      %swap3A_1237 = arith.index_cast %select_n3A_1229 : i32 to index
      %swap3A_1238 = arith.constant 16 : index
      %swap3A_1239 = tpu.vector_load %arg12[%swap3A_1236, %swap3A_1237, %swap3A_1238] {strides = array<i32>} : memref<2x50x178xf32, #tpu.memory_space<vmem>>, vector<16xf32>,
      tpu.vector_store %arg12[%swap3A_1236, %swap3A_1237, %swap3A_1238], %get3A_5 {strides = array<i32>} : memref<2x50x178xf32, #tpu.memory_space<vmem>>, vector<16xf32>,
      %swap3A_1240 = arith.constant 0 : i32
      %swap3A_1241 = arith.index_cast %swap3A_1240 : i32 to index
      %swap3A_1242 = arith.index_cast %select_n3A_1229 : i32 to index
      %swap3A_1243 = arith.constant 32 : index
      %swap3A_1244 = tpu.vector_load %arg12[%swap3A_1241, %swap3A_1242, %swap3A_1243] {strides = array<i32>} : memref<2x50x178xf32, #tpu.memory_space<vmem>>, vector<16xf32>,
      tpu.vector_store %arg12[%swap3A_1241, %swap3A_1242, %swap3A_1243], %get3A_7 {strides = array<i32>} : memref<2x50x178xf32, #tpu.memory_space<vmem>>, vector<16xf32>,
      %swap3A_1245 = arith.constant 0 : i32
      %swap3A_1246 = arith.index_cast %swap3A_1245 : i32 to index
      %swap3A_1247 = arith.index_cast %select_n3A_1229 : i32 to index
      %swap3A_1248 = arith.constant 48 : index
      %swap3A_1249 = tpu.vector_load %arg12[%swap3A_1246, %swap3A_1247, %swap3A_1248] {strides = array<i32>} : memref<2x50x178xf32, #tpu.memory_space<vmem>>, vector<16xf32>,
      tpu.vector_store %arg12[%swap3A_1246, %swap3A_1247, %swap3A_1248], %get3A_9 {strides = array<i32>} : memref<2x50x178xf32, #tpu.memory_space<vmem>>, vector<16xf32>,
      %swap3A_1250 = arith.constant 0 : i32
      %swap3A_1251 = arith.index_cast %swap3A_1250 : i32 to index
      %swap3A_1252 = arith.index_cast %select_n3A_1229 : i32 to index
      %swap3A_1253 = arith.constant 64 : index
      %swap3A_1254 = tpu.vector_load %arg12[%swap3A_1251, %swap3A_1252, %swap3A_1253] {strides = array<i32>} : memref<2x50x178xf32, #tpu.memory_space<vmem>>, vector<16xf32>,
      tpu.vector_store %arg12[%swap3A_1251, %swap3A_1252, %swap3A_1253], %get3A_11 {strides = array<i32>} : memref<2x50x178xf32, #tpu.memory_space<vmem>>, vector<16xf32>,
      %swap3A_1255 = arith.constant 0 : i32
      %swap3A_1256 = arith.index_cast %swap3A_1255 : i32 to index
      %swap3A_1257 = arith.index_cast %select_n3A_1229 : i32 to index
      %swap3A_1258 = arith.constant 80 : index
      %swap3A_1259 = tpu.vector_load %arg12[%swap3A_1256, %swap3A_1257, %swap3A_1258] {strides = array<i32>} : memref<2x50x178xf32, #tpu.memory_space<vmem>>, vector<16xf32>,
      tpu.vector_store %arg12[%swap3A_1256, %swap3A_1257, %swap3A_1258], %get3A_13 {strides = array<i32>} : memref<2x50x178xf32, #tpu.memory_space<vmem>>, vector<16xf32>,
      %swap3A_1260 = arith.constant 0 : i32
      %swap3A_1261 = arith.index_cast %swap3A_1260 : i32 to index
      %swap3A_1262 = arith.index_cast %select_n3A_1229 : i32 to index
      %swap3A_1263 = arith.constant 96 : index
      %swap3A_1264 = tpu.vector_load %arg12[%swap3A_1261, %swap3A_1262, %swap3A_1263] {strides = array<i32>} : memref<2x50x178xf32, #tpu.memory_space<vmem>>, vector<16xf32>,
      tpu.vector_store %arg12[%swap3A_1261, %swap3A_1262, %swap3A_1263], %get3A_15 {strides = array<i32>} : memref<2x50x178xf32, #tpu.memory_space<vmem>>, vector<16xf32>,
      %swap3A_1265 = arith.constant 0 : i32
      %swap3A_1266 = arith.index_cast %swap3A_1265 : i32 to index
      %swap3A_1267 = arith.index_cast %select_n3A_1229 : i32 to index
      %swap3A_1268 = arith.constant 112 : index
      %swap3A_1269 = tpu.vector_load %arg12[%swap3A_1266, %swap3A_1267, %swap3A_1268] {strides = array<i32>} : memref<2x50x178xf32, #tpu.memory_space<vmem>>, vector<16xf32>,
      tpu.vector_store %arg12[%swap3A_1266, %swap3A_1267, %swap3A_1268], %get3A_17 {strides = array<i32>} : memref<2x50x178xf32, #tpu.memory_space<vmem>>, vector<16xf32>,
      %scan3A_1270 = arith.constant 0 : i32
      %scan3A_1271 = arith.constant 0 : i32
      %scan3A_1272 = arith.constant 50 : i32
      %scan3A_1273 = arith.addi %scan3A_1271, %scan3A_1272 : i32
      %scan3A_1274 = arith.constant 5 : i32
      %scan3A_1275 = scf.for %scan3A_1437 = %scan3A_1271 to %scan3A_1273 step %scan3A_1274 iter_args(%scan3A_1438 = %scan3A_1270) -> (i32)  : i32 {
        %mul3A_1439 = arith.constant 100 : i32
        %mul3A_1440 = arith.muli %add3A_1099, %mul3A_1439 : i32
        %add3A_1441 = arith.constant 50 : i32
        %add3A_1442 = arith.addi %mul3A_1440, %add3A_1441 : i32
        %add3A_1443 = arith.addi %add3A_1442, %scan3A_1437 : i32
        %broadcast_in_dim3A = vector.broadcast %add3A_1443 : i32 to vector<16xi32>
        %gather3A = tpu.vector_load_idx %arg9[%broadcast_in_dim3A] : memref<6416xi32, #tpu.memory_space<vmem>>[vector<16xi32>], vector<16xi32>,
        %gt3A_1444 = arith.constant 0 : i32
        %gt3A_1445 = vector.broadcast %gt3A_1444 : i32 to vector<16xi32>
        %gt3A_1446 = arith.cmpi sgt, %gather3A, %gt3A_1445 : vector<16xi32>
        %select_n3A_1447 = arith.select %gt3A_1446, %get3A_27, %get3A_19 : vector<16xi1>, vector<16xf32>
        %swap3A_1448 = arith.constant 1 : i32
        %swap3A_1449 = arith.index_cast %swap3A_1448 : i32 to index
        %swap3A_1450 = arith.index_cast %scan3A_1437 : i32 to index
        %swap3A_1451 = arith.constant 128 : index
        %swap3A_1452 = tpu.vector_load %arg12[%swap3A_1449, %swap3A_1450, %swap3A_1451] {strides = array<i32>} : memref<2x50x178xf32, #tpu.memory_space<vmem>>, vector<16xf32>,
        tpu.vector_store %arg12[%swap3A_1449, %swap3A_1450, %swap3A_1451], %select_n3A_1447 {strides = array<i32>} : memref<2x50x178xf32, #tpu.memory_space<vmem>>, vector<16xf32>,
        %select_n3A_1453 = arith.select %gt3A_1446, %get3A_29, %get3A_21 : vector<16xi1>, vector<16xf32>
        %swap3A_1454 = arith.constant 1 : i32
        %swap3A_1455 = arith.index_cast %swap3A_1454 : i32 to index
        %swap3A_1456 = arith.index_cast %scan3A_1437 : i32 to index
        %swap3A_1457 = arith.constant 144 : index
        %swap3A_1458 = tpu.vector_load %arg12[%swap3A_1455, %swap3A_1456, %swap3A_1457] {strides = array<i32>} : memref<2x50x178xf32, #tpu.memory_space<vmem>>, vector<16xf32>,
        tpu.vector_store %arg12[%swap3A_1455, %swap3A_1456, %swap3A_1457], %select_n3A_1453 {strides = array<i32>} : memref<2x50x178xf32, #tpu.memory_space<vmem>>, vector<16xf32>,
        %select_n3A_1459 = arith.select %gt3A_1446, %get3A_31, %get3A_23 : vector<16xi1>, vector<16xf32>
        %swap3A_1460 = arith.constant 1 : i32
        %swap3A_1461 = arith.index_cast %swap3A_1460 : i32 to index
        %swap3A_1462 = arith.index_cast %scan3A_1437 : i32 to index
        %swap3A_1463 = arith.constant 160 : index
        %swap3A_1464 = tpu.vector_load %arg12[%swap3A_1461, %swap3A_1462, %swap3A_1463] {strides = array<i32>} : memref<2x50x178xf32, #tpu.memory_space<vmem>>, vector<16xf32>,
        tpu.vector_store %arg12[%swap3A_1461, %swap3A_1462, %swap3A_1463], %select_n3A_1459 {strides = array<i32>} : memref<2x50x178xf32, #tpu.memory_space<vmem>>, vector<16xf32>,
        %select_n3A_1465 = arith.select %gt3A_1446, %get3A_33, %get3A_25 : vector<16xi1>, vector<16xf32>
        %swap3A_1466 = arith.constant 1 : i32
        %swap3A_1467 = arith.index_cast %swap3A_1466 : i32 to index
        %swap3A_1468 = arith.index_cast %scan3A_1437 : i32 to index
        %swap3A_1469 = arith.constant 162 : index
        %swap3A_1470 = tpu.vector_load %arg12[%swap3A_1467, %swap3A_1468, %swap3A_1469] {strides = array<i32>} : memref<2x50x178xf32, #tpu.memory_space<vmem>>, vector<16xf32>,
        tpu.vector_store %arg12[%swap3A_1467, %swap3A_1468, %swap3A_1469], %select_n3A_1465 {strides = array<i32>} : memref<2x50x178xf32, #tpu.memory_space<vmem>>, vector<16xf32>,
        %scan3A_1471 = arith.constant 0 : i32
        %scan3A_1472 = arith.constant 1 : i32
        %scan3A_1473 = arith.addi %scan3A_1437, %scan3A_1472 : i32
        %mul3A_1474 = arith.constant 100 : i32
        %mul3A_1475 = arith.muli %add3A_1099, %mul3A_1474 : i32
        %add3A_1476 = arith.constant 50 : i32
        %add3A_1477 = arith.addi %mul3A_1475, %add3A_1476 : i32
        %add3A_1478 = arith.addi %add3A_1477, %scan3A_1473 : i32
        %broadcast_in_dim3A_1479 = vector.broadcast %add3A_1478 : i32 to vector<16xi32>
        %gather3A_1480 = tpu.vector_load_idx %arg9[%broadcast_in_dim3A_1479] : memref<6416xi32, #tpu.memory_space<vmem>>[vector<16xi32>], vector<16xi32>,
        %gt3A_1481 = arith.constant 0 : i32
        %gt3A_1482 = vector.broadcast %gt3A_1481 : i32 to vector<16xi32>
        %gt3A_1483 = arith.cmpi sgt, %gather3A_1480, %gt3A_1482 : vector<16xi32>
        %select_n3A_1484 = arith.select %gt3A_1483, %get3A_27, %get3A_19 : vector<16xi1>, vector<16xf32>
        %swap3A_1485 = arith.constant 1 : i32
        %swap3A_1486 = arith.index_cast %swap3A_1485 : i32 to index
        %swap3A_1487 = arith.index_cast %scan3A_1473 : i32 to index
        %swap3A_1488 = arith.constant 128 : index
        %swap3A_1489 = tpu.vector_load %arg12[%swap3A_1486, %swap3A_1487, %swap3A_1488] {strides = array<i32>} : memref<2x50x178xf32, #tpu.memory_space<vmem>>, vector<16xf32>,
        tpu.vector_store %arg12[%swap3A_1486, %swap3A_1487, %swap3A_1488], %select_n3A_1484 {strides = array<i32>} : memref<2x50x178xf32, #tpu.memory_space<vmem>>, vector<16xf32>,
        %select_n3A_1490 = arith.select %gt3A_1483, %get3A_29, %get3A_21 : vector<16xi1>, vector<16xf32>
        %swap3A_1491 = arith.constant 1 : i32
        %swap3A_1492 = arith.index_cast %swap3A_1491 : i32 to index
        %swap3A_1493 = arith.index_cast %scan3A_1473 : i32 to index
        %swap3A_1494 = arith.constant 144 : index
        %swap3A_1495 = tpu.vector_load %arg12[%swap3A_1492, %swap3A_1493, %swap3A_1494] {strides = array<i32>} : memref<2x50x178xf32, #tpu.memory_space<vmem>>, vector<16xf32>,
        tpu.vector_store %arg12[%swap3A_1492, %swap3A_1493, %swap3A_1494], %select_n3A_1490 {strides = array<i32>} : memref<2x50x178xf32, #tpu.memory_space<vmem>>, vector<16xf32>,
        %select_n3A_1496 = arith.select %gt3A_1483, %get3A_31, %get3A_23 : vector<16xi1>, vector<16xf32>
        %swap3A_1497 = arith.constant 1 : i32
        %swap3A_1498 = arith.index_cast %swap3A_1497 : i32 to index
        %swap3A_1499 = arith.index_cast %scan3A_1473 : i32 to index
        %swap3A_1500 = arith.constant 160 : index
        %swap3A_1501 = tpu.vector_load %arg12[%swap3A_1498, %swap3A_1499, %swap3A_1500] {strides = array<i32>} : memref<2x50x178xf32, #tpu.memory_space<vmem>>, vector<16xf32>,
        tpu.vector_store %arg12[%swap3A_1498, %swap3A_1499, %swap3A_1500], %select_n3A_1496 {strides = array<i32>} : memref<2x50x178xf32, #tpu.memory_space<vmem>>, vector<16xf32>,
        %select_n3A_1502 = arith.select %gt3A_1483, %get3A_33, %get3A_25 : vector<16xi1>, vector<16xf32>
        %swap3A_1503 = arith.constant 1 : i32
        %swap3A_1504 = arith.index_cast %swap3A_1503 : i32 to index
        %swap3A_1505 = arith.index_cast %scan3A_1473 : i32 to index
        %swap3A_1506 = arith.constant 162 : index
        %swap3A_1507 = tpu.vector_load %arg12[%swap3A_1504, %swap3A_1505, %swap3A_1506] {strides = array<i32>} : memref<2x50x178xf32, #tpu.memory_space<vmem>>, vector<16xf32>,
        tpu.vector_store %arg12[%swap3A_1504, %swap3A_1505, %swap3A_1506], %select_n3A_1502 {strides = array<i32>} : memref<2x50x178xf32, #tpu.memory_space<vmem>>, vector<16xf32>,
        %scan3A_1508 = arith.constant 0 : i32
        %scan3A_1509 = arith.constant 2 : i32
        %scan3A_1510 = arith.addi %scan3A_1437, %scan3A_1509 : i32
        %mul3A_1511 = arith.constant 100 : i32
        %mul3A_1512 = arith.muli %add3A_1099, %mul3A_1511 : i32
        %add3A_1513 = arith.constant 50 : i32
        %add3A_1514 = arith.addi %mul3A_1512, %add3A_1513 : i32
        %add3A_1515 = arith.addi %add3A_1514, %scan3A_1510 : i32
        %broadcast_in_dim3A_1516 = vector.broadcast %add3A_1515 : i32 to vector<16xi32>
        %gather3A_1517 = tpu.vector_load_idx %arg9[%broadcast_in_dim3A_1516] : memref<6416xi32, #tpu.memory_space<vmem>>[vector<16xi32>], vector<16xi32>,
        %gt3A_1518 = arith.constant 0 : i32
        %gt3A_1519 = vector.broadcast %gt3A_1518 : i32 to vector<16xi32>
        %gt3A_1520 = arith.cmpi sgt, %gather3A_1517, %gt3A_1519 : vector<16xi32>
        %select_n3A_1521 = arith.select %gt3A_1520, %get3A_27, %get3A_19 : vector<16xi1>, vector<16xf32>
        %swap3A_1522 = arith.constant 1 : i32
        %swap3A_1523 = arith.index_cast %swap3A_1522 : i32 to index
        %swap3A_1524 = arith.index_cast %scan3A_1510 : i32 to index
        %swap3A_1525 = arith.constant 128 : index
        %swap3A_1526 = tpu.vector_load %arg12[%swap3A_1523, %swap3A_1524, %swap3A_1525] {strides = array<i32>} : memref<2x50x178xf32, #tpu.memory_space<vmem>>, vector<16xf32>,
        tpu.vector_store %arg12[%swap3A_1523, %swap3A_1524, %swap3A_1525], %select_n3A_1521 {strides = array<i32>} : memref<2x50x178xf32, #tpu.memory_space<vmem>>, vector<16xf32>,
        %select_n3A_1527 = arith.select %gt3A_1520, %get3A_29, %get3A_21 : vector<16xi1>, vector<16xf32>
        %swap3A_1528 = arith.constant 1 : i32
        %swap3A_1529 = arith.index_cast %swap3A_1528 : i32 to index
        %swap3A_1530 = arith.index_cast %scan3A_1510 : i32 to index
        %swap3A_1531 = arith.constant 144 : index
        %swap3A_1532 = tpu.vector_load %arg12[%swap3A_1529, %swap3A_1530, %swap3A_1531] {strides = array<i32>} : memref<2x50x178xf32, #tpu.memory_space<vmem>>, vector<16xf32>,
        tpu.vector_store %arg12[%swap3A_1529, %swap3A_1530, %swap3A_1531], %select_n3A_1527 {strides = array<i32>} : memref<2x50x178xf32, #tpu.memory_space<vmem>>, vector<16xf32>,
        %select_n3A_1533 = arith.select %gt3A_1520, %get3A_31, %get3A_23 : vector<16xi1>, vector<16xf32>
        %swap3A_1534 = arith.constant 1 : i32
        %swap3A_1535 = arith.index_cast %swap3A_1534 : i32 to index
        %swap3A_1536 = arith.index_cast %scan3A_1510 : i32 to index
        %swap3A_1537 = arith.constant 160 : index
        %swap3A_1538 = tpu.vector_load %arg12[%swap3A_1535, %swap3A_1536, %swap3A_1537] {strides = array<i32>} : memref<2x50x178xf32, #tpu.memory_space<vmem>>, vector<16xf32>,
        tpu.vector_store %arg12[%swap3A_1535, %swap3A_1536, %swap3A_1537], %select_n3A_1533 {strides = array<i32>} : memref<2x50x178xf32, #tpu.memory_space<vmem>>, vector<16xf32>,
        %select_n3A_1539 = arith.select %gt3A_1520, %get3A_33, %get3A_25 : vector<16xi1>, vector<16xf32>
        %swap3A_1540 = arith.constant 1 : i32
        %swap3A_1541 = arith.index_cast %swap3A_1540 : i32 to index
        %swap3A_1542 = arith.index_cast %scan3A_1510 : i32 to index
        %swap3A_1543 = arith.constant 162 : index
        %swap3A_1544 = tpu.vector_load %arg12[%swap3A_1541, %swap3A_1542, %swap3A_1543] {strides = array<i32>} : memref<2x50x178xf32, #tpu.memory_space<vmem>>, vector<16xf32>,
        tpu.vector_store %arg12[%swap3A_1541, %swap3A_1542, %swap3A_1543], %select_n3A_1539 {strides = array<i32>} : memref<2x50x178xf32, #tpu.memory_space<vmem>>, vector<16xf32>,
        %scan3A_1545 = arith.constant 0 : i32
        %scan3A_1546 = arith.constant 3 : i32
        %scan3A_1547 = arith.addi %scan3A_1437, %scan3A_1546 : i32
        %mul3A_1548 = arith.constant 100 : i32
        %mul3A_1549 = arith.muli %add3A_1099, %mul3A_1548 : i32
        %add3A_1550 = arith.constant 50 : i32
        %add3A_1551 = arith.addi %mul3A_1549, %add3A_1550 : i32
        %add3A_1552 = arith.addi %add3A_1551, %scan3A_1547 : i32
        %broadcast_in_dim3A_1553 = vector.broadcast %add3A_1552 : i32 to vector<16xi32>
        %gather3A_1554 = tpu.vector_load_idx %arg9[%broadcast_in_dim3A_1553] : memref<6416xi32, #tpu.memory_space<vmem>>[vector<16xi32>], vector<16xi32>,
        %gt3A_1555 = arith.constant 0 : i32
        %gt3A_1556 = vector.broadcast %gt3A_1555 : i32 to vector<16xi32>
        %gt3A_1557 = arith.cmpi sgt, %gather3A_1554, %gt3A_1556 : vector<16xi32>
        %select_n3A_1558 = arith.select %gt3A_1557, %get3A_27, %get3A_19 : vector<16xi1>, vector<16xf32>
        %swap3A_1559 = arith.constant 1 : i32
        %swap3A_1560 = arith.index_cast %swap3A_1559 : i32 to index
        %swap3A_1561 = arith.index_cast %scan3A_1547 : i32 to index
        %swap3A_1562 = arith.constant 128 : index
        %swap3A_1563 = tpu.vector_load %arg12[%swap3A_1560, %swap3A_1561, %swap3A_1562] {strides = array<i32>} : memref<2x50x178xf32, #tpu.memory_space<vmem>>, vector<16xf32>,
        tpu.vector_store %arg12[%swap3A_1560, %swap3A_1561, %swap3A_1562], %select_n3A_1558 {strides = array<i32>} : memref<2x50x178xf32, #tpu.memory_space<vmem>>, vector<16xf32>,
        %select_n3A_1564 = arith.select %gt3A_1557, %get3A_29, %get3A_21 : vector<16xi1>, vector<16xf32>
        %swap3A_1565 = arith.constant 1 : i32
        %swap3A_1566 = arith.index_cast %swap3A_1565 : i32 to index
        %swap3A_1567 = arith.index_cast %scan3A_1547 : i32 to index
        %swap3A_1568 = arith.constant 144 : index
        %swap3A_1569 = tpu.vector_load %arg12[%swap3A_1566, %swap3A_1567, %swap3A_1568] {strides = array<i32>} : memref<2x50x178xf32, #tpu.memory_space<vmem>>, vector<16xf32>,
        tpu.vector_store %arg12[%swap3A_1566, %swap3A_1567, %swap3A_1568], %select_n3A_1564 {strides = array<i32>} : memref<2x50x178xf32, #tpu.memory_space<vmem>>, vector<16xf32>,
        %select_n3A_1570 = arith.select %gt3A_1557, %get3A_31, %get3A_23 : vector<16xi1>, vector<16xf32>
        %swap3A_1571 = arith.constant 1 : i32
        %swap3A_1572 = arith.index_cast %swap3A_1571 : i32 to index
        %swap3A_1573 = arith.index_cast %scan3A_1547 : i32 to index
        %swap3A_1574 = arith.constant 160 : index
        %swap3A_1575 = tpu.vector_load %arg12[%swap3A_1572, %swap3A_1573, %swap3A_1574] {strides = array<i32>} : memref<2x50x178xf32, #tpu.memory_space<vmem>>, vector<16xf32>,
        tpu.vector_store %arg12[%swap3A_1572, %swap3A_1573, %swap3A_1574], %select_n3A_1570 {strides = array<i32>} : memref<2x50x178xf32, #tpu.memory_space<vmem>>, vector<16xf32>,
        %select_n3A_1576 = arith.select %gt3A_1557, %get3A_33, %get3A_25 : vector<16xi1>, vector<16xf32>
        %swap3A_1577 = arith.constant 1 : i32
        %swap3A_1578 = arith.index_cast %swap3A_1577 : i32 to index
        %swap3A_1579 = arith.index_cast %scan3A_1547 : i32 to index
        %swap3A_1580 = arith.constant 162 : index
        %swap3A_1581 = tpu.vector_load %arg12[%swap3A_1578, %swap3A_1579, %swap3A_1580] {strides = array<i32>} : memref<2x50x178xf32, #tpu.memory_space<vmem>>, vector<16xf32>,
        tpu.vector_store %arg12[%swap3A_1578, %swap3A_1579, %swap3A_1580], %select_n3A_1576 {strides = array<i32>} : memref<2x50x178xf32, #tpu.memory_space<vmem>>, vector<16xf32>,
        %scan3A_1582 = arith.constant 0 : i32
        %scan3A_1583 = arith.constant 4 : i32
        %scan3A_1584 = arith.addi %scan3A_1437, %scan3A_1583 : i32
        %mul3A_1585 = arith.constant 100 : i32
        %mul3A_1586 = arith.muli %add3A_1099, %mul3A_1585 : i32
        %add3A_1587 = arith.constant 50 : i32
        %add3A_1588 = arith.addi %mul3A_1586, %add3A_1587 : i32
        %add3A_1589 = arith.addi %add3A_1588, %scan3A_1584 : i32
        %broadcast_in_dim3A_1590 = vector.broadcast %add3A_1589 : i32 to vector<16xi32>
        %gather3A_1591 = tpu.vector_load_idx %arg9[%broadcast_in_dim3A_1590] : memref<6416xi32, #tpu.memory_space<vmem>>[vector<16xi32>], vector<16xi32>,
        %gt3A_1592 = arith.constant 0 : i32
        %gt3A_1593 = vector.broadcast %gt3A_1592 : i32 to vector<16xi32>
        %gt3A_1594 = arith.cmpi sgt, %gather3A_1591, %gt3A_1593 : vector<16xi32>
        %select_n3A_1595 = arith.select %gt3A_1594, %get3A_27, %get3A_19 : vector<16xi1>, vector<16xf32>
        %swap3A_1596 = arith.constant 1 : i32
        %swap3A_1597 = arith.index_cast %swap3A_1596 : i32 to index
        %swap3A_1598 = arith.index_cast %scan3A_1584 : i32 to index
        %swap3A_1599 = arith.constant 128 : index
        %swap3A_1600 = tpu.vector_load %arg12[%swap3A_1597, %swap3A_1598, %swap3A_1599] {strides = array<i32>} : memref<2x50x178xf32, #tpu.memory_space<vmem>>, vector<16xf32>,
        tpu.vector_store %arg12[%swap3A_1597, %swap3A_1598, %swap3A_1599], %select_n3A_1595 {strides = array<i32>} : memref<2x50x178xf32, #tpu.memory_space<vmem>>, vector<16xf32>,
        %select_n3A_1601 = arith.select %gt3A_1594, %get3A_29, %get3A_21 : vector<16xi1>, vector<16xf32>
        %swap3A_1602 = arith.constant 1 : i32
        %swap3A_1603 = arith.index_cast %swap3A_1602 : i32 to index
        %swap3A_1604 = arith.index_cast %scan3A_1584 : i32 to index
        %swap3A_1605 = arith.constant 144 : index
        %swap3A_1606 = tpu.vector_load %arg12[%swap3A_1603, %swap3A_1604, %swap3A_1605] {strides = array<i32>} : memref<2x50x178xf32, #tpu.memory_space<vmem>>, vector<16xf32>,
        tpu.vector_store %arg12[%swap3A_1603, %swap3A_1604, %swap3A_1605], %select_n3A_1601 {strides = array<i32>} : memref<2x50x178xf32, #tpu.memory_space<vmem>>, vector<16xf32>,
        %select_n3A_1607 = arith.select %gt3A_1594, %get3A_31, %get3A_23 : vector<16xi1>, vector<16xf32>
        %swap3A_1608 = arith.constant 1 : i32
        %swap3A_1609 = arith.index_cast %swap3A_1608 : i32 to index
        %swap3A_1610 = arith.index_cast %scan3A_1584 : i32 to index
        %swap3A_1611 = arith.constant 160 : index
        %swap3A_1612 = tpu.vector_load %arg12[%swap3A_1609, %swap3A_1610, %swap3A_1611] {strides = array<i32>} : memref<2x50x178xf32, #tpu.memory_space<vmem>>, vector<16xf32>,
        tpu.vector_store %arg12[%swap3A_1609, %swap3A_1610, %swap3A_1611], %select_n3A_1607 {strides = array<i32>} : memref<2x50x178xf32, #tpu.memory_space<vmem>>, vector<16xf32>,
        %select_n3A_1613 = arith.select %gt3A_1594, %get3A_33, %get3A_25 : vector<16xi1>, vector<16xf32>
        %swap3A_1614 = arith.constant 1 : i32
        %swap3A_1615 = arith.index_cast %swap3A_1614 : i32 to index
        %swap3A_1616 = arith.index_cast %scan3A_1584 : i32 to index
        %swap3A_1617 = arith.constant 162 : index
        %swap3A_1618 = tpu.vector_load %arg12[%swap3A_1615, %swap3A_1616, %swap3A_1617] {strides = array<i32>} : memref<2x50x178xf32, #tpu.memory_space<vmem>>, vector<16xf32>,
        tpu.vector_store %arg12[%swap3A_1615, %swap3A_1616, %swap3A_1617], %select_n3A_1613 {strides = array<i32>} : memref<2x50x178xf32, #tpu.memory_space<vmem>>, vector<16xf32>,
        %scan3A_1619 = arith.constant 0 : i32
        scf.yield %scan3A_1619 : i32
      }
      %scan3A_1276 = arith.constant 50 : i32
      %mul3A_1277 = arith.constant 100 : i32
      %mul3A_1278 = arith.muli %add3A_1099, %mul3A_1277 : i32
      %add3A_1279 = arith.constant 50 : i32
      %add3A_1280 = arith.addi %mul3A_1278, %add3A_1279 : i32
      %add3A_1281 = arith.constant 48 : i32
      %add3A_1282 = arith.addi %add3A_1280, %add3A_1281 : i32
      %get3A_1283 = arith.index_cast %add3A_1282 : i32 to index
      %get3A_1284 = tpu.vector_load %arg9[%get3A_1283] {strides = array<i32>} : memref<6416xi32, #tpu.memory_space<vmem>>, vector<16xi32>,
      %iota3A_1285 = tpu.iota {dimensions = array<i32: 0>} : vector<16xi32>
      %add3A_1286 = arith.constant 48 : i32
      %add3A_1287 = vector.broadcast %add3A_1286 : i32 to vector<16xi32>
      %add3A_1288 = arith.addi %iota3A_1285, %add3A_1287 : vector<16xi32>
      %gt3A_1289 = arith.constant 0 : i32
      %gt3A_1290 = vector.broadcast %gt3A_1289 : i32 to vector<16xi32>
      %gt3A_1291 = arith.cmpi sgt, %get3A_1284, %gt3A_1290 : vector<16xi32>
      %lt3A_1292 = arith.constant 50 : i32
      %lt3A_1293 = vector.broadcast %lt3A_1292 : i32 to vector<16xi32>
      %lt3A_1294 = arith.cmpi slt, %add3A_1288, %lt3A_1293 : vector<16xi32>
      %and3A_1295 = arith.andi %gt3A_1291, %lt3A_1294 : vector<16xi1>
      %all_reduce_ffs3A_1296 = tpu.all_reduce %and3A_1295 {dim = 0 : i64, kind = #tpu.reduction_kind<find_first_set>} : vector<16xi1> -> vector<16xi32>
      %slice3A_1297 = vector.extract_strided_slice %all_reduce_ffs3A_1296 {offsets = [0], sizes = [1], strides = [1]} : vector<16xi32> to vector<1xi32>
      %squeeze3A_1298 = vector.extract %slice3A_1297[0] : i32 from vector<1xi32>
      %lt3A_1299 = arith.constant 16 : i32
      %lt3A_1300 = arith.cmpi slt, %squeeze3A_1298, %lt3A_1299 : i32
      %add3A_1301 = arith.constant 48 : i32
      %add3A_1302 = arith.addi %add3A_1301, %squeeze3A_1298 : i32
      %jit3A_1303 = arith.constant 0 : i32
      %select_n3A_1304 = arith.select %lt3A_1300, %add3A_1302, %jit3A_1303 : i32
      %add3A_1305 = arith.constant 32 : i32
      %add3A_1306 = arith.addi %add3A_1280, %add3A_1305 : i32
      %get3A_1307 = arith.index_cast %add3A_1306 : i32 to index
      %get3A_1308 = tpu.vector_load %arg9[%get3A_1307] {strides = array<i32>} : memref<6416xi32, #tpu.memory_space<vmem>>, vector<16xi32>,
      %iota3A_1309 = tpu.iota {dimensions = array<i32: 0>} : vector<16xi32>
      %add3A_1310 = arith.constant 32 : i32
      %add3A_1311 = vector.broadcast %add3A_1310 : i32 to vector<16xi32>
      %add3A_1312 = arith.addi %iota3A_1309, %add3A_1311 : vector<16xi32>
      %gt3A_1313 = arith.constant 0 : i32
      %gt3A_1314 = vector.broadcast %gt3A_1313 : i32 to vector<16xi32>
      %gt3A_1315 = arith.cmpi sgt, %get3A_1308, %gt3A_1314 : vector<16xi32>
      %lt3A_1316 = arith.constant 50 : i32
      %lt3A_1317 = vector.broadcast %lt3A_1316 : i32 to vector<16xi32>
      %lt3A_1318 = arith.cmpi slt, %add3A_1312, %lt3A_1317 : vector<16xi32>
      %and3A_1319 = arith.andi %gt3A_1315, %lt3A_1318 : vector<16xi1>
      %all_reduce_ffs3A_1320 = tpu.all_reduce %and3A_1319 {dim = 0 : i64, kind = #tpu.reduction_kind<find_first_set>} : vector<16xi1> -> vector<16xi32>
      %slice3A_1321 = vector.extract_strided_slice %all_reduce_ffs3A_1320 {offsets = [0], sizes = [1], strides = [1]} : vector<16xi32> to vector<1xi32>
      %squeeze3A_1322 = vector.extract %slice3A_1321[0] : i32 from vector<1xi32>
      %lt3A_1323 = arith.constant 16 : i32
      %lt3A_1324 = arith.cmpi slt, %squeeze3A_1322, %lt3A_1323 : i32
      %add3A_1325 = arith.constant 32 : i32
      %add3A_1326 = arith.addi %add3A_1325, %squeeze3A_1322 : i32
      %select_n3A_1327 = arith.select %lt3A_1324, %add3A_1326, %select_n3A_1304 : i32
      %add3A_1328 = arith.constant 16 : i32
      %add3A_1329 = arith.addi %add3A_1280, %add3A_1328 : i32
      %get3A_1330 = arith.index_cast %add3A_1329 : i32 to index
      %get3A_1331 = tpu.vector_load %arg9[%get3A_1330] {strides = array<i32>} : memref<6416xi32, #tpu.memory_space<vmem>>, vector<16xi32>,
      %iota3A_1332 = tpu.iota {dimensions = array<i32: 0>} : vector<16xi32>
      %add3A_1333 = arith.constant 16 : i32
      %add3A_1334 = vector.broadcast %add3A_1333 : i32 to vector<16xi32>
      %add3A_1335 = arith.addi %iota3A_1332, %add3A_1334 : vector<16xi32>
      %gt3A_1336 = arith.constant 0 : i32
      %gt3A_1337 = vector.broadcast %gt3A_1336 : i32 to vector<16xi32>
      %gt3A_1338 = arith.cmpi sgt, %get3A_1331, %gt3A_1337 : vector<16xi32>
      %lt3A_1339 = arith.constant 50 : i32
      %lt3A_1340 = vector.broadcast %lt3A_1339 : i32 to vector<16xi32>
      %lt3A_1341 = arith.cmpi slt, %add3A_1335, %lt3A_1340 : vector<16xi32>
      %and3A_1342 = arith.andi %gt3A_1338, %lt3A_1341 : vector<16xi1>
      %all_reduce_ffs3A_1343 = tpu.all_reduce %and3A_1342 {dim = 0 : i64, kind = #tpu.reduction_kind<find_first_set>} : vector<16xi1> -> vector<16xi32>
      %slice3A_1344 = vector.extract_strided_slice %all_reduce_ffs3A_1343 {offsets = [0], sizes = [1], strides = [1]} : vector<16xi32> to vector<1xi32>
      %squeeze3A_1345 = vector.extract %slice3A_1344[0] : i32 from vector<1xi32>
      %lt3A_1346 = arith.constant 16 : i32
      %lt3A_1347 = arith.cmpi slt, %squeeze3A_1345, %lt3A_1346 : i32
      %add3A_1348 = arith.constant 16 : i32
      %add3A_1349 = arith.addi %add3A_1348, %squeeze3A_1345 : i32
      %select_n3A_1350 = arith.select %lt3A_1347, %add3A_1349, %select_n3A_1327 : i32
      %add3A_1351 = arith.constant 0 : i32
      %add3A_1352 = arith.addi %add3A_1280, %add3A_1351 : i32
      %get3A_1353 = arith.index_cast %add3A_1352 : i32 to index
      %get3A_1354 = tpu.vector_load %arg9[%get3A_1353] {strides = array<i32>} : memref<6416xi32, #tpu.memory_space<vmem>>, vector<16xi32>,
      %iota3A_1355 = tpu.iota {dimensions = array<i32: 0>} : vector<16xi32>
      %add3A_1356 = arith.constant 0 : i32
      %add3A_1357 = vector.broadcast %add3A_1356 : i32 to vector<16xi32>
      %add3A_1358 = arith.addi %iota3A_1355, %add3A_1357 : vector<16xi32>
      %gt3A_1359 = arith.constant 0 : i32
      %gt3A_1360 = vector.broadcast %gt3A_1359 : i32 to vector<16xi32>
      %gt3A_1361 = arith.cmpi sgt, %get3A_1354, %gt3A_1360 : vector<16xi32>
      %lt3A_1362 = arith.constant 50 : i32
      %lt3A_1363 = vector.broadcast %lt3A_1362 : i32 to vector<16xi32>
      %lt3A_1364 = arith.cmpi slt, %add3A_1358, %lt3A_1363 : vector<16xi32>
      %and3A_1365 = arith.andi %gt3A_1361, %lt3A_1364 : vector<16xi1>
      %all_reduce_ffs3A_1366 = tpu.all_reduce %and3A_1365 {dim = 0 : i64, kind = #tpu.reduction_kind<find_first_set>} : vector<16xi1> -> vector<16xi32>
      %slice3A_1367 = vector.extract_strided_slice %all_reduce_ffs3A_1366 {offsets = [0], sizes = [1], strides = [1]} : vector<16xi32> to vector<1xi32>
      %squeeze3A_1368 = vector.extract %slice3A_1367[0] : i32 from vector<1xi32>
      %lt3A_1369 = arith.constant 16 : i32
      %lt3A_1370 = arith.cmpi slt, %squeeze3A_1368, %lt3A_1369 : i32
      %add3A_1371 = arith.constant 0 : i32
      %add3A_1372 = arith.addi %add3A_1371, %squeeze3A_1368 : i32
      %select_n3A_1373 = arith.select %lt3A_1370, %add3A_1372, %select_n3A_1350 : i32
      %swap3A_1374 = arith.constant 1 : i32
      %swap3A_1375 = arith.index_cast %swap3A_1374 : i32 to index
      %swap3A_1376 = arith.index_cast %select_n3A_1373 : i32 to index
      %swap3A_1377 = arith.constant 0 : index
      %swap3A_1378 = tpu.vector_load %arg12[%swap3A_1375, %swap3A_1376, %swap3A_1377] {strides = array<i32>} : memref<2x50x178xf32, #tpu.memory_space<vmem>>, vector<16xf32>,
      tpu.vector_store %arg12[%swap3A_1375, %swap3A_1376, %swap3A_1377], %get3A_3 {strides = array<i32>} : memref<2x50x178xf32, #tpu.memory_space<vmem>>, vector<16xf32>,
      %swap3A_1379 = arith.constant 1 : i32
      %swap3A_1380 = arith.index_cast %swap3A_1379 : i32 to index
      %swap3A_1381 = arith.index_cast %select_n3A_1373 : i32 to index
      %swap3A_1382 = arith.constant 16 : index
      %swap3A_1383 = tpu.vector_load %arg12[%swap3A_1380, %swap3A_1381, %swap3A_1382] {strides = array<i32>} : memref<2x50x178xf32, #tpu.memory_space<vmem>>, vector<16xf32>,
      tpu.vector_store %arg12[%swap3A_1380, %swap3A_1381, %swap3A_1382], %get3A_5 {strides = array<i32>} : memref<2x50x178xf32, #tpu.memory_space<vmem>>, vector<16xf32>,
      %swap3A_1384 = arith.constant 1 : i32
      %swap3A_1385 = arith.index_cast %swap3A_1384 : i32 to index
      %swap3A_1386 = arith.index_cast %select_n3A_1373 : i32 to index
      %swap3A_1387 = arith.constant 32 : index
      %swap3A_1388 = tpu.vector_load %arg12[%swap3A_1385, %swap3A_1386, %swap3A_1387] {strides = array<i32>} : memref<2x50x178xf32, #tpu.memory_space<vmem>>, vector<16xf32>,
      tpu.vector_store %arg12[%swap3A_1385, %swap3A_1386, %swap3A_1387], %get3A_7 {strides = array<i32>} : memref<2x50x178xf32, #tpu.memory_space<vmem>>, vector<16xf32>,
      %swap3A_1389 = arith.constant 1 : i32
      %swap3A_1390 = arith.index_cast %swap3A_1389 : i32 to index
      %swap3A_1391 = arith.index_cast %select_n3A_1373 : i32 to index
      %swap3A_1392 = arith.constant 48 : index
      %swap3A_1393 = tpu.vector_load %arg12[%swap3A_1390, %swap3A_1391, %swap3A_1392] {strides = array<i32>} : memref<2x50x178xf32, #tpu.memory_space<vmem>>, vector<16xf32>,
      tpu.vector_store %arg12[%swap3A_1390, %swap3A_1391, %swap3A_1392], %get3A_9 {strides = array<i32>} : memref<2x50x178xf32, #tpu.memory_space<vmem>>, vector<16xf32>,
      %swap3A_1394 = arith.constant 1 : i32
      %swap3A_1395 = arith.index_cast %swap3A_1394 : i32 to index
      %swap3A_1396 = arith.index_cast %select_n3A_1373 : i32 to index
      %swap3A_1397 = arith.constant 64 : index
      %swap3A_1398 = tpu.vector_load %arg12[%swap3A_1395, %swap3A_1396, %swap3A_1397] {strides = array<i32>} : memref<2x50x178xf32, #tpu.memory_space<vmem>>, vector<16xf32>,
      tpu.vector_store %arg12[%swap3A_1395, %swap3A_1396, %swap3A_1397], %get3A_11 {strides = array<i32>} : memref<2x50x178xf32, #tpu.memory_space<vmem>>, vector<16xf32>,
      %swap3A_1399 = arith.constant 1 : i32
      %swap3A_1400 = arith.index_cast %swap3A_1399 : i32 to index
      %swap3A_1401 = arith.index_cast %select_n3A_1373 : i32 to index
      %swap3A_1402 = arith.constant 80 : index
      %swap3A_1403 = tpu.vector_load %arg12[%swap3A_1400, %swap3A_1401, %swap3A_1402] {strides = array<i32>} : memref<2x50x178xf32, #tpu.memory_space<vmem>>, vector<16xf32>,
      tpu.vector_store %arg12[%swap3A_1400, %swap3A_1401, %swap3A_1402], %get3A_13 {strides = array<i32>} : memref<2x50x178xf32, #tpu.memory_space<vmem>>, vector<16xf32>,
      %swap3A_1404 = arith.constant 1 : i32
      %swap3A_1405 = arith.index_cast %swap3A_1404 : i32 to index
      %swap3A_1406 = arith.index_cast %select_n3A_1373 : i32 to index
      %swap3A_1407 = arith.constant 96 : index
      %swap3A_1408 = tpu.vector_load %arg12[%swap3A_1405, %swap3A_1406, %swap3A_1407] {strides = array<i32>} : memref<2x50x178xf32, #tpu.memory_space<vmem>>, vector<16xf32>,
      tpu.vector_store %arg12[%swap3A_1405, %swap3A_1406, %swap3A_1407], %get3A_15 {strides = array<i32>} : memref<2x50x178xf32, #tpu.memory_space<vmem>>, vector<16xf32>,
      %swap3A_1409 = arith.constant 1 : i32
      %swap3A_1410 = arith.index_cast %swap3A_1409 : i32 to index
      %swap3A_1411 = arith.index_cast %select_n3A_1373 : i32 to index
      %swap3A_1412 = arith.constant 112 : index
      %swap3A_1413 = tpu.vector_load %arg12[%swap3A_1410, %swap3A_1411, %swap3A_1412] {strides = array<i32>} : memref<2x50x178xf32, #tpu.memory_space<vmem>>, vector<16xf32>,
      tpu.vector_store %arg12[%swap3A_1410, %swap3A_1411, %swap3A_1412], %get3A_17 {strides = array<i32>} : memref<2x50x178xf32, #tpu.memory_space<vmem>>, vector<16xf32>,
      %mul3A_1414 = arith.constant 2 : i32
      %mul3A_1415 = arith.muli %add3A_1099, %mul3A_1414 : i32
      %add3A_1416 = arith.addi %mul3A_2, %mul3A_1415 : i32
      %dma_start3A_1417 = arith.constant 0 : i32
      %dma_start3A_1418 = arith.constant 0 : i32
      %dma_start3A_1419 = tpu.memref_slice %arg7[%add3A_1416, %dma_start3A_1417, %dma_start3A_1418] : memref<4096x50x178xf32, #tpu.memory_space<hbm>> -> memref<2x50x178xf32, #tpu.memory_space<hbm>>
      %dma_start3A_1420 = arith.constant 0 : i32
      %dma_start3A_1421 = arith.constant 0 : i32
      %dma_start3A_1422 = tpu.memref_slice %arg7[%add3A_1416, %dma_start3A_1420, %dma_start3A_1421] : memref<4096x50x178xf32, #tpu.memory_space<hbm>> -> memref<2x50x178xf32, #tpu.memory_space<hbm>>
      tpu.enqueue_dma source(%arg12 : memref<2x50x178xf32, #tpu.memory_space<vmem>>) target(%dma_start3A_1422 : memref<2x50x178xf32, #tpu.memory_space<hbm>>) target_semaphore(%arg18 : memref<!tpu.dma_semaphore, #tpu.memory_space<semaphore_mem>>)
      %dma_wait3A_1423 = arith.constant 0 : i32
      %dma_wait3A_1424 = arith.constant 0 : i32
      %dma_wait3A_1425 = tpu.memref_slice %arg7[%mul3A_2, %dma_wait3A_1423, %dma_wait3A_1424] : memref<4096x50x178xf32, #tpu.memory_space<hbm>> -> memref<2x50x178xf32, #tpu.memory_space<hbm>>
      %dma_wait3A_1426 = arith.constant 0 : i32
      %dma_wait3A_1427 = arith.constant 0 : i32
      %dma_wait3A_1428 = tpu.memref_slice %arg7[%mul3A_2, %dma_wait3A_1426, %dma_wait3A_1427] : memref<4096x50x178xf32, #tpu.memory_space<hbm>> -> memref<2x50x178xf32, #tpu.memory_space<hbm>>
      tpu.wait_dma2 semaphore(%arg20 : memref<!tpu.dma_semaphore, #tpu.memory_space<semaphore_mem>>) src(%arg14 : memref<2x50x178xf32, #tpu.memory_space<vmem>>) dst(%dma_wait3A_1428 : memref<2x50x178xf32, #tpu.memory_space<hbm>>)
      %add3A_1429 = arith.constant 2 : i32
      %add3A_1430 = arith.addi %add3A_1099, %add3A_1429 : i32
      %lt3A_1431 = arith.constant 64 : i32
      %lt3A_1432 = arith.cmpi slt, %add3A_1430, %lt3A_1431 : i32
      %convert_element_type3A_1433 = arith.extui %lt3A_1432 : i1 to i32
      %cond3A_1434 = arith.constant 0 : i32
      %cond3A_1435 = arith.cmpi ne, %convert_element_type3A_1433, %cond3A_1434 : i32
      scf.if %cond3A_1435 {
        %add3A_1437 = arith.constant 2 : i32
        %add3A_1438 = arith.addi %add3A_1099, %add3A_1437 : i32
        %dma_start3A_1439 = arith.constant 0 : i32
        %dma_start3A_1440 = arith.constant 0 : i32
        %dma_start3A_1441 = arith.constant 0 : i32
        %dma_start3A_1442 = arith.constant 0 : i32
        %dma_start3A_1443 = tpu.memref_slice %arg14[%dma_start3A_1440, %dma_start3A_1441, %dma_start3A_1442] : memref<2x50x178xf32, #tpu.memory_space<vmem>> -> memref<1x50x128xf32, #tpu.memory_space<vmem>>
        %dma_start3A_1444 = tpu.memref_squeeze %dma_start3A_1443 : memref<1x50x128xf32, #tpu.memory_space<vmem>> -> memref<50x128xf32, #tpu.memory_space<vmem>>
        %dma_start3A_1445 = arith.constant 0 : i32
        %dma_start3A_1446 = tpu.memref_slice %arg8[%add3A_1438, %dma_start3A_1439, %dma_start3A_1445] : memref<64x2x50xi32, #tpu.memory_space<vmem>> -> memref<1x1x50xi32, #tpu.memory_space<vmem>>
        %dma_start3A_1447 = tpu.memref_squeeze %dma_start3A_1446 : memref<1x1x50xi32, #tpu.memory_space<vmem>> -> memref<50xi32, #tpu.memory_space<vmem>>
        %dma_start3A_1448 = arith.constant 0 : i32
        %dma_start3A_1449 = arith.constant 0 : i32
        %dma_start3A_1450 = tpu.memref_slice %arg4[%dma_start3A_1448, %dma_start3A_1449] : memref<100000x128xf32, #tpu.memory_space<hbm>> -> memref<100000x128xf32, #tpu.memory_space<hbm>>
        tpu.enqueue_indirect_dma source(%dma_start3A_1450 : memref<100000x128xf32, #tpu.memory_space<hbm>>) target(%dma_start3A_1444 : memref<50x128xf32, #tpu.memory_space<vmem>>) offsets(%dma_start3A_1447 : memref<50xi32, #tpu.memory_space<vmem>>) semaphore(%arg17 : memref<!tpu.dma_semaphore, #tpu.memory_space<semaphore_mem>>)
        %dma_start3A_1451 = arith.constant 1 : i32
        %dma_start3A_1452 = arith.constant 1 : i32
        %dma_start3A_1453 = arith.constant 0 : i32
        %dma_start3A_1454 = arith.constant 0 : i32
        %dma_start3A_1455 = tpu.memref_slice %arg14[%dma_start3A_1452, %dma_start3A_1453, %dma_start3A_1454] : memref<2x50x178xf32, #tpu.memory_space<vmem>> -> memref<1x50x128xf32, #tpu.memory_space<vmem>>
        %dma_start3A_1456 = tpu.memref_squeeze %dma_start3A_1455 : memref<1x50x128xf32, #tpu.memory_space<vmem>> -> memref<50x128xf32, #tpu.memory_space<vmem>>
        %dma_start3A_1457 = arith.constant 0 : i32
        %dma_start3A_1458 = tpu.memref_slice %arg8[%add3A_1438, %dma_start3A_1451, %dma_start3A_1457] : memref<64x2x50xi32, #tpu.memory_space<vmem>> -> memref<1x1x50xi32, #tpu.memory_space<vmem>>
        %dma_start3A_1459 = tpu.memref_squeeze %dma_start3A_1458 : memref<1x1x50xi32, #tpu.memory_space<vmem>> -> memref<50xi32, #tpu.memory_space<vmem>>
        %dma_start3A_1460 = arith.constant 0 : i32
        %dma_start3A_1461 = arith.constant 0 : i32
        %dma_start3A_1462 = tpu.memref_slice %arg4[%dma_start3A_1460, %dma_start3A_1461] : memref<100000x128xf32, #tpu.memory_space<hbm>> -> memref<100000x128xf32, #tpu.memory_space<hbm>>
        tpu.enqueue_indirect_dma source(%dma_start3A_1462 : memref<100000x128xf32, #tpu.memory_space<hbm>>) target(%dma_start3A_1456 : memref<50x128xf32, #tpu.memory_space<vmem>>) offsets(%dma_start3A_1459 : memref<50xi32, #tpu.memory_space<vmem>>) semaphore(%arg17 : memref<!tpu.dma_semaphore, #tpu.memory_space<semaphore_mem>>)
      } else {
      }
      %scan3A_1436 = arith.constant 0 : i32
      scf.yield %scan3A_1436 : i32
    }
    %scan3A_403 = arith.constant 21 : i32
    %dma_wait3A_404 = arith.constant 0 : i32
    %dma_wait3A_405 = arith.constant 0 : i32
    %dma_wait3A_406 = tpu.memref_slice %arg7[%mul3A_2, %dma_wait3A_404, %dma_wait3A_405] : memref<4096x50x178xf32, #tpu.memory_space<hbm>> -> memref<2x50x178xf32, #tpu.memory_space<hbm>>
    %dma_wait3A_407 = arith.constant 0 : i32
    %dma_wait3A_408 = arith.constant 0 : i32
    %dma_wait3A_409 = tpu.memref_slice %arg7[%mul3A_2, %dma_wait3A_407, %dma_wait3A_408] : memref<4096x50x178xf32, #tpu.memory_space<hbm>> -> memref<2x50x178xf32, #tpu.memory_space<hbm>>
    tpu.wait_dma2 semaphore(%arg18 : memref<!tpu.dma_semaphore, #tpu.memory_space<semaphore_mem>>) src(%arg12 : memref<2x50x178xf32, #tpu.memory_space<vmem>>) dst(%dma_wait3A_409 : memref<2x50x178xf32, #tpu.memory_space<hbm>>)
    return
  }
}

</mosaic_0001>

<sc_bundles>
// kernel: _run_all.3.cloned.1.call-start
scs
__scs_entry_jumppad:
0x0: {  	(pc) =	sbr.rel $0x88, $3  }
0x1: {  	(tag) =	ssettag $0x0;
	lr =	simm.s32 $0x1  }
0x2: {  	[smem:$0x3F9C] =	sst lr;
	_ =	strace $0xD0000000  }
0x3: {  	_ = 	snop  }
0x4: {  	_ = 	snop  }
0x5: {  	_ = 	snop  }
0x6: {  	_ = 	snop  }
0x7: {  	_ = 	snop  }
__scs_overlays_trampoline_lowered:
0x8: {  	[smem:$0x3FAB] =	sst s0  }
0x9: {  	[smem:$0x3FAC] =	sst s1  }
0xa: {  	[smem:$0x3FAD] =	sst s2  }
0xb: {  	[smem:$0x3FAE] =	sst s3  }
0xc: {  	[smem:$0x3FAF] =	sst s4  }
0xd: {  	[smem:$0x3FB0] =	sst s5  }
0xe: {  	[smem:$0x3FB1] =	sst s6  }
0xf: {  	[smem:$0x3FB2] =	sst s7  }
0x10: {  	[smem:$0x3FB3] =	sst s8  }
0x11: {  	[smem:$0x3FB4] =	sst s9;
	s0 =	simm.s32 @!p0 $0x0  }
0x12: {  	s1 =	sld [smem:$0x3F9A];
	s0 =	simm.s32 @p0 $0x1  }
0x13: {  	[smem:$0x3FB5] =	sst s0;
	s0 =	simm.s32 @!p1 $0x0  }
0x14: {  	s2 =	sld [smem:$0x3F99];
	s0 =	simm.s32 @p1 $0x1  }
0x15: {  	[smem:$0x3FB6] =	sst s0;
	s0 =	simm.s32 @!p2 $0x0  }
0x16: {  	s3 =	sld [smem:$0x3FDB];
	s0 =	simm.s32 @p2 $0x1  }
0x17: {  	s4 =	simm.s32 $0x1BF5;
	[smem:$0x3FB8] =	sst s0  }
0x18: {  	s0 =	sld [smem:$0x3F9B];
	_ =	swait.ge [sflag:s4], $0x0  }
0x19: {  	s7 =	sld [smem:$0x3F9C]  }
0x1a: {  	s8 =	sadd.s32 $0xFFFFE003, lr  }
0x1b: {  	s9 =	sadd.s32 $0xFFFFFEF7, lr;
	s5 =	simm.s32 $0xFFFFFFFF;
	p2 =	slt.u32 s8, $0xFFFFF086  }
0x1c: {  	p1 =	slt.u32 s9, $0xF7A;
	s5 =	simm.s32 @!p2 $0x0  }
0x1d: {  	s5 =	simm.s32 @p1 $0x1;
	p0 =	seq.s32 s7, s2  }
0x1e: {  	s7 =	smul.u32 @!p0 $0xF7A, s2;
	p2 =	seq.s32 @!p0 s5, $0x0  }
0x1f: {  	s9 =	smul.u32 $0xF7A, s1;
	s8 =	simm.s32 @!p0 $0x1BF5;
	p2 =	por !p2, p0  }
0x20: {  	[sflag:s8] =	ssyncset.s32 @!p0 $0xFFFFF086;
	s6 =	sadd.s32 @!p0 s3, s7;
	s7 =	simm.s32 @!p0 $0x108  }
0x21: {  	s3 =	sadd.s32 s3, s9;
	s6 =	sadd.s32 @!p0 $0x88, s6;
	s7 =	simm.s32 @p2 $0x1082  }
0x22: {  	[simem:s7], [sflag:s8] =	dma.local @!p0 [hbm:s6], $0xF7A  }
0x23: {  	s9 =	sor.u32 $0xD0000000, s2;
	s6 =	simm.s32 $0x108;
	_ =	swait.ge @!p0 [sflag:s8], $0x0  }
0x24: {  	s3 =	sadd.s32 $0x88, s3;
	s6 =	simm.s32 @!p1 $0x1082;
	[sflag:s4] =	ssyncset.s32 $0xFFFFF086  }
0x25: {  	[simem:s6], [sflag:s4] =	dma.local [hbm:s3], $0xF7A  }
0x26: {  	[smem:$0x3F9C] =	sst s1;
	(tag) =	ssettag s2;
	_ =	strace s9  }
0x27: {  	s1 =	sld [smem:$0x3FAC]  }
0x28: {  	s2 =	sld [smem:$0x3FAD]  }
0x29: {  	s4 =	sld [smem:$0x3FAF]  }
0x2a: {  	p0 =	seq.s32 s5, $0x0;
	s5 =	sld [smem:$0x3FB0]  }
0x2b: {  	s6 =	sld [smem:$0x3FB1]  }
0x2c: {  	s7 =	sld [smem:$0x3FB2]  }
0x2d: {  	s3 =	simm.s32 $0x108;
	s8 =	sld [smem:$0x3FB3]  }
0x2e: {  	s3 =	simm.s32 @!p0 $0x1082;
	s9 =	sld [smem:$0x3FB4]  }
0x2f: {  	lr =	sadd.s32 s0, s3;
	s0 =	sld [smem:$0x3FAB]  }
0x30: {  	s3 =	sld [smem:$0x3FAE]  }
0x31: {  	[smem:$0x3FB7] =	sst s10  }
0x32: {  	s10 =	sld [smem:$0x3FB5];
	_ =	sdelay $0x3  }
0x33: {  	p0 =	seq.s32 s10, $0x1;
	s10 =	sld [smem:$0x3FB7];
	_ =	sdelay $0x3  }
0x34: {  	[smem:$0x3FB7] =	sst s10  }
0x35: {  	s10 =	sld [smem:$0x3FB6];
	_ =	sdelay $0x3  }
0x36: {  	p1 =	seq.s32 s10, $0x1;
	s10 =	sld [smem:$0x3FB7];
	_ =	sdelay $0x3  }
0x37: {  	[smem:$0x3FB7] =	sst s10  }
0x38: {  	s10 =	sld [smem:$0x3FB8]  }
0x39: {  	_ = 	snop;
	(pc) =	sbr.ind lr, $3  }
0x3a: {  	_ = 	snop  }
0x3b: {  	_ = 	snop  }
0x3c: {  	p2 =	seq.s32 s10, $0x1;
	s10 =	sld [smem:$0x3FB7]  }
0x3d: {  	_ =	shalt  }
0x3e: {  	_ =	shalt  }
0x3f: {  	_ =	shalt  }
0x40: {  	_ =	shalt  }
0x41: {  	_ =	shalt  }
0x42: {  	_ =	shalt  }
0x43: {  	_ =	shalt  }
0x44: {  	_ =	shalt  }
0x45: {  	_ =	shalt  }
0x46: {  	_ =	shalt  }
0x47: {  	_ =	shalt  }
0x48: {  	_ =	shalt  }
0x49: {  	_ =	shalt  }
0x4a: {  	_ =	shalt  }
0x4b: {  	_ =	shalt  }
0x4c: {  	_ =	shalt  }
0x4d: {  	_ =	shalt  }
0x4e: {  	_ =	shalt  }
0x4f: {  	_ =	shalt  }
0x50: {  	_ =	shalt  }
0x51: {  	_ =	shalt  }
0x52: {  	_ =	shalt  }
0x53: {  	_ =	shalt  }
0x54: {  	_ =	shalt  }
0x55: {  	_ =	shalt  }
0x56: {  	_ =	shalt  }
0x57: {  	_ =	shalt  }
0x58: {  	_ =	shalt  }
0x59: {  	_ =	shalt  }
0x5a: {  	_ =	shalt  }
0x5b: {  	_ =	shalt  }
0x5c: {  	_ =	shalt  }
0x5d: {  	_ =	shalt  }
0x5e: {  	_ =	shalt  }
0x5f: {  	_ =	shalt  }
0x60: {  	_ =	shalt  }
0x61: {  	_ =	shalt  }
0x62: {  	_ =	shalt  }
0x63: {  	_ =	shalt  }
0x64: {  	_ =	shalt  }
0x65: {  	_ =	shalt  }
0x66: {  	_ =	shalt  }
0x67: {  	_ =	shalt  }
0x68: {  	_ =	shalt  }
0x69: {  	_ =	shalt  }
0x6a: {  	_ =	shalt  }
0x6b: {  	_ =	shalt  }
0x6c: {  	_ =	shalt  }
0x6d: {  	_ =	shalt  }
0x6e: {  	_ =	shalt  }
0x6f: {  	_ =	shalt  }
0x70: {  	_ =	shalt  }
0x71: {  	_ =	shalt  }
0x72: {  	_ =	shalt  }
0x73: {  	_ =	shalt  }
0x74: {  	_ =	shalt  }
0x75: {  	_ =	shalt  }
0x76: {  	_ =	shalt  }
0x77: {  	_ =	shalt  }
0x78: {  	_ =	shalt  }
0x79: {  	_ =	shalt  }
0x7a: {  	_ =	shalt  }
0x7b: {  	_ =	shalt  }
0x7c: {  	_ =	shalt  }
0x7d: {  	_ =	shalt  }
0x7e: {  	_ =	shalt  }
0x7f: {  	_ =	shalt  }
0x80: {  	_ =	shalt  }
0x81: {  	_ =	shalt  }
0x82: {  	_ =	shalt  }
0x83: {  	_ =	shalt  }
0x84: {  	_ =	shalt  }
0x85: {  	_ =	shalt  }
0x86: {  	_ =	shalt  }
0x87: {  	_ =	shalt  }
.Lfunc_end0:
.L_simem_size_0:
called_computation_lowered:
.L_overlay_start_0:
0x88: {  	s2 =	sld [smem:$0x3FD9]  }
0x89: {  	s3 =	sld [smem:$0x3FFE];
	_ =	sdelay $0x1  }
0x8a: {  	s1 =	srdreg.scid  }
0x8b: {  	s0 =	sand.u32 $0x1, s1  }
0x8c: {  	s17 =	sshll.u32 s0, $0xA;
	s2 =	sadd.s32 s3, s2  }
0x8d: {  	s2 =	sadd.s32 s2, s17  }
0x8e: {  	[smem:$0x3FC3] =	sst s2  }
0x8f: {  	_ = 	snop  }
0x90: {  	s2 =	sld [smem:$0x3FC7]  }
0x91: {  	s18 =	sld [smem:$0x3FC6]  }
0x92: {  	s4 =	sld [smem:$0x3FD0];
	(tm) =	ssettm $0x1  }
0x93: {  	s5 =	sld [smem:$0x3FFB];
	_ =	sdelay $0x3  }
0x94: {  	_ =	strace s5  }
0x95: {  	s5 =	sld [smem:$0x3FFC];
	_ =	sdelay $0x3  }
0x96: {  	_ =	strace s5  }
0x97: {  	s5 =	sld [smem:$0x3FFD];
	_ =	sdelay $0x3  }
0x98: {  	_ =	strace s5  }
0x99: {  	_ =	strace $0x8FFFFFFF  }
0x9a: {  	s19 =	sld [smem:$0x3FDB];
	_ =	sdelay $0x1  }
0x9b: {  	s6 =	simm.s32 $_scs_section_size  }
0x9c: {  	s7 =	simm.s32 $_size__tile_overlayer_lowered;
	s8 =	simm.s32 $_tile_overlayer_lowered  }
0x9d: {  	s22 =	simm.s32 $0x1BFF;
	s21 =	sshll.u32 s8, $0x1;
	s5 =	sadd.s32 s6, s19  }
0x9e: {  	s9 =	simm.s32 $0x0;
	s20 =	sshll.u32 s7, $0x1;
	s7 =	sadd.s32 s21, s5  }
0x9f: {  	[timem:s9], [sflag:s22] =	dma.local [hbm:s7], s20  }
0xa0: {  	_ =	swait.ge [sflag:s22], s20  }
0xa1: {  	s6 =	ssub.s32 $0x0, s20;
	[sflag:s22] =	ssyncset.done $0x0  }
0xa2: {  	[sflag:s22] =	ssyncadd.s32 s6;
	_ =	sdelay $0x1  }
0xa3: {  	s23 =	simm.s32 $0x1B8B  }
0xa4: {  	_ =	swait.ge [sflag:s23], $0x1  }
0xa5: {  	[sflag:s23] =	ssyncset.done $0x0  }
0xa6: {  	s25 =	simm.s32 $0x1B8E;
	s24 =	sld [smem:$0x3FFE];
	[sflag:s23] =	ssyncadd.s32 $0xFFFFFFFF  }
0xa7: {  	s26 =	simm.s32 $execute0_lowered;
	[smem:$0x3FD2] =	sst s25  }
0xa8: {  	s7 =	sshll.u32 s26, $0x1;
	_ =	strace $0x80000046;
	[dreg:$0x1] =	wrdreg $0xFFFFFFFF  }
0xa9: {  	s28 =	simm.s32 $_size_execute0_lowered;
	s5 =	sadd.s32 s5, s7;
	[dreg:$0x0] =	wrdreg $0x0  }
0xaa: {  	s7 =	sshll.u32 s28, $0x1;
	[dreg:$0x2] =	wrdreg s5  }
0xab: {  	[dreg:$0x3] =	wrdreg s7  }
0xac: {  	[dreg:$0x4] =	wrdreg $0xC0  }
0xad: {  	_ =	task [dreg:s9], $0x5FFFF  }
0xae: {  	[dreg:$0x1] =	wrdreg $0xFFFFFFFF  }
0xaf: {  	[dreg:$0x0] =	wrdreg $0x60  }
0xb0: {  	[dreg:$0x2] =	wrdreg s4  }
0xb1: {  	[dreg:$0x3] =	wrdreg s24  }
0xb2: {  	[dreg:$0x4] =	wrdreg s2  }
0xb3: {  	[dreg:$0x5] =	wrdreg s18  }
0xb4: {  	[dreg:$0x6] =	wrdreg $0x9  }
0xb5: {  	_ =	task.clear_ibuf [dreg:s9], $0x7FFFF;
	_ =	strace $0x90000046  }
0xb6: {  	s29 =	simm.s32 $0x9;
	_ =	strace $0x80000048  }
0xb7: {  	_ =	swait.ge [sflag:s29], $0x1  }
0xb8: {  	[sflag:s29] =	ssyncadd.s32 $0xFFFFFFFF  }
0xb9: {  	_ =	strace $0x90000048  }
0xba: {  	_ =	sfence  }
0xbb: {  	s30 =	sld [smem:$0x0];
	_ =	sdelay $0x2  }
0xbc: {  	s31 =	sshll.u32 s1, $0xD;
	s1 =	sshrl.u32 s1, $0x2  }
0xbd: {  	s3 =	sand.u32 $0x4000, s31;
	s1 =	sadd.s32 s1, s30  }
0xbe: {  	s0 =	sor.u32 s3, s0;
	s1 =	sshll.u32 s1, $0x11  }
0xbf: {  	s0 =	sor.u32 s1, s0  }
0xc0: {  	s0 =	sadd.s32 $0x8F2B, s0  }
0xc1: {  	[sflag:s0] =	ssyncadd.remote.s32 $0x1  }
0xc2: {  	_ =	sfence.sel $0xFFFF  }
0xc3: {  	[dreg:$0x0] =	wrdreg $0xFFFFFFFF;
	(pc) =	sbr.abs _section_cstart, $3  }
0xc4: {  	[dreg:$0x1] =	wrdreg $0xFFFFFFFF  }
0xc5: {  	_ =	task.clear_ibuf [dreg:s9], $0x2FFFF;
	_ =	strace $0x9FFFFFFF  }
0xc6: {  	(tm) =	ssettm $0x7FFFFFFF  }
0xc7: {  	_ =	shalt  }
tec
execute0_lowered:
.L_overlay_start_1:
0x0: {  	(tag) =	ssettag $0x1  }
0x1: {  	s0 =	rddreg [dreg:$0x0]  }
0x2: {  	s1 =	srdreg.scid;
	s3 =	rddreg [dreg:$0x1]  }
0x3: {  	s5 =	stileid.u32;
	s2 =	rddreg [dreg:$0x2];
	s14 =	simm.s32 $0x4000  }
0x4: {  	s28 =	simm.s32 $0x5A80;
	s29 =	simm.s32 $0x6280;
	s30 =	simm.s32 $0x6A80  }
0x5: {  	s31 =	simm.s32 $0x7280;
	s13 =	simm.s32 $0x1;
	s11 =	simm.s32 $0x4  }
0x6: {  	s1 =	sand.u32 $0x1, s1;
	s4 =	sshll.u32 s5, $0x1;
	s21 =	sshrl.u32 s5, $0x2  }
0x7: {  	s5 =	simm.s32 $0x0;
	s23 =	sadd.s32 $0x400, s3;
	s6 =	sor.u32 s1, s4  }
0x8: {  	s7 =	smul.u32 $0xC800, s21;
	[smem:$0x7FF] =	sst s5;
	s1 =	ssub.s32 $0x2, s1  }
0x9: {  	s4 =	sshll.u32 s6, $0x7;
	_ =	strace $0x80000047;
	[dreg:$0x5] =	wrdreg s23  }
0xa: {  	s9 =	sshrl.u32 s1, $0x1;
	s10 =	sshll.u32 s6, $0xB;
	s8 =	sand.u32 $0x380, s4  }
0xb: {  	s6 =	smul.u32 $0x38000, s6;
	s1 =	ssub.s32 s1, s9;
	s7 =	sor.u32 s7, s8  }
.Ltmp0:
0xc: {  	s0 =	sadd.s32 s0, s10;
	s7 =	sshrl.u32 s7, $0x3;
	(pc) =	sbr.rel .LBB2_1-.Ltmp0, $4  }
0xd: {  	[dreg:$0x6] =	wrdreg s0;
	s26 =	smax.u32 s1, $0x1;
	s22 =	sadd.s32 s7, s3  }
0xe: {  	v2 =	vlaneseq.u32;
	[dreg:$0x9] =	wrdreg s26;
	s7 =	sadd.s32 $0x6A00, s3;
	s24 =	sadd.s32 $0x600, s22  }
0xf: {  	s12 =	simm.s32 $0x3;
	vm0 =	vmmov $0xff;
	vm1 =	vmmov $0x3;
	v1 =	vshrl.u32 v2, $0x3;
	s25 =	sadd.s32 s7, s6;
	[dreg:$0x7] =	wrdreg s24  }
0x10: {  	v0 =	vand.u32 $0x7, v2;
	v2 =	vor.u32 $0x8, v2;
	v1 =	vmul.u32 $0x8, v1;
	s10 =	simm.s32 $0x2;
	s1 =	simm.s32 $0x0;
	[dreg:$0x8] =	wrdreg s25  }
.LBB2_22:
0x11: {  	_ =	swait.ge [sflag:s11], $0x7000  }
0x12: {  	s1 =	rddreg [dreg:$0xa]  }
0x13: {  	s0 =	rddreg [dreg:$0x9];
	s1 =	sadd.s32 $0x1, s1  }
0x14: {  	p0 =	sne.s32 s1, s0  }
.Ltmp1:
0x15: {  	_ = 	snop;
	(pc) =	sbr.rel @!p0 .LBB2_23-.Ltmp1, $3  }
0x16: {  	_ =	sdelay $0x1  }
0x17: {  	[sflag:s11] =	ssyncset.done $0x0  }
0x18: {  	[sflag:s11] =	ssyncadd.s32 $0xFFFF9000  }
.LBB2_1:
0x19: {  	[dreg:$0xa] =	wrdreg s1  }
0x1a: {  	s0 =	rddreg [dreg:$0x6];
	s17 =	simm.s32 $0x7  }
0x1b: {  	[tilespmem:s5], [sflag:$0x7] =	stream.linear.gather [hbm4b:s0+s5], $0x4000, $0x38;
	[tilespmem:$0x1AA80] =	vst v63  }
0x1c: {  	_ =	swait.ge [sflag:s17], $0x4000  }
0x1d: {  	s6 =	simm.s32 $0x400;
	[sflag:s17] =	ssyncset.done $0x0  }
0x1e: {  	s3 =	simm.s32 $0x80;
	s18 =	rddreg [dreg:$0x7];
	[sflag:s17] =	ssyncadd.s32 $0xFFFFC000  }
0x1f: {  	[tilespmem:s14], [sflag:$0x7] =	stream.strided.gather [hbm4b:s18+s3], $0x1900, s6, s3, $0x38;
	[tilespmem:$0x1AA80] =	vst v63  }
0x20: {  	_ =	swait.ge [sflag:s17], $0x1900  }
0x21: {  	[sflag:s17] =	ssyncset.done $0x0  }
0x22: {  	[sflag:s17] =	ssyncadd.s32 $0xFFFFE700  }
0x23: {  	s20 =	simm.s32 $0x5980;
	s19 =	rddreg [dreg:$0x3]  }
0x24: {  	[tilespmem:s20], [sflag:$0x7] =	stream.linear.gather [hbm4b:s19+s5], $0x80, $0x38;
	[tilespmem:$0x1AA80] =	vst v63  }
0x25: {  	_ =	swait.ge [sflag:s17], $0x80  }
0x26: {  	[sflag:s17] =	ssyncset.done $0x0  }
0x27: {  	s22 =	simm.s32 $0x5A00;
	s21 =	rddreg [dreg:$0x5];
	[sflag:s17] =	ssyncadd.s32 $0xFFFFFF80  }
0x28: {  	[tilespmem:s22], [sflag:$0x7] =	stream.linear.gather [hbm4b:s21+s5], $0x80, $0x38;
	[tilespmem:$0x1AA80] =	vst v63  }
0x29: {  	_ =	swait.ge [sflag:s17], $0x80  }
0x2a: {  	[sflag:s17] =	ssyncset.done $0x0  }
0x2b: {  	[sflag:s17] =	ssyncadd.s32 $0xFFFFFF80  }
0x2c: {  	v3 =	vld [tilespmem:$0x5980]  }
0x2d: {  	v4 =	vld [tilespmem:$0x5990]  }
0x2e: {  	v5 =	vld [tilespmem:$0x59A0]  }
0x2f: {  	v6 =	vld [tilespmem:$0x59B0]  }
0x30: {  	v15 =	vld [tilespmem:$0x0]  }
0x31: {  	v7 =	vld [tilespmem:$0x59C0]  }
0x32: {  	v8 =	vld [tilespmem:$0x59D0]  }
0x33: {  	v9 =	vld [tilespmem:$0x59E0]  }
0x34: {  	v10 =	vld [tilespmem:$0x59F0]  }
0x35: {  	v11 =	vld [tilespmem:$0x5A00];
	v16 =	vperm.xlane v15, v0  }
0x36: {  	v12 =	vld [tilespmem:$0x5A10]  }
0x37: {  	v13 =	vld [tilespmem:$0x5A20];
	v17 =	vperm.xlane v15, v2;
	v19 =	vadd.s32 v1, v16  }
0x38: {  	v14 =	vld [tilespmem:$0x5A22]  }
0x39: {  	v18 =	vld [tilespmem:$0x5A62];
	v20 =	vadd.s32 v1, v17  }
0x3a: {  	v15 =	vld [tilespmem:$0x5A40]  }
0x3b: {  	v16 =	vld [tilespmem:$0x5A50]  }
0x3c: {  	v17 =	vld [tilespmem:$0x5A60];
	[tilespmem:s28], [sflag:$0x1] =	stream.indirect_vreg.gather [hbm4b:s2+s5], $0x80, v19, vm0, $0xb8  }
0x3d: {  	_ = 	snop  }
0x3e: {  	[tilespmem:s29], [sflag:$0x1] =	stream.indirect_vreg.gather [hbm4b:s2+s5], $0x80, v20, vm0, $0xb8;
	[tilespmem:$0x1AA80] =	vst v63  }
0x3f: {  	v19 =	vld [tilespmem:$0x10];
	_ =	sdelay $0x4  }
0x40: {  	v20 =	vperm.xlane v19, v0;
	_ =	sdelay $0x1  }
0x41: {  	v19 =	vperm.xlane v19, v2;
	v20 =	vadd.s32 v1, v20;
	_ =	sdelay $0x1  }
0x42: {  	v19 =	vadd.s32 v1, v19;
	_ =	sdelay $0x2  }
0x43: {  	[tilespmem:s30], [sflag:$0x1] =	stream.indirect_vreg.gather [hbm4b:s2+s5], $0x80, v20, vm0, $0xb8;
	[tilespmem:$0x1AA80] =	vst v63  }
0x44: {  	_ = 	snop  }
0x45: {  	[tilespmem:s31], [sflag:$0x1] =	stream.indirect_vreg.gather [hbm4b:s2+s5], $0x80, v19, vm0, $0xb8;
	[tilespmem:$0x1AA80] =	vst v63  }
0x46: {  	v19 =	vld [tilespmem:$0x20];
	_ =	sdelay $0x4  }
0x47: {  	v20 =	vperm.xlane v19, v0;
	_ =	sdelay $0x1  }
0x48: {  	v19 =	vperm.xlane v19, v2;
	v20 =	vadd.s32 v1, v20;
	_ =	sdelay $0x1  }
0x49: {  	v19 =	vadd.s32 v1, v19;
	_ =	sdelay $0x1  }
0x4a: {  	s23 =	simm.s32 $0x7A80  }
0x4b: {  	[tilespmem:s23], [sflag:$0x1] =	stream.indirect_vreg.gather [hbm4b:s2+s5], $0x80, v20, vm0, $0xb8;
	[tilespmem:$0x1AA80] =	vst v63  }
0x4c: {  	s24 =	simm.s32 $0x8280  }
0x4d: {  	[tilespmem:s24], [sflag:$0x1] =	stream.indirect_vreg.gather [hbm4b:s2+s5], $0x80, v19, vm0, $0xb8;
	[tilespmem:$0x1AA80] =	vst v63  }
0x4e: {  	v19 =	vld.msk [tilespmem:$0x30], $0x3;
	_ =	sdelay $0x4  }
0x4f: {  	v19 =	vperm.xlane v19, v0;
	_ =	sdelay $0x1  }
0x50: {  	v19 =	vadd.s32 v1, v19;
	_ =	sdelay $0x3  }
0x51: {  	s25 =	simm.s32 $0x8A80  }
0x52: {  	[tilespmem:s25], [sflag:$0x1] =	stream.indirect_vreg.gather [hbm4b:s2+s5], $0x80, v19, vm1, $0xb8;
	[tilespmem:$0x1AA80] =	vst v63  }
0x53: {  	v19 =	vld [tilespmem:$0x80];
	_ =	sdelay $0x4  }
0x54: {  	v20 =	vperm.xlane v19, v0;
	_ =	sdelay $0x1  }
0x55: {  	v19 =	vperm.xlane v19, v2;
	v20 =	vadd.s32 v1, v20;
	_ =	sdelay $0x1  }
0x56: {  	v19 =	vadd.s32 v1, v19;
	_ =	sdelay $0x1  }
0x57: {  	s26 =	simm.s32 $0x9280  }
0x58: {  	[tilespmem:s26], [sflag:$0x1] =	stream.indirect_vreg.gather [hbm4b:s2+s5], $0x80, v20, vm0, $0xb8;
	[tilespmem:$0x1AA80] =	vst v63  }
0x59: {  	s28 =	simm.s32 $0x9A80  }
0x5a: {  	[tilespmem:s28], [sflag:$0x1] =	stream.indirect_vreg.gather [hbm4b:s2+s5], $0x80, v19, vm0, $0xb8;
	[tilespmem:$0x1AA80] =	vst v63  }
0x5b: {  	v19 =	vld [tilespmem:$0x90];
	_ =	sdelay $0x4  }
0x5c: {  	v20 =	vperm.xlane v19, v0;
	_ =	sdelay $0x1  }
0x5d: {  	v19 =	vperm.xlane v19, v2;
	v20 =	vadd.s32 v1, v20;
	_ =	sdelay $0x1  }
0x5e: {  	v19 =	vadd.s32 v1, v19;
	_ =	sdelay $0x1  }
0x5f: {  	s29 =	simm.s32 $0xA280  }
0x60: {  	[tilespmem:s29], [sflag:$0x1] =	stream.indirect_vreg.gather [hbm4b:s2+s5], $0x80, v20, vm0, $0xb8;
	[tilespmem:$0x1AA80] =	vst v63  }
0x61: {  	s30 =	simm.s32 $0xAA80  }
0x62: {  	[tilespmem:s30], [sflag:$0x1] =	stream.indirect_vreg.gather [hbm4b:s2+s5], $0x80, v19, vm0, $0xb8;
	[tilespmem:$0x1AA80] =	vst v63  }
0x63: {  	v19 =	vld [tilespmem:$0xA0];
	_ =	sdelay $0x4  }
0x64: {  	v20 =	vperm.xlane v19, v0;
	_ =	sdelay $0x1  }
0x65: {  	v19 =	vperm.xlane v19, v2;
	v20 =	vadd.s32 v1, v20;
	_ =	sdelay $0x1  }
0x66: {  	v19 =	vadd.s32 v1, v19;
	_ =	sdelay $0x1  }
0x67: {  	s31 =	simm.s32 $0xB280  }
0x68: {  	[tilespmem:s31], [sflag:$0x1] =	stream.indirect_vreg.gather [hbm4b:s2+s5], $0x80, v20, vm0, $0xb8;
	[tilespmem:$0x1AA80] =	vst v63  }
0x69: {  	s1 =	simm.s32 $0xBA80  }
0x6a: {  	[tilespmem:s1], [sflag:$0x1] =	stream.indirect_vreg.gather [hbm4b:s2+s5], $0x80, v19, vm0, $0xb8;
	[tilespmem:$0x1AA80] =	vst v63  }
0x6b: {  	v19 =	vld.msk [tilespmem:$0xB0], $0x3;
	_ =	sdelay $0x4  }
0x6c: {  	v19 =	vperm.xlane v19, v0;
	_ =	sdelay $0x1  }
0x6d: {  	v19 =	vadd.s32 v1, v19;
	_ =	sdelay $0x3  }
0x6e: {  	s3 =	simm.s32 $0xC280  }
0x6f: {  	[tilespmem:s3], [sflag:$0x1] =	stream.indirect_vreg.gather [hbm4b:s2+s5], $0x80, v19, vm1, $0xb8;
	[tilespmem:$0x1AA80] =	vst v63  }
0x70: {  	v19 =	vld [tilespmem:$0x100];
	_ =	sdelay $0x4  }
0x71: {  	v20 =	vperm.xlane v19, v0;
	_ =	sdelay $0x1  }
0x72: {  	v19 =	vperm.xlane v19, v2;
	v20 =	vadd.s32 v1, v20;
	_ =	sdelay $0x1  }
0x73: {  	v19 =	vadd.s32 v1, v19;
	_ =	sdelay $0x1  }
0x74: {  	s8 =	simm.s32 $0xCA80  }
0x75: {  	[tilespmem:s8], [sflag:$0x2] =	stream.indirect_vreg.gather [hbm4b:s2+s5], $0x80, v20, vm0, $0xb8;
	[tilespmem:$0x1AA80] =	vst v63  }
0x76: {  	s9 =	simm.s32 $0xD280  }
0x77: {  	[tilespmem:s9], [sflag:$0x2] =	stream.indirect_vreg.gather [hbm4b:s2+s5], $0x80, v19, vm0, $0xb8;
	[tilespmem:$0x1AA80] =	vst v63  }
0x78: {  	v19 =	vld [tilespmem:$0x110];
	_ =	sdelay $0x4  }
0x79: {  	v20 =	vperm.xlane v19, v0;
	_ =	sdelay $0x1  }
0x7a: {  	v19 =	vperm.xlane v19, v2;
	v20 =	vadd.s32 v1, v20;
	_ =	sdelay $0x1  }
0x7b: {  	v19 =	vadd.s32 v1, v19;
	_ =	sdelay $0x1  }
0x7c: {  	s15 =	simm.s32 $0xDA80  }
0x7d: {  	[tilespmem:s15], [sflag:$0x2] =	stream.indirect_vreg.gather [hbm4b:s2+s5], $0x80, v20, vm0, $0xb8;
	[tilespmem:$0x1AA80] =	vst v63  }
0x7e: {  	s16 =	simm.s32 $0xE280  }
0x7f: {  	[tilespmem:s16], [sflag:$0x2] =	stream.indirect_vreg.gather [hbm4b:s2+s5], $0x80, v19, vm0, $0xb8;
	[tilespmem:$0x1AA80] =	vst v63  }
0x80: {  	v19 =	vld [tilespmem:$0x120];
	_ =	sdelay $0x4  }
0x81: {  	v20 =	vperm.xlane v19, v0;
	_ =	sdelay $0x1  }
0x82: {  	v19 =	vperm.xlane v19, v2;
	v20 =	vadd.s32 v1, v20;
	_ =	sdelay $0x1  }
0x83: {  	v19 =	vadd.s32 v1, v19;
	_ =	sdelay $0x1  }
0x84: {  	s17 =	simm.s32 $0xEA80  }
0x85: {  	[tilespmem:s17], [sflag:$0x2] =	stream.indirect_vreg.gather [hbm4b:s2+s5], $0x80, v20, vm0, $0xb8;
	[tilespmem:$0x1AA80] =	vst v63  }
0x86: {  	s18 =	simm.s32 $0xF280  }
0x87: {  	[tilespmem:s18], [sflag:$0x2] =	stream.indirect_vreg.gather [hbm4b:s2+s5], $0x80, v19, vm0, $0xb8;
	[tilespmem:$0x1AA80] =	vst v63  }
0x88: {  	v19 =	vld.msk [tilespmem:$0x130], $0x3;
	_ =	sdelay $0x4  }
0x89: {  	v19 =	vperm.xlane v19, v0;
	_ =	sdelay $0x1  }
0x8a: {  	v19 =	vadd.s32 v1, v19;
	_ =	sdelay $0x3  }
0x8b: {  	s19 =	simm.s32 $0xFA80  }
0x8c: {  	[tilespmem:s19], [sflag:$0x2] =	stream.indirect_vreg.gather [hbm4b:s2+s5], $0x80, v19, vm1, $0xb8;
	[tilespmem:$0x1AA80] =	vst v63  }
0x8d: {  	v19 =	vld [tilespmem:$0x180];
	_ =	sdelay $0x4  }
0x8e: {  	v20 =	vperm.xlane v19, v0;
	_ =	sdelay $0x1  }
0x8f: {  	v19 =	vperm.xlane v19, v2;
	v20 =	vadd.s32 v1, v20;
	_ =	sdelay $0x1  }
0x90: {  	v19 =	vadd.s32 v1, v19;
	_ =	sdelay $0x1  }
0x91: {  	s20 =	simm.s32 $0x10280  }
0x92: {  	[tilespmem:s20], [sflag:$0x2] =	stream.indirect_vreg.gather [hbm4b:s2+s5], $0x80, v20, vm0, $0xb8;
	[tilespmem:$0x1AA80] =	vst v63  }
0x93: {  	s21 =	simm.s32 $0x10A80  }
0x94: {  	[tilespmem:s21], [sflag:$0x2] =	stream.indirect_vreg.gather [hbm4b:s2+s5], $0x80, v19, vm0, $0xb8;
	[tilespmem:$0x1AA80] =	vst v63  }
0x95: {  	v19 =	vld [tilespmem:$0x190];
	_ =	sdelay $0x4  }
0x96: {  	v20 =	vperm.xlane v19, v0;
	_ =	sdelay $0x1  }
0x97: {  	v19 =	vperm.xlane v19, v2;
	v20 =	vadd.s32 v1, v20;
	_ =	sdelay $0x1  }
0x98: {  	v19 =	vadd.s32 v1, v19;
	_ =	sdelay $0x1  }
0x99: {  	s22 =	simm.s32 $0x11280  }
0x9a: {  	[tilespmem:s22], [sflag:$0x2] =	stream.indirect_vreg.gather [hbm4b:s2+s5], $0x80, v20, vm0, $0xb8;
	[tilespmem:$0x1AA80] =	vst v63  }
0x9b: {  	s23 =	simm.s32 $0x11A80  }
0x9c: {  	[tilespmem:s23], [sflag:$0x2] =	stream.indirect_vreg.gather [hbm4b:s2+s5], $0x80, v19, vm0, $0xb8;
	[tilespmem:$0x1AA80] =	vst v63  }
0x9d: {  	v19 =	vld [tilespmem:$0x1A0];
	_ =	sdelay $0x4  }
0x9e: {  	v20 =	vperm.xlane v19, v0;
	_ =	sdelay $0x1  }
0x9f: {  	v19 =	vperm.xlane v19, v2;
	v20 =	vadd.s32 v1, v20;
	_ =	sdelay $0x1  }
0xa0: {  	v19 =	vadd.s32 v1, v19;
	_ =	sdelay $0x1  }
0xa1: {  	s24 =	simm.s32 $0x12280  }
0xa2: {  	[tilespmem:s24], [sflag:$0x2] =	stream.indirect_vreg.gather [hbm4b:s2+s5], $0x80, v20, vm0, $0xb8;
	[tilespmem:$0x1AA80] =	vst v63  }
0xa3: {  	s25 =	simm.s32 $0x12A80  }
0xa4: {  	[tilespmem:s25], [sflag:$0x2] =	stream.indirect_vreg.gather [hbm4b:s2+s5], $0x80, v19, vm0, $0xb8;
	[tilespmem:$0x1AA80] =	vst v63  }
0xa5: {  	v19 =	vld.msk [tilespmem:$0x1B0], $0x3;
	_ =	sdelay $0x4  }
0xa6: {  	v19 =	vperm.xlane v19, v0;
	_ =	sdelay $0x1  }
0xa7: {  	v19 =	vadd.s32 v1, v19;
	_ =	sdelay $0x3  }
0xa8: {  	s26 =	simm.s32 $0x13280  }
0xa9: {  	[tilespmem:s26], [sflag:$0x2] =	stream.indirect_vreg.gather [hbm4b:s2+s5], $0x80, v19, vm1, $0xb8;
	[tilespmem:$0x1AA80] =	vst v63  }
0xaa: {  	_ =	swait.ge [sflag:s13], $0x1900  }
0xab: {  	v19 =	vmov s5;
	[sflag:s13] =	ssyncset.done $0x0  }
0xac: {  	[sflag:s13] =	ssyncadd.s32 $0xFFFFE700  }
0xad: {  	_ =	swait.ge [sflag:s13], $0x1900  }
0xae: {  	[sflag:s13] =	ssyncset.done $0x0  }
0xaf: {  	[sflag:s13] =	ssyncadd.s32 $0xFFFFE700  }
0xb0: {  	v19 =	vld.idx.msk [tilespmem:v19+s14+$0x0], $0xffff;
	_ =	sdelay $0x3  }
0xb1: {  	s8 =	simm.s32 $0x0;
	s9 =	simm.s32 $0x0  }
0xb2: {  	s8 =	sand.u32 $0x3800, s8;
	s9 =	sand.u32 $0x380, s9;
	s16 =	simm.s32 $0x1;
	vm2 =	vgt.s32 v19, $0x0  }
0xb3: {  	s28 =	simm.s32 $0x100;
	s8 =	sor.u32 s9, s8;
	v19 =	vmov s16;
	v20 =	vsel vm2, v17, v13  }
0xb4: {  	s29 =	simm.s32 $0x80;
	s30 =	simm.s32 $0x200;
	s18 =	simm.s32 $0x180;
	v21 =	vsel vm2, v16, v12;
	[tilespmem:s8+$0x5EA0] =	vst v20  }
0xb5: {  	s31 =	simm.s32 $0x300;
	s9 =	simm.s32 $0x200;
	s18 =	sand.u32 $0x380, s18;
	v63 =	vsel vm2, v15, v11;
	[tilespmem:s8+$0x5E90] =	vst v21  }
0xb6: {  	s19 =	simm.s32 $0x0;
	s20 =	simm.s32 $0x200;
	s21 =	simm.s32 $0x100;
	v20 =	vsel vm2, v18, v14;
	[tilespmem:s8+$0x5E80] =	vst v63  }
0xb7: {  	s22 =	sand.u32 $0x7800, s30;
	s23 =	simm.s32 $0x5;
	s24 =	sand.u32 $0x7800, s28;
	[tilespmem:s8+$0x5EA2] =	vst v20  }
0xb8: {  	s25 =	sand.u32 $0x380, s29;
	s16 =	sand.u32 $0x7800, s31;
	s8 =	sand.u32 $0x7800, s6;
	v19 =	vld.idx.msk [tilespmem:v19+s14+$0x0], $0xffff  }
.LBB2_2:
0xb9: {  	_ = 	snop  }
0xba: {  	p0 =	slt.u32 s23, $0x2D  }
0xbb: {  	s20 =	sadd.s32 $0x280, s20;
	s6 =	sadd.s32 $0x500, s6;
	s28 =	smov.u32 s23  }
0xbc: {  	s23 =	sadd.s32 $0x5, s23;
	s26 =	sadd.s32 $0xFFFFFD00, s6;
	s29 =	sadd.s32 $0xFFFFFE80, s20  }
0xbd: {  	s1 =	sand.u32 $0x7800, s26;
	s29 =	sand.u32 $0x380, s29;
	s26 =	sadd.s32 $0x2, s19;
	vm2 =	vgt.s32 v19, $0x0  }
0xbe: {  	s17 =	sor.u32 s25, s24;
	s30 =	sadd.s32 $0xFFFFFE00, s6;
	s15 =	sadd.s32 $0xFFFFFF00, s20;
	v21 =	vmov s26;
	v19 =	vsel vm2, v16, v12;
	v20 =	vsel vm2, v17, v13  }
0xbf: {  	s24 =	sadd.s32 $0xFFFFFF00, s6;
	s25 =	sadd.s32 $0xFFFFFF80, s20;
	s0 =	sand.u32 $0x7800, s30;
	[tilespmem:s17+$0x5EA0] =	vst v20;
	v20 =	vsel vm2, v18, v14  }
0xc0: {  	s30 =	sand.u32 $0x7800, s24;
	s31 =	sand.u32 $0x380, s25;
	s26 =	sand.u32 $0x7800, s6;
	v22 =	vsel vm2, v15, v11;
	[tilespmem:s17+$0x5EA2] =	vst v20  }
0xc1: {  	s24 =	smov.u32 s1;
	s25 =	smov.u32 s29;
	v20 =	vmov s28;
	[tilespmem:s17+$0x5E90] =	vst v19  }
0xc2: {  	[tilespmem:s17+$0x5E80] =	vst v22  }
0xc3: {  	v19 =	vld.idx.msk [tilespmem:v21+s14+$0x0], $0xffff;
	_ =	sdelay $0x5  }
0xc4: {  	s1 =	sand.u32 $0x380, s21;
	s21 =	smov.u32 s15;
	s17 =	sadd.s32 $0x3, s19;
	vm2 =	vgt.s32 v19, $0x0  }
0xc5: {  	s1 =	sor.u32 s1, s22;
	s22 =	smov.u32 s0;
	v22 =	vmov s17;
	v19 =	vsel vm2, v16, v12;
	v21 =	vsel vm2, v17, v13  }
0xc6: {  	s15 =	sadd.s32 $0xFFFFFE00, s20;
	s0 =	sadd.s32 $0xFFFFFC00, s6;
	[tilespmem:s1+$0x5EA0] =	vst v21;
	v21 =	vsel vm2, v18, v14  }
0xc7: {  	s15 =	sand.u32 $0x380, s15;
	s0 =	sand.u32 $0x3800, s0;
	s17 =	sadd.s32 $0x1, s28;
	v23 =	vsel vm2, v15, v11;
	[tilespmem:s1+$0x5EA2] =	vst v21  }
0xc8: {  	s29 =	sor.u32 s15, s0;
	[tilespmem:s1+$0x5E90] =	vst v19  }
0xc9: {  	v19 =	vmov s17;
	[tilespmem:s1+$0x5E80] =	vst v23  }
0xca: {  	v21 =	vld.idx.msk [tilespmem:v22+s14+$0x0], $0xffff;
	_ =	sdelay $0x5  }
0xcb: {  	s0 =	sadd.s32 $0x4, s19;
	s19 =	smov.u32 s28;
	vm2 =	vgt.s32 v21, $0x0  }
0xcc: {  	s1 =	sor.u32 s18, s16;
	v23 =	vmov s0;
	s16 =	smov.u32 s30;
	s18 =	smov.u32 s31;
	v21 =	vsel vm2, v16, v12;
	v22 =	vsel vm2, v17, v13  }
0xcd: {  	[tilespmem:s1+$0x5EA0] =	vst v22;
	v22 =	vsel vm2, v18, v14  }
0xce: {  	[tilespmem:s1+$0x5EA2] =	vst v22  }
0xcf: {  	v22 =	vsel vm2, v15, v11;
	[tilespmem:s1+$0x5E90] =	vst v21  }
0xd0: {  	[tilespmem:s1+$0x5E80] =	vst v22  }
0xd1: {  	v21 =	vld.idx.msk [tilespmem:v23+s14+$0x0], $0xffff;
	_ =	sdelay $0x5  }
0xd2: {  	s0 =	sand.u32 $0x380, s9;
	s9 =	smov.u32 s20;
	vm2 =	vgt.s32 v21, $0x0  }
0xd3: {  	s0 =	sor.u32 s0, s8;
	s8 =	smov.u32 s26;
	v21 =	vsel vm2, v15, v11;
	v22 =	vsel vm2, v16, v12;
	v23 =	vsel vm2, v17, v13  }
0xd4: {  	[tilespmem:s0+$0x5EA0] =	vst v23;
	v23 =	vsel vm2, v18, v14  }
0xd5: {  	[tilespmem:s0+$0x5EA2] =	vst v23  }
0xd6: {  	[tilespmem:s0+$0x5E80] =	vst v21  }
0xd7: {  	[tilespmem:s0+$0x5E90] =	vst v22  }
0xd8: {  	v20 =	vld.idx.msk [tilespmem:v20+s14+$0x0], $0xffff;
	_ =	sdelay $0x5  }
0xd9: {  	vm2 =	vgt.s32 v20, $0x0  }
0xda: {  	v20 =	vsel vm2, v15, v11;
	v21 =	vsel vm2, v16, v12;
	v22 =	vsel vm2, v17, v13  }
.Ltmp2:
0xdb: {  	[tilespmem:s29+$0x5EA0] =	vst v22;
	v22 =	vsel vm2, v18, v14;
	(pc) =	sbr.rel @p0 .LBB2_2-.Ltmp2, $4  }
0xdc: {  	[tilespmem:s29+$0x5E90] =	vst v21  }
0xdd: {  	[tilespmem:s29+$0x5EA2] =	vst v22  }
0xde: {  	[tilespmem:s29+$0x5E80] =	vst v20  }
0xdf: {  	v19 =	vld.idx.msk [tilespmem:v19+s14+$0x0], $0xffff  }
0xe0: {  	_ =	sdelay $0x3  }
0xe1: {  	s0 =	sadd.s32 $0x2, s19;
	vm2 =	vgt.s32 v19, $0x0  }
0xe2: {  	s1 =	sor.u32 s25, s24;
	v20 =	vmov s0;
	v19 =	vsel vm2, v17, v13  }
0xe3: {  	v21 =	vsel vm2, v16, v12;
	[tilespmem:s1+$0x5EA0] =	vst v19  }
0xe4: {  	v19 =	vsel vm2, v18, v14;
	[tilespmem:s1+$0x5E90] =	vst v21  }
0xe5: {  	[tilespmem:s1+$0x5EA2] =	vst v19;
	v19 =	vsel vm2, v15, v11  }
0xe6: {  	[tilespmem:s1+$0x5E80] =	vst v19  }
0xe7: {  	v19 =	vld.idx.msk [tilespmem:v20+s14+$0x0], $0xffff;
	_ =	sdelay $0x4  }
0xe8: {  	s3 =	sand.u32 $0x380, s21;
	s6 =	sadd.s32 $0x3, s19;
	vm2 =	vgt.s32 v19, $0x0  }
0xe9: {  	s0 =	sor.u32 s3, s22;
	v20 =	vmov s6;
	v19 =	vsel vm2, v17, v13  }
0xea: {  	v60 =	vsel vm2, v16, v12;
	[tilespmem:s0+$0x5EA0] =	vst v19  }
0xeb: {  	v19 =	vsel vm2, v18, v14;
	[tilespmem:s0+$0x5E90] =	vst v60  }
0xec: {  	[tilespmem:s0+$0x5EA2] =	vst v19;
	v19 =	vsel vm2, v15, v11  }
0xed: {  	[tilespmem:s0+$0x5E80] =	vst v19  }
0xee: {  	v19 =	vld.idx.msk [tilespmem:v20+s14+$0x0], $0xffff;
	_ =	sdelay $0x4  }
0xef: {  	s15 =	sadd.s32 $0x4, s19;
	vm2 =	vgt.s32 v19, $0x0  }
0xf0: {  	s17 =	sor.u32 s18, s16;
	v20 =	vmov s15;
	v19 =	vsel vm2, v17, v13  }
0xf1: {  	v61 =	vsel vm2, v16, v12;
	[tilespmem:s17+$0x5EA0] =	vst v19  }
0xf2: {  	v19 =	vsel vm2, v18, v14;
	[tilespmem:s17+$0x5E90] =	vst v61  }
0xf3: {  	[tilespmem:s17+$0x5EA2] =	vst v19;
	v19 =	vsel vm2, v15, v11  }
0xf4: {  	[tilespmem:s17+$0x5E80] =	vst v19  }
0xf5: {  	v19 =	vld.idx.msk [tilespmem:v20+s14+$0x0], $0xffff;
	_ =	sdelay $0x4  }
0xf6: {  	s18 =	sand.u32 $0x380, s9;
	vm2 =	vgt.s32 v19, $0x0  }
0xf7: {  	s0 =	sor.u32 s18, s8;
	v19 =	vsel vm2, v17, v13  }
0xf8: {  	v20 =	vsel vm2, v15, v11;
	[tilespmem:s0+$0x5EA0] =	vst v19  }
0xf9: {  	v19 =	vsel vm2, v18, v14;
	[tilespmem:s0+$0x5E80] =	vst v20  }
0xfa: {  	[tilespmem:s0+$0x5EA2] =	vst v19;
	v19 =	vsel vm2, v16, v12  }
0xfb: {  	[tilespmem:s0+$0x5E90] =	vst v19  }
0xfc: {  	v19 =	vld [tilespmem:$0x4030];
	_ =	sdelay $0x1  }
0xfd: {  	v20 =	vld [tilespmem:$0x4020];
	_ =	sdelay $0x1  }
0xfe: {  	v21 =	vld [tilespmem:$0x4010]  }
0xff: {  	vm2 =	vgt.s32 v19, $0x0;
	v19 =	vld [tilespmem:$0x4000]  }
0x100: {  	vm2 =	vmand vm2, vm1  }
0x101: {  	v22 =	vmctz.xlane vm2;
	vm2 =	vgt.s32 v20, $0x0  }
0x102: {  	v20 =	vmctz.xlane vm2  }
0x103: {  	vm2 =	vgt.s32 v21, $0x0;
	(v2sf) =	vpush v22, $0x0  }
0x104: {  	(v2sf) =	vpush v20, $0x0;
	v20 =	vmctz.xlane vm2;
	vm2 =	vgt.s32 v19, $0x0  }
0x105: {  	v19 =	vmctz.xlane vm2  }
0x106: {  	(v2sf) =	vpush v20, $0x0  }
0x107: {  	(v2sf) =	vpush v19, $0x0;
	_ =	sdelay $0xa  }
0x108: {  	s19 =	spop (v2sf)  }
0x109: {  	s20 =	spop (v2sf);
	p0 =	slt.s32 s19, $0x10;
	s0 =	sadd.s32 $0x30, s19  }
0x10a: {  	s0 =	simm.s32 @!p0 $0x0;
	p0 =	slt.s32 s20, $0x10;
	s1 =	sadd.s32 $0x20, s20  }
0x10b: {  	s6 =	spop (v2sf);
	s0 =	smov.u32 @p0 s1  }
0x10c: {  	p0 =	slt.s32 s6, $0x10;
	s1 =	sadd.s32 $0x10, s6;
	s6 =	spop (v2sf)  }
0x10d: {  	s0 =	smov.u32 @p0 s1;
	p0 =	slt.s32 s6, $0x10  }
0x10e: {  	s0 =	smov.u32 @p0 s6  }
0x10f: {  	s21 =	sshll.u32 s0, $0x8;
	s0 =	sshll.u32 s0, $0x7  }
0x110: {  	s1 =	sand.u32 $0xFFFFF800, s21;
	s0 =	sand.u32 $0x380, s0  }
0x111: {  	s0 =	sor.u32 s0, s1  }
0x112: {  	[tilespmem:s0+$0x5A80] =	vst v3  }
0x113: {  	[tilespmem:s0+$0x5A90] =	vst v4  }
0x114: {  	s22 =	simm.s32 $0x32;
	[tilespmem:s0+$0x5AA0] =	vst v5  }
0x115: {  	v19 =	vmov s22;
	[tilespmem:s0+$0x5AB0] =	vst v6  }
0x116: {  	[tilespmem:s0+$0x5AC0] =	vst v7  }
0x117: {  	[tilespmem:s0+$0x5AD0] =	vst v8  }
0x118: {  	[tilespmem:s0+$0x5AE0] =	vst v9  }
0x119: {  	[tilespmem:s0+$0x5AF0] =	vst v10  }
0x11a: {  	v19 =	vld.idx.msk [tilespmem:v19+s14+$0x0], $0xffff;
	_ =	sdelay $0x3  }
0x11b: {  	s23 =	simm.s32 $0x0;
	s24 =	simm.s32 $0x0  }
0x11c: {  	s25 =	simm.s32 $0x33;
	s1 =	sand.u32 $0x380, s24;
	s0 =	sand.u32 $0x3800, s23;
	vm2 =	vgt.s32 v19, $0x0  }
0x11d: {  	s26 =	simm.s32 $0x100;
	s28 =	simm.s32 $0x80;
	s0 =	sor.u32 s1, s0;
	v19 =	vmov s25;
	v20 =	vsel vm2, v17, v13  }
0x11e: {  	s29 =	simm.s32 $0x200;
	s30 =	simm.s32 $0x300;
	s31 =	simm.s32 $0x180;
	v62 =	vsel vm2, v16, v12;
	[tilespmem:s0+$0x96A0] =	vst v20  }
0x11f: {  	s9 =	simm.s32 $0x200;
	s16 =	sand.u32 $0x7800, s30;
	s18 =	sand.u32 $0x380, s31;
	v63 =	vsel vm2, v15, v11;
	[tilespmem:s0+$0x9690] =	vst v62  }
0x120: {  	s22 =	sand.u32 $0x7800, s29;
	s19 =	simm.s32 $0x200;
	s20 =	simm.s32 $0x100;
	v20 =	vsel vm2, v18, v14;
	[tilespmem:s0+$0x9680] =	vst v63  }
0x121: {  	s6 =	simm.s32 $0xFFFFFFFB;
	s21 =	simm.s32 $0x400;
	s24 =	sand.u32 $0x7800, s26;
	[tilespmem:s0+$0x96A2] =	vst v20  }
0x122: {  	s8 =	sand.u32 $0x7800, s21;
	s23 =	simm.s32 $0x0;
	s25 =	sand.u32 $0x380, s28;
	v19 =	vld.idx.msk [tilespmem:v19+s14+$0x0], $0xffff  }
.LBB2_4:
0x123: {  	_ = 	snop  }
0x124: {  	s19 =	sadd.s32 $0x280, s19  }
0x125: {  	s21 =	sadd.s32 $0x500, s21;
	s28 =	smov.u32 s23;
	s23 =	sadd.s32 $0x5, s23  }
0x126: {  	s0 =	sadd.s32 $0xFFFFFD00, s21;
	s1 =	sadd.s32 $0xFFFFFE80, s19;
	p0 =	slt.u32 s23, $0x2D  }
0x127: {  	s15 =	sadd.s32 $0x39, s6;
	s0 =	sand.u32 $0x7800, s0;
	s1 =	sand.u32 $0x380, s1;
	vm2 =	vgt.s32 v19, $0x0  }
0x128: {  	s3 =	sor.u32 s25, s24;
	s17 =	sadd.s32 $0xFFFFFE00, s21;
	s29 =	sadd.s32 $0xFFFFFF00, s19;
	v21 =	vmov s15;
	v19 =	vsel vm2, v16, v12;
	v20 =	vsel vm2, v17, v13  }
0x129: {  	s24 =	sadd.s32 $0xFFFFFF80, s19;
	s15 =	sand.u32 $0x7800, s17;
	s17 =	sadd.s32 $0xFFFFFF00, s21;
	[tilespmem:s3+$0x96A0] =	vst v20;
	v20 =	vsel vm2, v18, v14  }
0x12a: {  	s25 =	sadd.s32 $0x37, s28;
	s31 =	sand.u32 $0x380, s24;
	s30 =	sand.u32 $0x7800, s17;
	v22 =	vsel vm2, v15, v11;
	[tilespmem:s3+$0x96A2] =	vst v20  }
0x12b: {  	s26 =	sand.u32 $0x7800, s21;
	s24 =	smov.u32 s0;
	v20 =	vmov s25;
	s25 =	smov.u32 s1;
	[tilespmem:s3+$0x9690] =	vst v19  }
0x12c: {  	[tilespmem:s3+$0x9680] =	vst v22  }
0x12d: {  	v19 =	vld.idx.msk [tilespmem:v21+s14+$0x0], $0xffff;
	_ =	sdelay $0x5  }
0x12e: {  	s0 =	sand.u32 $0x380, s20;
	s20 =	smov.u32 s29;
	s1 =	sadd.s32 $0x3A, s6;
	vm2 =	vgt.s32 v19, $0x0  }
0x12f: {  	s0 =	sor.u32 s0, s22;
	s22 =	smov.u32 s15;
	v22 =	vmov s1;
	v19 =	vsel vm2, v16, v12;
	v21 =	vsel vm2, v17, v13  }
0x130: {  	s1 =	sadd.s32 $0xFFFFFC00, s21;
	s3 =	sadd.s32 $0xFFFFFE00, s19;
	[tilespmem:s0+$0x96A0] =	vst v21;
	v21 =	vsel vm2, v18, v14  }
0x131: {  	s15 =	sadd.s32 $0x38, s28;
	s1 =	sand.u32 $0x3800, s1;
	s3 =	sand.u32 $0x380, s3;
	v23 =	vsel vm2, v15, v11;
	[tilespmem:s0+$0x96A2] =	vst v21  }
0x132: {  	s29 =	sor.u32 s3, s1;
	[tilespmem:s0+$0x9690] =	vst v19  }
0x133: {  	v19 =	vmov s15;
	[tilespmem:s0+$0x9680] =	vst v23  }
0x134: {  	v21 =	vld.idx.msk [tilespmem:v22+s14+$0x0], $0xffff;
	_ =	sdelay $0x5  }
0x135: {  	s0 =	sadd.s32 $0x3B, s6;
	s6 =	smov.u32 s28;
	vm2 =	vgt.s32 v21, $0x0  }
0x136: {  	s1 =	sor.u32 s18, s16;
	s16 =	smov.u32 s30;
	s18 =	smov.u32 s31;
	v23 =	vmov s0;
	v21 =	vsel vm2, v16, v12;
	v22 =	vsel vm2, v17, v13  }
0x137: {  	[tilespmem:s1+$0x96A0] =	vst v22;
	v22 =	vsel vm2, v18, v14  }
0x138: {  	[tilespmem:s1+$0x96A2] =	vst v22  }
0x139: {  	v22 =	vsel vm2, v15, v11;
	[tilespmem:s1+$0x9690] =	vst v21  }
0x13a: {  	[tilespmem:s1+$0x9680] =	vst v22  }
0x13b: {  	v21 =	vld.idx.msk [tilespmem:v23+s14+$0x0], $0xffff;
	_ =	sdelay $0x5  }
0x13c: {  	s0 =	sand.u32 $0x380, s9;
	s9 =	smov.u32 s19;
	vm2 =	vgt.s32 v21, $0x0  }
0x13d: {  	s0 =	sor.u32 s0, s8;
	s8 =	smov.u32 s26;
	v21 =	vsel vm2, v15, v11;
	v22 =	vsel vm2, v16, v12;
	v23 =	vsel vm2, v17, v13  }
0x13e: {  	[tilespmem:s0+$0x96A0] =	vst v23;
	v23 =	vsel vm2, v18, v14  }
0x13f: {  	[tilespmem:s0+$0x96A2] =	vst v23  }
0x140: {  	[tilespmem:s0+$0x9680] =	vst v21  }
0x141: {  	[tilespmem:s0+$0x9690] =	vst v22  }
0x142: {  	v20 =	vld.idx.msk [tilespmem:v20+s14+$0x0], $0xffff;
	_ =	sdelay $0x5  }
0x143: {  	vm2 =	vgt.s32 v20, $0x0  }
0x144: {  	v20 =	vsel vm2, v15, v11;
	v21 =	vsel vm2, v16, v12;
	v22 =	vsel vm2, v17, v13  }
.Ltmp3:
0x145: {  	[tilespmem:s29+$0x96A0] =	vst v22;
	v22 =	vsel vm2, v18, v14;
	(pc) =	sbr.rel @p0 .LBB2_4-.Ltmp3, $4  }
0x146: {  	[tilespmem:s29+$0x9690] =	vst v21  }
0x147: {  	[tilespmem:s29+$0x96A2] =	vst v22  }
0x148: {  	[tilespmem:s29+$0x9680] =	vst v20  }
0x149: {  	v19 =	vld.idx.msk [tilespmem:v19+s14+$0x0], $0xffff  }
0x14a: {  	_ =	sdelay $0x3  }
0x14b: {  	s0 =	sadd.s32 $0x39, s6;
	vm2 =	vgt.s32 v19, $0x0  }
0x14c: {  	s1 =	sor.u32 s25, s24;
	v19 =	vmov s0;
	v20 =	vsel vm2, v17, v13  }
0x14d: {  	v21 =	vsel vm2, v16, v12;
	[tilespmem:s1+$0x96A0] =	vst v20  }
0x14e: {  	v20 =	vsel vm2, v18, v14;
	[tilespmem:s1+$0x9690] =	vst v21  }
0x14f: {  	[tilespmem:s1+$0x96A2] =	vst v20;
	v20 =	vsel vm2, v15, v11  }
0x150: {  	[tilespmem:s1+$0x9680] =	vst v20  }
0x151: {  	v19 =	vld.idx.msk [tilespmem:v19+s14+$0x0], $0xffff;
	_ =	sdelay $0x4  }
0x152: {  	s19 =	sand.u32 $0x380, s20;
	s20 =	sadd.s32 $0x3A, s6;
	vm2 =	vgt.s32 v19, $0x0  }
0x153: {  	s0 =	sor.u32 s19, s22;
	v19 =	vmov s20;
	v20 =	vsel vm2, v17, v13  }
0x154: {  	v62 =	vsel vm2, v16, v12;
	[tilespmem:s0+$0x96A0] =	vst v20  }
0x155: {  	v20 =	vsel vm2, v18, v14;
	[tilespmem:s0+$0x9690] =	vst v62  }
0x156: {  	[tilespmem:s0+$0x96A2] =	vst v20;
	v20 =	vsel vm2, v15, v11  }
0x157: {  	[tilespmem:s0+$0x9680] =	vst v20  }
0x158: {  	v19 =	vld.idx.msk [tilespmem:v19+s14+$0x0], $0xffff;
	_ =	sdelay $0x4  }
0x159: {  	s21 =	sadd.s32 $0x3B, s6;
	vm2 =	vgt.s32 v19, $0x0  }
0x15a: {  	s22 =	sor.u32 s18, s16;
	v19 =	vmov s21;
	v20 =	vsel vm2, v17, v13  }
0x15b: {  	v63 =	vsel vm2, v16, v12;
	[tilespmem:s22+$0x96A0] =	vst v20  }
0x15c: {  	v20 =	vsel vm2, v18, v14;
	[tilespmem:s22+$0x9690] =	vst v63  }
0x15d: {  	[tilespmem:s22+$0x96A2] =	vst v20;
	v20 =	vsel vm2, v15, v11  }
0x15e: {  	[tilespmem:s22+$0x9680] =	vst v20  }
0x15f: {  	v19 =	vld.idx.msk [tilespmem:v19+s14+$0x0], $0xffff;
	_ =	sdelay $0x4  }
0x160: {  	s23 =	sand.u32 $0x380, s9;
	vm2 =	vgt.s32 v19, $0x0  }
0x161: {  	s0 =	sor.u32 s23, s8;
	v19 =	vsel vm2, v17, v13  }
0x162: {  	v20 =	vsel vm2, v15, v11;
	[tilespmem:s0+$0x96A0] =	vst v19  }
0x163: {  	v19 =	vsel vm2, v18, v14;
	[tilespmem:s0+$0x9680] =	vst v20  }
0x164: {  	[tilespmem:s0+$0x96A2] =	vst v19;
	v19 =	vsel vm2, v16, v12  }
0x165: {  	[tilespmem:s0+$0x9690] =	vst v19  }
0x166: {  	v19 =	vld [tilespmem:$0x4062];
	_ =	sdelay $0x1  }
0x167: {  	v20 =	vld [tilespmem:$0x4052];
	_ =	sdelay $0x1  }
0x168: {  	v21 =	vld [tilespmem:$0x4042]  }
0x169: {  	vm2 =	vgt.s32 v19, $0x0;
	v19 =	vld [tilespmem:$0x4032]  }
0x16a: {  	vm2 =	vmand vm2, vm1  }
0x16b: {  	v22 =	vmctz.xlane vm2;
	vm2 =	vgt.s32 v20, $0x0  }
0x16c: {  	v20 =	vmctz.xlane vm2  }
0x16d: {  	vm2 =	vgt.s32 v21, $0x0;
	(v2sf) =	vpush v22, $0x0  }
0x16e: {  	(v2sf) =	vpush v20, $0x0;
	v20 =	vmctz.xlane vm2;
	vm2 =	vgt.s32 v19, $0x0  }
0x16f: {  	v19 =	vmctz.xlane vm2  }
0x170: {  	(v2sf) =	vpush v20, $0x0  }
0x171: {  	(v2sf) =	vpush v19, $0x0;
	_ =	sdelay $0xa  }
0x172: {  	s24 =	spop (v2sf)  }
0x173: {  	s25 =	spop (v2sf);
	p0 =	slt.s32 s24, $0x10;
	s0 =	sadd.s32 $0x30, s24  }
0x174: {  	s0 =	simm.s32 @!p0 $0x0;
	p0 =	slt.s32 s25, $0x10;
	s1 =	sadd.s32 $0x20, s25  }
0x175: {  	s3 =	spop (v2sf);
	s0 =	smov.u32 @p0 s1  }
0x176: {  	p0 =	slt.s32 s3, $0x10;
	s1 =	sadd.s32 $0x10, s3;
	s3 =	spop (v2sf)  }
0x177: {  	s0 =	smov.u32 @p0 s1;
	p0 =	slt.s32 s3, $0x10  }
0x178: {  	s0 =	smov.u32 @p0 s3  }
0x179: {  	s26 =	sshll.u32 s0, $0x8;
	s0 =	sshll.u32 s0, $0x7  }
0x17a: {  	s1 =	sand.u32 $0xFFFFF800, s26;
	s0 =	sand.u32 $0x380, s0  }
0x17b: {  	s0 =	sor.u32 s0, s1  }
0x17c: {  	[tilespmem:s0+$0x9280] =	vst v3  }
0x17d: {  	[tilespmem:s0+$0x9290] =	vst v4  }
0x17e: {  	[tilespmem:s0+$0x92A0] =	vst v5  }
0x17f: {  	[tilespmem:s0+$0x92B0] =	vst v6  }
0x180: {  	[tilespmem:s0+$0x92C0] =	vst v7  }
0x181: {  	[tilespmem:s0+$0x92D0] =	vst v8  }
0x182: {  	[tilespmem:s0+$0x92E0] =	vst v9  }
0x183: {  	s28 =	simm.s32 $0x5A80;
	s16 =	simm.s32 $0x0;
	s3 =	rddreg [dreg:$0x8];
	[tilespmem:s0+$0x92F0] =	vst v10  }
0x184: {  	[hbm4b:s3+s16] =	stream.linear.scatter [tilespmem:s28], [sflag:$0x4], $0x7000, $0x38;
	[tilespmem:$0x1AA80] =	vst v63  }
0x185: {  	v19 =	vld [tilespmem:$0x200];
	_ =	sdelay $0x4  }
0x186: {  	v20 =	vperm.xlane v19, v0;
	_ =	sdelay $0x1  }
0x187: {  	v19 =	vperm.xlane v19, v2;
	v20 =	vadd.s32 v1, v20;
	_ =	sdelay $0x1  }
0x188: {  	v19 =	vadd.s32 v1, v19;
	_ =	sdelay $0x1  }
0x189: {  	s6 =	simm.s32 $0x13A80  }
0x18a: {  	[tilespmem:s6], [sflag:$0x3] =	stream.indirect_vreg.gather [hbm4b:s2+s16], $0x80, v20, vm0, $0xb8;
	[tilespmem:$0x1AA80] =	vst v63  }
0x18b: {  	s8 =	simm.s32 $0x14280  }
0x18c: {  	[tilespmem:s8], [sflag:$0x3] =	stream.indirect_vreg.gather [hbm4b:s2+s16], $0x80, v19, vm0, $0xb8;
	[tilespmem:$0x1AA80] =	vst v63  }
0x18d: {  	v19 =	vld [tilespmem:$0x210];
	_ =	sdelay $0x4  }
0x18e: {  	v20 =	vperm.xlane v19, v0;
	_ =	sdelay $0x1  }
0x18f: {  	v19 =	vperm.xlane v19, v2;
	v20 =	vadd.s32 v1, v20;
	_ =	sdelay $0x1  }
0x190: {  	v19 =	vadd.s32 v1, v19;
	_ =	sdelay $0x1  }
0x191: {  	s9 =	simm.s32 $0x14A80  }
0x192: {  	[tilespmem:s9], [sflag:$0x3] =	stream.indirect_vreg.gather [hbm4b:s2+s16], $0x80, v20, vm0, $0xb8;
	[tilespmem:$0x1AA80] =	vst v63  }
0x193: {  	s15 =	simm.s32 $0x15280  }
0x194: {  	[tilespmem:s15], [sflag:$0x3] =	stream.indirect_vreg.gather [hbm4b:s2+s16], $0x80, v19, vm0, $0xb8;
	[tilespmem:$0x1AA80] =	vst v63  }
0x195: {  	v19 =	vld [tilespmem:$0x220];
	_ =	sdelay $0x4  }
0x196: {  	v20 =	vperm.xlane v19, v0;
	_ =	sdelay $0x1  }
0x197: {  	v19 =	vperm.xlane v19, v2;
	v20 =	vadd.s32 v1, v20;
	_ =	sdelay $0x1  }
0x198: {  	v19 =	vadd.s32 v1, v19;
	_ =	sdelay $0x1  }
0x199: {  	s17 =	simm.s32 $0x15A80  }
0x19a: {  	[tilespmem:s17], [sflag:$0x3] =	stream.indirect_vreg.gather [hbm4b:s2+s16], $0x80, v20, vm0, $0xb8;
	[tilespmem:$0x1AA80] =	vst v63  }
0x19b: {  	s18 =	simm.s32 $0x16280  }
0x19c: {  	[tilespmem:s18], [sflag:$0x3] =	stream.indirect_vreg.gather [hbm4b:s2+s16], $0x80, v19, vm0, $0xb8;
	[tilespmem:$0x1AA80] =	vst v63  }
0x19d: {  	v19 =	vld.msk [tilespmem:$0x230], $0x3;
	_ =	sdelay $0x4  }
0x19e: {  	v19 =	vperm.xlane v19, v0;
	_ =	sdelay $0x1  }
0x19f: {  	v19 =	vadd.s32 v1, v19;
	_ =	sdelay $0x3  }
0x1a0: {  	s19 =	simm.s32 $0x16A80  }
0x1a1: {  	[tilespmem:s19], [sflag:$0x3] =	stream.indirect_vreg.gather [hbm4b:s2+s16], $0x80, v19, vm1, $0xb8;
	[tilespmem:$0x1AA80] =	vst v63  }
0x1a2: {  	v19 =	vld [tilespmem:$0x280];
	_ =	sdelay $0x4  }
0x1a3: {  	v20 =	vperm.xlane v19, v0;
	_ =	sdelay $0x1  }
0x1a4: {  	v19 =	vperm.xlane v19, v2;
	v20 =	vadd.s32 v1, v20;
	_ =	sdelay $0x1  }
0x1a5: {  	v19 =	vadd.s32 v1, v19;
	_ =	sdelay $0x1  }
0x1a6: {  	s20 =	simm.s32 $0x17280  }
0x1a7: {  	[tilespmem:s20], [sflag:$0x3] =	stream.indirect_vreg.gather [hbm4b:s2+s16], $0x80, v20, vm0, $0xb8;
	[tilespmem:$0x1AA80] =	vst v63  }
0x1a8: {  	s21 =	simm.s32 $0x17A80  }
0x1a9: {  	[tilespmem:s21], [sflag:$0x3] =	stream.indirect_vreg.gather [hbm4b:s2+s16], $0x80, v19, vm0, $0xb8;
	[tilespmem:$0x1AA80] =	vst v63  }
0x1aa: {  	v19 =	vld [tilespmem:$0x290];
	_ =	sdelay $0x4  }
0x1ab: {  	v20 =	vperm.xlane v19, v0;
	_ =	sdelay $0x1  }
0x1ac: {  	v19 =	vperm.xlane v19, v2;
	v20 =	vadd.s32 v1, v20;
	_ =	sdelay $0x1  }
0x1ad: {  	v19 =	vadd.s32 v1, v19;
	_ =	sdelay $0x1  }
0x1ae: {  	s22 =	simm.s32 $0x18280  }
0x1af: {  	[tilespmem:s22], [sflag:$0x3] =	stream.indirect_vreg.gather [hbm4b:s2+s16], $0x80, v20, vm0, $0xb8;
	[tilespmem:$0x1AA80] =	vst v63  }
0x1b0: {  	s23 =	simm.s32 $0x18A80  }
0x1b1: {  	[tilespmem:s23], [sflag:$0x3] =	stream.indirect_vreg.gather [hbm4b:s2+s16], $0x80, v19, vm0, $0xb8;
	[tilespmem:$0x1AA80] =	vst v63  }
0x1b2: {  	v19 =	vld [tilespmem:$0x2A0];
	_ =	sdelay $0x4  }
0x1b3: {  	v20 =	vperm.xlane v19, v0;
	_ =	sdelay $0x1  }
0x1b4: {  	v19 =	vperm.xlane v19, v2;
	v20 =	vadd.s32 v1, v20;
	_ =	sdelay $0x1  }
0x1b5: {  	v19 =	vadd.s32 v1, v19;
	_ =	sdelay $0x1  }
0x1b6: {  	s24 =	simm.s32 $0x19280  }
0x1b7: {  	[tilespmem:s24], [sflag:$0x3] =	stream.indirect_vreg.gather [hbm4b:s2+s16], $0x80, v20, vm0, $0xb8;
	[tilespmem:$0x1AA80] =	vst v63  }
0x1b8: {  	s25 =	simm.s32 $0x19A80  }
0x1b9: {  	[tilespmem:s25], [sflag:$0x3] =	stream.indirect_vreg.gather [hbm4b:s2+s16], $0x80, v19, vm0, $0xb8;
	[tilespmem:$0x1AA80] =	vst v63  }
0x1ba: {  	v19 =	vld.msk [tilespmem:$0x2B0], $0x3;
	_ =	sdelay $0x4  }
0x1bb: {  	v19 =	vperm.xlane v19, v0;
	_ =	sdelay $0x1  }
0x1bc: {  	v19 =	vadd.s32 v1, v19;
	_ =	sdelay $0x2  }
0x1bd: {  	s29 =	simm.s32 $0x6280;
	s30 =	simm.s32 $0x6A80  }
0x1be: {  	s31 =	simm.s32 $0x7280;
	s26 =	simm.s32 $0x1A280;
	s6 =	simm.s32 $0x0  }
0x1bf: {  	[tilespmem:s26], [sflag:$0x3] =	stream.indirect_vreg.gather [hbm4b:s2+s16], $0x80, v19, vm1, $0xb8;
	[tilespmem:$0x1AA80] =	vst v63  }
.LBB2_6:
0x1c0: {  	s8 =	sadd.s32 $0xFFFFFFFB, s16  }
0x1c1: {  	_ =	swait.ge [sflag:s10], $0x1900;
	s0 =	sadd.s32 $0x69, s8  }
0x1c2: {  	[sflag:s10] =	ssyncset.done $0x0;
	v19 =	vmov s0  }
0x1c3: {  	[sflag:s10] =	ssyncadd.s32 $0xFFFFE700  }
0x1c4: {  	_ =	swait.ge [sflag:s10], $0x1900  }
0x1c5: {  	[sflag:s10] =	ssyncset.done $0x0  }
0x1c6: {  	[sflag:s10] =	ssyncadd.s32 $0xFFFFE700  }
0x1c7: {  	v19 =	vld.idx.msk [tilespmem:v19+s14+$0x0], $0xffff;
	_ =	sdelay $0x3  }
0x1c8: {  	s17 =	simm.s32 $0x0;
	s1 =	simm.s32 $0x0  }
0x1c9: {  	s3 =	sadd.s32 $0x6A, s8;
	s1 =	sand.u32 $0x380, s1;
	s0 =	sand.u32 $0x3800, s17;
	vm2 =	vgt.s32 v19, $0x0  }
0x1ca: {  	s0 =	sor.u32 s1, s0;
	v19 =	vmov s3;
	v20 =	vsel vm2, v16, v12  }
0x1cb: {  	v21 =	vsel vm2, v17, v13;
	[tilespmem:s0+$0xCE90] =	vst v20  }
0x1cc: {  	v20 =	vsel vm2, v15, v11;
	[tilespmem:s0+$0xCEA0] =	vst v21  }
0x1cd: {  	v58 =	vsel vm2, v18, v14;
	[tilespmem:s0+$0xCE80] =	vst v20  }
0x1ce: {  	[tilespmem:s0+$0xCEA2] =	vst v58  }
0x1cf: {  	v19 =	vld.idx.msk [tilespmem:v19+s14+$0x0], $0xffff;
	_ =	sdelay $0x3  }
0x1d0: {  	s18 =	simm.s32 $0x100;
	s19 =	simm.s32 $0x80  }
0x1d1: {  	s20 =	sadd.s32 $0x6B, s8;
	s1 =	sand.u32 $0x380, s19;
	s0 =	sand.u32 $0x7800, s18;
	vm2 =	vgt.s32 v19, $0x0  }
0x1d2: {  	s0 =	sor.u32 s1, s0;
	v19 =	vmov s20;
	v20 =	vsel vm2, v16, v12  }
0x1d3: {  	v59 =	vsel vm2, v15, v11;
	[tilespmem:s0+$0xCE90] =	vst v20  }
0x1d4: {  	v20 =	vsel vm2, v17, v13;
	[tilespmem:s0+$0xCE80] =	vst v59  }
0x1d5: {  	v60 =	vsel vm2, v18, v14;
	[tilespmem:s0+$0xCEA0] =	vst v20  }
0x1d6: {  	[tilespmem:s0+$0xCEA2] =	vst v60  }
0x1d7: {  	v19 =	vld.idx.msk [tilespmem:v19+s14+$0x0], $0xffff;
	_ =	sdelay $0x3  }
0x1d8: {  	s21 =	simm.s32 $0x200;
	s22 =	simm.s32 $0x100  }
0x1d9: {  	s23 =	sadd.s32 $0x6C, s8;
	s1 =	sand.u32 $0x380, s22;
	s0 =	sand.u32 $0x7800, s21;
	vm2 =	vgt.s32 v19, $0x0  }
0x1da: {  	s0 =	sor.u32 s1, s0;
	v19 =	vmov s23;
	v20 =	vsel vm2, v16, v12  }
0x1db: {  	v61 =	vsel vm2, v15, v11;
	[tilespmem:s0+$0xCE90] =	vst v20  }
0x1dc: {  	v20 =	vsel vm2, v17, v13;
	[tilespmem:s0+$0xCE80] =	vst v61  }
0x1dd: {  	v62 =	vsel vm2, v18, v14;
	[tilespmem:s0+$0xCEA0] =	vst v20  }
0x1de: {  	[tilespmem:s0+$0xCEA2] =	vst v62  }
0x1df: {  	v19 =	vld.idx.msk [tilespmem:v19+s14+$0x0], $0xffff;
	_ =	sdelay $0x3  }
0x1e0: {  	s24 =	simm.s32 $0x300;
	s25 =	simm.s32 $0x180  }
0x1e1: {  	s26 =	sadd.s32 $0x6D, s8;
	s1 =	sand.u32 $0x380, s25;
	s0 =	sand.u32 $0x7800, s24;
	vm2 =	vgt.s32 v19, $0x0  }
0x1e2: {  	s0 =	sor.u32 s1, s0;
	v19 =	vmov s26;
	v20 =	vsel vm2, v17, v13  }
0x1e3: {  	s9 =	smul.u32 $0x3, s6;
	v63 =	vsel vm2, v16, v12;
	[tilespmem:s0+$0xCEA0] =	vst v20  }
0x1e4: {  	v20 =	vsel vm2, v18, v14;
	[tilespmem:s0+$0xCE90] =	vst v63  }
0x1e5: {  	s8 =	sadd.s32 $0x1, s9;
	[tilespmem:s0+$0xCEA2] =	vst v20;
	v20 =	vsel vm2, v15, v11  }
0x1e6: {  	s19 =	simm.s32 $0x200;
	s18 =	smul.u32 $0x64, s8;
	s20 =	simm.s32 $0x400;
	[tilespmem:s0+$0xCE80] =	vst v20  }
0x1e7: {  	s22 =	sand.u32 $0x7800, s20;
	s21 =	simm.s32 $0x0;
	s23 =	sand.u32 $0x380, s19;
	v19 =	vld.idx.msk [tilespmem:v19+s14+$0x0], $0xffff  }
.LBB2_7:
0x1e8: {  	s19 =	sadd.s32 $0x280, s19  }
0x1e9: {  	s20 =	sadd.s32 $0x500, s20;
	s0 =	smov.u32 s21;
	s21 =	sadd.s32 $0x5, s21  }
0x1ea: {  	s1 =	sand.u32 $0x7800, s20;
	s3 =	sand.u32 $0x380, s19;
	p0 =	slt.u32 s21, $0x2D  }
0x1eb: {  	_ =	sdelay $0x1  }
0x1ec: {  	s0 =	sadd.s32 s0, s16  }
0x1ed: {  	s15 =	sadd.s32 $0x69, s0;
	s17 =	sadd.s32 $0x6A, s0;
	s26 =	sadd.s32 $0x6B, s0;
	vm2 =	vgt.s32 v19, $0x0  }
0x1ee: {  	s25 =	sadd.s32 $0x6C, s0;
	s24 =	sadd.s32 $0x6D, s0;
	s0 =	sor.u32 s23, s22;
	v19 =	vmov s15;
	v20 =	vsel vm2, v15, v11;
	v21 =	vsel vm2, v17, v13  }
0x1ef: {  	s22 =	smov.u32 s1;
	s23 =	smov.u32 s3;
	v22 =	vsel vm2, v18, v14;
	[tilespmem:s0+$0xCE80] =	vst v20;
	v20 =	vsel vm2, v16, v12  }
0x1f0: {  	[tilespmem:s0+$0xCE90] =	vst v20  }
0x1f1: {  	[tilespmem:s0+$0xCEA0] =	vst v21  }
0x1f2: {  	[tilespmem:s0+$0xCEA2] =	vst v22  }
0x1f3: {  	v19 =	vld.idx.msk [tilespmem:v19+s14+$0x0], $0xffff;
	_ =	sdelay $0x4  }
0x1f4: {  	s1 =	sadd.s32 $0xFFFFFE00, s19;
	s0 =	sadd.s32 $0xFFFFFC00, s20  }
0x1f5: {  	s1 =	sand.u32 $0x380, s1;
	s0 =	sand.u32 $0x3800, s0;
	vm2 =	vgt.s32 v19, $0x0;
	v19 =	vmov s17  }
0x1f6: {  	s0 =	sor.u32 s1, s0;
	v20 =	vsel vm2, v15, v11;
	v21 =	vsel vm2, v16, v12;
	v22 =	vsel vm2, v17, v13  }
0x1f7: {  	[tilespmem:s0+$0xCE90] =	vst v21;
	v21 =	vsel vm2, v18, v14  }
0x1f8: {  	[tilespmem:s0+$0xCEA0] =	vst v22  }
0x1f9: {  	[tilespmem:s0+$0xCE80] =	vst v20  }
0x1fa: {  	[tilespmem:s0+$0xCEA2] =	vst v21  }
0x1fb: {  	v19 =	vld.idx.msk [tilespmem:v19+s14+$0x0], $0xffff;
	_ =	sdelay $0x4  }
0x1fc: {  	s1 =	sadd.s32 $0xFFFFFE80, s19;
	s0 =	sadd.s32 $0xFFFFFD00, s20  }
0x1fd: {  	s1 =	sand.u32 $0x380, s1;
	s0 =	sand.u32 $0x7800, s0;
	vm2 =	vgt.s32 v19, $0x0;
	v19 =	vmov s26  }
0x1fe: {  	s0 =	sor.u32 s1, s0;
	v20 =	vsel vm2, v15, v11;
	v21 =	vsel vm2, v16, v12;
	v22 =	vsel vm2, v17, v13  }
0x1ff: {  	[tilespmem:s0+$0xCE90] =	vst v21;
	v21 =	vsel vm2, v18, v14  }
0x200: {  	[tilespmem:s0+$0xCE80] =	vst v20  }
0x201: {  	[tilespmem:s0+$0xCEA0] =	vst v22  }
0x202: {  	[tilespmem:s0+$0xCEA2] =	vst v21  }
0x203: {  	v19 =	vld.idx.msk [tilespmem:v19+s14+$0x0], $0xffff;
	_ =	sdelay $0x4  }
0x204: {  	s1 =	sadd.s32 $0xFFFFFF00, s19;
	s0 =	sadd.s32 $0xFFFFFE00, s20  }
0x205: {  	s1 =	sand.u32 $0x380, s1;
	s0 =	sand.u32 $0x7800, s0;
	vm2 =	vgt.s32 v19, $0x0;
	v19 =	vmov s25  }
0x206: {  	s0 =	sor.u32 s1, s0;
	v20 =	vsel vm2, v15, v11;
	v21 =	vsel vm2, v16, v12;
	v22 =	vsel vm2, v17, v13  }
0x207: {  	[tilespmem:s0+$0xCE90] =	vst v21;
	v21 =	vsel vm2, v18, v14  }
0x208: {  	[tilespmem:s0+$0xCE80] =	vst v20  }
0x209: {  	[tilespmem:s0+$0xCEA0] =	vst v22  }
0x20a: {  	[tilespmem:s0+$0xCEA2] =	vst v21  }
0x20b: {  	v19 =	vld.idx.msk [tilespmem:v19+s14+$0x0], $0xffff;
	_ =	sdelay $0x4  }
0x20c: {  	s1 =	sadd.s32 $0xFFFFFF80, s19;
	s0 =	sadd.s32 $0xFFFFFF00, s20  }
0x20d: {  	s1 =	sand.u32 $0x380, s1;
	s0 =	sand.u32 $0x7800, s0;
	vm2 =	vgt.s32 v19, $0x0;
	v19 =	vmov s24  }
0x20e: {  	s0 =	sor.u32 s1, s0;
	v20 =	vsel vm2, v15, v11;
	v21 =	vsel vm2, v16, v12;
	v22 =	vsel vm2, v17, v13  }
.Ltmp4:
0x20f: {  	[tilespmem:s0+$0xCEA0] =	vst v22;
	v22 =	vsel vm2, v18, v14;
	(pc) =	sbr.rel @p0 .LBB2_7-.Ltmp4, $4  }
0x210: {  	[tilespmem:s0+$0xCEA2] =	vst v22  }
0x211: {  	[tilespmem:s0+$0xCE90] =	vst v21  }
0x212: {  	[tilespmem:s0+$0xCE80] =	vst v20  }
0x213: {  	v19 =	vld.idx.msk [tilespmem:v19+s14+$0x0], $0xffff  }
0x214: {  	_ =	sdelay $0x3  }
0x215: {  	vm2 =	vgt.s32 v19, $0x0  }
0x216: {  	s0 =	sor.u32 s23, s22;
	v19 =	vsel vm2, v15, v11  }
0x217: {  	v20 =	vsel vm2, v17, v13;
	[tilespmem:s0+$0xCE80] =	vst v19  }
0x218: {  	v19 =	vsel vm2, v16, v12;
	[tilespmem:s0+$0xCEA0] =	vst v20  }
0x219: {  	[tilespmem:s0+$0xCE90] =	vst v19;
	v19 =	vsel vm2, v18, v14  }
0x21a: {  	[tilespmem:s0+$0xCEA2] =	vst v19  }
0x21b: {  	v19 =	vld [tilespmem:s18+$0x4030];
	_ =	sdelay $0x1  }
0x21c: {  	v20 =	vld [tilespmem:s18+$0x4020];
	_ =	sdelay $0x1  }
0x21d: {  	v21 =	vld [tilespmem:s18+$0x4010]  }
0x21e: {  	vm2 =	vgt.s32 v19, $0x0;
	v19 =	vld [tilespmem:s18+$0x4000]  }
0x21f: {  	vm2 =	vmand vm2, vm1  }
0x220: {  	v22 =	vmctz.xlane vm2;
	vm2 =	vgt.s32 v20, $0x0  }
0x221: {  	v20 =	vmctz.xlane vm2  }
0x222: {  	vm2 =	vgt.s32 v21, $0x0;
	(v2sf) =	vpush v22, $0x0  }
0x223: {  	(v2sf) =	vpush v20, $0x0;
	v20 =	vmctz.xlane vm2;
	vm2 =	vgt.s32 v19, $0x0  }
0x224: {  	v19 =	vmctz.xlane vm2  }
0x225: {  	(v2sf) =	vpush v20, $0x0  }
0x226: {  	(v2sf) =	vpush v19, $0x0;
	_ =	sdelay $0xa  }
0x227: {  	s21 =	spop (v2sf)  }
0x228: {  	s1 =	spop (v2sf);
	p0 =	slt.s32 s21, $0x10;
	s0 =	sadd.s32 $0x30, s21  }
0x229: {  	s0 =	simm.s32 @!p0 $0x0;
	p0 =	slt.s32 s1, $0x10;
	s1 =	sadd.s32 $0x20, s1  }
0x22a: {  	s3 =	spop (v2sf);
	s0 =	smov.u32 @p0 s1  }
0x22b: {  	p0 =	slt.s32 s3, $0x10;
	s1 =	sadd.s32 $0x10, s3;
	s3 =	spop (v2sf)  }
0x22c: {  	s0 =	smov.u32 @p0 s1;
	p0 =	slt.s32 s3, $0x10  }
0x22d: {  	s0 =	smov.u32 @p0 s3  }
0x22e: {  	s22 =	sshll.u32 s0, $0x8;
	s0 =	sshll.u32 s0, $0x7  }
0x22f: {  	s1 =	sand.u32 $0xFFFFF800, s22;
	s0 =	sand.u32 $0x380, s0  }
0x230: {  	s0 =	sor.u32 s0, s1  }
0x231: {  	[tilespmem:s0+$0xCA80] =	vst v3  }
0x232: {  	s19 =	sadd.s32 $0xFFFFFFFB, s16;
	[tilespmem:s0+$0xCA90] =	vst v4  }
0x233: {  	s23 =	sadd.s32 $0x9B, s19;
	[tilespmem:s0+$0xCAA0] =	vst v5  }
0x234: {  	v19 =	vmov s23;
	[tilespmem:s0+$0xCAB0] =	vst v6  }
0x235: {  	[tilespmem:s0+$0xCAC0] =	vst v7  }
0x236: {  	[tilespmem:s0+$0xCAD0] =	vst v8  }
0x237: {  	[tilespmem:s0+$0xCAE0] =	vst v9  }
0x238: {  	[tilespmem:s0+$0xCAF0] =	vst v10  }
0x239: {  	v19 =	vld.idx.msk [tilespmem:v19+s14+$0x0], $0xffff;
	_ =	sdelay $0x3  }
0x23a: {  	s24 =	simm.s32 $0x0;
	s25 =	simm.s32 $0x0  }
0x23b: {  	s26 =	sadd.s32 $0x9C, s19;
	s1 =	sand.u32 $0x380, s25;
	s0 =	sand.u32 $0x3800, s24;
	vm2 =	vgt.s32 v19, $0x0  }
0x23c: {  	s0 =	sor.u32 s1, s0;
	v19 =	vmov s26;
	v20 =	vsel vm2, v15, v11  }
0x23d: {  	s1 =	sadd.s32 $0x10680, s0;
	[tilespmem:s0+$0x10680] =	vst v20;
	v20 =	vsel vm2, v17, v13  }
0x23e: {  	v60 =	vsel vm2, v16, v12;
	[tilespmem:s1+$0x20] =	vst v20  }
0x23f: {  	v20 =	vsel vm2, v18, v14;
	[tilespmem:s1+$0x10] =	vst v60  }
0x240: {  	[tilespmem:s1+$0x22] =	vst v20  }
0x241: {  	v19 =	vld.idx.msk [tilespmem:v19+s14+$0x0], $0xffff;
	_ =	sdelay $0x3  }
0x242: {  	s15 =	simm.s32 $0x80;
	s3 =	simm.s32 $0x100  }
0x243: {  	s17 =	sadd.s32 $0x9D, s19;
	s0 =	sand.u32 $0x7800, s3;
	s1 =	sand.u32 $0x380, s15;
	vm2 =	vgt.s32 v19, $0x0  }
0x244: {  	s0 =	sor.u32 s1, s0;
	v19 =	vmov s17;
	v20 =	vsel vm2, v15, v11  }
0x245: {  	s1 =	sadd.s32 $0x10680, s0;
	[tilespmem:s0+$0x10680] =	vst v20;
	v20 =	vsel vm2, v16, v12  }
0x246: {  	v61 =	vsel vm2, v17, v13;
	[tilespmem:s1+$0x10] =	vst v20  }
0x247: {  	v20 =	vsel vm2, v18, v14;
	[tilespmem:s1+$0x20] =	vst v61  }
0x248: {  	[tilespmem:s1+$0x22] =	vst v20  }
0x249: {  	v19 =	vld.idx.msk [tilespmem:v19+s14+$0x0], $0xffff;
	_ =	sdelay $0x3  }
0x24a: {  	s20 =	simm.s32 $0x200;
	s21 =	simm.s32 $0x100  }
0x24b: {  	s22 =	sadd.s32 $0x9E, s19;
	s0 =	sand.u32 $0x7800, s20;
	s1 =	sand.u32 $0x380, s21;
	vm2 =	vgt.s32 v19, $0x0  }
0x24c: {  	s0 =	sor.u32 s1, s0;
	v19 =	vmov s22;
	v20 =	vsel vm2, v15, v11  }
0x24d: {  	s1 =	sadd.s32 $0x10680, s0;
	[tilespmem:s0+$0x10680] =	vst v20;
	v20 =	vsel vm2, v16, v12  }
0x24e: {  	v62 =	vsel vm2, v17, v13;
	[tilespmem:s1+$0x10] =	vst v20  }
0x24f: {  	v20 =	vsel vm2, v18, v14;
	[tilespmem:s1+$0x20] =	vst v62  }
0x250: {  	[tilespmem:s1+$0x22] =	vst v20  }
0x251: {  	v19 =	vld.idx.msk [tilespmem:v19+s14+$0x0], $0xffff;
	_ =	sdelay $0x3  }
0x252: {  	s23 =	simm.s32 $0x300;
	s24 =	simm.s32 $0x180  }
0x253: {  	s25 =	sadd.s32 $0x9F, s19;
	s0 =	sand.u32 $0x7800, s23;
	s1 =	sand.u32 $0x380, s24;
	vm2 =	vgt.s32 v19, $0x0  }
0x254: {  	s0 =	sor.u32 s1, s0;
	v19 =	vmov s25;
	v20 =	vsel vm2, v15, v11  }
0x255: {  	s1 =	sadd.s32 $0x10680, s0;
	[tilespmem:s0+$0x10680] =	vst v20;
	v20 =	vsel vm2, v16, v12  }
0x256: {  	v63 =	vsel vm2, v17, v13;
	[tilespmem:s1+$0x10] =	vst v20  }
0x257: {  	v20 =	vsel vm2, v18, v14;
	[tilespmem:s1+$0x20] =	vst v63  }
0x258: {  	[tilespmem:s1+$0x22] =	vst v20  }
0x259: {  	v19 =	vld.idx.msk [tilespmem:v19+s14+$0x0], $0xffff  }
0x25a: {  	s19 =	simm.s32 $0x900  }
0x25b: {  	s26 =	simm.s32 $0x200;
	s20 =	simm.s32 $0x480;
	s21 =	sadd.s32 $0x0, s16  }
0x25c: {  	s22 =	simm.s32 $0x400;
	s23 =	simm.s32 $0x5;
	s25 =	sand.u32 $0x380, s26  }
.LBB2_9:
0x25d: {  	s0 =	sadd.s32 $0x9B, s21;
	s1 =	sand.u32 $0x7800, s22  }
0x25e: {  	vm2 =	vgt.s32 v19, $0x0;
	s24 =	smov.u32 s23;
	s23 =	sadd.s32 $0x5, s23;
	s22 =	smov.u32 s19  }
0x25f: {  	p0 =	slt.u32 s23, $0x2D;
	v19 =	vmov s0;
	v20 =	vsel vm2, v15, v11;
	s0 =	sor.u32 s25, s1;
	v21 =	vsel vm2, v17, v13  }
0x260: {  	v22 =	vsel vm2, v18, v14;
	s1 =	sadd.s32 $0x10680, s0;
	[tilespmem:s0+$0x10680] =	vst v20;
	v20 =	vsel vm2, v16, v12  }
0x261: {  	[tilespmem:s1+$0x10] =	vst v20  }
0x262: {  	[tilespmem:s1+$0x20] =	vst v21  }
0x263: {  	[tilespmem:s1+$0x22] =	vst v22  }
0x264: {  	v19 =	vld.idx.msk [tilespmem:v19+s14+$0x0], $0xffff;
	_ =	sdelay $0x4  }
0x265: {  	s3 =	sadd.s32 $0x9C, s21;
	s0 =	sadd.s32 $0xFFFFFC00, s19;
	s1 =	sadd.s32 $0xFFFFFE00, s20  }
0x266: {  	s0 =	sand.u32 $0x3800, s0;
	s1 =	sand.u32 $0x380, s1;
	vm2 =	vgt.s32 v19, $0x0;
	v19 =	vmov s3  }
0x267: {  	s0 =	sor.u32 s1, s0;
	v20 =	vsel vm2, v15, v11  }
0x268: {  	s1 =	sadd.s32 $0x10680, s0;
	[tilespmem:s0+$0x10680] =	vst v20;
	v20 =	vsel vm2, v17, v13  }
0x269: {  	v21 =	vsel vm2, v16, v12;
	[tilespmem:s1+$0x20] =	vst v20;
	v20 =	vsel vm2, v18, v14  }
0x26a: {  	[tilespmem:s1+$0x22] =	vst v20  }
0x26b: {  	[tilespmem:s1+$0x10] =	vst v21  }
0x26c: {  	v19 =	vld.idx.msk [tilespmem:v19+s14+$0x0], $0xffff;
	_ =	sdelay $0x4  }
0x26d: {  	s3 =	sadd.s32 $0x9D, s21;
	s0 =	sadd.s32 $0xFFFFFD00, s19;
	s1 =	sadd.s32 $0xFFFFFE80, s20  }
0x26e: {  	s0 =	sand.u32 $0x7800, s0;
	s1 =	sand.u32 $0x380, s1;
	vm2 =	vgt.s32 v19, $0x0;
	v19 =	vmov s3  }
0x26f: {  	s0 =	sor.u32 s1, s0;
	v20 =	vsel vm2, v15, v11;
	v21 =	vsel vm2, v17, v13  }
0x270: {  	s1 =	sadd.s32 $0x10680, s0;
	v22 =	vsel vm2, v18, v14;
	[tilespmem:s0+$0x10680] =	vst v20;
	v20 =	vsel vm2, v16, v12  }
0x271: {  	[tilespmem:s1+$0x10] =	vst v20  }
0x272: {  	[tilespmem:s1+$0x20] =	vst v21  }
0x273: {  	[tilespmem:s1+$0x22] =	vst v22  }
0x274: {  	v19 =	vld.idx.msk [tilespmem:v19+s14+$0x0], $0xffff;
	_ =	sdelay $0x4  }
0x275: {  	s3 =	sadd.s32 $0x9E, s21;
	s0 =	sadd.s32 $0xFFFFFE00, s19;
	s1 =	sadd.s32 $0xFFFFFF00, s20  }
0x276: {  	s0 =	sand.u32 $0x7800, s0;
	s1 =	sand.u32 $0x380, s1;
	vm2 =	vgt.s32 v19, $0x0;
	v19 =	vmov s3  }
0x277: {  	s0 =	sor.u32 s1, s0;
	v20 =	vsel vm2, v15, v11;
	v21 =	vsel vm2, v17, v13  }
0x278: {  	s1 =	sadd.s32 $0x10680, s0;
	v22 =	vsel vm2, v18, v14;
	[tilespmem:s0+$0x10680] =	vst v20;
	v20 =	vsel vm2, v16, v12  }
0x279: {  	[tilespmem:s1+$0x10] =	vst v20  }
0x27a: {  	[tilespmem:s1+$0x20] =	vst v21  }
0x27b: {  	[tilespmem:s1+$0x22] =	vst v22  }
0x27c: {  	v19 =	vld.idx.msk [tilespmem:v19+s14+$0x0], $0xffff;
	_ =	sdelay $0x4  }
0x27d: {  	s3 =	sadd.s32 $0x9F, s21;
	s0 =	sadd.s32 $0xFFFFFF00, s19;
	s1 =	sadd.s32 $0xFFFFFF80, s20  }
0x27e: {  	s0 =	sand.u32 $0x7800, s0;
	s1 =	sand.u32 $0x380, s1;
	vm2 =	vgt.s32 v19, $0x0;
	v19 =	vmov s3  }
0x27f: {  	s0 =	sor.u32 s1, s0;
	v20 =	vsel vm2, v15, v11;
	v21 =	vsel vm2, v17, v13  }
0x280: {  	s1 =	sadd.s32 $0x10680, s0;
	v22 =	vsel vm2, v18, v14;
	[tilespmem:s0+$0x10680] =	vst v20;
	v20 =	vsel vm2, v16, v12  }
0x281: {  	[tilespmem:s1+$0x10] =	vst v20  }
0x282: {  	[tilespmem:s1+$0x20] =	vst v21  }
0x283: {  	[tilespmem:s1+$0x22] =	vst v22  }
0x284: {  	v19 =	vld.idx.msk [tilespmem:v19+s14+$0x0], $0xffff  }
.Ltmp5:
0x285: {  	(pc) =	sbr.rel @p0 .LBB2_9-.Ltmp5, $3  }
0x286: {  	_ =	sdelay $0x1  }
0x287: {  	s19 =	sadd.s32 $0x500, s19  }
0x288: {  	s25 =	sand.u32 $0x380, s20;
	s21 =	sadd.s32 s24, s16;
	s20 =	sadd.s32 $0x280, s20  }
0x289: {  	s0 =	sadd.s32 $0x9B, s21;
	vm2 =	vgt.s32 v19, $0x0;
	s1 =	sand.u32 $0x7800, s22  }
0x28a: {  	v19 =	vmov s0;
	v20 =	vsel vm2, v15, v11;
	s24 =	sor.u32 s25, s1  }
0x28b: {  	s1 =	sadd.s32 $0x10680, s24;
	[tilespmem:s24+$0x10680] =	vst v20;
	v20 =	vsel vm2, v16, v12  }
0x28c: {  	v21 =	vsel vm2, v17, v13;
	[tilespmem:s1+$0x10] =	vst v20  }
0x28d: {  	v20 =	vsel vm2, v18, v14;
	[tilespmem:s1+$0x20] =	vst v21  }
0x28e: {  	[tilespmem:s1+$0x22] =	vst v20  }
0x28f: {  	v19 =	vld.idx.msk [tilespmem:v19+s14+$0x0], $0xffff;
	_ =	sdelay $0x3  }
0x290: {  	s26 =	sadd.s32 $0xFFFFFE00, s20;
	s25 =	sadd.s32 $0xFFFFFC00, s19  }
0x291: {  	s3 =	sadd.s32 $0x9C, s21;
	s0 =	sand.u32 $0x3800, s25;
	s1 =	sand.u32 $0x380, s26;
	vm2 =	vgt.s32 v19, $0x0  }
0x292: {  	s0 =	sor.u32 s1, s0;
	v19 =	vmov s3;
	v20 =	vsel vm2, v15, v11  }
0x293: {  	s1 =	sadd.s32 $0x10680, s0;
	[tilespmem:s0+$0x10680] =	vst v20;
	v20 =	vsel vm2, v17, v13  }
0x294: {  	v53 =	vsel vm2, v16, v12;
	[tilespmem:s1+$0x20] =	vst v20  }
0x295: {  	v20 =	vsel vm2, v18, v14;
	[tilespmem:s1+$0x10] =	vst v53  }
0x296: {  	[tilespmem:s1+$0x22] =	vst v20  }
0x297: {  	v19 =	vld.idx.msk [tilespmem:v19+s14+$0x0], $0xffff;
	_ =	sdelay $0x3  }
0x298: {  	s3 =	sadd.s32 $0xFFFFFE80, s20;
	s1 =	sadd.s32 $0xFFFFFD00, s19  }
0x299: {  	s15 =	sadd.s32 $0x9D, s21;
	s0 =	sand.u32 $0x7800, s1;
	s1 =	sand.u32 $0x380, s3;
	vm2 =	vgt.s32 v19, $0x0  }
0x29a: {  	s0 =	sor.u32 s1, s0;
	v19 =	vmov s15;
	v20 =	vsel vm2, v15, v11  }
0x29b: {  	s1 =	sadd.s32 $0x10680, s0;
	[tilespmem:s0+$0x10680] =	vst v20;
	v20 =	vsel vm2, v16, v12  }
0x29c: {  	v54 =	vsel vm2, v17, v13;
	[tilespmem:s1+$0x10] =	vst v20  }
0x29d: {  	v20 =	vsel vm2, v18, v14;
	[tilespmem:s1+$0x20] =	vst v54  }
0x29e: {  	[tilespmem:s1+$0x22] =	vst v20  }
0x29f: {  	v19 =	vld.idx.msk [tilespmem:v19+s14+$0x0], $0xffff;
	_ =	sdelay $0x3  }
0x2a0: {  	s17 =	sadd.s32 $0xFFFFFE00, s19;
	s22 =	sadd.s32 $0xFFFFFF00, s20  }
0x2a1: {  	s23 =	sadd.s32 $0x9E, s21;
	s0 =	sand.u32 $0x7800, s17;
	s1 =	sand.u32 $0x380, s22;
	vm2 =	vgt.s32 v19, $0x0  }
0x2a2: {  	s0 =	sor.u32 s1, s0;
	v19 =	vmov s23;
	v20 =	vsel vm2, v15, v11  }
0x2a3: {  	s1 =	sadd.s32 $0x10680, s0;
	[tilespmem:s0+$0x10680] =	vst v20;
	v20 =	vsel vm2, v16, v12  }
0x2a4: {  	v55 =	vsel vm2, v17, v13;
	[tilespmem:s1+$0x10] =	vst v20  }
0x2a5: {  	v20 =	vsel vm2, v18, v14;
	[tilespmem:s1+$0x20] =	vst v55  }
0x2a6: {  	[tilespmem:s1+$0x22] =	vst v20  }
0x2a7: {  	v19 =	vld.idx.msk [tilespmem:v19+s14+$0x0], $0xffff;
	_ =	sdelay $0x3  }
0x2a8: {  	s24 =	sadd.s32 $0xFFFFFF00, s19;
	s25 =	sadd.s32 $0xFFFFFF80, s20  }
0x2a9: {  	s26 =	sadd.s32 $0x9F, s21;
	s0 =	sand.u32 $0x7800, s24;
	s1 =	sand.u32 $0x380, s25;
	vm2 =	vgt.s32 v19, $0x0  }
0x2aa: {  	s0 =	sor.u32 s1, s0;
	v19 =	vmov s26;
	v20 =	vsel vm2, v15, v11  }
0x2ab: {  	s1 =	sadd.s32 $0x10680, s0;
	[tilespmem:s0+$0x10680] =	vst v20;
	v20 =	vsel vm2, v16, v12  }
0x2ac: {  	v56 =	vsel vm2, v17, v13;
	[tilespmem:s1+$0x10] =	vst v20  }
0x2ad: {  	v20 =	vsel vm2, v18, v14;
	[tilespmem:s1+$0x20] =	vst v56  }
0x2ae: {  	[tilespmem:s1+$0x22] =	vst v20  }
0x2af: {  	v19 =	vld.idx.msk [tilespmem:v19+s14+$0x0], $0xffff;
	_ =	sdelay $0x4  }
0x2b0: {  	s3 =	sand.u32 $0x380, s20;
	s15 =	sand.u32 $0x7800, s19;
	vm2 =	vgt.s32 v19, $0x0  }
0x2b1: {  	s0 =	sor.u32 s3, s15;
	v19 =	vsel vm2, v15, v11  }
0x2b2: {  	s1 =	sadd.s32 $0x10680, s0;
	[tilespmem:s0+$0x10680] =	vst v19;
	v19 =	vsel vm2, v16, v12  }
0x2b3: {  	v20 =	vsel vm2, v17, v13;
	[tilespmem:s1+$0x10] =	vst v19  }
0x2b4: {  	v19 =	vsel vm2, v18, v14;
	[tilespmem:s1+$0x20] =	vst v20  }
0x2b5: {  	[tilespmem:s1+$0x22] =	vst v19  }
0x2b6: {  	v19 =	vld [tilespmem:s18+$0x4062];
	_ =	sdelay $0x1  }
0x2b7: {  	v20 =	vld [tilespmem:s18+$0x4052];
	_ =	sdelay $0x1  }
0x2b8: {  	v21 =	vld [tilespmem:s18+$0x4042]  }
0x2b9: {  	vm2 =	vgt.s32 v19, $0x0;
	v19 =	vld [tilespmem:s18+$0x4032]  }
0x2ba: {  	vm2 =	vmand vm2, vm1  }
0x2bb: {  	v22 =	vmctz.xlane vm2;
	vm2 =	vgt.s32 v20, $0x0  }
0x2bc: {  	v20 =	vmctz.xlane vm2  }
0x2bd: {  	vm2 =	vgt.s32 v21, $0x0;
	(v2sf) =	vpush v22, $0x0  }
0x2be: {  	(v2sf) =	vpush v20, $0x0;
	v20 =	vmctz.xlane vm2;
	vm2 =	vgt.s32 v19, $0x0  }
0x2bf: {  	v19 =	vmctz.xlane vm2  }
0x2c0: {  	(v2sf) =	vpush v20, $0x0  }
0x2c1: {  	(v2sf) =	vpush v19, $0x0;
	_ =	sdelay $0xa  }
0x2c2: {  	s17 =	spop (v2sf)  }
0x2c3: {  	s18 =	spop (v2sf);
	p0 =	slt.s32 s17, $0x10;
	s0 =	sadd.s32 $0x30, s17  }
0x2c4: {  	s0 =	simm.s32 @!p0 $0x0;
	p0 =	slt.s32 s18, $0x10;
	s1 =	sadd.s32 $0x20, s18  }
0x2c5: {  	s19 =	spop (v2sf);
	s0 =	smov.u32 @p0 s1  }
0x2c6: {  	p0 =	slt.s32 s19, $0x10;
	s1 =	sadd.s32 $0x10, s19;
	s3 =	spop (v2sf)  }
0x2c7: {  	s0 =	smov.u32 @p0 s1;
	p0 =	slt.s32 s3, $0x10  }
0x2c8: {  	s0 =	smov.u32 @p0 s3  }
0x2c9: {  	s20 =	sshll.u32 s0, $0x8;
	s0 =	sshll.u32 s0, $0x7  }
0x2ca: {  	s1 =	sand.u32 $0xFFFFF800, s20;
	s0 =	sand.u32 $0x380, s0  }
0x2cb: {  	s0 =	sor.u32 s0, s1  }
0x2cc: {  	s1 =	sadd.s32 $0x10280, s0;
	[tilespmem:s0+$0x10280] =	vst v3  }
0x2cd: {  	[tilespmem:s1+$0x10] =	vst v4  }
0x2ce: {  	[tilespmem:s1+$0x20] =	vst v5  }
0x2cf: {  	s21 =	sshll.u32 s8, $0x1;
	[tilespmem:s1+$0x30] =	vst v6  }
0x2d0: {  	s0 =	sadd.s32 s4, s21;
	[tilespmem:s1+$0x40] =	vst v7  }
0x2d1: {  	[tilespmem:s1+$0x50] =	vst v8;
	s0 =	smul.u32 $0x700, s0  }
0x2d2: {  	[tilespmem:s1+$0x60] =	vst v9  }
0x2d3: {  	s22 =	simm.s32 $0xCA80;
	[tilespmem:s1+$0x70] =	vst v10;
	s0 =	sadd.s32 s7, s0  }
0x2d4: {  	[hbm4b:s0+s5] =	stream.linear.scatter [tilespmem:s22], [sflag:$0x5], $0x7000, $0x38;
	[tilespmem:$0x1AA80] =	vst v63  }
0x2d5: {  	s8 =	sadd.s32 $0x3, s9;
	_ =	swait.ge [sflag:s11], $0x7000  }
0x2d6: {  	s23 =	sshll.u32 s8, $0x8;
	[sflag:s11] =	ssyncset.done $0x0  }
0x2d7: {  	s0 =	sand.u32 $0x3FFFFF00, s23;
	[sflag:s11] =	ssyncadd.s32 $0xFFFF9000  }
0x2d8: {  	v19 =	vld [tilespmem:s0+$0x0];
	_ =	sdelay $0x4  }
0x2d9: {  	v20 =	vperm.xlane v19, v0;
	_ =	sdelay $0x1  }
0x2da: {  	v19 =	vperm.xlane v19, v2;
	v20 =	vadd.s32 v1, v20;
	_ =	sdelay $0x1  }
0x2db: {  	v19 =	vadd.s32 v1, v19;
	_ =	sdelay $0x2  }
0x2dc: {  	[tilespmem:s28], [sflag:$0x1] =	stream.indirect_vreg.gather [hbm4b:s2+s5], $0x80, v20, vm0, $0xb8;
	[tilespmem:$0x1AA80] =	vst v63  }
0x2dd: {  	_ = 	snop  }
0x2de: {  	[tilespmem:s29], [sflag:$0x1] =	stream.indirect_vreg.gather [hbm4b:s2+s5], $0x80, v19, vm0, $0xb8;
	[tilespmem:$0x1AA80] =	vst v63  }
0x2df: {  	v19 =	vld [tilespmem:s0+$0x10];
	_ =	sdelay $0x4  }
0x2e0: {  	v20 =	vperm.xlane v19, v0;
	_ =	sdelay $0x1  }
0x2e1: {  	v19 =	vperm.xlane v19, v2;
	v20 =	vadd.s32 v1, v20;
	_ =	sdelay $0x1  }
0x2e2: {  	v19 =	vadd.s32 v1, v19;
	_ =	sdelay $0x2  }
0x2e3: {  	[tilespmem:s30], [sflag:$0x1] =	stream.indirect_vreg.gather [hbm4b:s2+s5], $0x80, v20, vm0, $0xb8;
	[tilespmem:$0x1AA80] =	vst v63  }
0x2e4: {  	_ = 	snop  }
0x2e5: {  	[tilespmem:s31], [sflag:$0x1] =	stream.indirect_vreg.gather [hbm4b:s2+s5], $0x80, v19, vm0, $0xb8;
	[tilespmem:$0x1AA80] =	vst v63  }
0x2e6: {  	v19 =	vld [tilespmem:s0+$0x20];
	_ =	sdelay $0x4  }
0x2e7: {  	v20 =	vperm.xlane v19, v0;
	_ =	sdelay $0x1  }
0x2e8: {  	v19 =	vperm.xlane v19, v2;
	v20 =	vadd.s32 v1, v20;
	_ =	sdelay $0x1  }
0x2e9: {  	v19 =	vadd.s32 v1, v19;
	_ =	sdelay $0x1  }
0x2ea: {  	s24 =	simm.s32 $0x7A80  }
0x2eb: {  	[tilespmem:s24], [sflag:$0x1] =	stream.indirect_vreg.gather [hbm4b:s2+s5], $0x80, v20, vm0, $0xb8;
	[tilespmem:$0x1AA80] =	vst v63  }
0x2ec: {  	s25 =	simm.s32 $0x8280;
	s26 =	sor.u32 $0x30, s0  }
0x2ed: {  	[tilespmem:s25], [sflag:$0x1] =	stream.indirect_vreg.gather [hbm4b:s2+s5], $0x80, v19, vm0, $0xb8;
	[tilespmem:$0x1AA80] =	vst v63  }
0x2ee: {  	v19 =	vld.msk [tilespmem:s26+$0x0], $0x3;
	_ =	sdelay $0x4  }
0x2ef: {  	v19 =	vperm.xlane v19, v0;
	_ =	sdelay $0x1  }
0x2f0: {  	v19 =	vadd.s32 v1, v19;
	_ =	sdelay $0x3  }
0x2f1: {  	s3 =	simm.s32 $0x8A80  }
0x2f2: {  	[tilespmem:s3], [sflag:$0x1] =	stream.indirect_vreg.gather [hbm4b:s2+s5], $0x80, v19, vm1, $0xb8;
	[tilespmem:$0x1AA80] =	vst v63  }
0x2f3: {  	v19 =	vld [tilespmem:s0+$0x80];
	_ =	sdelay $0x4  }
0x2f4: {  	v20 =	vperm.xlane v19, v0;
	_ =	sdelay $0x1  }
0x2f5: {  	v19 =	vperm.xlane v19, v2;
	v20 =	vadd.s32 v1, v20;
	_ =	sdelay $0x1  }
0x2f6: {  	v19 =	vadd.s32 v1, v19;
	_ =	sdelay $0x1  }
0x2f7: {  	s15 =	simm.s32 $0x9280  }
0x2f8: {  	[tilespmem:s15], [sflag:$0x1] =	stream.indirect_vreg.gather [hbm4b:s2+s5], $0x80, v20, vm0, $0xb8;
	[tilespmem:$0x1AA80] =	vst v63  }
0x2f9: {  	s17 =	simm.s32 $0x9A80  }
0x2fa: {  	[tilespmem:s17], [sflag:$0x1] =	stream.indirect_vreg.gather [hbm4b:s2+s5], $0x80, v19, vm0, $0xb8;
	[tilespmem:$0x1AA80] =	vst v63  }
0x2fb: {  	v19 =	vld [tilespmem:s0+$0x90];
	_ =	sdelay $0x4  }
0x2fc: {  	v20 =	vperm.xlane v19, v0;
	_ =	sdelay $0x1  }
0x2fd: {  	v19 =	vperm.xlane v19, v2;
	v20 =	vadd.s32 v1, v20;
	_ =	sdelay $0x1  }
0x2fe: {  	v19 =	vadd.s32 v1, v19;
	_ =	sdelay $0x1  }
0x2ff: {  	s18 =	simm.s32 $0xA280  }
0x300: {  	[tilespmem:s18], [sflag:$0x1] =	stream.indirect_vreg.gather [hbm4b:s2+s5], $0x80, v20, vm0, $0xb8;
	[tilespmem:$0x1AA80] =	vst v63  }
0x301: {  	s19 =	simm.s32 $0xAA80  }
0x302: {  	[tilespmem:s19], [sflag:$0x1] =	stream.indirect_vreg.gather [hbm4b:s2+s5], $0x80, v19, vm0, $0xb8;
	[tilespmem:$0x1AA80] =	vst v63  }
0x303: {  	v19 =	vld [tilespmem:s0+$0xA0];
	_ =	sdelay $0x4  }
0x304: {  	v20 =	vperm.xlane v19, v0;
	_ =	sdelay $0x1  }
0x305: {  	v19 =	vperm.xlane v19, v2;
	v20 =	vadd.s32 v1, v20;
	_ =	sdelay $0x1  }
0x306: {  	v19 =	vadd.s32 v1, v19;
	_ =	sdelay $0x1  }
0x307: {  	s20 =	simm.s32 $0xB280  }
0x308: {  	[tilespmem:s20], [sflag:$0x1] =	stream.indirect_vreg.gather [hbm4b:s2+s5], $0x80, v20, vm0, $0xb8;
	[tilespmem:$0x1AA80] =	vst v63  }
0x309: {  	s21 =	simm.s32 $0xBA80;
	s0 =	sor.u32 $0xB0, s0  }
0x30a: {  	[tilespmem:s21], [sflag:$0x1] =	stream.indirect_vreg.gather [hbm4b:s2+s5], $0x80, v19, vm0, $0xb8;
	[tilespmem:$0x1AA80] =	vst v63  }
0x30b: {  	v19 =	vld.msk [tilespmem:s0+$0x0], $0x3;
	_ =	sdelay $0x4  }
0x30c: {  	v19 =	vperm.xlane v19, v0;
	_ =	sdelay $0x1  }
0x30d: {  	v19 =	vadd.s32 v1, v19;
	_ =	sdelay $0x3  }
0x30e: {  	s22 =	simm.s32 $0xC280;
	s18 =	sadd.s32 $0xFFFFFFFB, s16  }
0x30f: {  	[tilespmem:s22], [sflag:$0x1] =	stream.indirect_vreg.gather [hbm4b:s2+s5], $0x80, v19, vm1, $0xb8;
	[tilespmem:$0x1AA80] =	vst v63  }
0x310: {  	s23 =	sadd.s32 $0xCD, s18;
	_ =	swait.ge [sflag:s12], $0x1900  }
0x311: {  	v19 =	vmov s23;
	[sflag:s12] =	ssyncset.done $0x0  }
0x312: {  	[sflag:s12] =	ssyncadd.s32 $0xFFFFE700  }
0x313: {  	_ =	swait.ge [sflag:s12], $0x1900  }
0x314: {  	[sflag:s12] =	ssyncset.done $0x0  }
0x315: {  	[sflag:s12] =	ssyncadd.s32 $0xFFFFE700  }
0x316: {  	v19 =	vld.idx.msk [tilespmem:v19+s14+$0x0], $0xffff;
	_ =	sdelay $0x2  }
0x317: {  	s24 =	simm.s32 $0x0;
	s25 =	simm.s32 $0x0  }
0x318: {  	s1 =	sand.u32 $0x380, s25;
	s0 =	sand.u32 $0x3800, s24  }
0x319: {  	s26 =	sadd.s32 $0xCE, s18;
	s0 =	sor.u32 s1, s0;
	vm2 =	vgt.s32 v19, $0x0  }
0x31a: {  	s0 =	sadd.s32 $0x13A80, s0;
	v19 =	vmov s26;
	v20 =	vsel vm2, v16, v12  }
0x31b: {  	v57 =	vsel vm2, v17, v13;
	[tilespmem:s0+$0x410] =	vst v20  }
0x31c: {  	v20 =	vsel vm2, v15, v11;
	[tilespmem:s0+$0x420] =	vst v57  }
0x31d: {  	v58 =	vsel vm2, v18, v14;
	[tilespmem:s0+$0x400] =	vst v20  }
0x31e: {  	[tilespmem:s0+$0x422] =	vst v58  }
0x31f: {  	v19 =	vld.idx.msk [tilespmem:v19+s14+$0x0], $0xffff;
	_ =	sdelay $0x2  }
0x320: {  	s3 =	simm.s32 $0x100;
	s15 =	simm.s32 $0x80  }
0x321: {  	s1 =	sand.u32 $0x380, s15;
	s0 =	sand.u32 $0x7800, s3  }
0x322: {  	s17 =	sadd.s32 $0xCF, s18;
	s0 =	sor.u32 s1, s0;
	vm2 =	vgt.s32 v19, $0x0  }
0x323: {  	s0 =	sadd.s32 $0x13A80, s0;
	v19 =	vmov s17;
	v20 =	vsel vm2, v15, v11  }
0x324: {  	v59 =	vsel vm2, v16, v12;
	[tilespmem:s0+$0x400] =	vst v20  }
0x325: {  	v20 =	vsel vm2, v17, v13;
	[tilespmem:s0+$0x410] =	vst v59  }
0x326: {  	v60 =	vsel vm2, v18, v14;
	[tilespmem:s0+$0x420] =	vst v20  }
0x327: {  	[tilespmem:s0+$0x422] =	vst v60  }
0x328: {  	v19 =	vld.idx.msk [tilespmem:v19+s14+$0x0], $0xffff;
	_ =	sdelay $0x2  }
0x329: {  	s19 =	simm.s32 $0x200;
	s20 =	simm.s32 $0x100  }
0x32a: {  	s1 =	sand.u32 $0x380, s20;
	s0 =	sand.u32 $0x7800, s19  }
0x32b: {  	s21 =	sadd.s32 $0xD0, s18;
	s0 =	sor.u32 s1, s0;
	vm2 =	vgt.s32 v19, $0x0  }
0x32c: {  	s0 =	sadd.s32 $0x13A80, s0;
	v19 =	vmov s21;
	v20 =	vsel vm2, v16, v12  }
0x32d: {  	v61 =	vsel vm2, v15, v11;
	[tilespmem:s0+$0x410] =	vst v20  }
0x32e: {  	v20 =	vsel vm2, v17, v13;
	[tilespmem:s0+$0x400] =	vst v61  }
0x32f: {  	v62 =	vsel vm2, v18, v14;
	[tilespmem:s0+$0x420] =	vst v20  }
0x330: {  	[tilespmem:s0+$0x422] =	vst v62  }
0x331: {  	v19 =	vld.idx.msk [tilespmem:v19+s14+$0x0], $0xffff;
	_ =	sdelay $0x2  }
0x332: {  	s22 =	simm.s32 $0x300;
	s23 =	simm.s32 $0x180  }
0x333: {  	s1 =	sand.u32 $0x380, s23;
	s0 =	sand.u32 $0x7800, s22  }
0x334: {  	s24 =	sadd.s32 $0xD1, s18;
	s0 =	sor.u32 s1, s0;
	vm2 =	vgt.s32 v19, $0x0  }
0x335: {  	v20 =	vmov s24;
	s0 =	sadd.s32 $0x13A80, s0;
	v19 =	vsel vm2, v17, v13  }
0x336: {  	v63 =	vsel vm2, v16, v12;
	[tilespmem:s0+$0x420] =	vst v19  }
0x337: {  	v19 =	vsel vm2, v18, v14;
	[tilespmem:s0+$0x410] =	vst v63  }
0x338: {  	s20 =	simm.s32 $0x400;
	s19 =	simm.s32 $0x200;
	[tilespmem:s0+$0x422] =	vst v19;
	v19 =	vsel vm2, v15, v11  }
0x339: {  	s9 =	sadd.s32 $0x2, s9;
	s25 =	sand.u32 $0x7800, s20;
	s26 =	sand.u32 $0x380, s19;
	[tilespmem:s0+$0x400] =	vst v19  }
0x33a: {  	s18 =	smul.u32 $0x64, s9;
	s21 =	simm.s32 $0x0;
	s22 =	sor.u32 s26, s25;
	v19 =	vld.idx.msk [tilespmem:v20+s14+$0x0], $0xffff  }
.LBB2_11:
0x33b: {  	s19 =	sadd.s32 $0x280, s19  }
0x33c: {  	s20 =	sadd.s32 $0x500, s20;
	s0 =	smov.u32 s21;
	s21 =	sadd.s32 $0x5, s21  }
0x33d: {  	s1 =	sand.u32 $0x7800, s20;
	s3 =	sand.u32 $0x380, s19;
	p0 =	slt.u32 s21, $0x2D  }
0x33e: {  	s1 =	sor.u32 s3, s1;
	_ =	sdelay $0x1  }
0x33f: {  	s0 =	sadd.s32 s0, s16  }
0x340: {  	s3 =	sadd.s32 $0xCD, s0;
	s15 =	sadd.s32 $0xCE, s0;
	s25 =	sadd.s32 $0xCF, s0;
	vm2 =	vgt.s32 v19, $0x0  }
0x341: {  	s24 =	sadd.s32 $0xD0, s0;
	s23 =	sadd.s32 $0xD1, s0;
	s0 =	sadd.s32 $0x13A80, s22;
	v19 =	vmov s3;
	v20 =	vsel vm2, v15, v11;
	v21 =	vsel vm2, v17, v13  }
0x342: {  	s22 =	smov.u32 s1;
	v22 =	vsel vm2, v18, v14;
	[tilespmem:s0+$0x400] =	vst v20;
	v20 =	vsel vm2, v16, v12  }
0x343: {  	[tilespmem:s0+$0x410] =	vst v20  }
0x344: {  	[tilespmem:s0+$0x420] =	vst v21  }
0x345: {  	[tilespmem:s0+$0x422] =	vst v22  }
0x346: {  	v19 =	vld.idx.msk [tilespmem:v19+s14+$0x0], $0xffff;
	_ =	sdelay $0x3  }
0x347: {  	s1 =	sadd.s32 $0xFFFFFE00, s19;
	s0 =	sadd.s32 $0xFFFFFC00, s20  }
0x348: {  	s1 =	sand.u32 $0x380, s1;
	s0 =	sand.u32 $0x3800, s0  }
0x349: {  	s0 =	sor.u32 s1, s0;
	vm2 =	vgt.s32 v19, $0x0;
	v19 =	vmov s15  }
0x34a: {  	s0 =	sadd.s32 $0x13A80, s0;
	v20 =	vsel vm2, v15, v11;
	v21 =	vsel vm2, v16, v12;
	v22 =	vsel vm2, v17, v13  }
0x34b: {  	[tilespmem:s0+$0x410] =	vst v21;
	v21 =	vsel vm2, v18, v14  }
0x34c: {  	[tilespmem:s0+$0x420] =	vst v22  }
0x34d: {  	[tilespmem:s0+$0x400] =	vst v20  }
0x34e: {  	[tilespmem:s0+$0x422] =	vst v21  }
0x34f: {  	v19 =	vld.idx.msk [tilespmem:v19+s14+$0x0], $0xffff;
	_ =	sdelay $0x3  }
0x350: {  	s1 =	sadd.s32 $0xFFFFFE80, s19;
	s0 =	sadd.s32 $0xFFFFFD00, s20  }
0x351: {  	s1 =	sand.u32 $0x380, s1;
	s0 =	sand.u32 $0x7800, s0  }
0x352: {  	s0 =	sor.u32 s1, s0;
	vm2 =	vgt.s32 v19, $0x0;
	v19 =	vmov s25  }
0x353: {  	s0 =	sadd.s32 $0x13A80, s0;
	v20 =	vsel vm2, v15, v11;
	v21 =	vsel vm2, v16, v12;
	v22 =	vsel vm2, v17, v13  }
0x354: {  	[tilespmem:s0+$0x400] =	vst v20;
	v20 =	vsel vm2, v18, v14  }
0x355: {  	[tilespmem:s0+$0x410] =	vst v21  }
0x356: {  	[tilespmem:s0+$0x420] =	vst v22  }
0x357: {  	[tilespmem:s0+$0x422] =	vst v20  }
0x358: {  	v19 =	vld.idx.msk [tilespmem:v19+s14+$0x0], $0xffff;
	_ =	sdelay $0x3  }
0x359: {  	s1 =	sadd.s32 $0xFFFFFF00, s19;
	s0 =	sadd.s32 $0xFFFFFE00, s20  }
0x35a: {  	s1 =	sand.u32 $0x380, s1;
	s0 =	sand.u32 $0x7800, s0  }
0x35b: {  	s0 =	sor.u32 s1, s0;
	vm2 =	vgt.s32 v19, $0x0;
	v19 =	vmov s24  }
0x35c: {  	s0 =	sadd.s32 $0x13A80, s0;
	v20 =	vsel vm2, v15, v11;
	v21 =	vsel vm2, v16, v12;
	v22 =	vsel vm2, v17, v13  }
0x35d: {  	[tilespmem:s0+$0x410] =	vst v21  }
0x35e: {  	[tilespmem:s0+$0x400] =	vst v20;
	v20 =	vsel vm2, v18, v14  }
0x35f: {  	[tilespmem:s0+$0x420] =	vst v22  }
0x360: {  	[tilespmem:s0+$0x422] =	vst v20  }
0x361: {  	v19 =	vld.idx.msk [tilespmem:v19+s14+$0x0], $0xffff;
	_ =	sdelay $0x3  }
0x362: {  	s1 =	sadd.s32 $0xFFFFFF80, s19;
	s0 =	sadd.s32 $0xFFFFFF00, s20  }
0x363: {  	s1 =	sand.u32 $0x380, s1;
	s0 =	sand.u32 $0x7800, s0  }
0x364: {  	s0 =	sor.u32 s1, s0;
	vm2 =	vgt.s32 v19, $0x0  }
0x365: {  	v21 =	vmov s23;
	s0 =	sadd.s32 $0x13A80, s0;
	v19 =	vsel vm2, v16, v12;
	v20 =	vsel vm2, v17, v13  }
.Ltmp6:
0x366: {  	[tilespmem:s0+$0x420] =	vst v20;
	v20 =	vsel vm2, v18, v14;
	(pc) =	sbr.rel @p0 .LBB2_11-.Ltmp6, $4  }
0x367: {  	v22 =	vsel vm2, v15, v11;
	[tilespmem:s0+$0x422] =	vst v20  }
0x368: {  	[tilespmem:s0+$0x410] =	vst v19  }
0x369: {  	[tilespmem:s0+$0x400] =	vst v22  }
0x36a: {  	v19 =	vld.idx.msk [tilespmem:v21+s14+$0x0], $0xffff  }
0x36b: {  	_ =	sdelay $0x3  }
0x36c: {  	vm2 =	vgt.s32 v19, $0x0  }
0x36d: {  	s0 =	sadd.s32 $0x13A80, s22;
	v19 =	vsel vm2, v15, v11  }
0x36e: {  	v20 =	vsel vm2, v17, v13;
	[tilespmem:s0+$0x400] =	vst v19  }
0x36f: {  	v19 =	vsel vm2, v16, v12;
	[tilespmem:s0+$0x420] =	vst v20  }
0x370: {  	[tilespmem:s0+$0x410] =	vst v19;
	v19 =	vsel vm2, v18, v14  }
0x371: {  	[tilespmem:s0+$0x422] =	vst v19  }
0x372: {  	v19 =	vld [tilespmem:s18+$0x4030];
	_ =	sdelay $0x1  }
0x373: {  	v20 =	vld [tilespmem:s18+$0x4020];
	_ =	sdelay $0x1  }
0x374: {  	v21 =	vld [tilespmem:s18+$0x4010]  }
0x375: {  	vm2 =	vgt.s32 v19, $0x0;
	v19 =	vld [tilespmem:s18+$0x4000]  }
0x376: {  	vm2 =	vmand vm2, vm1  }
0x377: {  	v22 =	vmctz.xlane vm2;
	vm2 =	vgt.s32 v20, $0x0  }
0x378: {  	v20 =	vmctz.xlane vm2  }
0x379: {  	vm2 =	vgt.s32 v21, $0x0;
	(v2sf) =	vpush v22, $0x0  }
0x37a: {  	(v2sf) =	vpush v20, $0x0;
	v20 =	vmctz.xlane vm2;
	vm2 =	vgt.s32 v19, $0x0  }
0x37b: {  	v19 =	vmctz.xlane vm2  }
0x37c: {  	(v2sf) =	vpush v20, $0x0  }
0x37d: {  	(v2sf) =	vpush v19, $0x0;
	_ =	sdelay $0xa  }
0x37e: {  	s21 =	spop (v2sf)  }
0x37f: {  	s1 =	spop (v2sf);
	p0 =	slt.s32 s21, $0x10;
	s0 =	sadd.s32 $0x30, s21  }
0x380: {  	s0 =	simm.s32 @!p0 $0x0;
	p0 =	slt.s32 s1, $0x10;
	s1 =	sadd.s32 $0x20, s1  }
0x381: {  	s3 =	spop (v2sf);
	s0 =	smov.u32 @p0 s1  }
0x382: {  	p0 =	slt.s32 s3, $0x10;
	s1 =	sadd.s32 $0x10, s3;
	s3 =	spop (v2sf)  }
0x383: {  	s0 =	smov.u32 @p0 s1;
	p0 =	slt.s32 s3, $0x10  }
0x384: {  	s0 =	smov.u32 @p0 s3  }
0x385: {  	s22 =	sshll.u32 s0, $0x8;
	s0 =	sshll.u32 s0, $0x7  }
0x386: {  	s1 =	sand.u32 $0xFFFFF800, s22;
	s0 =	sand.u32 $0x380, s0  }
0x387: {  	s0 =	sor.u32 s0, s1  }
0x388: {  	s1 =	sadd.s32 $0x13A80, s0;
	[tilespmem:s0+$0x13A80] =	vst v3  }
0x389: {  	s19 =	sadd.s32 $0xFFFFFFFB, s16;
	[tilespmem:s1+$0x10] =	vst v4  }
0x38a: {  	s23 =	sadd.s32 $0xFF, s19;
	[tilespmem:s1+$0x20] =	vst v5  }
0x38b: {  	v19 =	vmov s23;
	[tilespmem:s1+$0x30] =	vst v6  }
0x38c: {  	[tilespmem:s1+$0x40] =	vst v7  }
0x38d: {  	[tilespmem:s1+$0x50] =	vst v8  }
0x38e: {  	[tilespmem:s1+$0x60] =	vst v9  }
0x38f: {  	[tilespmem:s1+$0x70] =	vst v10  }
0x390: {  	v19 =	vld.idx.msk [tilespmem:v19+s14+$0x0], $0xffff;
	_ =	sdelay $0x3  }
0x391: {  	s24 =	simm.s32 $0x0;
	s25 =	simm.s32 $0x0  }
0x392: {  	s26 =	sadd.s32 $0x100, s19;
	s0 =	sand.u32 $0x3800, s24;
	s1 =	sand.u32 $0x380, s25;
	vm2 =	vgt.s32 v19, $0x0  }
0x393: {  	s0 =	sor.u32 s1, s0;
	v19 =	vmov s26;
	v20 =	vsel vm2, v15, v11  }
0x394: {  	s1 =	sadd.s32 $0x17680, s0;
	[tilespmem:s0+$0x17680] =	vst v20;
	v20 =	vsel vm2, v17, v13  }
0x395: {  	v60 =	vsel vm2, v16, v12;
	[tilespmem:s1+$0x20] =	vst v20  }
0x396: {  	v20 =	vsel vm2, v18, v14;
	[tilespmem:s1+$0x10] =	vst v60  }
0x397: {  	[tilespmem:s1+$0x22] =	vst v20  }
0x398: {  	v19 =	vld.idx.msk [tilespmem:v19+s14+$0x0], $0xffff;
	_ =	sdelay $0x3  }
0x399: {  	s15 =	simm.s32 $0x80;
	s3 =	simm.s32 $0x100  }
0x39a: {  	s17 =	sadd.s32 $0x101, s19;
	s0 =	sand.u32 $0x7800, s3;
	s1 =	sand.u32 $0x380, s15;
	vm2 =	vgt.s32 v19, $0x0  }
0x39b: {  	s0 =	sor.u32 s1, s0;
	v19 =	vmov s17;
	v20 =	vsel vm2, v15, v11  }
0x39c: {  	s1 =	sadd.s32 $0x17680, s0;
	[tilespmem:s0+$0x17680] =	vst v20;
	v20 =	vsel vm2, v16, v12  }
0x39d: {  	v61 =	vsel vm2, v17, v13;
	[tilespmem:s1+$0x10] =	vst v20  }
0x39e: {  	v20 =	vsel vm2, v18, v14;
	[tilespmem:s1+$0x20] =	vst v61  }
0x39f: {  	[tilespmem:s1+$0x22] =	vst v20  }
0x3a0: {  	v19 =	vld.idx.msk [tilespmem:v19+s14+$0x0], $0xffff;
	_ =	sdelay $0x3  }
0x3a1: {  	s20 =	simm.s32 $0x200;
	s21 =	simm.s32 $0x100  }
0x3a2: {  	s22 =	sadd.s32 $0x102, s19;
	s0 =	sand.u32 $0x7800, s20;
	s1 =	sand.u32 $0x380, s21;
	vm2 =	vgt.s32 v19, $0x0  }
0x3a3: {  	s0 =	sor.u32 s1, s0;
	v19 =	vmov s22;
	v20 =	vsel vm2, v15, v11  }
0x3a4: {  	s1 =	sadd.s32 $0x17680, s0;
	[tilespmem:s0+$0x17680] =	vst v20;
	v20 =	vsel vm2, v16, v12  }
0x3a5: {  	v62 =	vsel vm2, v17, v13;
	[tilespmem:s1+$0x10] =	vst v20  }
0x3a6: {  	v20 =	vsel vm2, v18, v14;
	[tilespmem:s1+$0x20] =	vst v62  }
0x3a7: {  	[tilespmem:s1+$0x22] =	vst v20  }
0x3a8: {  	v19 =	vld.idx.msk [tilespmem:v19+s14+$0x0], $0xffff;
	_ =	sdelay $0x3  }
0x3a9: {  	s23 =	simm.s32 $0x300;
	s24 =	simm.s32 $0x180  }
0x3aa: {  	s25 =	sadd.s32 $0x103, s19;
	s0 =	sand.u32 $0x7800, s23;
	s1 =	sand.u32 $0x380, s24;
	vm2 =	vgt.s32 v19, $0x0  }
0x3ab: {  	s0 =	sor.u32 s1, s0;
	v19 =	vmov s25;
	v20 =	vsel vm2, v15, v11  }
0x3ac: {  	s1 =	sadd.s32 $0x17680, s0;
	[tilespmem:s0+$0x17680] =	vst v20;
	v20 =	vsel vm2, v16, v12  }
0x3ad: {  	v63 =	vsel vm2, v17, v13;
	[tilespmem:s1+$0x10] =	vst v20  }
0x3ae: {  	v20 =	vsel vm2, v18, v14;
	[tilespmem:s1+$0x20] =	vst v63  }
0x3af: {  	[tilespmem:s1+$0x22] =	vst v20  }
0x3b0: {  	v19 =	vld.idx.msk [tilespmem:v19+s14+$0x0], $0xffff  }
0x3b1: {  	s19 =	simm.s32 $0x900  }
0x3b2: {  	s26 =	simm.s32 $0x200;
	s20 =	simm.s32 $0x480;
	s21 =	sadd.s32 $0x0, s16  }
0x3b3: {  	s22 =	simm.s32 $0x400;
	s23 =	simm.s32 $0x5;
	s25 =	sand.u32 $0x380, s26  }
.LBB2_13:
0x3b4: {  	s0 =	sadd.s32 $0xFF, s21;
	s1 =	sand.u32 $0x7800, s22  }
0x3b5: {  	vm2 =	vgt.s32 v19, $0x0;
	s24 =	smov.u32 s23;
	s23 =	sadd.s32 $0x5, s23;
	s22 =	smov.u32 s19  }
0x3b6: {  	p0 =	slt.u32 s23, $0x2D;
	v19 =	vmov s0;
	v20 =	vsel vm2, v15, v11;
	s0 =	sor.u32 s25, s1;
	v21 =	vsel vm2, v17, v13  }
0x3b7: {  	v22 =	vsel vm2, v18, v14;
	s1 =	sadd.s32 $0x17680, s0;
	[tilespmem:s0+$0x17680] =	vst v20;
	v20 =	vsel vm2, v16, v12  }
0x3b8: {  	[tilespmem:s1+$0x10] =	vst v20  }
0x3b9: {  	[tilespmem:s1+$0x20] =	vst v21  }
0x3ba: {  	[tilespmem:s1+$0x22] =	vst v22  }
0x3bb: {  	v19 =	vld.idx.msk [tilespmem:v19+s14+$0x0], $0xffff;
	_ =	sdelay $0x4  }
0x3bc: {  	s3 =	sadd.s32 $0x100, s21;
	s0 =	sadd.s32 $0xFFFFFC00, s19;
	s1 =	sadd.s32 $0xFFFFFE00, s20  }
0x3bd: {  	s0 =	sand.u32 $0x3800, s0;
	s1 =	sand.u32 $0x380, s1;
	vm2 =	vgt.s32 v19, $0x0;
	v19 =	vmov s3  }
0x3be: {  	s0 =	sor.u32 s1, s0;
	v20 =	vsel vm2, v15, v11  }
0x3bf: {  	s1 =	sadd.s32 $0x17680, s0;
	[tilespmem:s0+$0x17680] =	vst v20;
	v20 =	vsel vm2, v17, v13  }
0x3c0: {  	v21 =	vsel vm2, v16, v12;
	[tilespmem:s1+$0x20] =	vst v20;
	v20 =	vsel vm2, v18, v14  }
0x3c1: {  	[tilespmem:s1+$0x22] =	vst v20  }
0x3c2: {  	[tilespmem:s1+$0x10] =	vst v21  }
0x3c3: {  	v19 =	vld.idx.msk [tilespmem:v19+s14+$0x0], $0xffff;
	_ =	sdelay $0x4  }
0x3c4: {  	s3 =	sadd.s32 $0x101, s21;
	s0 =	sadd.s32 $0xFFFFFD00, s19;
	s1 =	sadd.s32 $0xFFFFFE80, s20  }
0x3c5: {  	s0 =	sand.u32 $0x7800, s0;
	s1 =	sand.u32 $0x380, s1;
	vm2 =	vgt.s32 v19, $0x0;
	v19 =	vmov s3  }
0x3c6: {  	s0 =	sor.u32 s1, s0;
	v20 =	vsel vm2, v15, v11;
	v21 =	vsel vm2, v17, v13  }
0x3c7: {  	s1 =	sadd.s32 $0x17680, s0;
	v22 =	vsel vm2, v18, v14;
	[tilespmem:s0+$0x17680] =	vst v20;
	v20 =	vsel vm2, v16, v12  }
0x3c8: {  	[tilespmem:s1+$0x10] =	vst v20  }
0x3c9: {  	[tilespmem:s1+$0x20] =	vst v21  }
0x3ca: {  	[tilespmem:s1+$0x22] =	vst v22  }
0x3cb: {  	v19 =	vld.idx.msk [tilespmem:v19+s14+$0x0], $0xffff;
	_ =	sdelay $0x4  }
0x3cc: {  	s3 =	sadd.s32 $0x102, s21;
	s0 =	sadd.s32 $0xFFFFFE00, s19;
	s1 =	sadd.s32 $0xFFFFFF00, s20  }
0x3cd: {  	s0 =	sand.u32 $0x7800, s0;
	s1 =	sand.u32 $0x380, s1;
	vm2 =	vgt.s32 v19, $0x0;
	v19 =	vmov s3  }
0x3ce: {  	s0 =	sor.u32 s1, s0;
	v20 =	vsel vm2, v15, v11;
	v21 =	vsel vm2, v17, v13  }
0x3cf: {  	s1 =	sadd.s32 $0x17680, s0;
	v22 =	vsel vm2, v18, v14;
	[tilespmem:s0+$0x17680] =	vst v20;
	v20 =	vsel vm2, v16, v12  }
0x3d0: {  	[tilespmem:s1+$0x10] =	vst v20  }
0x3d1: {  	[tilespmem:s1+$0x20] =	vst v21  }
0x3d2: {  	[tilespmem:s1+$0x22] =	vst v22  }
0x3d3: {  	v19 =	vld.idx.msk [tilespmem:v19+s14+$0x0], $0xffff;
	_ =	sdelay $0x4  }
0x3d4: {  	s3 =	sadd.s32 $0x103, s21;
	s0 =	sadd.s32 $0xFFFFFF00, s19;
	s1 =	sadd.s32 $0xFFFFFF80, s20  }
0x3d5: {  	s0 =	sand.u32 $0x7800, s0;
	s1 =	sand.u32 $0x380, s1;
	vm2 =	vgt.s32 v19, $0x0;
	v19 =	vmov s3  }
0x3d6: {  	s0 =	sor.u32 s1, s0;
	v20 =	vsel vm2, v15, v11;
	v21 =	vsel vm2, v17, v13  }
0x3d7: {  	s1 =	sadd.s32 $0x17680, s0;
	v22 =	vsel vm2, v18, v14;
	[tilespmem:s0+$0x17680] =	vst v20;
	v20 =	vsel vm2, v16, v12  }
0x3d8: {  	[tilespmem:s1+$0x10] =	vst v20  }
0x3d9: {  	[tilespmem:s1+$0x20] =	vst v21  }
0x3da: {  	[tilespmem:s1+$0x22] =	vst v22  }
0x3db: {  	v19 =	vld.idx.msk [tilespmem:v19+s14+$0x0], $0xffff  }
.Ltmp7:
0x3dc: {  	(pc) =	sbr.rel @p0 .LBB2_13-.Ltmp7, $3  }
0x3dd: {  	_ =	sdelay $0x1  }
0x3de: {  	s19 =	sadd.s32 $0x500, s19  }
0x3df: {  	s25 =	sand.u32 $0x380, s20;
	s21 =	sadd.s32 s24, s16;
	s20 =	sadd.s32 $0x280, s20  }
0x3e0: {  	s0 =	sadd.s32 $0xFF, s21;
	vm2 =	vgt.s32 v19, $0x0;
	s1 =	sand.u32 $0x7800, s22  }
0x3e1: {  	v19 =	vmov s0;
	v20 =	vsel vm2, v15, v11;
	s26 =	sor.u32 s25, s1  }
0x3e2: {  	s1 =	sadd.s32 $0x17680, s26;
	[tilespmem:s26+$0x17680] =	vst v20;
	v20 =	vsel vm2, v16, v12  }
0x3e3: {  	v21 =	vsel vm2, v17, v13;
	[tilespmem:s1+$0x10] =	vst v20  }
0x3e4: {  	v20 =	vsel vm2, v18, v14;
	[tilespmem:s1+$0x20] =	vst v21  }
0x3e5: {  	[tilespmem:s1+$0x22] =	vst v20  }
0x3e6: {  	v19 =	vld.idx.msk [tilespmem:v19+s14+$0x0], $0xffff;
	_ =	sdelay $0x3  }
0x3e7: {  	s15 =	sadd.s32 $0xFFFFFE00, s20;
	s1 =	sadd.s32 $0xFFFFFC00, s19  }
0x3e8: {  	s3 =	sadd.s32 $0x100, s21;
	s0 =	sand.u32 $0x3800, s1;
	s1 =	sand.u32 $0x380, s15;
	vm2 =	vgt.s32 v19, $0x0  }
0x3e9: {  	s0 =	sor.u32 s1, s0;
	v19 =	vmov s3;
	v20 =	vsel vm2, v15, v11  }
0x3ea: {  	s1 =	sadd.s32 $0x17680, s0;
	[tilespmem:s0+$0x17680] =	vst v20;
	v20 =	vsel vm2, v17, v13  }
0x3eb: {  	v60 =	vsel vm2, v16, v12;
	[tilespmem:s1+$0x20] =	vst v20  }
0x3ec: {  	v20 =	vsel vm2, v18, v14;
	[tilespmem:s1+$0x10] =	vst v60  }
0x3ed: {  	[tilespmem:s1+$0x22] =	vst v20  }
0x3ee: {  	v19 =	vld.idx.msk [tilespmem:v19+s14+$0x0], $0xffff;
	_ =	sdelay $0x3  }
0x3ef: {  	s17 =	sadd.s32 $0xFFFFFD00, s19;
	s22 =	sadd.s32 $0xFFFFFE80, s20  }
0x3f0: {  	s23 =	sadd.s32 $0x101, s21;
	s0 =	sand.u32 $0x7800, s17;
	s1 =	sand.u32 $0x380, s22;
	vm2 =	vgt.s32 v19, $0x0  }
0x3f1: {  	s0 =	sor.u32 s1, s0;
	v19 =	vmov s23;
	v20 =	vsel vm2, v15, v11  }
0x3f2: {  	s1 =	sadd.s32 $0x17680, s0;
	[tilespmem:s0+$0x17680] =	vst v20;
	v20 =	vsel vm2, v16, v12  }
0x3f3: {  	v61 =	vsel vm2, v17, v13;
	[tilespmem:s1+$0x10] =	vst v20  }
0x3f4: {  	v20 =	vsel vm2, v18, v14;
	[tilespmem:s1+$0x20] =	vst v61  }
0x3f5: {  	[tilespmem:s1+$0x22] =	vst v20  }
0x3f6: {  	v19 =	vld.idx.msk [tilespmem:v19+s14+$0x0], $0xffff;
	_ =	sdelay $0x3  }
0x3f7: {  	s24 =	sadd.s32 $0xFFFFFE00, s19;
	s25 =	sadd.s32 $0xFFFFFF00, s20  }
0x3f8: {  	s26 =	sadd.s32 $0x102, s21;
	s0 =	sand.u32 $0x7800, s24;
	s1 =	sand.u32 $0x380, s25;
	vm2 =	vgt.s32 v19, $0x0  }
0x3f9: {  	s0 =	sor.u32 s1, s0;
	v19 =	vmov s26;
	v20 =	vsel vm2, v15, v11  }
0x3fa: {  	s1 =	sadd.s32 $0x17680, s0;
	[tilespmem:s0+$0x17680] =	vst v20;
	v20 =	vsel vm2, v16, v12  }
0x3fb: {  	v62 =	vsel vm2, v17, v13;
	[tilespmem:s1+$0x10] =	vst v20  }
0x3fc: {  	v20 =	vsel vm2, v18, v14;
	[tilespmem:s1+$0x20] =	vst v62  }
0x3fd: {  	[tilespmem:s1+$0x22] =	vst v20  }
0x3fe: {  	v19 =	vld.idx.msk [tilespmem:v19+s14+$0x0], $0xffff;
	_ =	sdelay $0x3  }
0x3ff: {  	s3 =	sadd.s32 $0xFFFFFF80, s20;
	s1 =	sadd.s32 $0xFFFFFF00, s19  }
0x400: {  	s15 =	sadd.s32 $0x103, s21;
	s0 =	sand.u32 $0x7800, s1;
	s1 =	sand.u32 $0x380, s3;
	vm2 =	vgt.s32 v19, $0x0  }
0x401: {  	s0 =	sor.u32 s1, s0;
	v19 =	vmov s15;
	v20 =	vsel vm2, v15, v11  }
0x402: {  	s1 =	sadd.s32 $0x17680, s0;
	[tilespmem:s0+$0x17680] =	vst v20;
	v20 =	vsel vm2, v16, v12  }
0x403: {  	v63 =	vsel vm2, v17, v13;
	[tilespmem:s1+$0x10] =	vst v20  }
0x404: {  	v20 =	vsel vm2, v18, v14;
	[tilespmem:s1+$0x20] =	vst v63  }
0x405: {  	[tilespmem:s1+$0x22] =	vst v20  }
0x406: {  	v19 =	vld.idx.msk [tilespmem:v19+s14+$0x0], $0xffff;
	_ =	sdelay $0x4  }
0x407: {  	s17 =	sand.u32 $0x380, s20;
	s19 =	sand.u32 $0x7800, s19;
	vm2 =	vgt.s32 v19, $0x0  }
0x408: {  	s0 =	sor.u32 s17, s19;
	v19 =	vsel vm2, v15, v11  }
0x409: {  	s1 =	sadd.s32 $0x17680, s0;
	[tilespmem:s0+$0x17680] =	vst v19;
	v19 =	vsel vm2, v16, v12  }
0x40a: {  	v20 =	vsel vm2, v17, v13;
	[tilespmem:s1+$0x10] =	vst v19  }
0x40b: {  	v19 =	vsel vm2, v18, v14;
	[tilespmem:s1+$0x20] =	vst v20  }
0x40c: {  	[tilespmem:s1+$0x22] =	vst v19  }
0x40d: {  	v19 =	vld [tilespmem:s18+$0x4062];
	_ =	sdelay $0x1  }
0x40e: {  	v20 =	vld [tilespmem:s18+$0x4052];
	_ =	sdelay $0x1  }
0x40f: {  	v21 =	vld [tilespmem:s18+$0x4042]  }
0x410: {  	vm2 =	vgt.s32 v19, $0x0;
	v19 =	vld [tilespmem:s18+$0x4032]  }
0x411: {  	vm2 =	vmand vm2, vm1  }
0x412: {  	v22 =	vmctz.xlane vm2;
	vm2 =	vgt.s32 v20, $0x0  }
0x413: {  	v20 =	vmctz.xlane vm2  }
0x414: {  	vm2 =	vgt.s32 v21, $0x0;
	(v2sf) =	vpush v22, $0x0  }
0x415: {  	(v2sf) =	vpush v20, $0x0;
	v20 =	vmctz.xlane vm2;
	vm2 =	vgt.s32 v19, $0x0  }
0x416: {  	v19 =	vmctz.xlane vm2  }
0x417: {  	(v2sf) =	vpush v20, $0x0  }
0x418: {  	(v2sf) =	vpush v19, $0x0;
	_ =	sdelay $0xa  }
0x419: {  	s20 =	spop (v2sf)  }
0x41a: {  	s21 =	spop (v2sf);
	p0 =	slt.s32 s20, $0x10;
	s0 =	sadd.s32 $0x30, s20  }
0x41b: {  	s0 =	simm.s32 @!p0 $0x0;
	p0 =	slt.s32 s21, $0x10;
	s1 =	sadd.s32 $0x20, s21  }
0x41c: {  	s22 =	spop (v2sf);
	s0 =	smov.u32 @p0 s1  }
0x41d: {  	p0 =	slt.s32 s22, $0x10;
	s1 =	sadd.s32 $0x10, s22;
	s3 =	spop (v2sf)  }
0x41e: {  	s0 =	smov.u32 @p0 s1;
	p0 =	slt.s32 s3, $0x10  }
0x41f: {  	s0 =	smov.u32 @p0 s3  }
0x420: {  	s23 =	sshll.u32 s0, $0x8;
	s0 =	sshll.u32 s0, $0x7  }
0x421: {  	s1 =	sand.u32 $0xFFFFF800, s23;
	s0 =	sand.u32 $0x380, s0  }
0x422: {  	s0 =	sor.u32 s0, s1  }
0x423: {  	s1 =	sadd.s32 $0x17280, s0;
	[tilespmem:s0+$0x17280] =	vst v3  }
0x424: {  	[tilespmem:s1+$0x10] =	vst v4  }
0x425: {  	[tilespmem:s1+$0x20] =	vst v5  }
0x426: {  	s24 =	sshll.u32 s9, $0x1;
	[tilespmem:s1+$0x30] =	vst v6  }
0x427: {  	s0 =	sadd.s32 s4, s24;
	[tilespmem:s1+$0x40] =	vst v7  }
0x428: {  	[tilespmem:s1+$0x50] =	vst v8;
	s0 =	smul.u32 $0x700, s0  }
0x429: {  	s25 =	simm.s32 $0x13A80;
	p0 =	seq.s32 s6, $0x14;
	[tilespmem:s1+$0x60] =	vst v9  }
.Ltmp8:
0x42a: {  	s26 =	simm.s32 $0x5;
	[tilespmem:s1+$0x70] =	vst v10;
	s0 =	sadd.s32 s7, s0;
	(pc) =	sbr.rel @p0 .LBB2_16-.Ltmp8, $4  }
0x42b: {  	[hbm4b:s0+s5] =	stream.linear.scatter [tilespmem:s25], [sflag:$0x6], $0x7000, $0x38;
	[tilespmem:$0x1AA80] =	vst v63  }
0x42c: {  	_ =	swait.ge [sflag:s26], $0x7000  }
0x42d: {  	[sflag:s26] =	ssyncset.done $0x0  }
0x42e: {  	[sflag:s26] =	ssyncadd.s32 $0xFFFF9000  }
0x42f: {  	s0 =	smul.u32 $0xC00, s6;
	_ =	sdelay $0x1  }
0x430: {  	s0 =	sshra.s32 s0, $0x2  }
0x431: {  	v19 =	vld [tilespmem:s0+$0x400];
	_ =	sdelay $0x4  }
0x432: {  	v20 =	vperm.xlane v19, v0;
	_ =	sdelay $0x1  }
0x433: {  	v19 =	vperm.xlane v19, v2;
	v20 =	vadd.s32 v1, v20;
	_ =	sdelay $0x1  }
0x434: {  	v19 =	vadd.s32 v1, v19;
	_ =	sdelay $0x1  }
0x435: {  	s1 =	simm.s32 $0xCA80  }
0x436: {  	[tilespmem:s1], [sflag:$0x2] =	stream.indirect_vreg.gather [hbm4b:s2+s5], $0x80, v20, vm0, $0xb8;
	[tilespmem:$0x1AA80] =	vst v63  }
0x437: {  	s3 =	simm.s32 $0xD280  }
0x438: {  	[tilespmem:s3], [sflag:$0x2] =	stream.indirect_vreg.gather [hbm4b:s2+s5], $0x80, v19, vm0, $0xb8;
	[tilespmem:$0x1AA80] =	vst v63  }
0x439: {  	v19 =	vld [tilespmem:s0+$0x410];
	_ =	sdelay $0x4  }
0x43a: {  	v20 =	vperm.xlane v19, v0;
	_ =	sdelay $0x1  }
0x43b: {  	v19 =	vperm.xlane v19, v2;
	v20 =	vadd.s32 v1, v20;
	_ =	sdelay $0x1  }
0x43c: {  	v19 =	vadd.s32 v1, v19;
	_ =	sdelay $0x1  }
0x43d: {  	s9 =	simm.s32 $0xDA80  }
0x43e: {  	[tilespmem:s9], [sflag:$0x2] =	stream.indirect_vreg.gather [hbm4b:s2+s5], $0x80, v20, vm0, $0xb8;
	[tilespmem:$0x1AA80] =	vst v63  }
0x43f: {  	s15 =	simm.s32 $0xE280  }
0x440: {  	[tilespmem:s15], [sflag:$0x2] =	stream.indirect_vreg.gather [hbm4b:s2+s5], $0x80, v19, vm0, $0xb8;
	[tilespmem:$0x1AA80] =	vst v63  }
0x441: {  	v19 =	vld [tilespmem:s0+$0x420];
	_ =	sdelay $0x4  }
0x442: {  	v20 =	vperm.xlane v19, v0;
	_ =	sdelay $0x1  }
0x443: {  	v19 =	vperm.xlane v19, v2;
	v20 =	vadd.s32 v1, v20;
	_ =	sdelay $0x1  }
0x444: {  	v19 =	vadd.s32 v1, v19;
	_ =	sdelay $0x1  }
0x445: {  	s17 =	simm.s32 $0xEA80  }
0x446: {  	[tilespmem:s17], [sflag:$0x2] =	stream.indirect_vreg.gather [hbm4b:s2+s5], $0x80, v20, vm0, $0xb8;
	[tilespmem:$0x1AA80] =	vst v63  }
0x447: {  	s18 =	simm.s32 $0xF280  }
0x448: {  	[tilespmem:s18], [sflag:$0x2] =	stream.indirect_vreg.gather [hbm4b:s2+s5], $0x80, v19, vm0, $0xb8;
	[tilespmem:$0x1AA80] =	vst v63  }
0x449: {  	v19 =	vld.msk [tilespmem:s0+$0x430], $0x3;
	_ =	sdelay $0x4  }
0x44a: {  	v19 =	vperm.xlane v19, v0;
	_ =	sdelay $0x1  }
0x44b: {  	v19 =	vadd.s32 v1, v19;
	_ =	sdelay $0x3  }
0x44c: {  	s19 =	simm.s32 $0xFA80  }
0x44d: {  	[tilespmem:s19], [sflag:$0x2] =	stream.indirect_vreg.gather [hbm4b:s2+s5], $0x80, v19, vm1, $0xb8;
	[tilespmem:$0x1AA80] =	vst v63  }
0x44e: {  	v19 =	vld [tilespmem:s0+$0x480];
	_ =	sdelay $0x4  }
0x44f: {  	v20 =	vperm.xlane v19, v0;
	_ =	sdelay $0x1  }
0x450: {  	v19 =	vperm.xlane v19, v2;
	v20 =	vadd.s32 v1, v20;
	_ =	sdelay $0x1  }
0x451: {  	v19 =	vadd.s32 v1, v19;
	_ =	sdelay $0x1  }
0x452: {  	s20 =	simm.s32 $0x10280  }
0x453: {  	[tilespmem:s20], [sflag:$0x2] =	stream.indirect_vreg.gather [hbm4b:s2+s5], $0x80, v20, vm0, $0xb8;
	[tilespmem:$0x1AA80] =	vst v63  }
0x454: {  	s21 =	simm.s32 $0x10A80  }
0x455: {  	[tilespmem:s21], [sflag:$0x2] =	stream.indirect_vreg.gather [hbm4b:s2+s5], $0x80, v19, vm0, $0xb8;
	[tilespmem:$0x1AA80] =	vst v63  }
0x456: {  	v19 =	vld [tilespmem:s0+$0x490];
	_ =	sdelay $0x4  }
0x457: {  	v20 =	vperm.xlane v19, v0;
	_ =	sdelay $0x1  }
0x458: {  	v19 =	vperm.xlane v19, v2;
	v20 =	vadd.s32 v1, v20;
	_ =	sdelay $0x1  }
0x459: {  	v19 =	vadd.s32 v1, v19;
	_ =	sdelay $0x1  }
0x45a: {  	s22 =	simm.s32 $0x11280  }
0x45b: {  	[tilespmem:s22], [sflag:$0x2] =	stream.indirect_vreg.gather [hbm4b:s2+s5], $0x80, v20, vm0, $0xb8;
	[tilespmem:$0x1AA80] =	vst v63  }
0x45c: {  	s23 =	simm.s32 $0x11A80  }
0x45d: {  	[tilespmem:s23], [sflag:$0x2] =	stream.indirect_vreg.gather [hbm4b:s2+s5], $0x80, v19, vm0, $0xb8;
	[tilespmem:$0x1AA80] =	vst v63  }
0x45e: {  	v19 =	vld [tilespmem:s0+$0x4A0];
	_ =	sdelay $0x4  }
0x45f: {  	v20 =	vperm.xlane v19, v0;
	_ =	sdelay $0x1  }
0x460: {  	v19 =	vperm.xlane v19, v2;
	v20 =	vadd.s32 v1, v20;
	_ =	sdelay $0x1  }
0x461: {  	v19 =	vadd.s32 v1, v19;
	_ =	sdelay $0x1  }
0x462: {  	s24 =	simm.s32 $0x12280  }
0x463: {  	[tilespmem:s24], [sflag:$0x2] =	stream.indirect_vreg.gather [hbm4b:s2+s5], $0x80, v20, vm0, $0xb8;
	[tilespmem:$0x1AA80] =	vst v63  }
0x464: {  	s25 =	simm.s32 $0x12A80  }
0x465: {  	[tilespmem:s25], [sflag:$0x2] =	stream.indirect_vreg.gather [hbm4b:s2+s5], $0x80, v19, vm0, $0xb8;
	[tilespmem:$0x1AA80] =	vst v63  }
0x466: {  	v19 =	vld.msk [tilespmem:s0+$0x4B0], $0x3;
	_ =	sdelay $0x4  }
0x467: {  	v19 =	vperm.xlane v19, v0;
	_ =	sdelay $0x1  }
0x468: {  	v19 =	vadd.s32 v1, v19;
	_ =	sdelay $0x3  }
0x469: {  	s26 =	simm.s32 $0x13280  }
0x46a: {  	[tilespmem:s26], [sflag:$0x2] =	stream.indirect_vreg.gather [hbm4b:s2+s5], $0x80, v19, vm1, $0xb8;
	[tilespmem:$0x1AA80] =	vst v63  }
.LBB2_16:
0x46b: {  	s9 =	sadd.s32 $0xFFFFFFFB, s16  }
0x46c: {  	_ =	swait.ge [sflag:s13], $0x1900;
	s0 =	sadd.s32 $0x131, s9  }
0x46d: {  	[sflag:s13] =	ssyncset.done $0x0;
	v19 =	vmov s0  }
0x46e: {  	[sflag:s13] =	ssyncadd.s32 $0xFFFFE700  }
0x46f: {  	_ =	swait.ge [sflag:s13], $0x1900  }
0x470: {  	[sflag:s13] =	ssyncset.done $0x0  }
0x471: {  	[sflag:s13] =	ssyncadd.s32 $0xFFFFE700  }
0x472: {  	v19 =	vld.idx.msk [tilespmem:v19+s14+$0x0], $0xffff;
	_ =	sdelay $0x3  }
0x473: {  	s17 =	simm.s32 $0x0;
	s1 =	simm.s32 $0x0  }
0x474: {  	s3 =	sadd.s32 $0x132, s9;
	s1 =	sand.u32 $0x380, s1;
	s0 =	sand.u32 $0x3800, s17;
	vm2 =	vgt.s32 v19, $0x0  }
0x475: {  	s0 =	sor.u32 s1, s0;
	v19 =	vmov s3;
	v20 =	vsel vm2, v16, v12  }
0x476: {  	v21 =	vsel vm2, v17, v13;
	[tilespmem:s0+$0x5E90] =	vst v20  }
0x477: {  	v20 =	vsel vm2, v15, v11;
	[tilespmem:s0+$0x5EA0] =	vst v21  }
0x478: {  	v58 =	vsel vm2, v18, v14;
	[tilespmem:s0+$0x5E80] =	vst v20  }
0x479: {  	[tilespmem:s0+$0x5EA2] =	vst v58  }
0x47a: {  	v19 =	vld.idx.msk [tilespmem:v19+s14+$0x0], $0xffff;
	_ =	sdelay $0x3  }
0x47b: {  	s18 =	simm.s32 $0x100;
	s19 =	simm.s32 $0x80  }
0x47c: {  	s20 =	sadd.s32 $0x133, s9;
	s1 =	sand.u32 $0x380, s19;
	s0 =	sand.u32 $0x7800, s18;
	vm2 =	vgt.s32 v19, $0x0  }
0x47d: {  	s0 =	sor.u32 s1, s0;
	v19 =	vmov s20;
	v20 =	vsel vm2, v16, v12  }
0x47e: {  	v59 =	vsel vm2, v15, v11;
	[tilespmem:s0+$0x5E90] =	vst v20  }
0x47f: {  	v20 =	vsel vm2, v17, v13;
	[tilespmem:s0+$0x5E80] =	vst v59  }
0x480: {  	v60 =	vsel vm2, v18, v14;
	[tilespmem:s0+$0x5EA0] =	vst v20  }
0x481: {  	[tilespmem:s0+$0x5EA2] =	vst v60  }
0x482: {  	v19 =	vld.idx.msk [tilespmem:v19+s14+$0x0], $0xffff;
	_ =	sdelay $0x3  }
0x483: {  	s21 =	simm.s32 $0x200;
	s22 =	simm.s32 $0x100  }
0x484: {  	s23 =	sadd.s32 $0x134, s9;
	s1 =	sand.u32 $0x380, s22;
	s0 =	sand.u32 $0x7800, s21;
	vm2 =	vgt.s32 v19, $0x0  }
0x485: {  	s0 =	sor.u32 s1, s0;
	v19 =	vmov s23;
	v20 =	vsel vm2, v16, v12  }
0x486: {  	v61 =	vsel vm2, v15, v11;
	[tilespmem:s0+$0x5E90] =	vst v20  }
0x487: {  	v20 =	vsel vm2, v17, v13;
	[tilespmem:s0+$0x5E80] =	vst v61  }
0x488: {  	v62 =	vsel vm2, v18, v14;
	[tilespmem:s0+$0x5EA0] =	vst v20  }
0x489: {  	[tilespmem:s0+$0x5EA2] =	vst v62  }
0x48a: {  	v19 =	vld.idx.msk [tilespmem:v19+s14+$0x0], $0xffff;
	_ =	sdelay $0x3  }
0x48b: {  	s24 =	simm.s32 $0x300;
	s25 =	simm.s32 $0x180  }
0x48c: {  	s26 =	sadd.s32 $0x135, s9;
	s1 =	sand.u32 $0x380, s25;
	s0 =	sand.u32 $0x7800, s24;
	vm2 =	vgt.s32 v19, $0x0  }
0x48d: {  	s0 =	sor.u32 s1, s0;
	v19 =	vmov s26;
	v20 =	vsel vm2, v17, v13  }
0x48e: {  	v63 =	vsel vm2, v16, v12;
	[tilespmem:s0+$0x5EA0] =	vst v20  }
0x48f: {  	v20 =	vsel vm2, v18, v14;
	[tilespmem:s0+$0x5E90] =	vst v63  }
0x490: {  	[tilespmem:s0+$0x5EA2] =	vst v20;
	v20 =	vsel vm2, v15, v11  }
0x491: {  	s9 =	smul.u32 $0x64, s8;
	s19 =	simm.s32 $0x400;
	s18 =	simm.s32 $0x200;
	[tilespmem:s0+$0x5E80] =	vst v20  }
0x492: {  	s22 =	sand.u32 $0x380, s18;
	s20 =	simm.s32 $0x0;
	s21 =	sand.u32 $0x7800, s19;
	v19 =	vld.idx.msk [tilespmem:v19+s14+$0x0], $0xffff  }
.LBB2_17:
0x493: {  	s18 =	sadd.s32 $0x280, s18  }
0x494: {  	s19 =	sadd.s32 $0x500, s19;
	s0 =	smov.u32 s20;
	s20 =	sadd.s32 $0x5, s20  }
0x495: {  	s1 =	sand.u32 $0x7800, s19;
	s3 =	sand.u32 $0x380, s18;
	p1 =	slt.u32 s20, $0x2D  }
0x496: {  	_ =	sdelay $0x1  }
0x497: {  	s0 =	sadd.s32 s0, s16  }
0x498: {  	s15 =	sadd.s32 $0x131, s0;
	s17 =	sadd.s32 $0x132, s0;
	s25 =	sadd.s32 $0x133, s0;
	vm2 =	vgt.s32 v19, $0x0  }
0x499: {  	s24 =	sadd.s32 $0x134, s0;
	s23 =	sadd.s32 $0x135, s0;
	s0 =	sor.u32 s22, s21;
	v19 =	vmov s15;
	v20 =	vsel vm2, v15, v11;
	v21 =	vsel vm2, v17, v13  }
0x49a: {  	s21 =	smov.u32 s1;
	s22 =	smov.u32 s3;
	v22 =	vsel vm2, v18, v14;
	[tilespmem:s0+$0x5E80] =	vst v20;
	v20 =	vsel vm2, v16, v12  }
0x49b: {  	[tilespmem:s0+$0x5E90] =	vst v20  }
0x49c: {  	[tilespmem:s0+$0x5EA0] =	vst v21  }
0x49d: {  	[tilespmem:s0+$0x5EA2] =	vst v22  }
0x49e: {  	v19 =	vld.idx.msk [tilespmem:v19+s14+$0x0], $0xffff;
	_ =	sdelay $0x4  }
0x49f: {  	s1 =	sadd.s32 $0xFFFFFE00, s18;
	s0 =	sadd.s32 $0xFFFFFC00, s19  }
0x4a0: {  	s1 =	sand.u32 $0x380, s1;
	s0 =	sand.u32 $0x3800, s0;
	vm2 =	vgt.s32 v19, $0x0;
	v19 =	vmov s17  }
0x4a1: {  	s0 =	sor.u32 s1, s0;
	v20 =	vsel vm2, v15, v11;
	v21 =	vsel vm2, v16, v12;
	v22 =	vsel vm2, v17, v13  }
0x4a2: {  	[tilespmem:s0+$0x5E90] =	vst v21;
	v21 =	vsel vm2, v18, v14  }
0x4a3: {  	[tilespmem:s0+$0x5EA0] =	vst v22  }
0x4a4: {  	[tilespmem:s0+$0x5E80] =	vst v20  }
0x4a5: {  	[tilespmem:s0+$0x5EA2] =	vst v21  }
0x4a6: {  	v19 =	vld.idx.msk [tilespmem:v19+s14+$0x0], $0xffff;
	_ =	sdelay $0x4  }
0x4a7: {  	s1 =	sadd.s32 $0xFFFFFE80, s18;
	s0 =	sadd.s32 $0xFFFFFD00, s19  }
0x4a8: {  	s1 =	sand.u32 $0x380, s1;
	s0 =	sand.u32 $0x7800, s0;
	vm2 =	vgt.s32 v19, $0x0;
	v19 =	vmov s25  }
0x4a9: {  	s0 =	sor.u32 s1, s0;
	v20 =	vsel vm2, v15, v11;
	v21 =	vsel vm2, v16, v12;
	v22 =	vsel vm2, v17, v13  }
0x4aa: {  	[tilespmem:s0+$0x5E90] =	vst v21;
	v21 =	vsel vm2, v18, v14  }
0x4ab: {  	[tilespmem:s0+$0x5E80] =	vst v20  }
0x4ac: {  	[tilespmem:s0+$0x5EA0] =	vst v22  }
0x4ad: {  	[tilespmem:s0+$0x5EA2] =	vst v21  }
0x4ae: {  	v19 =	vld.idx.msk [tilespmem:v19+s14+$0x0], $0xffff;
	_ =	sdelay $0x4  }
0x4af: {  	s1 =	sadd.s32 $0xFFFFFF00, s18;
	s0 =	sadd.s32 $0xFFFFFE00, s19  }
0x4b0: {  	s1 =	sand.u32 $0x380, s1;
	s0 =	sand.u32 $0x7800, s0;
	vm2 =	vgt.s32 v19, $0x0;
	v19 =	vmov s24  }
0x4b1: {  	s0 =	sor.u32 s1, s0;
	v20 =	vsel vm2, v15, v11;
	v21 =	vsel vm2, v16, v12;
	v22 =	vsel vm2, v17, v13  }
0x4b2: {  	[tilespmem:s0+$0x5E90] =	vst v21;
	v21 =	vsel vm2, v18, v14  }
0x4b3: {  	[tilespmem:s0+$0x5E80] =	vst v20  }
0x4b4: {  	[tilespmem:s0+$0x5EA0] =	vst v22  }
0x4b5: {  	[tilespmem:s0+$0x5EA2] =	vst v21  }
0x4b6: {  	v19 =	vld.idx.msk [tilespmem:v19+s14+$0x0], $0xffff;
	_ =	sdelay $0x4  }
0x4b7: {  	s1 =	sadd.s32 $0xFFFFFF80, s18;
	s0 =	sadd.s32 $0xFFFFFF00, s19  }
0x4b8: {  	s1 =	sand.u32 $0x380, s1;
	s0 =	sand.u32 $0x7800, s0;
	vm2 =	vgt.s32 v19, $0x0;
	v19 =	vmov s23  }
0x4b9: {  	s0 =	sor.u32 s1, s0;
	v20 =	vsel vm2, v15, v11;
	v21 =	vsel vm2, v16, v12;
	v22 =	vsel vm2, v17, v13  }
.Ltmp9:
0x4ba: {  	[tilespmem:s0+$0x5EA0] =	vst v22;
	v22 =	vsel vm2, v18, v14;
	(pc) =	sbr.rel @p1 .LBB2_17-.Ltmp9, $4  }
0x4bb: {  	[tilespmem:s0+$0x5EA2] =	vst v22  }
0x4bc: {  	[tilespmem:s0+$0x5E90] =	vst v21  }
0x4bd: {  	[tilespmem:s0+$0x5E80] =	vst v20  }
0x4be: {  	v19 =	vld.idx.msk [tilespmem:v19+s14+$0x0], $0xffff  }
0x4bf: {  	_ =	sdelay $0x3  }
0x4c0: {  	vm2 =	vgt.s32 v19, $0x0  }
0x4c1: {  	s0 =	sor.u32 s22, s21;
	v19 =	vsel vm2, v15, v11  }
0x4c2: {  	v20 =	vsel vm2, v17, v13;
	[tilespmem:s0+$0x5E80] =	vst v19  }
0x4c3: {  	v19 =	vsel vm2, v16, v12;
	[tilespmem:s0+$0x5EA0] =	vst v20  }
0x4c4: {  	[tilespmem:s0+$0x5E90] =	vst v19;
	v19 =	vsel vm2, v18, v14  }
0x4c5: {  	[tilespmem:s0+$0x5EA2] =	vst v19  }
0x4c6: {  	v19 =	vld [tilespmem:s9+$0x4030];
	_ =	sdelay $0x1  }
0x4c7: {  	v20 =	vld [tilespmem:s9+$0x4020];
	_ =	sdelay $0x1  }
0x4c8: {  	v21 =	vld [tilespmem:s9+$0x4010]  }
0x4c9: {  	vm2 =	vgt.s32 v19, $0x0;
	v19 =	vld [tilespmem:s9+$0x4000]  }
0x4ca: {  	vm2 =	vmand vm2, vm1  }
0x4cb: {  	v22 =	vmctz.xlane vm2;
	vm2 =	vgt.s32 v20, $0x0  }
0x4cc: {  	v20 =	vmctz.xlane vm2  }
0x4cd: {  	vm2 =	vgt.s32 v21, $0x0;
	(v2sf) =	vpush v22, $0x0  }
0x4ce: {  	(v2sf) =	vpush v20, $0x0;
	v20 =	vmctz.xlane vm2;
	vm2 =	vgt.s32 v19, $0x0  }
0x4cf: {  	v19 =	vmctz.xlane vm2  }
0x4d0: {  	(v2sf) =	vpush v20, $0x0  }
0x4d1: {  	(v2sf) =	vpush v19, $0x0;
	_ =	sdelay $0xa  }
0x4d2: {  	s24 =	spop (v2sf)  }
0x4d3: {  	s1 =	spop (v2sf);
	p1 =	slt.s32 s24, $0x10;
	s0 =	sadd.s32 $0x30, s24  }
0x4d4: {  	s0 =	simm.s32 @!p1 $0x0;
	p1 =	slt.s32 s1, $0x10;
	s1 =	sadd.s32 $0x20, s1  }
0x4d5: {  	s3 =	spop (v2sf);
	s0 =	smov.u32 @p1 s1  }
0x4d6: {  	p1 =	slt.s32 s3, $0x10;
	s1 =	sadd.s32 $0x10, s3;
	s3 =	spop (v2sf)  }
0x4d7: {  	s0 =	smov.u32 @p1 s1;
	p1 =	slt.s32 s3, $0x10  }
0x4d8: {  	s0 =	smov.u32 @p1 s3  }
0x4d9: {  	s25 =	sshll.u32 s0, $0x8;
	s0 =	sshll.u32 s0, $0x7  }
0x4da: {  	s1 =	sand.u32 $0xFFFFF800, s25;
	s0 =	sand.u32 $0x380, s0  }
0x4db: {  	s0 =	sor.u32 s0, s1  }
0x4dc: {  	[tilespmem:s0+$0x5A80] =	vst v3  }
0x4dd: {  	s18 =	sadd.s32 $0xFFFFFFFB, s16;
	[tilespmem:s0+$0x5A90] =	vst v4  }
0x4de: {  	s26 =	sadd.s32 $0x163, s18;
	[tilespmem:s0+$0x5AA0] =	vst v5  }
0x4df: {  	v19 =	vmov s26;
	[tilespmem:s0+$0x5AB0] =	vst v6  }
0x4e0: {  	[tilespmem:s0+$0x5AC0] =	vst v7  }
0x4e1: {  	[tilespmem:s0+$0x5AD0] =	vst v8  }
0x4e2: {  	[tilespmem:s0+$0x5AE0] =	vst v9  }
0x4e3: {  	[tilespmem:s0+$0x5AF0] =	vst v10  }
0x4e4: {  	v19 =	vld.idx.msk [tilespmem:v19+s14+$0x0], $0xffff;
	_ =	sdelay $0x3  }
0x4e5: {  	s3 =	simm.s32 $0x0;
	s1 =	simm.s32 $0x0  }
0x4e6: {  	s15 =	sadd.s32 $0x164, s18;
	s0 =	sand.u32 $0x3800, s1;
	s1 =	sand.u32 $0x380, s3;
	vm2 =	vgt.s32 v19, $0x0  }
0x4e7: {  	s0 =	sor.u32 s1, s0;
	v19 =	vmov s15;
	v20 =	vsel vm2, v16, v12  }
0x4e8: {  	v57 =	vsel vm2, v17, v13;
	[tilespmem:s0+$0x9690] =	vst v20  }
0x4e9: {  	v20 =	vsel vm2, v15, v11;
	[tilespmem:s0+$0x96A0] =	vst v57  }
0x4ea: {  	v58 =	vsel vm2, v18, v14;
	[tilespmem:s0+$0x9680] =	vst v20  }
0x4eb: {  	[tilespmem:s0+$0x96A2] =	vst v58  }
0x4ec: {  	v19 =	vld.idx.msk [tilespmem:v19+s14+$0x0], $0xffff;
	_ =	sdelay $0x3  }
0x4ed: {  	s17 =	simm.s32 $0x100;
	s19 =	simm.s32 $0x80  }
0x4ee: {  	s20 =	sadd.s32 $0x165, s18;
	s1 =	sand.u32 $0x380, s19;
	s0 =	sand.u32 $0x7800, s17;
	vm2 =	vgt.s32 v19, $0x0  }
0x4ef: {  	s0 =	sor.u32 s1, s0;
	v19 =	vmov s20;
	v20 =	vsel vm2, v16, v12  }
0x4f0: {  	v59 =	vsel vm2, v15, v11;
	[tilespmem:s0+$0x9690] =	vst v20  }
0x4f1: {  	v20 =	vsel vm2, v17, v13;
	[tilespmem:s0+$0x9680] =	vst v59  }
0x4f2: {  	v60 =	vsel vm2, v18, v14;
	[tilespmem:s0+$0x96A0] =	vst v20  }
0x4f3: {  	[tilespmem:s0+$0x96A2] =	vst v60  }
0x4f4: {  	v19 =	vld.idx.msk [tilespmem:v19+s14+$0x0], $0xffff;
	_ =	sdelay $0x3  }
0x4f5: {  	s21 =	simm.s32 $0x200;
	s22 =	simm.s32 $0x100  }
0x4f6: {  	s23 =	sadd.s32 $0x166, s18;
	s1 =	sand.u32 $0x380, s22;
	s0 =	sand.u32 $0x7800, s21;
	vm2 =	vgt.s32 v19, $0x0  }
0x4f7: {  	s0 =	sor.u32 s1, s0;
	v19 =	vmov s23;
	v20 =	vsel vm2, v16, v12  }
0x4f8: {  	v61 =	vsel vm2, v15, v11;
	[tilespmem:s0+$0x9690] =	vst v20  }
0x4f9: {  	v20 =	vsel vm2, v17, v13;
	[tilespmem:s0+$0x9680] =	vst v61  }
0x4fa: {  	v62 =	vsel vm2, v18, v14;
	[tilespmem:s0+$0x96A0] =	vst v20  }
0x4fb: {  	[tilespmem:s0+$0x96A2] =	vst v62  }
0x4fc: {  	v19 =	vld.idx.msk [tilespmem:v19+s14+$0x0], $0xffff;
	_ =	sdelay $0x3  }
0x4fd: {  	s24 =	simm.s32 $0x300;
	s25 =	simm.s32 $0x180  }
0x4fe: {  	s26 =	sadd.s32 $0x167, s18;
	s1 =	sand.u32 $0x380, s25;
	s0 =	sand.u32 $0x7800, s24;
	vm2 =	vgt.s32 v19, $0x0  }
0x4ff: {  	s0 =	sor.u32 s1, s0;
	v19 =	vmov s26;
	v20 =	vsel vm2, v17, v13  }
0x500: {  	v63 =	vsel vm2, v16, v12;
	[tilespmem:s0+$0x96A0] =	vst v20  }
0x501: {  	v20 =	vsel vm2, v18, v14;
	[tilespmem:s0+$0x9690] =	vst v63  }
0x502: {  	[tilespmem:s0+$0x96A2] =	vst v20;
	v20 =	vsel vm2, v15, v11  }
0x503: {  	s18 =	simm.s32 $0x200;
	s19 =	simm.s32 $0x400;
	[tilespmem:s0+$0x9680] =	vst v20  }
0x504: {  	s22 =	sand.u32 $0x380, s18;
	s20 =	simm.s32 $0x0;
	s21 =	sand.u32 $0x7800, s19;
	v19 =	vld.idx.msk [tilespmem:v19+s14+$0x0], $0xffff  }
.LBB2_19:
0x505: {  	s18 =	sadd.s32 $0x280, s18  }
0x506: {  	s19 =	sadd.s32 $0x500, s19;
	s0 =	smov.u32 s20;
	s20 =	sadd.s32 $0x5, s20  }
0x507: {  	s1 =	sand.u32 $0x7800, s19;
	s3 =	sand.u32 $0x380, s18;
	p1 =	slt.u32 s20, $0x2D  }
0x508: {  	_ =	sdelay $0x1  }
0x509: {  	s0 =	sadd.s32 s0, s16  }
0x50a: {  	s15 =	sadd.s32 $0x163, s0;
	s17 =	sadd.s32 $0x164, s0;
	s25 =	sadd.s32 $0x165, s0;
	vm2 =	vgt.s32 v19, $0x0  }
0x50b: {  	s24 =	sadd.s32 $0x166, s0;
	s23 =	sadd.s32 $0x167, s0;
	s0 =	sor.u32 s22, s21;
	v19 =	vmov s15;
	v20 =	vsel vm2, v15, v11;
	v21 =	vsel vm2, v17, v13  }
0x50c: {  	s21 =	smov.u32 s1;
	s22 =	smov.u32 s3;
	v22 =	vsel vm2, v18, v14;
	[tilespmem:s0+$0x9680] =	vst v20;
	v20 =	vsel vm2, v16, v12  }
0x50d: {  	[tilespmem:s0+$0x9690] =	vst v20  }
0x50e: {  	[tilespmem:s0+$0x96A0] =	vst v21  }
0x50f: {  	[tilespmem:s0+$0x96A2] =	vst v22  }
0x510: {  	v19 =	vld.idx.msk [tilespmem:v19+s14+$0x0], $0xffff;
	_ =	sdelay $0x4  }
0x511: {  	s1 =	sadd.s32 $0xFFFFFE00, s18;
	s0 =	sadd.s32 $0xFFFFFC00, s19  }
0x512: {  	s1 =	sand.u32 $0x380, s1;
	s0 =	sand.u32 $0x3800, s0;
	vm2 =	vgt.s32 v19, $0x0;
	v19 =	vmov s17  }
0x513: {  	s0 =	sor.u32 s1, s0;
	v20 =	vsel vm2, v15, v11;
	v21 =	vsel vm2, v16, v12;
	v22 =	vsel vm2, v17, v13  }
0x514: {  	[tilespmem:s0+$0x9690] =	vst v21;
	v21 =	vsel vm2, v18, v14  }
0x515: {  	[tilespmem:s0+$0x96A0] =	vst v22  }
0x516: {  	[tilespmem:s0+$0x9680] =	vst v20  }
0x517: {  	[tilespmem:s0+$0x96A2] =	vst v21  }
0x518: {  	v19 =	vld.idx.msk [tilespmem:v19+s14+$0x0], $0xffff;
	_ =	sdelay $0x4  }
0x519: {  	s1 =	sadd.s32 $0xFFFFFE80, s18;
	s0 =	sadd.s32 $0xFFFFFD00, s19  }
0x51a: {  	s1 =	sand.u32 $0x380, s1;
	s0 =	sand.u32 $0x7800, s0;
	vm2 =	vgt.s32 v19, $0x0;
	v19 =	vmov s25  }
0x51b: {  	s0 =	sor.u32 s1, s0;
	v20 =	vsel vm2, v15, v11;
	v21 =	vsel vm2, v16, v12;
	v22 =	vsel vm2, v17, v13  }
0x51c: {  	[tilespmem:s0+$0x9690] =	vst v21;
	v21 =	vsel vm2, v18, v14  }
0x51d: {  	[tilespmem:s0+$0x9680] =	vst v20  }
0x51e: {  	[tilespmem:s0+$0x96A0] =	vst v22  }
0x51f: {  	[tilespmem:s0+$0x96A2] =	vst v21  }
0x520: {  	v19 =	vld.idx.msk [tilespmem:v19+s14+$0x0], $0xffff;
	_ =	sdelay $0x4  }
0x521: {  	s1 =	sadd.s32 $0xFFFFFF00, s18;
	s0 =	sadd.s32 $0xFFFFFE00, s19  }
0x522: {  	s1 =	sand.u32 $0x380, s1;
	s0 =	sand.u32 $0x7800, s0;
	vm2 =	vgt.s32 v19, $0x0;
	v19 =	vmov s24  }
0x523: {  	s0 =	sor.u32 s1, s0;
	v20 =	vsel vm2, v15, v11;
	v21 =	vsel vm2, v16, v12;
	v22 =	vsel vm2, v17, v13  }
0x524: {  	[tilespmem:s0+$0x9690] =	vst v21;
	v21 =	vsel vm2, v18, v14  }
0x525: {  	[tilespmem:s0+$0x9680] =	vst v20  }
0x526: {  	[tilespmem:s0+$0x96A0] =	vst v22  }
0x527: {  	[tilespmem:s0+$0x96A2] =	vst v21  }
0x528: {  	v19 =	vld.idx.msk [tilespmem:v19+s14+$0x0], $0xffff;
	_ =	sdelay $0x4  }
0x529: {  	s1 =	sadd.s32 $0xFFFFFF80, s18;
	s0 =	sadd.s32 $0xFFFFFF00, s19  }
0x52a: {  	s1 =	sand.u32 $0x380, s1;
	s0 =	sand.u32 $0x7800, s0;
	vm2 =	vgt.s32 v19, $0x0;
	v19 =	vmov s23  }
0x52b: {  	s0 =	sor.u32 s1, s0;
	v20 =	vsel vm2, v15, v11;
	v21 =	vsel vm2, v16, v12;
	v22 =	vsel vm2, v17, v13  }
.Ltmp10:
0x52c: {  	[tilespmem:s0+$0x96A0] =	vst v22;
	v22 =	vsel vm2, v18, v14;
	(pc) =	sbr.rel @p1 .LBB2_19-.Ltmp10, $4  }
0x52d: {  	[tilespmem:s0+$0x96A2] =	vst v22  }
0x52e: {  	[tilespmem:s0+$0x9690] =	vst v21  }
0x52f: {  	[tilespmem:s0+$0x9680] =	vst v20  }
0x530: {  	v19 =	vld.idx.msk [tilespmem:v19+s14+$0x0], $0xffff  }
0x531: {  	_ =	sdelay $0x3  }
0x532: {  	vm2 =	vgt.s32 v19, $0x0  }
0x533: {  	s0 =	sor.u32 s22, s21;
	v19 =	vsel vm2, v15, v11  }
0x534: {  	v20 =	vsel vm2, v17, v13;
	[tilespmem:s0+$0x9680] =	vst v19  }
0x535: {  	v19 =	vsel vm2, v16, v12;
	[tilespmem:s0+$0x96A0] =	vst v20  }
0x536: {  	[tilespmem:s0+$0x9690] =	vst v19;
	v19 =	vsel vm2, v18, v14  }
0x537: {  	[tilespmem:s0+$0x96A2] =	vst v19  }
0x538: {  	v19 =	vld [tilespmem:s9+$0x4062];
	_ =	sdelay $0x1  }
0x539: {  	v20 =	vld [tilespmem:s9+$0x4052];
	_ =	sdelay $0x1  }
0x53a: {  	v21 =	vld [tilespmem:s9+$0x4042]  }
0x53b: {  	vm2 =	vgt.s32 v19, $0x0;
	v19 =	vld [tilespmem:s9+$0x4032]  }
0x53c: {  	vm2 =	vmand vm2, vm1  }
0x53d: {  	v22 =	vmctz.xlane vm2;
	vm2 =	vgt.s32 v20, $0x0  }
0x53e: {  	v20 =	vmctz.xlane vm2  }
0x53f: {  	vm2 =	vgt.s32 v21, $0x0;
	(v2sf) =	vpush v22, $0x0  }
0x540: {  	(v2sf) =	vpush v20, $0x0;
	v20 =	vmctz.xlane vm2;
	vm2 =	vgt.s32 v19, $0x0  }
0x541: {  	v19 =	vmctz.xlane vm2  }
0x542: {  	(v2sf) =	vpush v20, $0x0  }
0x543: {  	(v2sf) =	vpush v19, $0x0;
	_ =	sdelay $0xa  }
0x544: {  	s22 =	spop (v2sf)  }
0x545: {  	s1 =	spop (v2sf);
	p1 =	slt.s32 s22, $0x10;
	s0 =	sadd.s32 $0x30, s22  }
0x546: {  	s0 =	simm.s32 @!p1 $0x0;
	p1 =	slt.s32 s1, $0x10;
	s1 =	sadd.s32 $0x20, s1  }
0x547: {  	s3 =	spop (v2sf);
	s0 =	smov.u32 @p1 s1  }
0x548: {  	p1 =	slt.s32 s3, $0x10;
	s1 =	sadd.s32 $0x10, s3;
	s3 =	spop (v2sf)  }
0x549: {  	s0 =	smov.u32 @p1 s1;
	p1 =	slt.s32 s3, $0x10  }
0x54a: {  	s0 =	smov.u32 @p1 s3  }
0x54b: {  	s23 =	sshll.u32 s0, $0x8;
	s0 =	sshll.u32 s0, $0x7  }
0x54c: {  	s1 =	sand.u32 $0xFFFFF800, s23;
	s0 =	sand.u32 $0x380, s0  }
0x54d: {  	s0 =	sor.u32 s0, s1  }
0x54e: {  	[tilespmem:s0+$0x9280] =	vst v3  }
0x54f: {  	[tilespmem:s0+$0x9290] =	vst v4  }
0x550: {  	[tilespmem:s0+$0x92A0] =	vst v5  }
0x551: {  	s24 =	sshll.u32 s8, $0x1;
	[tilespmem:s0+$0x92B0] =	vst v6  }
0x552: {  	s1 =	sadd.s32 s4, s24;
	[tilespmem:s0+$0x92C0] =	vst v7  }
0x553: {  	[tilespmem:s0+$0x92D0] =	vst v8;
	s1 =	smul.u32 $0x700, s1  }
0x554: {  	[tilespmem:s0+$0x92E0] =	vst v9  }
.Ltmp11:
0x555: {  	s26 =	simm.s32 $0x6;
	[tilespmem:s0+$0x92F0] =	vst v10;
	s25 =	sadd.s32 s7, s1;
	(pc) =	sbr.rel @p0 .LBB2_22-.Ltmp11, $4  }
0x556: {  	[hbm4b:s25+s5] =	stream.linear.scatter [tilespmem:s28], [sflag:$0x4], $0x7000, $0x38;
	[tilespmem:$0x1AA80] =	vst v63  }
0x557: {  	_ =	swait.ge [sflag:s26], $0x7000  }
0x558: {  	[sflag:s26] =	ssyncset.done $0x0  }
0x559: {  	[sflag:s26] =	ssyncadd.s32 $0xFFFF9000  }
0x55a: {  	s0 =	smul.u32 $0xC00, s6;
	_ =	sdelay $0x1  }
0x55b: {  	s0 =	sshra.s32 s0, $0x2  }
0x55c: {  	v19 =	vld [tilespmem:s0+$0x500];
	_ =	sdelay $0x4  }
0x55d: {  	v20 =	vperm.xlane v19, v0;
	_ =	sdelay $0x1  }
0x55e: {  	v19 =	vperm.xlane v19, v2;
	v20 =	vadd.s32 v1, v20;
	_ =	sdelay $0x1  }
0x55f: {  	v19 =	vadd.s32 v1, v19;
	_ =	sdelay $0x1  }
0x560: {  	s1 =	simm.s32 $0x13A80  }
0x561: {  	[tilespmem:s1], [sflag:$0x3] =	stream.indirect_vreg.gather [hbm4b:s2+s5], $0x80, v20, vm0, $0xb8;
	[tilespmem:$0x1AA80] =	vst v63  }
0x562: {  	s8 =	simm.s32 $0x14280  }
0x563: {  	[tilespmem:s8], [sflag:$0x3] =	stream.indirect_vreg.gather [hbm4b:s2+s5], $0x80, v19, vm0, $0xb8;
	[tilespmem:$0x1AA80] =	vst v63  }
0x564: {  	v19 =	vld [tilespmem:s0+$0x510];
	_ =	sdelay $0x4  }
0x565: {  	v20 =	vperm.xlane v19, v0;
	_ =	sdelay $0x1  }
0x566: {  	v19 =	vperm.xlane v19, v2;
	v20 =	vadd.s32 v1, v20;
	_ =	sdelay $0x1  }
0x567: {  	v19 =	vadd.s32 v1, v19;
	_ =	sdelay $0x1  }
0x568: {  	s9 =	simm.s32 $0x14A80  }
0x569: {  	[tilespmem:s9], [sflag:$0x3] =	stream.indirect_vreg.gather [hbm4b:s2+s5], $0x80, v20, vm0, $0xb8;
	[tilespmem:$0x1AA80] =	vst v63  }
0x56a: {  	s15 =	simm.s32 $0x15280  }
0x56b: {  	[tilespmem:s15], [sflag:$0x3] =	stream.indirect_vreg.gather [hbm4b:s2+s5], $0x80, v19, vm0, $0xb8;
	[tilespmem:$0x1AA80] =	vst v63  }
0x56c: {  	v19 =	vld [tilespmem:s0+$0x520];
	_ =	sdelay $0x4  }
0x56d: {  	v20 =	vperm.xlane v19, v0;
	_ =	sdelay $0x1  }
0x56e: {  	v19 =	vperm.xlane v19, v2;
	v20 =	vadd.s32 v1, v20;
	_ =	sdelay $0x1  }
0x56f: {  	v19 =	vadd.s32 v1, v19;
	_ =	sdelay $0x1  }
0x570: {  	s17 =	simm.s32 $0x15A80  }
0x571: {  	[tilespmem:s17], [sflag:$0x3] =	stream.indirect_vreg.gather [hbm4b:s2+s5], $0x80, v20, vm0, $0xb8;
	[tilespmem:$0x1AA80] =	vst v63  }
0x572: {  	s18 =	simm.s32 $0x16280  }
0x573: {  	[tilespmem:s18], [sflag:$0x3] =	stream.indirect_vreg.gather [hbm4b:s2+s5], $0x80, v19, vm0, $0xb8;
	[tilespmem:$0x1AA80] =	vst v63  }
0x574: {  	v19 =	vld.msk [tilespmem:s0+$0x530], $0x3;
	_ =	sdelay $0x4  }
0x575: {  	v19 =	vperm.xlane v19, v0;
	_ =	sdelay $0x1  }
0x576: {  	v19 =	vadd.s32 v1, v19;
	_ =	sdelay $0x3  }
0x577: {  	s19 =	simm.s32 $0x16A80  }
0x578: {  	[tilespmem:s19], [sflag:$0x3] =	stream.indirect_vreg.gather [hbm4b:s2+s5], $0x80, v19, vm1, $0xb8;
	[tilespmem:$0x1AA80] =	vst v63  }
0x579: {  	v19 =	vld [tilespmem:s0+$0x580];
	_ =	sdelay $0x4  }
0x57a: {  	v20 =	vperm.xlane v19, v0;
	_ =	sdelay $0x1  }
0x57b: {  	v19 =	vperm.xlane v19, v2;
	v20 =	vadd.s32 v1, v20;
	_ =	sdelay $0x1  }
0x57c: {  	v19 =	vadd.s32 v1, v19;
	_ =	sdelay $0x1  }
0x57d: {  	s20 =	simm.s32 $0x17280  }
0x57e: {  	[tilespmem:s20], [sflag:$0x3] =	stream.indirect_vreg.gather [hbm4b:s2+s5], $0x80, v20, vm0, $0xb8;
	[tilespmem:$0x1AA80] =	vst v63  }
0x57f: {  	s21 =	simm.s32 $0x17A80  }
0x580: {  	[tilespmem:s21], [sflag:$0x3] =	stream.indirect_vreg.gather [hbm4b:s2+s5], $0x80, v19, vm0, $0xb8;
	[tilespmem:$0x1AA80] =	vst v63  }
0x581: {  	v19 =	vld [tilespmem:s0+$0x590];
	_ =	sdelay $0x4  }
0x582: {  	v20 =	vperm.xlane v19, v0;
	_ =	sdelay $0x1  }
0x583: {  	v19 =	vperm.xlane v19, v2;
	v20 =	vadd.s32 v1, v20;
	_ =	sdelay $0x1  }
0x584: {  	v19 =	vadd.s32 v1, v19;
	_ =	sdelay $0x1  }
0x585: {  	s22 =	simm.s32 $0x18280  }
0x586: {  	[tilespmem:s22], [sflag:$0x3] =	stream.indirect_vreg.gather [hbm4b:s2+s5], $0x80, v20, vm0, $0xb8;
	[tilespmem:$0x1AA80] =	vst v63  }
0x587: {  	s23 =	simm.s32 $0x18A80  }
0x588: {  	[tilespmem:s23], [sflag:$0x3] =	stream.indirect_vreg.gather [hbm4b:s2+s5], $0x80, v19, vm0, $0xb8;
	[tilespmem:$0x1AA80] =	vst v63  }
0x589: {  	v19 =	vld [tilespmem:s0+$0x5A0];
	_ =	sdelay $0x4  }
0x58a: {  	v20 =	vperm.xlane v19, v0;
	_ =	sdelay $0x1  }
0x58b: {  	v19 =	vperm.xlane v19, v2;
	v20 =	vadd.s32 v1, v20;
	_ =	sdelay $0x1  }
0x58c: {  	v19 =	vadd.s32 v1, v19;
	_ =	sdelay $0x1  }
0x58d: {  	s24 =	simm.s32 $0x19280  }
0x58e: {  	[tilespmem:s24], [sflag:$0x3] =	stream.indirect_vreg.gather [hbm4b:s2+s5], $0x80, v20, vm0, $0xb8;
	[tilespmem:$0x1AA80] =	vst v63  }
0x58f: {  	s25 =	simm.s32 $0x19A80  }
0x590: {  	[tilespmem:s25], [sflag:$0x3] =	stream.indirect_vreg.gather [hbm4b:s2+s5], $0x80, v19, vm0, $0xb8;
	[tilespmem:$0x1AA80] =	vst v63  }
0x591: {  	v19 =	vld.msk [tilespmem:s0+$0x5B0], $0x3;
	_ =	sdelay $0x4  }
0x592: {  	v19 =	vperm.xlane v19, v0;
	_ =	sdelay $0x1  }
0x593: {  	v19 =	vadd.s32 v1, v19  }
.Ltmp12:
0x594: {  	_ = 	snop;
	(pc) =	sbr.rel .LBB2_6-.Ltmp12, $3  }
0x595: {  	_ =	sdelay $0x1  }
0x596: {  	s26 =	simm.s32 $0x1A280;
	s6 =	sadd.s32 $0x1, s6;
	s16 =	sadd.s32 $0x12C, s16  }
0x597: {  	[tilespmem:s26], [sflag:$0x3] =	stream.indirect_vreg.gather [hbm4b:s2+s5], $0x80, v19, vm1, $0xb8;
	[tilespmem:$0x1AA80] =	vst v63  }
.LBB2_23:
0x598: {  	_ =	sfence.sel $0x180000  }
0x599: {  	[bflag:$0x0] =	sbarrier.arrive $0xFFFF  }
0x59a: {  	_ =	strace $0x90000047  }
0x59b: {  	s0 =	stileid.u32;
	[bflag:$0x2] =	sbarrier.arrive $0xFFFF  }
0x59c: {  	p0 =	sne.s32 s0, $0x0;
	s0 =	rddreg [dreg:$0x4]  }
0x59d: {  	s0 =	sadd.s32 @!p0 $0x100000, s0  }
0x59e: {  	[sflag:s0] =	ssyncadd.tile.s32 @!p0 $0x1;
	_ =	shalt  }
.Lfunc_end2:
_tile_overlayer_lowered:
.L_overlay_start_2:
0x59f: {  	(tag) =	ssettag $0x2  }
0x5a0: {  	s0 =	rddreg [dreg:$0x0];
	s2 =	stileid.u32  }
0x5a1: {  	s1 =	rddreg [dreg:$0x1];
	p0 =	sne.s32 s2, $0x0  }
0x5a2: {  	s3 =	rddreg [dreg:$0x2];
	[bflag:$0x3] =	sbarrier.arrive $0xFFFF;
	s2 =	simm.s32 @!p0 $0x1C07  }
0x5a3: {  	[timem:s3], [sflag:s2] =	dma.local @!p0 [hbm:s0], s1  }
0x5a4: {  	s0 =	simm.s32 @!p0 $0x7  }
0x5a5: {  	_ =	swait.ge @!p0 [sflag:s0], s1  }
0x5a6: {  	s1 =	ssub.s32 @!p0 $0x0, s1;
	[sflag:s0] =	ssyncset.done @!p0 $0x0  }
0x5a7: {  	[sflag:s0] =	ssyncadd.s32 @!p0 s1  }
0x5a8: {  	[bflag:$0x3] =	sbarrier.arrive $0xFFFF  }
0x5a9: {  	_ =	shalt  }

</sc_bundles>
